<compile_context>
chip_gen: v7x
topology: tpu7x:2x2x1
jax: 0.10.2.dev20260603
libtpu: 0.0.44.dev20260713+nightly
codegen_flags: <defaults>
</compile_context>

<pallas_src>
import functools

import jax
import jax.numpy as jnp
from jax import lax
from jax.experimental import pallas as pl
from jax.experimental.pallas import tpu as pltpu
from jax.experimental.pallas import tpu_sc as plsc

B = 4096
V = 100000
E = 128
W = 50
NEG = 250
S = 304
NC = 2
NS = 16
NW = NC * NS
BPW = B // NW
SUB = 32
NSUB = BPW // SUB
NG = S // 16


NBUF = 4


def _sc_dots_body(center_hbm, idx_hbm, in_emb_hbm, out_emb_hbm, dots_hbm,
                  cidx_v, idx_v, crowsf_v, crows_v, rows_0, rows_1, rows_2,
                  rows_3, part_v, dots_v, sem_0, sem_1, sem_2, sem_3, csem):
    cid = lax.axis_index("c")
    sid = lax.axis_index("s")
    wid = sid * NC + cid
    base = wid * BPW
    lanes = lax.iota(jnp.int32, 16)
    bufs = [rows_0, rows_1, rows_2, rows_3]
    sems = [sem_0, sem_1, sem_2, sem_3]

    def fire(bl, rows_buf, sem):
        o = bl * S
        for c0, n in ((0, 128), (128, 128), (256, S - 256)):
            pltpu.async_copy(out_emb_hbm.at[idx_v.at[pl.ds(o + c0, n)]],
                             rows_buf.at[pl.ds(c0, n)], sem)

    def drain(rows_buf, sem):
        pltpu.make_async_copy(out_emb_hbm.at[pl.ds(0, S)], rows_buf,
                              sem).wait()

    def compute(bl, rows_buf):
        c_chunks = [
            plsc.bitcast(crows_v[bl, pl.ds(k * 16, 16)], jnp.bfloat16)
            for k in range(E // 32)]

        def g_body(g, carry3):
            r0 = g * 16
            for l in range(16):
                r = r0 + l
                s = plsc.bitcast(rows_buf[r, pl.ds(0, 16)],
                                 jnp.bfloat16) * c_chunks[0]
                for k in range(1, E // 32):
                    s = s + plsc.bitcast(rows_buf[r, pl.ds(k * 16, 16)],
                                         jnp.bfloat16) * c_chunks[k]
                lo, hi = plsc.unpack(s, format=plsc.PackFormat.INTERLEAVED,
                                     preferred_element_type=jnp.float32)
                part_v[l, :] = lo + hi
            acc = plsc.load_gather(
                part_v, [lanes, jnp.zeros((16,), jnp.int32)])
            for c in range(1, 16):
                acc = acc + plsc.load_gather(
                    part_v, [lanes, jnp.full((16,), c, jnp.int32)])
            dots_v[pl.ds(bl * S + r0, 16)] = acc
            return carry3

        lax.fori_loop(0, NG, g_body, 0)

    def sub_body(subi, carry):
        sbase = base + subi * SUB
        pltpu.sync_copy(center_hbm.at[pl.ds(sbase, SUB)], cidx_v)
        pltpu.sync_copy(idx_hbm.at[pl.ds(sbase * S, SUB * S)], idx_v)
        pltpu.async_copy(in_emb_hbm.at[cidx_v], crowsf_v, csem).wait()

        def pack_body(bl, carryp):
            for k in range(E // 32):
                lo = plsc.bitcast(crowsf_v[bl, pl.ds(k * 16, 16)],
                                  jnp.uint32)
                hi = plsc.bitcast(
                    crowsf_v[bl, pl.ds(E // 2 + k * 16, 16)], jnp.uint32)
                lo = (lo + 0x7FFF + ((lo >> 16) & 1)) >> 16
                hi = (hi + 0x7FFF + ((hi >> 16) & 1)) >> 16
                crows_v[bl, pl.ds(k * 16, 16)] = plsc.bitcast(
                    lo | (hi << 16), jnp.int32)
            return carryp

        lax.fori_loop(0, SUB, pack_body, 0)

        for j in range(NBUF):
            fire(j, bufs[j], sems[j])

        def grp_body(bp, carry2):
            for j in range(NBUF):
                b = NBUF * bp + j
                drain(bufs[j], sems[j])
                compute(b, bufs[j])

                @pl.when(b + NBUF < SUB)
                def _():
                    fire(b + NBUF, bufs[j], sems[j])

            return carry2

        lax.fori_loop(0, SUB // NBUF, grp_body, 0)
        pltpu.sync_copy(dots_v, dots_hbm.at[pl.ds(sbase * S, SUB * S)])
        return carry

    lax.fori_loop(0, NSUB, sub_body, 0)


@functools.partial(jax.jit, static_argnames=("interpret",))
def _sc_dots(center, idx_flat, in_emb, out_emb, interpret=False):
    mesh = plsc.VectorSubcoreMesh(core_axis_name="c", subcore_axis_name="s",
                                  num_cores=NC, num_subcores=NS)
    return pl.kernel(
        _sc_dots_body,
        out_type=jax.ShapeDtypeStruct((B * S,), jnp.float32),
        mesh=mesh,
        scratch_types=[
            pltpu.VMEM((SUB,), jnp.int32),
            pltpu.VMEM((SUB * S,), jnp.int32),
            pltpu.VMEM((SUB, E), jnp.float32),
            pltpu.VMEM((SUB, E // 2), jnp.int32),
            pltpu.VMEM((S, E // 2), jnp.int32),
            pltpu.VMEM((S, E // 2), jnp.int32),
            pltpu.VMEM((S, E // 2), jnp.int32),
            pltpu.VMEM((S, E // 2), jnp.int32),
            pltpu.VMEM((16, 16), jnp.float32),
            pltpu.VMEM((SUB * S,), jnp.float32),
            pltpu.SemaphoreType.DMA,
            pltpu.SemaphoreType.DMA,
            pltpu.SemaphoreType.DMA,
            pltpu.SemaphoreType.DMA,
            pltpu.SemaphoreType.DMA,
        ],
        compiler_params=pltpu.CompilerParams(needs_layout_passes=False,
                                             use_tc_tiling_on_sc=False),
        interpret=interpret,
    )(center, idx_flat, in_emb, out_emb)


BI = 512


def _tc_loss_body(dots_ref, pw_ref, out_ref, pos_s, neg_s):
    i = pl.program_id(0)

    @pl.when(i == 0)
    def _():
        d = dots_ref[...]
        pos = jax.nn.log_sigmoid(d[:, :W]) * pw_ref[...]
        neg = jax.nn.log_sigmoid(-d[:, W:W + NEG])
        pos_s[...] = jnp.sum(pos, axis=1)[None, :]
        neg_s[...] = jnp.sum(neg, axis=1)[None, :]

    nb = neg_s[0, pl.ds(i * BI, BI)]
    out_ref[...] = -(pos_s[...] + nb[:, None])


def _tc_loss(dots2d, pw, interpret=False):
    return pl.pallas_call(
        _tc_loss_body,
        grid=(B // BI,),
        in_specs=[
            pl.BlockSpec((B, S), lambda i: (0, 0)),
            pl.BlockSpec((B, W), lambda i: (0, 0)),
        ],
        out_specs=pl.BlockSpec((BI, B), lambda i: (i, 0)),
        out_shape=jax.ShapeDtypeStruct((B, B), jnp.float32),
        scratch_shapes=[
            pltpu.VMEM((1, B), jnp.float32),
            pltpu.VMEM((1, B), jnp.float32),
        ],
        interpret=interpret,
    )(dots2d, pw)


def _pack_bf16(table):
    u = jax.lax.bitcast_convert_type(table, jnp.uint32)
    r = (u + 0x7FFF + ((u >> 16) & 1)) >> 16
    return (r[:, :E // 2] | (r[:, E // 2:] << 16)).astype(jnp.int32)


def kernel(center, positive, negative, in_emb, out_emb, *, _interpret=False):
    center = center.astype(jnp.int32)
    pos_idx = positive[:, :, 0].astype(jnp.int32)
    pw = positive[:, :, 1].astype(jnp.float32)
    neg_idx = negative.astype(jnp.int32)
    idx_flat = jnp.concatenate(
        [pos_idx, neg_idx, jnp.zeros((B, S - W - NEG), jnp.int32)],
        axis=1).reshape(-1)
    dots = _sc_dots(center, idx_flat, in_emb, _pack_bf16(out_emb),
                    interpret=_interpret)
    return _tc_loss(dots.reshape(B, S), pw, interpret=_interpret)

# --- scband reference (transcript-rebuilt; emitter-appended) ---
"""Pipeline reference for scband-grid2-vec-82832739270854 (READ-ONLY COPY).

The authoritative reference and input builder live on the scoring server;
editing this copy changes nothing except your own understanding.
"""

import jax, jax.numpy as jnp
import numpy as np

B = 4096
V = 100000
E = 128
W = 50
NEG = 250


def setup_inputs(seed: int = 0) -> dict:
    key = jax.random.key(seed)
    k1, k2, k3, k4, k5 = jax.random.split(key, 5)
    center = jax.random.randint(k1, (B,), 0, V, dtype=jnp.int64) if jax.config.jax_enable_x64 else jax.random.randint(k1, (B,), 0, V).astype(jnp.int32)
    positive = jax.random.randint(k2, (B, W, 2), 0, V).astype(center.dtype)
    negative = jax.random.randint(k3, (B, NEG), 0, V).astype(center.dtype)
    in_emb = jax.random.normal(k4, (V, E), dtype=jnp.float32) * 0.02
    out_emb = jax.random.normal(k5, (V, E), dtype=jnp.float32) * 0.02
    return {"center": center, "positive": positive, "negative": negative, "in_emb": in_emb, "out_emb": out_emb}


def reference(center, positive, negative, in_emb, out_emb):
    # center: [B] int; positive: [B, W, 2] int (col 0 = index, col 1 = weight);
    # negative: [B, NEG] int. Faithful to torch forward, including the
    # [B] + [B,1] broadcast in the final loss (yields [B, B]).
    c_vec = jnp.take(in_emb, center, axis=0)[:, :, None]              # [B, E, 1]
    p_vec = jnp.squeeze(jnp.take(out_emb, positive[:, :, 0], axis=0))  # [B, W, E]
    n_vec = jnp.squeeze(jnp.take(out_emb, negative, axis=0))           # [B, NEG, E]
    p_dot = jnp.matmul(p_vec, c_vec)                                   # [B, W, 1]
    n_dot = jnp.matmul(n_vec, -c_vec)                                  # [B, NEG, 1]
    log_pos = jnp.squeeze(jax.nn.log_sigmoid(p_dot)) * positive[:, :, 1].astype(jnp.float32)  # [B, W]
    log_neg = jax.nn.log_sigmoid(n_dot)                                # [B, NEG, 1]
    loss = -(log_pos.sum(1) + log_neg.sum(1))                          # [B] + [B,1] -> [B, B]
    return loss

if __name__ == "__main__":
    import jax
    _d = setup_inputs()
    print(jax.jit(kernel)(*tuple(_d.values())))

</pallas_src>

<mosaic_0001>
#map = affine_map<(d0, d1) -> (0)>
#map1 = affine_map<(d0, d1) -> (0, 0)>
module attributes {stable_mosaic.version = 14 : i64} {
  func.func @_sc_dots_body(%arg0: i32, %arg1: i32, %arg2: memref<4096xi32, #tpu.memory_space<hbm>>, %arg3: memref<1245184xi32, #tpu.memory_space<hbm>>, %arg4: memref<100000x128xf32, #tpu.memory_space<hbm>>, %arg5: memref<100000x64xi32, #tpu.memory_space<hbm>>, %arg6: memref<1245184xf32, #tpu.memory_space<hbm>>, %arg7: memref<32xi32, #tpu.memory_space<vmem>>, %arg8: memref<9728xi32, #tpu.memory_space<vmem>>, %arg9: memref<32x128xf32, #tpu.memory_space<vmem>>, %arg10: memref<32x64xi32, #tpu.memory_space<vmem>>, %arg11: memref<304x64xi32, #tpu.memory_space<vmem>>, %arg12: memref<304x64xi32, #tpu.memory_space<vmem>>, %arg13: memref<304x64xi32, #tpu.memory_space<vmem>>, %arg14: memref<304x64xi32, #tpu.memory_space<vmem>>, %arg15: memref<16x16xf32, #tpu.memory_space<vmem>>, %arg16: memref<9728xf32, #tpu.memory_space<vmem>>, %arg17: memref<!tpu.dma_semaphore, #tpu.memory_space<semaphore_mem>>, %arg18: memref<!tpu.dma_semaphore, #tpu.memory_space<semaphore_mem>>, %arg19: memref<!tpu.dma_semaphore, #tpu.memory_space<semaphore_mem>>, %arg20: memref<!tpu.dma_semaphore, #tpu.memory_space<semaphore_mem>>, %arg21: memref<!tpu.dma_semaphore, #tpu.memory_space<semaphore_mem>>) attributes {dimension_semantics = [#tpu.dimension_semantics<core_parallel>, #tpu.dimension_semantics<subcore_parallel>], iteration_bounds = array<i64: 2, 16>, scalar_prefetch = 0 : i64, scratch_operands = 15 : i64, tpu.core_type = #tpu.core_type<sc_vector_subcore>, window_params = [{transform_indices = #map}, {transform_indices = #map}, {transform_indices = #map1}, {transform_indices = #map1}, {transform_indices = #map}]} {
    %mul3A = arith.constant 2 : i32
    %mul3A_0 = arith.muli %arg1, %mul3A : i32
    %add3A = arith.addi %mul3A_0, %arg0 : i32
    %mul3A_1 = arith.constant 128 : i32
    %mul3A_2 = arith.muli %add3A, %mul3A_1 : i32
    %iota3A = tpu.iota {dimensions = array<i32: 0>} : vector<16xi32>
    %scan3A = arith.constant 0 : i32
    %scan3A_3 = arith.constant 0 : i32
    %scan3A_4 = arith.constant 4 : i32
    %scan3A_5 = arith.addi %scan3A_3, %scan3A_4 : i32
    %scan3A_6 = arith.constant 1 : i32
    scf.for %scan3A_8 = %scan3A_3 to %scan3A_5 step %scan3A_6  : i32 {
      %mul3A_9 = arith.constant 32 : i32
      %mul3A_10 = arith.muli %scan3A_8, %mul3A_9 : i32
      %add3A_11 = arith.addi %mul3A_2, %mul3A_10 : i32
      "tpu.region"() ({
        %run_scoped3A = tpu.sem_alloc : memref<!tpu.dma_semaphore, #tpu.memory_space<semaphore_mem>>
        %dma_start3A_128 = tpu.memref_slice %arg2[%add3A_11] : memref<4096xi32, #tpu.memory_space<hbm>> -> memref<32xi32, #tpu.memory_space<hbm>>
        %dma_start3A_129 = tpu.memref_slice %arg2[%add3A_11] : memref<4096xi32, #tpu.memory_space<hbm>> -> memref<32xi32, #tpu.memory_space<hbm>>
        tpu.enqueue_dma source(%dma_start3A_129 : memref<32xi32, #tpu.memory_space<hbm>>) target(%arg7 : memref<32xi32, #tpu.memory_space<vmem>>) target_semaphore(%run_scoped3A : memref<!tpu.dma_semaphore, #tpu.memory_space<semaphore_mem>>)
        %dma_wait3A_130 = tpu.memref_slice %arg2[%add3A_11] : memref<4096xi32, #tpu.memory_space<hbm>> -> memref<32xi32, #tpu.memory_space<hbm>>
        %dma_wait3A_131 = tpu.memref_slice %arg2[%add3A_11] : memref<4096xi32, #tpu.memory_space<hbm>> -> memref<32xi32, #tpu.memory_space<hbm>>
        tpu.wait_dma2 semaphore(%run_scoped3A : memref<!tpu.dma_semaphore, #tpu.memory_space<semaphore_mem>>) src(%dma_wait3A_131 : memref<32xi32, #tpu.memory_space<hbm>>) dst(%arg7 : memref<32xi32, #tpu.memory_space<vmem>>)
        tpu.yield
      }) : () -> ()
      %mul3A_12 = arith.constant 304 : i32
      %mul3A_13 = arith.muli %add3A_11, %mul3A_12 : i32
      "tpu.region"() ({
        %run_scoped3A = tpu.sem_alloc : memref<!tpu.dma_semaphore, #tpu.memory_space<semaphore_mem>>
        %dma_start3A_128 = tpu.memref_slice %arg3[%mul3A_13] : memref<1245184xi32, #tpu.memory_space<hbm>> -> memref<9728xi32, #tpu.memory_space<hbm>>
        %dma_start3A_129 = tpu.memref_slice %arg3[%mul3A_13] : memref<1245184xi32, #tpu.memory_space<hbm>> -> memref<9728xi32, #tpu.memory_space<hbm>>
        tpu.enqueue_dma source(%dma_start3A_129 : memref<9728xi32, #tpu.memory_space<hbm>>) target(%arg8 : memref<9728xi32, #tpu.memory_space<vmem>>) target_semaphore(%run_scoped3A : memref<!tpu.dma_semaphore, #tpu.memory_space<semaphore_mem>>)
        %dma_wait3A_130 = tpu.memref_slice %arg3[%mul3A_13] : memref<1245184xi32, #tpu.memory_space<hbm>> -> memref<9728xi32, #tpu.memory_space<hbm>>
        %dma_wait3A_131 = tpu.memref_slice %arg3[%mul3A_13] : memref<1245184xi32, #tpu.memory_space<hbm>> -> memref<9728xi32, #tpu.memory_space<hbm>>
        tpu.wait_dma2 semaphore(%run_scoped3A : memref<!tpu.dma_semaphore, #tpu.memory_space<semaphore_mem>>) src(%dma_wait3A_131 : memref<9728xi32, #tpu.memory_space<hbm>>) dst(%arg8 : memref<9728xi32, #tpu.memory_space<vmem>>)
        tpu.yield
      }) : () -> ()
      %dma_start3A = arith.constant 0 : i32
      %dma_start3A_14 = arith.constant 0 : i32
      %dma_start3A_15 = tpu.memref_slice %arg4[%dma_start3A, %dma_start3A_14] : memref<100000x128xf32, #tpu.memory_space<hbm>> -> memref<100000x128xf32, #tpu.memory_space<hbm>>
      tpu.enqueue_indirect_dma source(%dma_start3A_15 : memref<100000x128xf32, #tpu.memory_space<hbm>>) target(%arg9 : memref<32x128xf32, #tpu.memory_space<vmem>>) offsets(%arg7 : memref<32xi32, #tpu.memory_space<vmem>>) semaphore(%arg21 : memref<!tpu.dma_semaphore, #tpu.memory_space<semaphore_mem>>)
      %dma_wait3A = arith.constant 0 : i32
      %dma_wait3A_16 = arith.constant 0 : i32
      %dma_wait3A_17 = tpu.memref_slice %arg4[%dma_wait3A, %dma_wait3A_16] : memref<100000x128xf32, #tpu.memory_space<hbm>> -> memref<100000x128xf32, #tpu.memory_space<hbm>>
      tpu.wait_indirect_dma semaphore(%arg21 : memref<!tpu.dma_semaphore, #tpu.memory_space<semaphore_mem>>) src(%dma_wait3A_17 : memref<100000x128xf32, #tpu.memory_space<hbm>>) dst(%arg9 : memref<32x128xf32, #tpu.memory_space<vmem>>)
      %scan3A_18 = arith.constant 0 : i32
      %scan3A_19 = arith.constant 0 : i32
      %scan3A_20 = arith.constant 32 : i32
      %scan3A_21 = arith.addi %scan3A_19, %scan3A_20 : i32
      %scan3A_22 = arith.constant 1 : i32
      scf.for %scan3A_128 = %scan3A_19 to %scan3A_21 step %scan3A_22  : i32 {
        %get3A = arith.index_cast %scan3A_128 : i32 to index
        %get3A_129 = arith.constant 0 : index
        %get3A_130 = tpu.vector_load %arg9[%get3A, %get3A_129] {strides = array<i32>} : memref<32x128xf32, #tpu.memory_space<vmem>>, vector<16xf32>,
        %bitcast3A = vector.bitcast %get3A_130 : vector<16xf32> to vector<16xi32>
        %get3A_131 = arith.index_cast %scan3A_128 : i32 to index
        %get3A_132 = arith.constant 64 : index
        %get3A_133 = tpu.vector_load %arg9[%get3A_131, %get3A_132] {strides = array<i32>} : memref<32x128xf32, #tpu.memory_space<vmem>>, vector<16xf32>,
        %bitcast3A_134 = vector.bitcast %get3A_133 : vector<16xf32> to vector<16xi32>
        %add3A_135 = arith.constant 32767 : i32
        %add3A_136 = vector.broadcast %add3A_135 : i32 to vector<16xi32>
        %add3A_137 = arith.addi %bitcast3A, %add3A_136 : vector<16xi32>
        %shift_right_logical3A = arith.constant 16 : i32
        %shift_right_logical3A_138 = vector.broadcast %shift_right_logical3A : i32 to vector<16xi32>
        %shift_right_logical3A_139 = arith.shrui %bitcast3A, %shift_right_logical3A_138 : vector<16xi32>
        %and3A = arith.constant 1 : i32
        %and3A_140 = vector.broadcast %and3A : i32 to vector<16xi32>
        %and3A_141 = arith.andi %shift_right_logical3A_139, %and3A_140 : vector<16xi32>
        %add3A_142 = arith.addi %add3A_137, %and3A_141 : vector<16xi32>
        %shift_right_logical3A_143 = arith.constant 16 : i32
        %shift_right_logical3A_144 = vector.broadcast %shift_right_logical3A_143 : i32 to vector<16xi32>
        %shift_right_logical3A_145 = arith.shrui %add3A_142, %shift_right_logical3A_144 : vector<16xi32>
        %add3A_146 = arith.constant 32767 : i32
        %add3A_147 = vector.broadcast %add3A_146 : i32 to vector<16xi32>
        %add3A_148 = arith.addi %bitcast3A_134, %add3A_147 : vector<16xi32>
        %shift_right_logical3A_149 = arith.constant 16 : i32
        %shift_right_logical3A_150 = vector.broadcast %shift_right_logical3A_149 : i32 to vector<16xi32>
        %shift_right_logical3A_151 = arith.shrui %bitcast3A_134, %shift_right_logical3A_150 : vector<16xi32>
        %and3A_152 = arith.constant 1 : i32
        %and3A_153 = vector.broadcast %and3A_152 : i32 to vector<16xi32>
        %and3A_154 = arith.andi %shift_right_logical3A_151, %and3A_153 : vector<16xi32>
        %add3A_155 = arith.addi %add3A_148, %and3A_154 : vector<16xi32>
        %shift_right_logical3A_156 = arith.constant 16 : i32
        %shift_right_logical3A_157 = vector.broadcast %shift_right_logical3A_156 : i32 to vector<16xi32>
        %shift_right_logical3A_158 = arith.shrui %add3A_155, %shift_right_logical3A_157 : vector<16xi32>
        %shift_left3A = arith.constant 16 : i32
        %shift_left3A_159 = vector.broadcast %shift_left3A : i32 to vector<16xi32>
        %shift_left3A_160 = arith.shli %shift_right_logical3A_158, %shift_left3A_159 : vector<16xi32>
        %or3A = arith.ori %shift_right_logical3A_145, %shift_left3A_160 : vector<16xi32>
        %bitcast3A_161 = vector.bitcast %or3A : vector<16xi32> to vector<16xi32>
        %swap3A = arith.index_cast %scan3A_128 : i32 to index
        %swap3A_162 = arith.constant 0 : index
        %swap3A_163 = tpu.vector_load %arg10[%swap3A, %swap3A_162] {strides = array<i32>} : memref<32x64xi32, #tpu.memory_space<vmem>>, vector<16xi32>,
        tpu.vector_store %arg10[%swap3A, %swap3A_162], %bitcast3A_161 {strides = array<i32>} : memref<32x64xi32, #tpu.memory_space<vmem>>, vector<16xi32>,
        %get3A_164 = arith.index_cast %scan3A_128 : i32 to index
        %get3A_165 = arith.constant 16 : index
        %get3A_166 = tpu.vector_load %arg9[%get3A_164, %get3A_165] {strides = array<i32>} : memref<32x128xf32, #tpu.memory_space<vmem>>, vector<16xf32>,
        %bitcast3A_167 = vector.bitcast %get3A_166 : vector<16xf32> to vector<16xi32>
        %get3A_168 = arith.index_cast %scan3A_128 : i32 to index
        %get3A_169 = arith.constant 80 : index
        %get3A_170 = tpu.vector_load %arg9[%get3A_168, %get3A_169] {strides = array<i32>} : memref<32x128xf32, #tpu.memory_space<vmem>>, vector<16xf32>,
        %bitcast3A_171 = vector.bitcast %get3A_170 : vector<16xf32> to vector<16xi32>
        %add3A_172 = arith.constant 32767 : i32
        %add3A_173 = vector.broadcast %add3A_172 : i32 to vector<16xi32>
        %add3A_174 = arith.addi %bitcast3A_167, %add3A_173 : vector<16xi32>
        %shift_right_logical3A_175 = arith.constant 16 : i32
        %shift_right_logical3A_176 = vector.broadcast %shift_right_logical3A_175 : i32 to vector<16xi32>
        %shift_right_logical3A_177 = arith.shrui %bitcast3A_167, %shift_right_logical3A_176 : vector<16xi32>
        %and3A_178 = arith.constant 1 : i32
        %and3A_179 = vector.broadcast %and3A_178 : i32 to vector<16xi32>
        %and3A_180 = arith.andi %shift_right_logical3A_177, %and3A_179 : vector<16xi32>
        %add3A_181 = arith.addi %add3A_174, %and3A_180 : vector<16xi32>
        %shift_right_logical3A_182 = arith.constant 16 : i32
        %shift_right_logical3A_183 = vector.broadcast %shift_right_logical3A_182 : i32 to vector<16xi32>
        %shift_right_logical3A_184 = arith.shrui %add3A_181, %shift_right_logical3A_183 : vector<16xi32>
        %add3A_185 = arith.constant 32767 : i32
        %add3A_186 = vector.broadcast %add3A_185 : i32 to vector<16xi32>
        %add3A_187 = arith.addi %bitcast3A_171, %add3A_186 : vector<16xi32>
        %shift_right_logical3A_188 = arith.constant 16 : i32
        %shift_right_logical3A_189 = vector.broadcast %shift_right_logical3A_188 : i32 to vector<16xi32>
        %shift_right_logical3A_190 = arith.shrui %bitcast3A_171, %shift_right_logical3A_189 : vector<16xi32>
        %and3A_191 = arith.constant 1 : i32
        %and3A_192 = vector.broadcast %and3A_191 : i32 to vector<16xi32>
        %and3A_193 = arith.andi %shift_right_logical3A_190, %and3A_192 : vector<16xi32>
        %add3A_194 = arith.addi %add3A_187, %and3A_193 : vector<16xi32>
        %shift_right_logical3A_195 = arith.constant 16 : i32
        %shift_right_logical3A_196 = vector.broadcast %shift_right_logical3A_195 : i32 to vector<16xi32>
        %shift_right_logical3A_197 = arith.shrui %add3A_194, %shift_right_logical3A_196 : vector<16xi32>
        %shift_left3A_198 = arith.constant 16 : i32
        %shift_left3A_199 = vector.broadcast %shift_left3A_198 : i32 to vector<16xi32>
        %shift_left3A_200 = arith.shli %shift_right_logical3A_197, %shift_left3A_199 : vector<16xi32>
        %or3A_201 = arith.ori %shift_right_logical3A_184, %shift_left3A_200 : vector<16xi32>
        %bitcast3A_202 = vector.bitcast %or3A_201 : vector<16xi32> to vector<16xi32>
        %swap3A_203 = arith.index_cast %scan3A_128 : i32 to index
        %swap3A_204 = arith.constant 16 : index
        %swap3A_205 = tpu.vector_load %arg10[%swap3A_203, %swap3A_204] {strides = array<i32>} : memref<32x64xi32, #tpu.memory_space<vmem>>, vector<16xi32>,
        tpu.vector_store %arg10[%swap3A_203, %swap3A_204], %bitcast3A_202 {strides = array<i32>} : memref<32x64xi32, #tpu.memory_space<vmem>>, vector<16xi32>,
        %get3A_206 = arith.index_cast %scan3A_128 : i32 to index
        %get3A_207 = arith.constant 32 : index
        %get3A_208 = tpu.vector_load %arg9[%get3A_206, %get3A_207] {strides = array<i32>} : memref<32x128xf32, #tpu.memory_space<vmem>>, vector<16xf32>,
        %bitcast3A_209 = vector.bitcast %get3A_208 : vector<16xf32> to vector<16xi32>
        %get3A_210 = arith.index_cast %scan3A_128 : i32 to index
        %get3A_211 = arith.constant 96 : index
        %get3A_212 = tpu.vector_load %arg9[%get3A_210, %get3A_211] {strides = array<i32>} : memref<32x128xf32, #tpu.memory_space<vmem>>, vector<16xf32>,
        %bitcast3A_213 = vector.bitcast %get3A_212 : vector<16xf32> to vector<16xi32>
        %add3A_214 = arith.constant 32767 : i32
        %add3A_215 = vector.broadcast %add3A_214 : i32 to vector<16xi32>
        %add3A_216 = arith.addi %bitcast3A_209, %add3A_215 : vector<16xi32>
        %shift_right_logical3A_217 = arith.constant 16 : i32
        %shift_right_logical3A_218 = vector.broadcast %shift_right_logical3A_217 : i32 to vector<16xi32>
        %shift_right_logical3A_219 = arith.shrui %bitcast3A_209, %shift_right_logical3A_218 : vector<16xi32>
        %and3A_220 = arith.constant 1 : i32
        %and3A_221 = vector.broadcast %and3A_220 : i32 to vector<16xi32>
        %and3A_222 = arith.andi %shift_right_logical3A_219, %and3A_221 : vector<16xi32>
        %add3A_223 = arith.addi %add3A_216, %and3A_222 : vector<16xi32>
        %shift_right_logical3A_224 = arith.constant 16 : i32
        %shift_right_logical3A_225 = vector.broadcast %shift_right_logical3A_224 : i32 to vector<16xi32>
        %shift_right_logical3A_226 = arith.shrui %add3A_223, %shift_right_logical3A_225 : vector<16xi32>
        %add3A_227 = arith.constant 32767 : i32
        %add3A_228 = vector.broadcast %add3A_227 : i32 to vector<16xi32>
        %add3A_229 = arith.addi %bitcast3A_213, %add3A_228 : vector<16xi32>
        %shift_right_logical3A_230 = arith.constant 16 : i32
        %shift_right_logical3A_231 = vector.broadcast %shift_right_logical3A_230 : i32 to vector<16xi32>
        %shift_right_logical3A_232 = arith.shrui %bitcast3A_213, %shift_right_logical3A_231 : vector<16xi32>
        %and3A_233 = arith.constant 1 : i32
        %and3A_234 = vector.broadcast %and3A_233 : i32 to vector<16xi32>
        %and3A_235 = arith.andi %shift_right_logical3A_232, %and3A_234 : vector<16xi32>
        %add3A_236 = arith.addi %add3A_229, %and3A_235 : vector<16xi32>
        %shift_right_logical3A_237 = arith.constant 16 : i32
        %shift_right_logical3A_238 = vector.broadcast %shift_right_logical3A_237 : i32 to vector<16xi32>
        %shift_right_logical3A_239 = arith.shrui %add3A_236, %shift_right_logical3A_238 : vector<16xi32>
        %shift_left3A_240 = arith.constant 16 : i32
        %shift_left3A_241 = vector.broadcast %shift_left3A_240 : i32 to vector<16xi32>
        %shift_left3A_242 = arith.shli %shift_right_logical3A_239, %shift_left3A_241 : vector<16xi32>
        %or3A_243 = arith.ori %shift_right_logical3A_226, %shift_left3A_242 : vector<16xi32>
        %bitcast3A_244 = vector.bitcast %or3A_243 : vector<16xi32> to vector<16xi32>
        %swap3A_245 = arith.index_cast %scan3A_128 : i32 to index
        %swap3A_246 = arith.constant 32 : index
        %swap3A_247 = tpu.vector_load %arg10[%swap3A_245, %swap3A_246] {strides = array<i32>} : memref<32x64xi32, #tpu.memory_space<vmem>>, vector<16xi32>,
        tpu.vector_store %arg10[%swap3A_245, %swap3A_246], %bitcast3A_244 {strides = array<i32>} : memref<32x64xi32, #tpu.memory_space<vmem>>, vector<16xi32>,
        %get3A_248 = arith.index_cast %scan3A_128 : i32 to index
        %get3A_249 = arith.constant 48 : index
        %get3A_250 = tpu.vector_load %arg9[%get3A_248, %get3A_249] {strides = array<i32>} : memref<32x128xf32, #tpu.memory_space<vmem>>, vector<16xf32>,
        %bitcast3A_251 = vector.bitcast %get3A_250 : vector<16xf32> to vector<16xi32>
        %get3A_252 = arith.index_cast %scan3A_128 : i32 to index
        %get3A_253 = arith.constant 112 : index
        %get3A_254 = tpu.vector_load %arg9[%get3A_252, %get3A_253] {strides = array<i32>} : memref<32x128xf32, #tpu.memory_space<vmem>>, vector<16xf32>,
        %bitcast3A_255 = vector.bitcast %get3A_254 : vector<16xf32> to vector<16xi32>
        %add3A_256 = arith.constant 32767 : i32
        %add3A_257 = vector.broadcast %add3A_256 : i32 to vector<16xi32>
        %add3A_258 = arith.addi %bitcast3A_251, %add3A_257 : vector<16xi32>
        %shift_right_logical3A_259 = arith.constant 16 : i32
        %shift_right_logical3A_260 = vector.broadcast %shift_right_logical3A_259 : i32 to vector<16xi32>
        %shift_right_logical3A_261 = arith.shrui %bitcast3A_251, %shift_right_logical3A_260 : vector<16xi32>
        %and3A_262 = arith.constant 1 : i32
        %and3A_263 = vector.broadcast %and3A_262 : i32 to vector<16xi32>
        %and3A_264 = arith.andi %shift_right_logical3A_261, %and3A_263 : vector<16xi32>
        %add3A_265 = arith.addi %add3A_258, %and3A_264 : vector<16xi32>
        %shift_right_logical3A_266 = arith.constant 16 : i32
        %shift_right_logical3A_267 = vector.broadcast %shift_right_logical3A_266 : i32 to vector<16xi32>
        %shift_right_logical3A_268 = arith.shrui %add3A_265, %shift_right_logical3A_267 : vector<16xi32>
        %add3A_269 = arith.constant 32767 : i32
        %add3A_270 = vector.broadcast %add3A_269 : i32 to vector<16xi32>
        %add3A_271 = arith.addi %bitcast3A_255, %add3A_270 : vector<16xi32>
        %shift_right_logical3A_272 = arith.constant 16 : i32
        %shift_right_logical3A_273 = vector.broadcast %shift_right_logical3A_272 : i32 to vector<16xi32>
        %shift_right_logical3A_274 = arith.shrui %bitcast3A_255, %shift_right_logical3A_273 : vector<16xi32>
        %and3A_275 = arith.constant 1 : i32
        %and3A_276 = vector.broadcast %and3A_275 : i32 to vector<16xi32>
        %and3A_277 = arith.andi %shift_right_logical3A_274, %and3A_276 : vector<16xi32>
        %add3A_278 = arith.addi %add3A_271, %and3A_277 : vector<16xi32>
        %shift_right_logical3A_279 = arith.constant 16 : i32
        %shift_right_logical3A_280 = vector.broadcast %shift_right_logical3A_279 : i32 to vector<16xi32>
        %shift_right_logical3A_281 = arith.shrui %add3A_278, %shift_right_logical3A_280 : vector<16xi32>
        %shift_left3A_282 = arith.constant 16 : i32
        %shift_left3A_283 = vector.broadcast %shift_left3A_282 : i32 to vector<16xi32>
        %shift_left3A_284 = arith.shli %shift_right_logical3A_281, %shift_left3A_283 : vector<16xi32>
        %or3A_285 = arith.ori %shift_right_logical3A_268, %shift_left3A_284 : vector<16xi32>
        %bitcast3A_286 = vector.bitcast %or3A_285 : vector<16xi32> to vector<16xi32>
        %swap3A_287 = arith.index_cast %scan3A_128 : i32 to index
        %swap3A_288 = arith.constant 48 : index
        %swap3A_289 = tpu.vector_load %arg10[%swap3A_287, %swap3A_288] {strides = array<i32>} : memref<32x64xi32, #tpu.memory_space<vmem>>, vector<16xi32>,
        tpu.vector_store %arg10[%swap3A_287, %swap3A_288], %bitcast3A_286 {strides = array<i32>} : memref<32x64xi32, #tpu.memory_space<vmem>>, vector<16xi32>,
      }
      %scan3A_23 = arith.constant 32 : i32
      %dma_start3A_24 = arith.constant 0 : i32
      %dma_start3A_25 = arith.constant 0 : i32
      %dma_start3A_26 = tpu.memref_slice %arg11[%dma_start3A_24, %dma_start3A_25] : memref<304x64xi32, #tpu.memory_space<vmem>> -> memref<128x64xi32, #tpu.memory_space<vmem>>
      %dma_start3A_27 = arith.constant 0 : i32
      %dma_start3A_28 = tpu.memref_slice %arg8[%dma_start3A_27] : memref<9728xi32, #tpu.memory_space<vmem>> -> memref<128xi32, #tpu.memory_space<vmem>>
      %dma_start3A_29 = arith.constant 0 : i32
      %dma_start3A_30 = arith.constant 0 : i32
      %dma_start3A_31 = tpu.memref_slice %arg5[%dma_start3A_29, %dma_start3A_30] : memref<100000x64xi32, #tpu.memory_space<hbm>> -> memref<100000x64xi32, #tpu.memory_space<hbm>>
      tpu.enqueue_indirect_dma source(%dma_start3A_31 : memref<100000x64xi32, #tpu.memory_space<hbm>>) target(%dma_start3A_26 : memref<128x64xi32, #tpu.memory_space<vmem>>) offsets(%dma_start3A_28 : memref<128xi32, #tpu.memory_space<vmem>>) semaphore(%arg17 : memref<!tpu.dma_semaphore, #tpu.memory_space<semaphore_mem>>)
      %dma_start3A_32 = arith.constant 128 : i32
      %dma_start3A_33 = arith.constant 0 : i32
      %dma_start3A_34 = tpu.memref_slice %arg11[%dma_start3A_32, %dma_start3A_33] : memref<304x64xi32, #tpu.memory_space<vmem>> -> memref<128x64xi32, #tpu.memory_space<vmem>>
      %dma_start3A_35 = arith.constant 128 : i32
      %dma_start3A_36 = tpu.memref_slice %arg8[%dma_start3A_35] : memref<9728xi32, #tpu.memory_space<vmem>> -> memref<128xi32, #tpu.memory_space<vmem>>
      %dma_start3A_37 = arith.constant 0 : i32
      %dma_start3A_38 = arith.constant 0 : i32
      %dma_start3A_39 = tpu.memref_slice %arg5[%dma_start3A_37, %dma_start3A_38] : memref<100000x64xi32, #tpu.memory_space<hbm>> -> memref<100000x64xi32, #tpu.memory_space<hbm>>
      tpu.enqueue_indirect_dma source(%dma_start3A_39 : memref<100000x64xi32, #tpu.memory_space<hbm>>) target(%dma_start3A_34 : memref<128x64xi32, #tpu.memory_space<vmem>>) offsets(%dma_start3A_36 : memref<128xi32, #tpu.memory_space<vmem>>) semaphore(%arg17 : memref<!tpu.dma_semaphore, #tpu.memory_space<semaphore_mem>>)
      %dma_start3A_40 = arith.constant 256 : i32
      %dma_start3A_41 = arith.constant 0 : i32
      %dma_start3A_42 = tpu.memref_slice %arg11[%dma_start3A_40, %dma_start3A_41] : memref<304x64xi32, #tpu.memory_space<vmem>> -> memref<48x64xi32, #tpu.memory_space<vmem>>
      %dma_start3A_43 = arith.constant 256 : i32
      %dma_start3A_44 = tpu.memref_slice %arg8[%dma_start3A_43] : memref<9728xi32, #tpu.memory_space<vmem>> -> memref<48xi32, #tpu.memory_space<vmem>>
      %dma_start3A_45 = arith.constant 0 : i32
      %dma_start3A_46 = arith.constant 0 : i32
      %dma_start3A_47 = tpu.memref_slice %arg5[%dma_start3A_45, %dma_start3A_46] : memref<100000x64xi32, #tpu.memory_space<hbm>> -> memref<100000x64xi32, #tpu.memory_space<hbm>>
      tpu.enqueue_indirect_dma source(%dma_start3A_47 : memref<100000x64xi32, #tpu.memory_space<hbm>>) target(%dma_start3A_42 : memref<48x64xi32, #tpu.memory_space<vmem>>) offsets(%dma_start3A_44 : memref<48xi32, #tpu.memory_space<vmem>>) semaphore(%arg17 : memref<!tpu.dma_semaphore, #tpu.memory_space<semaphore_mem>>)
      %dma_start3A_48 = arith.constant 0 : i32
      %dma_start3A_49 = arith.constant 0 : i32
      %dma_start3A_50 = tpu.memref_slice %arg12[%dma_start3A_48, %dma_start3A_49] : memref<304x64xi32, #tpu.memory_space<vmem>> -> memref<128x64xi32, #tpu.memory_space<vmem>>
      %dma_start3A_51 = arith.constant 304 : i32
      %dma_start3A_52 = tpu.memref_slice %arg8[%dma_start3A_51] : memref<9728xi32, #tpu.memory_space<vmem>> -> memref<128xi32, #tpu.memory_space<vmem>>
      %dma_start3A_53 = arith.constant 0 : i32
      %dma_start3A_54 = arith.constant 0 : i32
      %dma_start3A_55 = tpu.memref_slice %arg5[%dma_start3A_53, %dma_start3A_54] : memref<100000x64xi32, #tpu.memory_space<hbm>> -> memref<100000x64xi32, #tpu.memory_space<hbm>>
      tpu.enqueue_indirect_dma source(%dma_start3A_55 : memref<100000x64xi32, #tpu.memory_space<hbm>>) target(%dma_start3A_50 : memref<128x64xi32, #tpu.memory_space<vmem>>) offsets(%dma_start3A_52 : memref<128xi32, #tpu.memory_space<vmem>>) semaphore(%arg18 : memref<!tpu.dma_semaphore, #tpu.memory_space<semaphore_mem>>)
      %dma_start3A_56 = arith.constant 128 : i32
      %dma_start3A_57 = arith.constant 0 : i32
      %dma_start3A_58 = tpu.memref_slice %arg12[%dma_start3A_56, %dma_start3A_57] : memref<304x64xi32, #tpu.memory_space<vmem>> -> memref<128x64xi32, #tpu.memory_space<vmem>>
      %dma_start3A_59 = arith.constant 432 : i32
      %dma_start3A_60 = tpu.memref_slice %arg8[%dma_start3A_59] : memref<9728xi32, #tpu.memory_space<vmem>> -> memref<128xi32, #tpu.memory_space<vmem>>
      %dma_start3A_61 = arith.constant 0 : i32
      %dma_start3A_62 = arith.constant 0 : i32
      %dma_start3A_63 = tpu.memref_slice %arg5[%dma_start3A_61, %dma_start3A_62] : memref<100000x64xi32, #tpu.memory_space<hbm>> -> memref<100000x64xi32, #tpu.memory_space<hbm>>
      tpu.enqueue_indirect_dma source(%dma_start3A_63 : memref<100000x64xi32, #tpu.memory_space<hbm>>) target(%dma_start3A_58 : memref<128x64xi32, #tpu.memory_space<vmem>>) offsets(%dma_start3A_60 : memref<128xi32, #tpu.memory_space<vmem>>) semaphore(%arg18 : memref<!tpu.dma_semaphore, #tpu.memory_space<semaphore_mem>>)
      %dma_start3A_64 = arith.constant 256 : i32
      %dma_start3A_65 = arith.constant 0 : i32
      %dma_start3A_66 = tpu.memref_slice %arg12[%dma_start3A_64, %dma_start3A_65] : memref<304x64xi32, #tpu.memory_space<vmem>> -> memref<48x64xi32, #tpu.memory_space<vmem>>
      %dma_start3A_67 = arith.constant 560 : i32
      %dma_start3A_68 = tpu.memref_slice %arg8[%dma_start3A_67] : memref<9728xi32, #tpu.memory_space<vmem>> -> memref<48xi32, #tpu.memory_space<vmem>>
      %dma_start3A_69 = arith.constant 0 : i32
      %dma_start3A_70 = arith.constant 0 : i32
      %dma_start3A_71 = tpu.memref_slice %arg5[%dma_start3A_69, %dma_start3A_70] : memref<100000x64xi32, #tpu.memory_space<hbm>> -> memref<100000x64xi32, #tpu.memory_space<hbm>>
      tpu.enqueue_indirect_dma source(%dma_start3A_71 : memref<100000x64xi32, #tpu.memory_space<hbm>>) target(%dma_start3A_66 : memref<48x64xi32, #tpu.memory_space<vmem>>) offsets(%dma_start3A_68 : memref<48xi32, #tpu.memory_space<vmem>>) semaphore(%arg18 : memref<!tpu.dma_semaphore, #tpu.memory_space<semaphore_mem>>)
      %dma_start3A_72 = arith.constant 0 : i32
      %dma_start3A_73 = arith.constant 0 : i32
      %dma_start3A_74 = tpu.memref_slice %arg13[%dma_start3A_72, %dma_start3A_73] : memref<304x64xi32, #tpu.memory_space<vmem>> -> memref<128x64xi32, #tpu.memory_space<vmem>>
      %dma_start3A_75 = arith.constant 608 : i32
      %dma_start3A_76 = tpu.memref_slice %arg8[%dma_start3A_75] : memref<9728xi32, #tpu.memory_space<vmem>> -> memref<128xi32, #tpu.memory_space<vmem>>
      %dma_start3A_77 = arith.constant 0 : i32
      %dma_start3A_78 = arith.constant 0 : i32
      %dma_start3A_79 = tpu.memref_slice %arg5[%dma_start3A_77, %dma_start3A_78] : memref<100000x64xi32, #tpu.memory_space<hbm>> -> memref<100000x64xi32, #tpu.memory_space<hbm>>
      tpu.enqueue_indirect_dma source(%dma_start3A_79 : memref<100000x64xi32, #tpu.memory_space<hbm>>) target(%dma_start3A_74 : memref<128x64xi32, #tpu.memory_space<vmem>>) offsets(%dma_start3A_76 : memref<128xi32, #tpu.memory_space<vmem>>) semaphore(%arg19 : memref<!tpu.dma_semaphore, #tpu.memory_space<semaphore_mem>>)
      %dma_start3A_80 = arith.constant 128 : i32
      %dma_start3A_81 = arith.constant 0 : i32
      %dma_start3A_82 = tpu.memref_slice %arg13[%dma_start3A_80, %dma_start3A_81] : memref<304x64xi32, #tpu.memory_space<vmem>> -> memref<128x64xi32, #tpu.memory_space<vmem>>
      %dma_start3A_83 = arith.constant 736 : i32
      %dma_start3A_84 = tpu.memref_slice %arg8[%dma_start3A_83] : memref<9728xi32, #tpu.memory_space<vmem>> -> memref<128xi32, #tpu.memory_space<vmem>>
      %dma_start3A_85 = arith.constant 0 : i32
      %dma_start3A_86 = arith.constant 0 : i32
      %dma_start3A_87 = tpu.memref_slice %arg5[%dma_start3A_85, %dma_start3A_86] : memref<100000x64xi32, #tpu.memory_space<hbm>> -> memref<100000x64xi32, #tpu.memory_space<hbm>>
      tpu.enqueue_indirect_dma source(%dma_start3A_87 : memref<100000x64xi32, #tpu.memory_space<hbm>>) target(%dma_start3A_82 : memref<128x64xi32, #tpu.memory_space<vmem>>) offsets(%dma_start3A_84 : memref<128xi32, #tpu.memory_space<vmem>>) semaphore(%arg19 : memref<!tpu.dma_semaphore, #tpu.memory_space<semaphore_mem>>)
      %dma_start3A_88 = arith.constant 256 : i32
      %dma_start3A_89 = arith.constant 0 : i32
      %dma_start3A_90 = tpu.memref_slice %arg13[%dma_start3A_88, %dma_start3A_89] : memref<304x64xi32, #tpu.memory_space<vmem>> -> memref<48x64xi32, #tpu.memory_space<vmem>>
      %dma_start3A_91 = arith.constant 864 : i32
      %dma_start3A_92 = tpu.memref_slice %arg8[%dma_start3A_91] : memref<9728xi32, #tpu.memory_space<vmem>> -> memref<48xi32, #tpu.memory_space<vmem>>
      %dma_start3A_93 = arith.constant 0 : i32
      %dma_start3A_94 = arith.constant 0 : i32
      %dma_start3A_95 = tpu.memref_slice %arg5[%dma_start3A_93, %dma_start3A_94] : memref<100000x64xi32, #tpu.memory_space<hbm>> -> memref<100000x64xi32, #tpu.memory_space<hbm>>
      tpu.enqueue_indirect_dma source(%dma_start3A_95 : memref<100000x64xi32, #tpu.memory_space<hbm>>) target(%dma_start3A_90 : memref<48x64xi32, #tpu.memory_space<vmem>>) offsets(%dma_start3A_92 : memref<48xi32, #tpu.memory_space<vmem>>) semaphore(%arg19 : memref<!tpu.dma_semaphore, #tpu.memory_space<semaphore_mem>>)
      %dma_start3A_96 = arith.constant 0 : i32
      %dma_start3A_97 = arith.constant 0 : i32
      %dma_start3A_98 = tpu.memref_slice %arg14[%dma_start3A_96, %dma_start3A_97] : memref<304x64xi32, #tpu.memory_space<vmem>> -> memref<128x64xi32, #tpu.memory_space<vmem>>
      %dma_start3A_99 = arith.constant 912 : i32
      %dma_start3A_100 = tpu.memref_slice %arg8[%dma_start3A_99] : memref<9728xi32, #tpu.memory_space<vmem>> -> memref<128xi32, #tpu.memory_space<vmem>>
      %dma_start3A_101 = arith.constant 0 : i32
      %dma_start3A_102 = arith.constant 0 : i32
      %dma_start3A_103 = tpu.memref_slice %arg5[%dma_start3A_101, %dma_start3A_102] : memref<100000x64xi32, #tpu.memory_space<hbm>> -> memref<100000x64xi32, #tpu.memory_space<hbm>>
      tpu.enqueue_indirect_dma source(%dma_start3A_103 : memref<100000x64xi32, #tpu.memory_space<hbm>>) target(%dma_start3A_98 : memref<128x64xi32, #tpu.memory_space<vmem>>) offsets(%dma_start3A_100 : memref<128xi32, #tpu.memory_space<vmem>>) semaphore(%arg20 : memref<!tpu.dma_semaphore, #tpu.memory_space<semaphore_mem>>)
      %dma_start3A_104 = arith.constant 128 : i32
      %dma_start3A_105 = arith.constant 0 : i32
      %dma_start3A_106 = tpu.memref_slice %arg14[%dma_start3A_104, %dma_start3A_105] : memref<304x64xi32, #tpu.memory_space<vmem>> -> memref<128x64xi32, #tpu.memory_space<vmem>>
      %dma_start3A_107 = arith.constant 1040 : i32
      %dma_start3A_108 = tpu.memref_slice %arg8[%dma_start3A_107] : memref<9728xi32, #tpu.memory_space<vmem>> -> memref<128xi32, #tpu.memory_space<vmem>>
      %dma_start3A_109 = arith.constant 0 : i32
      %dma_start3A_110 = arith.constant 0 : i32
      %dma_start3A_111 = tpu.memref_slice %arg5[%dma_start3A_109, %dma_start3A_110] : memref<100000x64xi32, #tpu.memory_space<hbm>> -> memref<100000x64xi32, #tpu.memory_space<hbm>>
      tpu.enqueue_indirect_dma source(%dma_start3A_111 : memref<100000x64xi32, #tpu.memory_space<hbm>>) target(%dma_start3A_106 : memref<128x64xi32, #tpu.memory_space<vmem>>) offsets(%dma_start3A_108 : memref<128xi32, #tpu.memory_space<vmem>>) semaphore(%arg20 : memref<!tpu.dma_semaphore, #tpu.memory_space<semaphore_mem>>)
      %dma_start3A_112 = arith.constant 256 : i32
      %dma_start3A_113 = arith.constant 0 : i32
      %dma_start3A_114 = tpu.memref_slice %arg14[%dma_start3A_112, %dma_start3A_113] : memref<304x64xi32, #tpu.memory_space<vmem>> -> memref<48x64xi32, #tpu.memory_space<vmem>>
      %dma_start3A_115 = arith.constant 1168 : i32
      %dma_start3A_116 = tpu.memref_slice %arg8[%dma_start3A_115] : memref<9728xi32, #tpu.memory_space<vmem>> -> memref<48xi32, #tpu.memory_space<vmem>>
      %dma_start3A_117 = arith.constant 0 : i32
      %dma_start3A_118 = arith.constant 0 : i32
      %dma_start3A_119 = tpu.memref_slice %arg5[%dma_start3A_117, %dma_start3A_118] : memref<100000x64xi32, #tpu.memory_space<hbm>> -> memref<100000x64xi32, #tpu.memory_space<hbm>>
      tpu.enqueue_indirect_dma source(%dma_start3A_119 : memref<100000x64xi32, #tpu.memory_space<hbm>>) target(%dma_start3A_114 : memref<48x64xi32, #tpu.memory_space<vmem>>) offsets(%dma_start3A_116 : memref<48xi32, #tpu.memory_space<vmem>>) semaphore(%arg20 : memref<!tpu.dma_semaphore, #tpu.memory_space<semaphore_mem>>)
      %scan3A_120 = arith.constant 0 : i32
      %scan3A_121 = arith.constant 0 : i32
      %scan3A_122 = arith.constant 8 : i32
      %scan3A_123 = arith.addi %scan3A_121, %scan3A_122 : i32
      %scan3A_124 = arith.constant 1 : i32
      scf.for %scan3A_128 = %scan3A_121 to %scan3A_123 step %scan3A_124  : i32 {
        %mul3A_129 = arith.constant 4 : i32
        %mul3A_130 = arith.muli %mul3A_129, %scan3A_128 : i32
        %add3A_131 = arith.constant 0 : i32
        %add3A_132 = arith.addi %mul3A_130, %add3A_131 : i32
        %dma_wait3A_133 = arith.constant 0 : i32
        %dma_wait3A_134 = arith.constant 0 : i32
        %dma_wait3A_135 = tpu.memref_slice %arg5[%dma_wait3A_133, %dma_wait3A_134] : memref<100000x64xi32, #tpu.memory_space<hbm>> -> memref<304x64xi32, #tpu.memory_space<hbm>>
        %dma_wait3A_136 = arith.constant 0 : i32
        %dma_wait3A_137 = arith.constant 0 : i32
        %dma_wait3A_138 = tpu.memref_slice %arg5[%dma_wait3A_136, %dma_wait3A_137] : memref<100000x64xi32, #tpu.memory_space<hbm>> -> memref<304x64xi32, #tpu.memory_space<hbm>>
        tpu.wait_dma2 semaphore(%arg17 : memref<!tpu.dma_semaphore, #tpu.memory_space<semaphore_mem>>) src(%dma_wait3A_138 : memref<304x64xi32, #tpu.memory_space<hbm>>) dst(%arg11 : memref<304x64xi32, #tpu.memory_space<vmem>>)
        %get3A = arith.index_cast %add3A_132 : i32 to index
        %get3A_139 = arith.constant 0 : index
        %get3A_140 = tpu.vector_load %arg10[%get3A, %get3A_139] {strides = array<i32>} : memref<32x64xi32, #tpu.memory_space<vmem>>, vector<16xi32>,
        %bitcast3A = vector.bitcast %get3A_140 : vector<16xi32> to vector<32xbf16>
        %get3A_141 = arith.index_cast %add3A_132 : i32 to index
        %get3A_142 = arith.constant 16 : index
        %get3A_143 = tpu.vector_load %arg10[%get3A_141, %get3A_142] {strides = array<i32>} : memref<32x64xi32, #tpu.memory_space<vmem>>, vector<16xi32>,
        %bitcast3A_144 = vector.bitcast %get3A_143 : vector<16xi32> to vector<32xbf16>
        %get3A_145 = arith.index_cast %add3A_132 : i32 to index
        %get3A_146 = arith.constant 32 : index
        %get3A_147 = tpu.vector_load %arg10[%get3A_145, %get3A_146] {strides = array<i32>} : memref<32x64xi32, #tpu.memory_space<vmem>>, vector<16xi32>,
        %bitcast3A_148 = vector.bitcast %get3A_147 : vector<16xi32> to vector<32xbf16>
        %get3A_149 = arith.index_cast %add3A_132 : i32 to index
        %get3A_150 = arith.constant 48 : index
        %get3A_151 = tpu.vector_load %arg10[%get3A_149, %get3A_150] {strides = array<i32>} : memref<32x64xi32, #tpu.memory_space<vmem>>, vector<16xi32>,
        %bitcast3A_152 = vector.bitcast %get3A_151 : vector<16xi32> to vector<32xbf16>
        %scan3A_153 = arith.constant 0 : i32
        %scan3A_154 = arith.constant 0 : i32
        %scan3A_155 = arith.constant 19 : i32
        %scan3A_156 = arith.addi %scan3A_154, %scan3A_155 : i32
        %scan3A_157 = arith.constant 1 : i32
        scf.for %scan3A_280 = %scan3A_154 to %scan3A_156 step %scan3A_157  : i32 {
          %mul3A_281 = arith.constant 16 : i32
          %mul3A_282 = arith.muli %scan3A_280, %mul3A_281 : i32
          %add3A_283 = arith.constant 0 : i32
          %add3A_284 = arith.addi %mul3A_282, %add3A_283 : i32
          %get3A_285 = arith.index_cast %add3A_284 : i32 to index
          %get3A_286 = arith.constant 0 : index
          %get3A_287 = tpu.vector_load %arg11[%get3A_285, %get3A_286] {strides = array<i32>} : memref<304x64xi32, #tpu.memory_space<vmem>>, vector<16xi32>,
          %bitcast3A_288 = vector.bitcast %get3A_287 : vector<16xi32> to vector<32xbf16>
          %mul3A_289 = arith.mulf %bitcast3A_288, %bitcast3A : vector<32xbf16>
          %get3A_290 = arith.index_cast %add3A_284 : i32 to index
          %get3A_291 = arith.constant 16 : index
          %get3A_292 = tpu.vector_load %arg11[%get3A_290, %get3A_291] {strides = array<i32>} : memref<304x64xi32, #tpu.memory_space<vmem>>, vector<16xi32>,
          %bitcast3A_293 = vector.bitcast %get3A_292 : vector<16xi32> to vector<32xbf16>
          %mul3A_294 = arith.mulf %bitcast3A_293, %bitcast3A_144 : vector<32xbf16>
          %add3A_295 = arith.addf %mul3A_289, %mul3A_294 : vector<32xbf16>
          %get3A_296 = arith.index_cast %add3A_284 : i32 to index
          %get3A_297 = arith.constant 32 : index
          %get3A_298 = tpu.vector_load %arg11[%get3A_296, %get3A_297] {strides = array<i32>} : memref<304x64xi32, #tpu.memory_space<vmem>>, vector<16xi32>,
          %bitcast3A_299 = vector.bitcast %get3A_298 : vector<16xi32> to vector<32xbf16>
          %mul3A_300 = arith.mulf %bitcast3A_299, %bitcast3A_148 : vector<32xbf16>
          %add3A_301 = arith.addf %add3A_295, %mul3A_300 : vector<32xbf16>
          %get3A_302 = arith.index_cast %add3A_284 : i32 to index
          %get3A_303 = arith.constant 48 : index
          %get3A_304 = tpu.vector_load %arg11[%get3A_302, %get3A_303] {strides = array<i32>} : memref<304x64xi32, #tpu.memory_space<vmem>>, vector<16xi32>,
          %bitcast3A_305 = vector.bitcast %get3A_304 : vector<16xi32> to vector<32xbf16>
          %mul3A_306 = arith.mulf %bitcast3A_305, %bitcast3A_152 : vector<32xbf16>
          %add3A_307 = arith.addf %add3A_301, %mul3A_306 : vector<32xbf16>
          %unpack3A = tpu.unpack_subelements %add3A_307, 0 {pack_format = #tpu.pack_format<interleaved>} : vector<32xbf16> -> vector<16xf32>
          %unpack3A_308 = tpu.unpack_subelements %add3A_307, 1 {pack_format = #tpu.pack_format<interleaved>} : vector<32xbf16> -> vector<16xf32>
          %add3A_309 = arith.addf %unpack3A, %unpack3A_308 : vector<16xf32>
          %swap3A = arith.constant 0 : i32
          %swap3A_310 = arith.index_cast %swap3A : i32 to index
          %swap3A_311 = arith.constant 0 : index
          %swap3A_312 = tpu.vector_load %arg15[%swap3A_310, %swap3A_311] {strides = array<i32>} : memref<16x16xf32, #tpu.memory_space<vmem>>, vector<16xf32>,
          tpu.vector_store %arg15[%swap3A_310, %swap3A_311], %add3A_309 {strides = array<i32>} : memref<16x16xf32, #tpu.memory_space<vmem>>, vector<16xf32>,
          %add3A_313 = arith.constant 1 : i32
          %add3A_314 = arith.addi %mul3A_282, %add3A_313 : i32
          %get3A_315 = arith.index_cast %add3A_314 : i32 to index
          %get3A_316 = arith.constant 0 : index
          %get3A_317 = tpu.vector_load %arg11[%get3A_315, %get3A_316] {strides = array<i32>} : memref<304x64xi32, #tpu.memory_space<vmem>>, vector<16xi32>,
          %bitcast3A_318 = vector.bitcast %get3A_317 : vector<16xi32> to vector<32xbf16>
          %mul3A_319 = arith.mulf %bitcast3A_318, %bitcast3A : vector<32xbf16>
          %get3A_320 = arith.index_cast %add3A_314 : i32 to index
          %get3A_321 = arith.constant 16 : index
          %get3A_322 = tpu.vector_load %arg11[%get3A_320, %get3A_321] {strides = array<i32>} : memref<304x64xi32, #tpu.memory_space<vmem>>, vector<16xi32>,
          %bitcast3A_323 = vector.bitcast %get3A_322 : vector<16xi32> to vector<32xbf16>
          %mul3A_324 = arith.mulf %bitcast3A_323, %bitcast3A_144 : vector<32xbf16>
          %add3A_325 = arith.addf %mul3A_319, %mul3A_324 : vector<32xbf16>
          %get3A_326 = arith.index_cast %add3A_314 : i32 to index
          %get3A_327 = arith.constant 32 : index
          %get3A_328 = tpu.vector_load %arg11[%get3A_326, %get3A_327] {strides = array<i32>} : memref<304x64xi32, #tpu.memory_space<vmem>>, vector<16xi32>,
          %bitcast3A_329 = vector.bitcast %get3A_328 : vector<16xi32> to vector<32xbf16>
          %mul3A_330 = arith.mulf %bitcast3A_329, %bitcast3A_148 : vector<32xbf16>
          %add3A_331 = arith.addf %add3A_325, %mul3A_330 : vector<32xbf16>
          %get3A_332 = arith.index_cast %add3A_314 : i32 to index
          %get3A_333 = arith.constant 48 : index
          %get3A_334 = tpu.vector_load %arg11[%get3A_332, %get3A_333] {strides = array<i32>} : memref<304x64xi32, #tpu.memory_space<vmem>>, vector<16xi32>,
          %bitcast3A_335 = vector.bitcast %get3A_334 : vector<16xi32> to vector<32xbf16>
          %mul3A_336 = arith.mulf %bitcast3A_335, %bitcast3A_152 : vector<32xbf16>
          %add3A_337 = arith.addf %add3A_331, %mul3A_336 : vector<32xbf16>
          %unpack3A_338 = tpu.unpack_subelements %add3A_337, 0 {pack_format = #tpu.pack_format<interleaved>} : vector<32xbf16> -> vector<16xf32>
          %unpack3A_339 = tpu.unpack_subelements %add3A_337, 1 {pack_format = #tpu.pack_format<interleaved>} : vector<32xbf16> -> vector<16xf32>
          %add3A_340 = arith.addf %unpack3A_338, %unpack3A_339 : vector<16xf32>
          %swap3A_341 = arith.constant 1 : i32
          %swap3A_342 = arith.index_cast %swap3A_341 : i32 to index
          %swap3A_343 = arith.constant 0 : index
          %swap3A_344 = tpu.vector_load %arg15[%swap3A_342, %swap3A_343] {strides = array<i32>} : memref<16x16xf32, #tpu.memory_space<vmem>>, vector<16xf32>,
          tpu.vector_store %arg15[%swap3A_342, %swap3A_343], %add3A_340 {strides = array<i32>} : memref<16x16xf32, #tpu.memory_space<vmem>>, vector<16xf32>,
          %add3A_345 = arith.constant 2 : i32
          %add3A_346 = arith.addi %mul3A_282, %add3A_345 : i32
          %get3A_347 = arith.index_cast %add3A_346 : i32 to index
          %get3A_348 = arith.constant 0 : index
          %get3A_349 = tpu.vector_load %arg11[%get3A_347, %get3A_348] {strides = array<i32>} : memref<304x64xi32, #tpu.memory_space<vmem>>, vector<16xi32>,
          %bitcast3A_350 = vector.bitcast %get3A_349 : vector<16xi32> to vector<32xbf16>
          %mul3A_351 = arith.mulf %bitcast3A_350, %bitcast3A : vector<32xbf16>
          %get3A_352 = arith.index_cast %add3A_346 : i32 to index
          %get3A_353 = arith.constant 16 : index
          %get3A_354 = tpu.vector_load %arg11[%get3A_352, %get3A_353] {strides = array<i32>} : memref<304x64xi32, #tpu.memory_space<vmem>>, vector<16xi32>,
          %bitcast3A_355 = vector.bitcast %get3A_354 : vector<16xi32> to vector<32xbf16>
          %mul3A_356 = arith.mulf %bitcast3A_355, %bitcast3A_144 : vector<32xbf16>
          %add3A_357 = arith.addf %mul3A_351, %mul3A_356 : vector<32xbf16>
          %get3A_358 = arith.index_cast %add3A_346 : i32 to index
          %get3A_359 = arith.constant 32 : index
          %get3A_360 = tpu.vector_load %arg11[%get3A_358, %get3A_359] {strides = array<i32>} : memref<304x64xi32, #tpu.memory_space<vmem>>, vector<16xi32>,
          %bitcast3A_361 = vector.bitcast %get3A_360 : vector<16xi32> to vector<32xbf16>
          %mul3A_362 = arith.mulf %bitcast3A_361, %bitcast3A_148 : vector<32xbf16>
          %add3A_363 = arith.addf %add3A_357, %mul3A_362 : vector<32xbf16>
          %get3A_364 = arith.index_cast %add3A_346 : i32 to index
          %get3A_365 = arith.constant 48 : index
          %get3A_366 = tpu.vector_load %arg11[%get3A_364, %get3A_365] {strides = array<i32>} : memref<304x64xi32, #tpu.memory_space<vmem>>, vector<16xi32>,
          %bitcast3A_367 = vector.bitcast %get3A_366 : vector<16xi32> to vector<32xbf16>
          %mul3A_368 = arith.mulf %bitcast3A_367, %bitcast3A_152 : vector<32xbf16>
          %add3A_369 = arith.addf %add3A_363, %mul3A_368 : vector<32xbf16>
          %unpack3A_370 = tpu.unpack_subelements %add3A_369, 0 {pack_format = #tpu.pack_format<interleaved>} : vector<32xbf16> -> vector<16xf32>
          %unpack3A_371 = tpu.unpack_subelements %add3A_369, 1 {pack_format = #tpu.pack_format<interleaved>} : vector<32xbf16> -> vector<16xf32>
          %add3A_372 = arith.addf %unpack3A_370, %unpack3A_371 : vector<16xf32>
          %swap3A_373 = arith.constant 2 : i32
          %swap3A_374 = arith.index_cast %swap3A_373 : i32 to index
          %swap3A_375 = arith.constant 0 : index
          %swap3A_376 = tpu.vector_load %arg15[%swap3A_374, %swap3A_375] {strides = array<i32>} : memref<16x16xf32, #tpu.memory_space<vmem>>, vector<16xf32>,
          tpu.vector_store %arg15[%swap3A_374, %swap3A_375], %add3A_372 {strides = array<i32>} : memref<16x16xf32, #tpu.memory_space<vmem>>, vector<16xf32>,
          %add3A_377 = arith.constant 3 : i32
          %add3A_378 = arith.addi %mul3A_282, %add3A_377 : i32
          %get3A_379 = arith.index_cast %add3A_378 : i32 to index
          %get3A_380 = arith.constant 0 : index
          %get3A_381 = tpu.vector_load %arg11[%get3A_379, %get3A_380] {strides = array<i32>} : memref<304x64xi32, #tpu.memory_space<vmem>>, vector<16xi32>,
          %bitcast3A_382 = vector.bitcast %get3A_381 : vector<16xi32> to vector<32xbf16>
          %mul3A_383 = arith.mulf %bitcast3A_382, %bitcast3A : vector<32xbf16>
          %get3A_384 = arith.index_cast %add3A_378 : i32 to index
          %get3A_385 = arith.constant 16 : index
          %get3A_386 = tpu.vector_load %arg11[%get3A_384, %get3A_385] {strides = array<i32>} : memref<304x64xi32, #tpu.memory_space<vmem>>, vector<16xi32>,
          %bitcast3A_387 = vector.bitcast %get3A_386 : vector<16xi32> to vector<32xbf16>
          %mul3A_388 = arith.mulf %bitcast3A_387, %bitcast3A_144 : vector<32xbf16>
          %add3A_389 = arith.addf %mul3A_383, %mul3A_388 : vector<32xbf16>
          %get3A_390 = arith.index_cast %add3A_378 : i32 to index
          %get3A_391 = arith.constant 32 : index
          %get3A_392 = tpu.vector_load %arg11[%get3A_390, %get3A_391] {strides = array<i32>} : memref<304x64xi32, #tpu.memory_space<vmem>>, vector<16xi32>,
          %bitcast3A_393 = vector.bitcast %get3A_392 : vector<16xi32> to vector<32xbf16>
          %mul3A_394 = arith.mulf %bitcast3A_393, %bitcast3A_148 : vector<32xbf16>
          %add3A_395 = arith.addf %add3A_389, %mul3A_394 : vector<32xbf16>
          %get3A_396 = arith.index_cast %add3A_378 : i32 to index
          %get3A_397 = arith.constant 48 : index
          %get3A_398 = tpu.vector_load %arg11[%get3A_396, %get3A_397] {strides = array<i32>} : memref<304x64xi32, #tpu.memory_space<vmem>>, vector<16xi32>,
          %bitcast3A_399 = vector.bitcast %get3A_398 : vector<16xi32> to vector<32xbf16>
          %mul3A_400 = arith.mulf %bitcast3A_399, %bitcast3A_152 : vector<32xbf16>
          %add3A_401 = arith.addf %add3A_395, %mul3A_400 : vector<32xbf16>
          %unpack3A_402 = tpu.unpack_subelements %add3A_401, 0 {pack_format = #tpu.pack_format<interleaved>} : vector<32xbf16> -> vector<16xf32>
          %unpack3A_403 = tpu.unpack_subelements %add3A_401, 1 {pack_format = #tpu.pack_format<interleaved>} : vector<32xbf16> -> vector<16xf32>
          %add3A_404 = arith.addf %unpack3A_402, %unpack3A_403 : vector<16xf32>
          %swap3A_405 = arith.constant 3 : i32
          %swap3A_406 = arith.index_cast %swap3A_405 : i32 to index
          %swap3A_407 = arith.constant 0 : index
          %swap3A_408 = tpu.vector_load %arg15[%swap3A_406, %swap3A_407] {strides = array<i32>} : memref<16x16xf32, #tpu.memory_space<vmem>>, vector<16xf32>,
          tpu.vector_store %arg15[%swap3A_406, %swap3A_407], %add3A_404 {strides = array<i32>} : memref<16x16xf32, #tpu.memory_space<vmem>>, vector<16xf32>,
          %add3A_409 = arith.constant 4 : i32
          %add3A_410 = arith.addi %mul3A_282, %add3A_409 : i32
          %get3A_411 = arith.index_cast %add3A_410 : i32 to index
          %get3A_412 = arith.constant 0 : index
          %get3A_413 = tpu.vector_load %arg11[%get3A_411, %get3A_412] {strides = array<i32>} : memref<304x64xi32, #tpu.memory_space<vmem>>, vector<16xi32>,
          %bitcast3A_414 = vector.bitcast %get3A_413 : vector<16xi32> to vector<32xbf16>
          %mul3A_415 = arith.mulf %bitcast3A_414, %bitcast3A : vector<32xbf16>
          %get3A_416 = arith.index_cast %add3A_410 : i32 to index
          %get3A_417 = arith.constant 16 : index
          %get3A_418 = tpu.vector_load %arg11[%get3A_416, %get3A_417] {strides = array<i32>} : memref<304x64xi32, #tpu.memory_space<vmem>>, vector<16xi32>,
          %bitcast3A_419 = vector.bitcast %get3A_418 : vector<16xi32> to vector<32xbf16>
          %mul3A_420 = arith.mulf %bitcast3A_419, %bitcast3A_144 : vector<32xbf16>
          %add3A_421 = arith.addf %mul3A_415, %mul3A_420 : vector<32xbf16>
          %get3A_422 = arith.index_cast %add3A_410 : i32 to index
          %get3A_423 = arith.constant 32 : index
          %get3A_424 = tpu.vector_load %arg11[%get3A_422, %get3A_423] {strides = array<i32>} : memref<304x64xi32, #tpu.memory_space<vmem>>, vector<16xi32>,
          %bitcast3A_425 = vector.bitcast %get3A_424 : vector<16xi32> to vector<32xbf16>
          %mul3A_426 = arith.mulf %bitcast3A_425, %bitcast3A_148 : vector<32xbf16>
          %add3A_427 = arith.addf %add3A_421, %mul3A_426 : vector<32xbf16>
          %get3A_428 = arith.index_cast %add3A_410 : i32 to index
          %get3A_429 = arith.constant 48 : index
          %get3A_430 = tpu.vector_load %arg11[%get3A_428, %get3A_429] {strides = array<i32>} : memref<304x64xi32, #tpu.memory_space<vmem>>, vector<16xi32>,
          %bitcast3A_431 = vector.bitcast %get3A_430 : vector<16xi32> to vector<32xbf16>
          %mul3A_432 = arith.mulf %bitcast3A_431, %bitcast3A_152 : vector<32xbf16>
          %add3A_433 = arith.addf %add3A_427, %mul3A_432 : vector<32xbf16>
          %unpack3A_434 = tpu.unpack_subelements %add3A_433, 0 {pack_format = #tpu.pack_format<interleaved>} : vector<32xbf16> -> vector<16xf32>
          %unpack3A_435 = tpu.unpack_subelements %add3A_433, 1 {pack_format = #tpu.pack_format<interleaved>} : vector<32xbf16> -> vector<16xf32>
          %add3A_436 = arith.addf %unpack3A_434, %unpack3A_435 : vector<16xf32>
          %swap3A_437 = arith.constant 4 : i32
          %swap3A_438 = arith.index_cast %swap3A_437 : i32 to index
          %swap3A_439 = arith.constant 0 : index
          %swap3A_440 = tpu.vector_load %arg15[%swap3A_438, %swap3A_439] {strides = array<i32>} : memref<16x16xf32, #tpu.memory_space<vmem>>, vector<16xf32>,
          tpu.vector_store %arg15[%swap3A_438, %swap3A_439], %add3A_436 {strides = array<i32>} : memref<16x16xf32, #tpu.memory_space<vmem>>, vector<16xf32>,
          %add3A_441 = arith.constant 5 : i32
          %add3A_442 = arith.addi %mul3A_282, %add3A_441 : i32
          %get3A_443 = arith.index_cast %add3A_442 : i32 to index
          %get3A_444 = arith.constant 0 : index
          %get3A_445 = tpu.vector_load %arg11[%get3A_443, %get3A_444] {strides = array<i32>} : memref<304x64xi32, #tpu.memory_space<vmem>>, vector<16xi32>,
          %bitcast3A_446 = vector.bitcast %get3A_445 : vector<16xi32> to vector<32xbf16>
          %mul3A_447 = arith.mulf %bitcast3A_446, %bitcast3A : vector<32xbf16>
          %get3A_448 = arith.index_cast %add3A_442 : i32 to index
          %get3A_449 = arith.constant 16 : index
          %get3A_450 = tpu.vector_load %arg11[%get3A_448, %get3A_449] {strides = array<i32>} : memref<304x64xi32, #tpu.memory_space<vmem>>, vector<16xi32>,
          %bitcast3A_451 = vector.bitcast %get3A_450 : vector<16xi32> to vector<32xbf16>
          %mul3A_452 = arith.mulf %bitcast3A_451, %bitcast3A_144 : vector<32xbf16>
          %add3A_453 = arith.addf %mul3A_447, %mul3A_452 : vector<32xbf16>
          %get3A_454 = arith.index_cast %add3A_442 : i32 to index
          %get3A_455 = arith.constant 32 : index
          %get3A_456 = tpu.vector_load %arg11[%get3A_454, %get3A_455] {strides = array<i32>} : memref<304x64xi32, #tpu.memory_space<vmem>>, vector<16xi32>,
          %bitcast3A_457 = vector.bitcast %get3A_456 : vector<16xi32> to vector<32xbf16>
          %mul3A_458 = arith.mulf %bitcast3A_457, %bitcast3A_148 : vector<32xbf16>
          %add3A_459 = arith.addf %add3A_453, %mul3A_458 : vector<32xbf16>
          %get3A_460 = arith.index_cast %add3A_442 : i32 to index
          %get3A_461 = arith.constant 48 : index
          %get3A_462 = tpu.vector_load %arg11[%get3A_460, %get3A_461] {strides = array<i32>} : memref<304x64xi32, #tpu.memory_space<vmem>>, vector<16xi32>,
          %bitcast3A_463 = vector.bitcast %get3A_462 : vector<16xi32> to vector<32xbf16>
          %mul3A_464 = arith.mulf %bitcast3A_463, %bitcast3A_152 : vector<32xbf16>
          %add3A_465 = arith.addf %add3A_459, %mul3A_464 : vector<32xbf16>
          %unpack3A_466 = tpu.unpack_subelements %add3A_465, 0 {pack_format = #tpu.pack_format<interleaved>} : vector<32xbf16> -> vector<16xf32>
          %unpack3A_467 = tpu.unpack_subelements %add3A_465, 1 {pack_format = #tpu.pack_format<interleaved>} : vector<32xbf16> -> vector<16xf32>
          %add3A_468 = arith.addf %unpack3A_466, %unpack3A_467 : vector<16xf32>
          %swap3A_469 = arith.constant 5 : i32
          %swap3A_470 = arith.index_cast %swap3A_469 : i32 to index
          %swap3A_471 = arith.constant 0 : index
          %swap3A_472 = tpu.vector_load %arg15[%swap3A_470, %swap3A_471] {strides = array<i32>} : memref<16x16xf32, #tpu.memory_space<vmem>>, vector<16xf32>,
          tpu.vector_store %arg15[%swap3A_470, %swap3A_471], %add3A_468 {strides = array<i32>} : memref<16x16xf32, #tpu.memory_space<vmem>>, vector<16xf32>,
          %add3A_473 = arith.constant 6 : i32
          %add3A_474 = arith.addi %mul3A_282, %add3A_473 : i32
          %get3A_475 = arith.index_cast %add3A_474 : i32 to index
          %get3A_476 = arith.constant 0 : index
          %get3A_477 = tpu.vector_load %arg11[%get3A_475, %get3A_476] {strides = array<i32>} : memref<304x64xi32, #tpu.memory_space<vmem>>, vector<16xi32>,
          %bitcast3A_478 = vector.bitcast %get3A_477 : vector<16xi32> to vector<32xbf16>
          %mul3A_479 = arith.mulf %bitcast3A_478, %bitcast3A : vector<32xbf16>
          %get3A_480 = arith.index_cast %add3A_474 : i32 to index
          %get3A_481 = arith.constant 16 : index
          %get3A_482 = tpu.vector_load %arg11[%get3A_480, %get3A_481] {strides = array<i32>} : memref<304x64xi32, #tpu.memory_space<vmem>>, vector<16xi32>,
          %bitcast3A_483 = vector.bitcast %get3A_482 : vector<16xi32> to vector<32xbf16>
          %mul3A_484 = arith.mulf %bitcast3A_483, %bitcast3A_144 : vector<32xbf16>
          %add3A_485 = arith.addf %mul3A_479, %mul3A_484 : vector<32xbf16>
          %get3A_486 = arith.index_cast %add3A_474 : i32 to index
          %get3A_487 = arith.constant 32 : index
          %get3A_488 = tpu.vector_load %arg11[%get3A_486, %get3A_487] {strides = array<i32>} : memref<304x64xi32, #tpu.memory_space<vmem>>, vector<16xi32>,
          %bitcast3A_489 = vector.bitcast %get3A_488 : vector<16xi32> to vector<32xbf16>
          %mul3A_490 = arith.mulf %bitcast3A_489, %bitcast3A_148 : vector<32xbf16>
          %add3A_491 = arith.addf %add3A_485, %mul3A_490 : vector<32xbf16>
          %get3A_492 = arith.index_cast %add3A_474 : i32 to index
          %get3A_493 = arith.constant 48 : index
          %get3A_494 = tpu.vector_load %arg11[%get3A_492, %get3A_493] {strides = array<i32>} : memref<304x64xi32, #tpu.memory_space<vmem>>, vector<16xi32>,
          %bitcast3A_495 = vector.bitcast %get3A_494 : vector<16xi32> to vector<32xbf16>
          %mul3A_496 = arith.mulf %bitcast3A_495, %bitcast3A_152 : vector<32xbf16>
          %add3A_497 = arith.addf %add3A_491, %mul3A_496 : vector<32xbf16>
          %unpack3A_498 = tpu.unpack_subelements %add3A_497, 0 {pack_format = #tpu.pack_format<interleaved>} : vector<32xbf16> -> vector<16xf32>
          %unpack3A_499 = tpu.unpack_subelements %add3A_497, 1 {pack_format = #tpu.pack_format<interleaved>} : vector<32xbf16> -> vector<16xf32>
          %add3A_500 = arith.addf %unpack3A_498, %unpack3A_499 : vector<16xf32>
          %swap3A_501 = arith.constant 6 : i32
          %swap3A_502 = arith.index_cast %swap3A_501 : i32 to index
          %swap3A_503 = arith.constant 0 : index
          %swap3A_504 = tpu.vector_load %arg15[%swap3A_502, %swap3A_503] {strides = array<i32>} : memref<16x16xf32, #tpu.memory_space<vmem>>, vector<16xf32>,
          tpu.vector_store %arg15[%swap3A_502, %swap3A_503], %add3A_500 {strides = array<i32>} : memref<16x16xf32, #tpu.memory_space<vmem>>, vector<16xf32>,
          %add3A_505 = arith.constant 7 : i32
          %add3A_506 = arith.addi %mul3A_282, %add3A_505 : i32
          %get3A_507 = arith.index_cast %add3A_506 : i32 to index
          %get3A_508 = arith.constant 0 : index
          %get3A_509 = tpu.vector_load %arg11[%get3A_507, %get3A_508] {strides = array<i32>} : memref<304x64xi32, #tpu.memory_space<vmem>>, vector<16xi32>,
          %bitcast3A_510 = vector.bitcast %get3A_509 : vector<16xi32> to vector<32xbf16>
          %mul3A_511 = arith.mulf %bitcast3A_510, %bitcast3A : vector<32xbf16>
          %get3A_512 = arith.index_cast %add3A_506 : i32 to index
          %get3A_513 = arith.constant 16 : index
          %get3A_514 = tpu.vector_load %arg11[%get3A_512, %get3A_513] {strides = array<i32>} : memref<304x64xi32, #tpu.memory_space<vmem>>, vector<16xi32>,
          %bitcast3A_515 = vector.bitcast %get3A_514 : vector<16xi32> to vector<32xbf16>
          %mul3A_516 = arith.mulf %bitcast3A_515, %bitcast3A_144 : vector<32xbf16>
          %add3A_517 = arith.addf %mul3A_511, %mul3A_516 : vector<32xbf16>
          %get3A_518 = arith.index_cast %add3A_506 : i32 to index
          %get3A_519 = arith.constant 32 : index
          %get3A_520 = tpu.vector_load %arg11[%get3A_518, %get3A_519] {strides = array<i32>} : memref<304x64xi32, #tpu.memory_space<vmem>>, vector<16xi32>,
          %bitcast3A_521 = vector.bitcast %get3A_520 : vector<16xi32> to vector<32xbf16>
          %mul3A_522 = arith.mulf %bitcast3A_521, %bitcast3A_148 : vector<32xbf16>
          %add3A_523 = arith.addf %add3A_517, %mul3A_522 : vector<32xbf16>
          %get3A_524 = arith.index_cast %add3A_506 : i32 to index
          %get3A_525 = arith.constant 48 : index
          %get3A_526 = tpu.vector_load %arg11[%get3A_524, %get3A_525] {strides = array<i32>} : memref<304x64xi32, #tpu.memory_space<vmem>>, vector<16xi32>,
          %bitcast3A_527 = vector.bitcast %get3A_526 : vector<16xi32> to vector<32xbf16>
          %mul3A_528 = arith.mulf %bitcast3A_527, %bitcast3A_152 : vector<32xbf16>
          %add3A_529 = arith.addf %add3A_523, %mul3A_528 : vector<32xbf16>
          %unpack3A_530 = tpu.unpack_subelements %add3A_529, 0 {pack_format = #tpu.pack_format<interleaved>} : vector<32xbf16> -> vector<16xf32>
          %unpack3A_531 = tpu.unpack_subelements %add3A_529, 1 {pack_format = #tpu.pack_format<interleaved>} : vector<32xbf16> -> vector<16xf32>
          %add3A_532 = arith.addf %unpack3A_530, %unpack3A_531 : vector<16xf32>
          %swap3A_533 = arith.constant 7 : i32
          %swap3A_534 = arith.index_cast %swap3A_533 : i32 to index
          %swap3A_535 = arith.constant 0 : index
          %swap3A_536 = tpu.vector_load %arg15[%swap3A_534, %swap3A_535] {strides = array<i32>} : memref<16x16xf32, #tpu.memory_space<vmem>>, vector<16xf32>,
          tpu.vector_store %arg15[%swap3A_534, %swap3A_535], %add3A_532 {strides = array<i32>} : memref<16x16xf32, #tpu.memory_space<vmem>>, vector<16xf32>,
          %add3A_537 = arith.constant 8 : i32
          %add3A_538 = arith.addi %mul3A_282, %add3A_537 : i32
          %get3A_539 = arith.index_cast %add3A_538 : i32 to index
          %get3A_540 = arith.constant 0 : index
          %get3A_541 = tpu.vector_load %arg11[%get3A_539, %get3A_540] {strides = array<i32>} : memref<304x64xi32, #tpu.memory_space<vmem>>, vector<16xi32>,
          %bitcast3A_542 = vector.bitcast %get3A_541 : vector<16xi32> to vector<32xbf16>
          %mul3A_543 = arith.mulf %bitcast3A_542, %bitcast3A : vector<32xbf16>
          %get3A_544 = arith.index_cast %add3A_538 : i32 to index
          %get3A_545 = arith.constant 16 : index
          %get3A_546 = tpu.vector_load %arg11[%get3A_544, %get3A_545] {strides = array<i32>} : memref<304x64xi32, #tpu.memory_space<vmem>>, vector<16xi32>,
          %bitcast3A_547 = vector.bitcast %get3A_546 : vector<16xi32> to vector<32xbf16>
          %mul3A_548 = arith.mulf %bitcast3A_547, %bitcast3A_144 : vector<32xbf16>
          %add3A_549 = arith.addf %mul3A_543, %mul3A_548 : vector<32xbf16>
          %get3A_550 = arith.index_cast %add3A_538 : i32 to index
          %get3A_551 = arith.constant 32 : index
          %get3A_552 = tpu.vector_load %arg11[%get3A_550, %get3A_551] {strides = array<i32>} : memref<304x64xi32, #tpu.memory_space<vmem>>, vector<16xi32>,
          %bitcast3A_553 = vector.bitcast %get3A_552 : vector<16xi32> to vector<32xbf16>
          %mul3A_554 = arith.mulf %bitcast3A_553, %bitcast3A_148 : vector<32xbf16>
          %add3A_555 = arith.addf %add3A_549, %mul3A_554 : vector<32xbf16>
          %get3A_556 = arith.index_cast %add3A_538 : i32 to index
          %get3A_557 = arith.constant 48 : index
          %get3A_558 = tpu.vector_load %arg11[%get3A_556, %get3A_557] {strides = array<i32>} : memref<304x64xi32, #tpu.memory_space<vmem>>, vector<16xi32>,
          %bitcast3A_559 = vector.bitcast %get3A_558 : vector<16xi32> to vector<32xbf16>
          %mul3A_560 = arith.mulf %bitcast3A_559, %bitcast3A_152 : vector<32xbf16>
          %add3A_561 = arith.addf %add3A_555, %mul3A_560 : vector<32xbf16>
          %unpack3A_562 = tpu.unpack_subelements %add3A_561, 0 {pack_format = #tpu.pack_format<interleaved>} : vector<32xbf16> -> vector<16xf32>
          %unpack3A_563 = tpu.unpack_subelements %add3A_561, 1 {pack_format = #tpu.pack_format<interleaved>} : vector<32xbf16> -> vector<16xf32>
          %add3A_564 = arith.addf %unpack3A_562, %unpack3A_563 : vector<16xf32>
          %swap3A_565 = arith.constant 8 : i32
          %swap3A_566 = arith.index_cast %swap3A_565 : i32 to index
          %swap3A_567 = arith.constant 0 : index
          %swap3A_568 = tpu.vector_load %arg15[%swap3A_566, %swap3A_567] {strides = array<i32>} : memref<16x16xf32, #tpu.memory_space<vmem>>, vector<16xf32>,
          tpu.vector_store %arg15[%swap3A_566, %swap3A_567], %add3A_564 {strides = array<i32>} : memref<16x16xf32, #tpu.memory_space<vmem>>, vector<16xf32>,
          %add3A_569 = arith.constant 9 : i32
          %add3A_570 = arith.addi %mul3A_282, %add3A_569 : i32
          %get3A_571 = arith.index_cast %add3A_570 : i32 to index
          %get3A_572 = arith.constant 0 : index
          %get3A_573 = tpu.vector_load %arg11[%get3A_571, %get3A_572] {strides = array<i32>} : memref<304x64xi32, #tpu.memory_space<vmem>>, vector<16xi32>,
          %bitcast3A_574 = vector.bitcast %get3A_573 : vector<16xi32> to vector<32xbf16>
          %mul3A_575 = arith.mulf %bitcast3A_574, %bitcast3A : vector<32xbf16>
          %get3A_576 = arith.index_cast %add3A_570 : i32 to index
          %get3A_577 = arith.constant 16 : index
          %get3A_578 = tpu.vector_load %arg11[%get3A_576, %get3A_577] {strides = array<i32>} : memref<304x64xi32, #tpu.memory_space<vmem>>, vector<16xi32>,
          %bitcast3A_579 = vector.bitcast %get3A_578 : vector<16xi32> to vector<32xbf16>
          %mul3A_580 = arith.mulf %bitcast3A_579, %bitcast3A_144 : vector<32xbf16>
          %add3A_581 = arith.addf %mul3A_575, %mul3A_580 : vector<32xbf16>
          %get3A_582 = arith.index_cast %add3A_570 : i32 to index
          %get3A_583 = arith.constant 32 : index
          %get3A_584 = tpu.vector_load %arg11[%get3A_582, %get3A_583] {strides = array<i32>} : memref<304x64xi32, #tpu.memory_space<vmem>>, vector<16xi32>,
          %bitcast3A_585 = vector.bitcast %get3A_584 : vector<16xi32> to vector<32xbf16>
          %mul3A_586 = arith.mulf %bitcast3A_585, %bitcast3A_148 : vector<32xbf16>
          %add3A_587 = arith.addf %add3A_581, %mul3A_586 : vector<32xbf16>
          %get3A_588 = arith.index_cast %add3A_570 : i32 to index
          %get3A_589 = arith.constant 48 : index
          %get3A_590 = tpu.vector_load %arg11[%get3A_588, %get3A_589] {strides = array<i32>} : memref<304x64xi32, #tpu.memory_space<vmem>>, vector<16xi32>,
          %bitcast3A_591 = vector.bitcast %get3A_590 : vector<16xi32> to vector<32xbf16>
          %mul3A_592 = arith.mulf %bitcast3A_591, %bitcast3A_152 : vector<32xbf16>
          %add3A_593 = arith.addf %add3A_587, %mul3A_592 : vector<32xbf16>
          %unpack3A_594 = tpu.unpack_subelements %add3A_593, 0 {pack_format = #tpu.pack_format<interleaved>} : vector<32xbf16> -> vector<16xf32>
          %unpack3A_595 = tpu.unpack_subelements %add3A_593, 1 {pack_format = #tpu.pack_format<interleaved>} : vector<32xbf16> -> vector<16xf32>
          %add3A_596 = arith.addf %unpack3A_594, %unpack3A_595 : vector<16xf32>
          %swap3A_597 = arith.constant 9 : i32
          %swap3A_598 = arith.index_cast %swap3A_597 : i32 to index
          %swap3A_599 = arith.constant 0 : index
          %swap3A_600 = tpu.vector_load %arg15[%swap3A_598, %swap3A_599] {strides = array<i32>} : memref<16x16xf32, #tpu.memory_space<vmem>>, vector<16xf32>,
          tpu.vector_store %arg15[%swap3A_598, %swap3A_599], %add3A_596 {strides = array<i32>} : memref<16x16xf32, #tpu.memory_space<vmem>>, vector<16xf32>,
          %add3A_601 = arith.constant 10 : i32
          %add3A_602 = arith.addi %mul3A_282, %add3A_601 : i32
          %get3A_603 = arith.index_cast %add3A_602 : i32 to index
          %get3A_604 = arith.constant 0 : index
          %get3A_605 = tpu.vector_load %arg11[%get3A_603, %get3A_604] {strides = array<i32>} : memref<304x64xi32, #tpu.memory_space<vmem>>, vector<16xi32>,
          %bitcast3A_606 = vector.bitcast %get3A_605 : vector<16xi32> to vector<32xbf16>
          %mul3A_607 = arith.mulf %bitcast3A_606, %bitcast3A : vector<32xbf16>
          %get3A_608 = arith.index_cast %add3A_602 : i32 to index
          %get3A_609 = arith.constant 16 : index
          %get3A_610 = tpu.vector_load %arg11[%get3A_608, %get3A_609] {strides = array<i32>} : memref<304x64xi32, #tpu.memory_space<vmem>>, vector<16xi32>,
          %bitcast3A_611 = vector.bitcast %get3A_610 : vector<16xi32> to vector<32xbf16>
          %mul3A_612 = arith.mulf %bitcast3A_611, %bitcast3A_144 : vector<32xbf16>
          %add3A_613 = arith.addf %mul3A_607, %mul3A_612 : vector<32xbf16>
          %get3A_614 = arith.index_cast %add3A_602 : i32 to index
          %get3A_615 = arith.constant 32 : index
          %get3A_616 = tpu.vector_load %arg11[%get3A_614, %get3A_615] {strides = array<i32>} : memref<304x64xi32, #tpu.memory_space<vmem>>, vector<16xi32>,
          %bitcast3A_617 = vector.bitcast %get3A_616 : vector<16xi32> to vector<32xbf16>
          %mul3A_618 = arith.mulf %bitcast3A_617, %bitcast3A_148 : vector<32xbf16>
          %add3A_619 = arith.addf %add3A_613, %mul3A_618 : vector<32xbf16>
          %get3A_620 = arith.index_cast %add3A_602 : i32 to index
          %get3A_621 = arith.constant 48 : index
          %get3A_622 = tpu.vector_load %arg11[%get3A_620, %get3A_621] {strides = array<i32>} : memref<304x64xi32, #tpu.memory_space<vmem>>, vector<16xi32>,
          %bitcast3A_623 = vector.bitcast %get3A_622 : vector<16xi32> to vector<32xbf16>
          %mul3A_624 = arith.mulf %bitcast3A_623, %bitcast3A_152 : vector<32xbf16>
          %add3A_625 = arith.addf %add3A_619, %mul3A_624 : vector<32xbf16>
          %unpack3A_626 = tpu.unpack_subelements %add3A_625, 0 {pack_format = #tpu.pack_format<interleaved>} : vector<32xbf16> -> vector<16xf32>
          %unpack3A_627 = tpu.unpack_subelements %add3A_625, 1 {pack_format = #tpu.pack_format<interleaved>} : vector<32xbf16> -> vector<16xf32>
          %add3A_628 = arith.addf %unpack3A_626, %unpack3A_627 : vector<16xf32>
          %swap3A_629 = arith.constant 10 : i32
          %swap3A_630 = arith.index_cast %swap3A_629 : i32 to index
          %swap3A_631 = arith.constant 0 : index
          %swap3A_632 = tpu.vector_load %arg15[%swap3A_630, %swap3A_631] {strides = array<i32>} : memref<16x16xf32, #tpu.memory_space<vmem>>, vector<16xf32>,
          tpu.vector_store %arg15[%swap3A_630, %swap3A_631], %add3A_628 {strides = array<i32>} : memref<16x16xf32, #tpu.memory_space<vmem>>, vector<16xf32>,
          %add3A_633 = arith.constant 11 : i32
          %add3A_634 = arith.addi %mul3A_282, %add3A_633 : i32
          %get3A_635 = arith.index_cast %add3A_634 : i32 to index
          %get3A_636 = arith.constant 0 : index
          %get3A_637 = tpu.vector_load %arg11[%get3A_635, %get3A_636] {strides = array<i32>} : memref<304x64xi32, #tpu.memory_space<vmem>>, vector<16xi32>,
          %bitcast3A_638 = vector.bitcast %get3A_637 : vector<16xi32> to vector<32xbf16>
          %mul3A_639 = arith.mulf %bitcast3A_638, %bitcast3A : vector<32xbf16>
          %get3A_640 = arith.index_cast %add3A_634 : i32 to index
          %get3A_641 = arith.constant 16 : index
          %get3A_642 = tpu.vector_load %arg11[%get3A_640, %get3A_641] {strides = array<i32>} : memref<304x64xi32, #tpu.memory_space<vmem>>, vector<16xi32>,
          %bitcast3A_643 = vector.bitcast %get3A_642 : vector<16xi32> to vector<32xbf16>
          %mul3A_644 = arith.mulf %bitcast3A_643, %bitcast3A_144 : vector<32xbf16>
          %add3A_645 = arith.addf %mul3A_639, %mul3A_644 : vector<32xbf16>
          %get3A_646 = arith.index_cast %add3A_634 : i32 to index
          %get3A_647 = arith.constant 32 : index
          %get3A_648 = tpu.vector_load %arg11[%get3A_646, %get3A_647] {strides = array<i32>} : memref<304x64xi32, #tpu.memory_space<vmem>>, vector<16xi32>,
          %bitcast3A_649 = vector.bitcast %get3A_648 : vector<16xi32> to vector<32xbf16>
          %mul3A_650 = arith.mulf %bitcast3A_649, %bitcast3A_148 : vector<32xbf16>
          %add3A_651 = arith.addf %add3A_645, %mul3A_650 : vector<32xbf16>
          %get3A_652 = arith.index_cast %add3A_634 : i32 to index
          %get3A_653 = arith.constant 48 : index
          %get3A_654 = tpu.vector_load %arg11[%get3A_652, %get3A_653] {strides = array<i32>} : memref<304x64xi32, #tpu.memory_space<vmem>>, vector<16xi32>,
          %bitcast3A_655 = vector.bitcast %get3A_654 : vector<16xi32> to vector<32xbf16>
          %mul3A_656 = arith.mulf %bitcast3A_655, %bitcast3A_152 : vector<32xbf16>
          %add3A_657 = arith.addf %add3A_651, %mul3A_656 : vector<32xbf16>
          %unpack3A_658 = tpu.unpack_subelements %add3A_657, 0 {pack_format = #tpu.pack_format<interleaved>} : vector<32xbf16> -> vector<16xf32>
          %unpack3A_659 = tpu.unpack_subelements %add3A_657, 1 {pack_format = #tpu.pack_format<interleaved>} : vector<32xbf16> -> vector<16xf32>
          %add3A_660 = arith.addf %unpack3A_658, %unpack3A_659 : vector<16xf32>
          %swap3A_661 = arith.constant 11 : i32
          %swap3A_662 = arith.index_cast %swap3A_661 : i32 to index
          %swap3A_663 = arith.constant 0 : index
          %swap3A_664 = tpu.vector_load %arg15[%swap3A_662, %swap3A_663] {strides = array<i32>} : memref<16x16xf32, #tpu.memory_space<vmem>>, vector<16xf32>,
          tpu.vector_store %arg15[%swap3A_662, %swap3A_663], %add3A_660 {strides = array<i32>} : memref<16x16xf32, #tpu.memory_space<vmem>>, vector<16xf32>,
          %add3A_665 = arith.constant 12 : i32
          %add3A_666 = arith.addi %mul3A_282, %add3A_665 : i32
          %get3A_667 = arith.index_cast %add3A_666 : i32 to index
          %get3A_668 = arith.constant 0 : index
          %get3A_669 = tpu.vector_load %arg11[%get3A_667, %get3A_668] {strides = array<i32>} : memref<304x64xi32, #tpu.memory_space<vmem>>, vector<16xi32>,
          %bitcast3A_670 = vector.bitcast %get3A_669 : vector<16xi32> to vector<32xbf16>
          %mul3A_671 = arith.mulf %bitcast3A_670, %bitcast3A : vector<32xbf16>
          %get3A_672 = arith.index_cast %add3A_666 : i32 to index
          %get3A_673 = arith.constant 16 : index
          %get3A_674 = tpu.vector_load %arg11[%get3A_672, %get3A_673] {strides = array<i32>} : memref<304x64xi32, #tpu.memory_space<vmem>>, vector<16xi32>,
          %bitcast3A_675 = vector.bitcast %get3A_674 : vector<16xi32> to vector<32xbf16>
          %mul3A_676 = arith.mulf %bitcast3A_675, %bitcast3A_144 : vector<32xbf16>
          %add3A_677 = arith.addf %mul3A_671, %mul3A_676 : vector<32xbf16>
          %get3A_678 = arith.index_cast %add3A_666 : i32 to index
          %get3A_679 = arith.constant 32 : index
          %get3A_680 = tpu.vector_load %arg11[%get3A_678, %get3A_679] {strides = array<i32>} : memref<304x64xi32, #tpu.memory_space<vmem>>, vector<16xi32>,
          %bitcast3A_681 = vector.bitcast %get3A_680 : vector<16xi32> to vector<32xbf16>
          %mul3A_682 = arith.mulf %bitcast3A_681, %bitcast3A_148 : vector<32xbf16>
          %add3A_683 = arith.addf %add3A_677, %mul3A_682 : vector<32xbf16>
          %get3A_684 = arith.index_cast %add3A_666 : i32 to index
          %get3A_685 = arith.constant 48 : index
          %get3A_686 = tpu.vector_load %arg11[%get3A_684, %get3A_685] {strides = array<i32>} : memref<304x64xi32, #tpu.memory_space<vmem>>, vector<16xi32>,
          %bitcast3A_687 = vector.bitcast %get3A_686 : vector<16xi32> to vector<32xbf16>
          %mul3A_688 = arith.mulf %bitcast3A_687, %bitcast3A_152 : vector<32xbf16>
          %add3A_689 = arith.addf %add3A_683, %mul3A_688 : vector<32xbf16>
          %unpack3A_690 = tpu.unpack_subelements %add3A_689, 0 {pack_format = #tpu.pack_format<interleaved>} : vector<32xbf16> -> vector<16xf32>
          %unpack3A_691 = tpu.unpack_subelements %add3A_689, 1 {pack_format = #tpu.pack_format<interleaved>} : vector<32xbf16> -> vector<16xf32>
          %add3A_692 = arith.addf %unpack3A_690, %unpack3A_691 : vector<16xf32>
          %swap3A_693 = arith.constant 12 : i32
          %swap3A_694 = arith.index_cast %swap3A_693 : i32 to index
          %swap3A_695 = arith.constant 0 : index
          %swap3A_696 = tpu.vector_load %arg15[%swap3A_694, %swap3A_695] {strides = array<i32>} : memref<16x16xf32, #tpu.memory_space<vmem>>, vector<16xf32>,
          tpu.vector_store %arg15[%swap3A_694, %swap3A_695], %add3A_692 {strides = array<i32>} : memref<16x16xf32, #tpu.memory_space<vmem>>, vector<16xf32>,
          %add3A_697 = arith.constant 13 : i32
          %add3A_698 = arith.addi %mul3A_282, %add3A_697 : i32
          %get3A_699 = arith.index_cast %add3A_698 : i32 to index
          %get3A_700 = arith.constant 0 : index
          %get3A_701 = tpu.vector_load %arg11[%get3A_699, %get3A_700] {strides = array<i32>} : memref<304x64xi32, #tpu.memory_space<vmem>>, vector<16xi32>,
          %bitcast3A_702 = vector.bitcast %get3A_701 : vector<16xi32> to vector<32xbf16>
          %mul3A_703 = arith.mulf %bitcast3A_702, %bitcast3A : vector<32xbf16>
          %get3A_704 = arith.index_cast %add3A_698 : i32 to index
          %get3A_705 = arith.constant 16 : index
          %get3A_706 = tpu.vector_load %arg11[%get3A_704, %get3A_705] {strides = array<i32>} : memref<304x64xi32, #tpu.memory_space<vmem>>, vector<16xi32>,
          %bitcast3A_707 = vector.bitcast %get3A_706 : vector<16xi32> to vector<32xbf16>
          %mul3A_708 = arith.mulf %bitcast3A_707, %bitcast3A_144 : vector<32xbf16>
          %add3A_709 = arith.addf %mul3A_703, %mul3A_708 : vector<32xbf16>
          %get3A_710 = arith.index_cast %add3A_698 : i32 to index
          %get3A_711 = arith.constant 32 : index
          %get3A_712 = tpu.vector_load %arg11[%get3A_710, %get3A_711] {strides = array<i32>} : memref<304x64xi32, #tpu.memory_space<vmem>>, vector<16xi32>,
          %bitcast3A_713 = vector.bitcast %get3A_712 : vector<16xi32> to vector<32xbf16>
          %mul3A_714 = arith.mulf %bitcast3A_713, %bitcast3A_148 : vector<32xbf16>
          %add3A_715 = arith.addf %add3A_709, %mul3A_714 : vector<32xbf16>
          %get3A_716 = arith.index_cast %add3A_698 : i32 to index
          %get3A_717 = arith.constant 48 : index
          %get3A_718 = tpu.vector_load %arg11[%get3A_716, %get3A_717] {strides = array<i32>} : memref<304x64xi32, #tpu.memory_space<vmem>>, vector<16xi32>,
          %bitcast3A_719 = vector.bitcast %get3A_718 : vector<16xi32> to vector<32xbf16>
          %mul3A_720 = arith.mulf %bitcast3A_719, %bitcast3A_152 : vector<32xbf16>
          %add3A_721 = arith.addf %add3A_715, %mul3A_720 : vector<32xbf16>
          %unpack3A_722 = tpu.unpack_subelements %add3A_721, 0 {pack_format = #tpu.pack_format<interleaved>} : vector<32xbf16> -> vector<16xf32>
          %unpack3A_723 = tpu.unpack_subelements %add3A_721, 1 {pack_format = #tpu.pack_format<interleaved>} : vector<32xbf16> -> vector<16xf32>
          %add3A_724 = arith.addf %unpack3A_722, %unpack3A_723 : vector<16xf32>
          %swap3A_725 = arith.constant 13 : i32
          %swap3A_726 = arith.index_cast %swap3A_725 : i32 to index
          %swap3A_727 = arith.constant 0 : index
          %swap3A_728 = tpu.vector_load %arg15[%swap3A_726, %swap3A_727] {strides = array<i32>} : memref<16x16xf32, #tpu.memory_space<vmem>>, vector<16xf32>,
          tpu.vector_store %arg15[%swap3A_726, %swap3A_727], %add3A_724 {strides = array<i32>} : memref<16x16xf32, #tpu.memory_space<vmem>>, vector<16xf32>,
          %add3A_729 = arith.constant 14 : i32
          %add3A_730 = arith.addi %mul3A_282, %add3A_729 : i32
          %get3A_731 = arith.index_cast %add3A_730 : i32 to index
          %get3A_732 = arith.constant 0 : index
          %get3A_733 = tpu.vector_load %arg11[%get3A_731, %get3A_732] {strides = array<i32>} : memref<304x64xi32, #tpu.memory_space<vmem>>, vector<16xi32>,
          %bitcast3A_734 = vector.bitcast %get3A_733 : vector<16xi32> to vector<32xbf16>
          %mul3A_735 = arith.mulf %bitcast3A_734, %bitcast3A : vector<32xbf16>
          %get3A_736 = arith.index_cast %add3A_730 : i32 to index
          %get3A_737 = arith.constant 16 : index
          %get3A_738 = tpu.vector_load %arg11[%get3A_736, %get3A_737] {strides = array<i32>} : memref<304x64xi32, #tpu.memory_space<vmem>>, vector<16xi32>,
          %bitcast3A_739 = vector.bitcast %get3A_738 : vector<16xi32> to vector<32xbf16>
          %mul3A_740 = arith.mulf %bitcast3A_739, %bitcast3A_144 : vector<32xbf16>
          %add3A_741 = arith.addf %mul3A_735, %mul3A_740 : vector<32xbf16>
          %get3A_742 = arith.index_cast %add3A_730 : i32 to index
          %get3A_743 = arith.constant 32 : index
          %get3A_744 = tpu.vector_load %arg11[%get3A_742, %get3A_743] {strides = array<i32>} : memref<304x64xi32, #tpu.memory_space<vmem>>, vector<16xi32>,
          %bitcast3A_745 = vector.bitcast %get3A_744 : vector<16xi32> to vector<32xbf16>
          %mul3A_746 = arith.mulf %bitcast3A_745, %bitcast3A_148 : vector<32xbf16>
          %add3A_747 = arith.addf %add3A_741, %mul3A_746 : vector<32xbf16>
          %get3A_748 = arith.index_cast %add3A_730 : i32 to index
          %get3A_749 = arith.constant 48 : index
          %get3A_750 = tpu.vector_load %arg11[%get3A_748, %get3A_749] {strides = array<i32>} : memref<304x64xi32, #tpu.memory_space<vmem>>, vector<16xi32>,
          %bitcast3A_751 = vector.bitcast %get3A_750 : vector<16xi32> to vector<32xbf16>
          %mul3A_752 = arith.mulf %bitcast3A_751, %bitcast3A_152 : vector<32xbf16>
          %add3A_753 = arith.addf %add3A_747, %mul3A_752 : vector<32xbf16>
          %unpack3A_754 = tpu.unpack_subelements %add3A_753, 0 {pack_format = #tpu.pack_format<interleaved>} : vector<32xbf16> -> vector<16xf32>
          %unpack3A_755 = tpu.unpack_subelements %add3A_753, 1 {pack_format = #tpu.pack_format<interleaved>} : vector<32xbf16> -> vector<16xf32>
          %add3A_756 = arith.addf %unpack3A_754, %unpack3A_755 : vector<16xf32>
          %swap3A_757 = arith.constant 14 : i32
          %swap3A_758 = arith.index_cast %swap3A_757 : i32 to index
          %swap3A_759 = arith.constant 0 : index
          %swap3A_760 = tpu.vector_load %arg15[%swap3A_758, %swap3A_759] {strides = array<i32>} : memref<16x16xf32, #tpu.memory_space<vmem>>, vector<16xf32>,
          tpu.vector_store %arg15[%swap3A_758, %swap3A_759], %add3A_756 {strides = array<i32>} : memref<16x16xf32, #tpu.memory_space<vmem>>, vector<16xf32>,
          %add3A_761 = arith.constant 15 : i32
          %add3A_762 = arith.addi %mul3A_282, %add3A_761 : i32
          %get3A_763 = arith.index_cast %add3A_762 : i32 to index
          %get3A_764 = arith.constant 0 : index
          %get3A_765 = tpu.vector_load %arg11[%get3A_763, %get3A_764] {strides = array<i32>} : memref<304x64xi32, #tpu.memory_space<vmem>>, vector<16xi32>,
          %bitcast3A_766 = vector.bitcast %get3A_765 : vector<16xi32> to vector<32xbf16>
          %mul3A_767 = arith.mulf %bitcast3A_766, %bitcast3A : vector<32xbf16>
          %get3A_768 = arith.index_cast %add3A_762 : i32 to index
          %get3A_769 = arith.constant 16 : index
          %get3A_770 = tpu.vector_load %arg11[%get3A_768, %get3A_769] {strides = array<i32>} : memref<304x64xi32, #tpu.memory_space<vmem>>, vector<16xi32>,
          %bitcast3A_771 = vector.bitcast %get3A_770 : vector<16xi32> to vector<32xbf16>
          %mul3A_772 = arith.mulf %bitcast3A_771, %bitcast3A_144 : vector<32xbf16>
          %add3A_773 = arith.addf %mul3A_767, %mul3A_772 : vector<32xbf16>
          %get3A_774 = arith.index_cast %add3A_762 : i32 to index
          %get3A_775 = arith.constant 32 : index
          %get3A_776 = tpu.vector_load %arg11[%get3A_774, %get3A_775] {strides = array<i32>} : memref<304x64xi32, #tpu.memory_space<vmem>>, vector<16xi32>,
          %bitcast3A_777 = vector.bitcast %get3A_776 : vector<16xi32> to vector<32xbf16>
          %mul3A_778 = arith.mulf %bitcast3A_777, %bitcast3A_148 : vector<32xbf16>
          %add3A_779 = arith.addf %add3A_773, %mul3A_778 : vector<32xbf16>
          %get3A_780 = arith.index_cast %add3A_762 : i32 to index
          %get3A_781 = arith.constant 48 : index
          %get3A_782 = tpu.vector_load %arg11[%get3A_780, %get3A_781] {strides = array<i32>} : memref<304x64xi32, #tpu.memory_space<vmem>>, vector<16xi32>,
          %bitcast3A_783 = vector.bitcast %get3A_782 : vector<16xi32> to vector<32xbf16>
          %mul3A_784 = arith.mulf %bitcast3A_783, %bitcast3A_152 : vector<32xbf16>
          %add3A_785 = arith.addf %add3A_779, %mul3A_784 : vector<32xbf16>
          %unpack3A_786 = tpu.unpack_subelements %add3A_785, 0 {pack_format = #tpu.pack_format<interleaved>} : vector<32xbf16> -> vector<16xf32>
          %unpack3A_787 = tpu.unpack_subelements %add3A_785, 1 {pack_format = #tpu.pack_format<interleaved>} : vector<32xbf16> -> vector<16xf32>
          %add3A_788 = arith.addf %unpack3A_786, %unpack3A_787 : vector<16xf32>
          %swap3A_789 = arith.constant 15 : i32
          %swap3A_790 = arith.index_cast %swap3A_789 : i32 to index
          %swap3A_791 = arith.constant 0 : index
          %swap3A_792 = tpu.vector_load %arg15[%swap3A_790, %swap3A_791] {strides = array<i32>} : memref<16x16xf32, #tpu.memory_space<vmem>>, vector<16xf32>,
          tpu.vector_store %arg15[%swap3A_790, %swap3A_791], %add3A_788 {strides = array<i32>} : memref<16x16xf32, #tpu.memory_space<vmem>>, vector<16xf32>,
          %broadcast_in_dim3A = arith.constant 0 : i32
          %broadcast_in_dim3A_793 = vector.broadcast %broadcast_in_dim3A : i32 to vector<16xi32>
          %gather3A = tpu.vector_load_idx %arg15[%iota3A, %broadcast_in_dim3A_793] : memref<16x16xf32, #tpu.memory_space<vmem>>[vector<16xi32>, vector<16xi32>], vector<16xf32>,
          %broadcast_in_dim3A_794 = arith.constant 1 : i32
          %broadcast_in_dim3A_795 = vector.broadcast %broadcast_in_dim3A_794 : i32 to vector<16xi32>
          %gather3A_796 = tpu.vector_load_idx %arg15[%iota3A, %broadcast_in_dim3A_795] : memref<16x16xf32, #tpu.memory_space<vmem>>[vector<16xi32>, vector<16xi32>], vector<16xf32>,
          %add3A_797 = arith.addf %gather3A, %gather3A_796 : vector<16xf32>
          %broadcast_in_dim3A_798 = arith.constant 2 : i32
          %broadcast_in_dim3A_799 = vector.broadcast %broadcast_in_dim3A_798 : i32 to vector<16xi32>
          %gather3A_800 = tpu.vector_load_idx %arg15[%iota3A, %broadcast_in_dim3A_799] : memref<16x16xf32, #tpu.memory_space<vmem>>[vector<16xi32>, vector<16xi32>], vector<16xf32>,
          %add3A_801 = arith.addf %add3A_797, %gather3A_800 : vector<16xf32>
          %broadcast_in_dim3A_802 = arith.constant 3 : i32
          %broadcast_in_dim3A_803 = vector.broadcast %broadcast_in_dim3A_802 : i32 to vector<16xi32>
          %gather3A_804 = tpu.vector_load_idx %arg15[%iota3A, %broadcast_in_dim3A_803] : memref<16x16xf32, #tpu.memory_space<vmem>>[vector<16xi32>, vector<16xi32>], vector<16xf32>,
          %add3A_805 = arith.addf %add3A_801, %gather3A_804 : vector<16xf32>
          %broadcast_in_dim3A_806 = arith.constant 4 : i32
          %broadcast_in_dim3A_807 = vector.broadcast %broadcast_in_dim3A_806 : i32 to vector<16xi32>
          %gather3A_808 = tpu.vector_load_idx %arg15[%iota3A, %broadcast_in_dim3A_807] : memref<16x16xf32, #tpu.memory_space<vmem>>[vector<16xi32>, vector<16xi32>], vector<16xf32>,
          %add3A_809 = arith.addf %add3A_805, %gather3A_808 : vector<16xf32>
          %broadcast_in_dim3A_810 = arith.constant 5 : i32
          %broadcast_in_dim3A_811 = vector.broadcast %broadcast_in_dim3A_810 : i32 to vector<16xi32>
          %gather3A_812 = tpu.vector_load_idx %arg15[%iota3A, %broadcast_in_dim3A_811] : memref<16x16xf32, #tpu.memory_space<vmem>>[vector<16xi32>, vector<16xi32>], vector<16xf32>,
          %add3A_813 = arith.addf %add3A_809, %gather3A_812 : vector<16xf32>
          %broadcast_in_dim3A_814 = arith.constant 6 : i32
          %broadcast_in_dim3A_815 = vector.broadcast %broadcast_in_dim3A_814 : i32 to vector<16xi32>
          %gather3A_816 = tpu.vector_load_idx %arg15[%iota3A, %broadcast_in_dim3A_815] : memref<16x16xf32, #tpu.memory_space<vmem>>[vector<16xi32>, vector<16xi32>], vector<16xf32>,
          %add3A_817 = arith.addf %add3A_813, %gather3A_816 : vector<16xf32>
          %broadcast_in_dim3A_818 = arith.constant 7 : i32
          %broadcast_in_dim3A_819 = vector.broadcast %broadcast_in_dim3A_818 : i32 to vector<16xi32>
          %gather3A_820 = tpu.vector_load_idx %arg15[%iota3A, %broadcast_in_dim3A_819] : memref<16x16xf32, #tpu.memory_space<vmem>>[vector<16xi32>, vector<16xi32>], vector<16xf32>,
          %add3A_821 = arith.addf %add3A_817, %gather3A_820 : vector<16xf32>
          %broadcast_in_dim3A_822 = arith.constant 8 : i32
          %broadcast_in_dim3A_823 = vector.broadcast %broadcast_in_dim3A_822 : i32 to vector<16xi32>
          %gather3A_824 = tpu.vector_load_idx %arg15[%iota3A, %broadcast_in_dim3A_823] : memref<16x16xf32, #tpu.memory_space<vmem>>[vector<16xi32>, vector<16xi32>], vector<16xf32>,
          %add3A_825 = arith.addf %add3A_821, %gather3A_824 : vector<16xf32>
          %broadcast_in_dim3A_826 = arith.constant 9 : i32
          %broadcast_in_dim3A_827 = vector.broadcast %broadcast_in_dim3A_826 : i32 to vector<16xi32>
          %gather3A_828 = tpu.vector_load_idx %arg15[%iota3A, %broadcast_in_dim3A_827] : memref<16x16xf32, #tpu.memory_space<vmem>>[vector<16xi32>, vector<16xi32>], vector<16xf32>,
          %add3A_829 = arith.addf %add3A_825, %gather3A_828 : vector<16xf32>
          %broadcast_in_dim3A_830 = arith.constant 10 : i32
          %broadcast_in_dim3A_831 = vector.broadcast %broadcast_in_dim3A_830 : i32 to vector<16xi32>
          %gather3A_832 = tpu.vector_load_idx %arg15[%iota3A, %broadcast_in_dim3A_831] : memref<16x16xf32, #tpu.memory_space<vmem>>[vector<16xi32>, vector<16xi32>], vector<16xf32>,
          %add3A_833 = arith.addf %add3A_829, %gather3A_832 : vector<16xf32>
          %broadcast_in_dim3A_834 = arith.constant 11 : i32
          %broadcast_in_dim3A_835 = vector.broadcast %broadcast_in_dim3A_834 : i32 to vector<16xi32>
          %gather3A_836 = tpu.vector_load_idx %arg15[%iota3A, %broadcast_in_dim3A_835] : memref<16x16xf32, #tpu.memory_space<vmem>>[vector<16xi32>, vector<16xi32>], vector<16xf32>,
          %add3A_837 = arith.addf %add3A_833, %gather3A_836 : vector<16xf32>
          %broadcast_in_dim3A_838 = arith.constant 12 : i32
          %broadcast_in_dim3A_839 = vector.broadcast %broadcast_in_dim3A_838 : i32 to vector<16xi32>
          %gather3A_840 = tpu.vector_load_idx %arg15[%iota3A, %broadcast_in_dim3A_839] : memref<16x16xf32, #tpu.memory_space<vmem>>[vector<16xi32>, vector<16xi32>], vector<16xf32>,
          %add3A_841 = arith.addf %add3A_837, %gather3A_840 : vector<16xf32>
          %broadcast_in_dim3A_842 = arith.constant 13 : i32
          %broadcast_in_dim3A_843 = vector.broadcast %broadcast_in_dim3A_842 : i32 to vector<16xi32>
          %gather3A_844 = tpu.vector_load_idx %arg15[%iota3A, %broadcast_in_dim3A_843] : memref<16x16xf32, #tpu.memory_space<vmem>>[vector<16xi32>, vector<16xi32>], vector<16xf32>,
          %add3A_845 = arith.addf %add3A_841, %gather3A_844 : vector<16xf32>
          %broadcast_in_dim3A_846 = arith.constant 14 : i32
          %broadcast_in_dim3A_847 = vector.broadcast %broadcast_in_dim3A_846 : i32 to vector<16xi32>
          %gather3A_848 = tpu.vector_load_idx %arg15[%iota3A, %broadcast_in_dim3A_847] : memref<16x16xf32, #tpu.memory_space<vmem>>[vector<16xi32>, vector<16xi32>], vector<16xf32>,
          %add3A_849 = arith.addf %add3A_845, %gather3A_848 : vector<16xf32>
          %broadcast_in_dim3A_850 = arith.constant 15 : i32
          %broadcast_in_dim3A_851 = vector.broadcast %broadcast_in_dim3A_850 : i32 to vector<16xi32>
          %gather3A_852 = tpu.vector_load_idx %arg15[%iota3A, %broadcast_in_dim3A_851] : memref<16x16xf32, #tpu.memory_space<vmem>>[vector<16xi32>, vector<16xi32>], vector<16xf32>,
          %add3A_853 = arith.addf %add3A_849, %gather3A_852 : vector<16xf32>
          %mul3A_854 = arith.constant 304 : i32
          %mul3A_855 = arith.muli %add3A_132, %mul3A_854 : i32
          %add3A_856 = arith.addi %mul3A_855, %mul3A_282 : i32
          %swap3A_857 = arith.index_cast %add3A_856 : i32 to index
          %swap3A_858 = tpu.vector_load %arg16[%swap3A_857] {strides = array<i32>} : memref<9728xf32, #tpu.memory_space<vmem>>, vector<16xf32>,
          tpu.vector_store %arg16[%swap3A_857], %add3A_853 {strides = array<i32>} : memref<9728xf32, #tpu.memory_space<vmem>>, vector<16xf32>,
        }
        %scan3A_158 = arith.constant 19 : i32
        %add3A_159 = arith.constant 4 : i32
        %add3A_160 = arith.addi %add3A_132, %add3A_159 : i32
        %lt3A = arith.constant 32 : i32
        %lt3A_161 = arith.cmpi slt, %add3A_160, %lt3A : i32
        %convert_element_type3A = arith.extui %lt3A_161 : i1 to i32
        %cond3A = arith.constant 0 : i32
        %cond3A_162 = arith.cmpi ne, %convert_element_type3A, %cond3A : i32
        scf.if %cond3A_162 {
          %add3A_280 = arith.constant 4 : i32
          %add3A_281 = arith.addi %add3A_132, %add3A_280 : i32
          %mul3A_282 = arith.constant 304 : i32
          %mul3A_283 = arith.muli %add3A_281, %mul3A_282 : i32
          %add3A_284 = arith.constant 0 : i32
          %add3A_285 = arith.addi %mul3A_283, %add3A_284 : i32
          %dma_start3A_286 = arith.constant 0 : i32
          %dma_start3A_287 = arith.constant 0 : i32
          %dma_start3A_288 = tpu.memref_slice %arg11[%dma_start3A_286, %dma_start3A_287] : memref<304x64xi32, #tpu.memory_space<vmem>> -> memref<128x64xi32, #tpu.memory_space<vmem>>
          %dma_start3A_289 = tpu.memref_slice %arg8[%add3A_285] : memref<9728xi32, #tpu.memory_space<vmem>> -> memref<128xi32, #tpu.memory_space<vmem>>
          %dma_start3A_290 = arith.constant 0 : i32
          %dma_start3A_291 = arith.constant 0 : i32
          %dma_start3A_292 = tpu.memref_slice %arg5[%dma_start3A_290, %dma_start3A_291] : memref<100000x64xi32, #tpu.memory_space<hbm>> -> memref<100000x64xi32, #tpu.memory_space<hbm>>
          tpu.enqueue_indirect_dma source(%dma_start3A_292 : memref<100000x64xi32, #tpu.memory_space<hbm>>) target(%dma_start3A_288 : memref<128x64xi32, #tpu.memory_space<vmem>>) offsets(%dma_start3A_289 : memref<128xi32, #tpu.memory_space<vmem>>) semaphore(%arg17 : memref<!tpu.dma_semaphore, #tpu.memory_space<semaphore_mem>>)
          %add3A_293 = arith.constant 128 : i32
          %add3A_294 = arith.addi %mul3A_283, %add3A_293 : i32
          %dma_start3A_295 = arith.constant 128 : i32
          %dma_start3A_296 = arith.constant 0 : i32
          %dma_start3A_297 = tpu.memref_slice %arg11[%dma_start3A_295, %dma_start3A_296] : memref<304x64xi32, #tpu.memory_space<vmem>> -> memref<128x64xi32, #tpu.memory_space<vmem>>
          %dma_start3A_298 = tpu.memref_slice %arg8[%add3A_294] : memref<9728xi32, #tpu.memory_space<vmem>> -> memref<128xi32, #tpu.memory_space<vmem>>
          %dma_start3A_299 = arith.constant 0 : i32
          %dma_start3A_300 = arith.constant 0 : i32
          %dma_start3A_301 = tpu.memref_slice %arg5[%dma_start3A_299, %dma_start3A_300] : memref<100000x64xi32, #tpu.memory_space<hbm>> -> memref<100000x64xi32, #tpu.memory_space<hbm>>
          tpu.enqueue_indirect_dma source(%dma_start3A_301 : memref<100000x64xi32, #tpu.memory_space<hbm>>) target(%dma_start3A_297 : memref<128x64xi32, #tpu.memory_space<vmem>>) offsets(%dma_start3A_298 : memref<128xi32, #tpu.memory_space<vmem>>) semaphore(%arg17 : memref<!tpu.dma_semaphore, #tpu.memory_space<semaphore_mem>>)
          %add3A_302 = arith.constant 256 : i32
          %add3A_303 = arith.addi %mul3A_283, %add3A_302 : i32
          %dma_start3A_304 = arith.constant 256 : i32
          %dma_start3A_305 = arith.constant 0 : i32
          %dma_start3A_306 = tpu.memref_slice %arg11[%dma_start3A_304, %dma_start3A_305] : memref<304x64xi32, #tpu.memory_space<vmem>> -> memref<48x64xi32, #tpu.memory_space<vmem>>
          %dma_start3A_307 = tpu.memref_slice %arg8[%add3A_303] : memref<9728xi32, #tpu.memory_space<vmem>> -> memref<48xi32, #tpu.memory_space<vmem>>
          %dma_start3A_308 = arith.constant 0 : i32
          %dma_start3A_309 = arith.constant 0 : i32
          %dma_start3A_310 = tpu.memref_slice %arg5[%dma_start3A_308, %dma_start3A_309] : memref<100000x64xi32, #tpu.memory_space<hbm>> -> memref<100000x64xi32, #tpu.memory_space<hbm>>
          tpu.enqueue_indirect_dma source(%dma_start3A_310 : memref<100000x64xi32, #tpu.memory_space<hbm>>) target(%dma_start3A_306 : memref<48x64xi32, #tpu.memory_space<vmem>>) offsets(%dma_start3A_307 : memref<48xi32, #tpu.memory_space<vmem>>) semaphore(%arg17 : memref<!tpu.dma_semaphore, #tpu.memory_space<semaphore_mem>>)
        } else {
        }
        %mul3A_163 = arith.constant 4 : i32
        %mul3A_164 = arith.muli %mul3A_163, %scan3A_128 : i32
        %add3A_165 = arith.constant 1 : i32
        %add3A_166 = arith.addi %mul3A_164, %add3A_165 : i32
        %dma_wait3A_167 = arith.constant 0 : i32
        %dma_wait3A_168 = arith.constant 0 : i32
        %dma_wait3A_169 = tpu.memref_slice %arg5[%dma_wait3A_167, %dma_wait3A_168] : memref<100000x64xi32, #tpu.memory_space<hbm>> -> memref<304x64xi32, #tpu.memory_space<hbm>>
        %dma_wait3A_170 = arith.constant 0 : i32
        %dma_wait3A_171 = arith.constant 0 : i32
        %dma_wait3A_172 = tpu.memref_slice %arg5[%dma_wait3A_170, %dma_wait3A_171] : memref<100000x64xi32, #tpu.memory_space<hbm>> -> memref<304x64xi32, #tpu.memory_space<hbm>>
        tpu.wait_dma2 semaphore(%arg18 : memref<!tpu.dma_semaphore, #tpu.memory_space<semaphore_mem>>) src(%dma_wait3A_172 : memref<304x64xi32, #tpu.memory_space<hbm>>) dst(%arg12 : memref<304x64xi32, #tpu.memory_space<vmem>>)
        %get3A_173 = arith.index_cast %add3A_166 : i32 to index
        %get3A_174 = arith.constant 0 : index
        %get3A_175 = tpu.vector_load %arg10[%get3A_173, %get3A_174] {strides = array<i32>} : memref<32x64xi32, #tpu.memory_space<vmem>>, vector<16xi32>,
        %bitcast3A_176 = vector.bitcast %get3A_175 : vector<16xi32> to vector<32xbf16>
        %get3A_177 = arith.index_cast %add3A_166 : i32 to index
        %get3A_178 = arith.constant 16 : index
        %get3A_179 = tpu.vector_load %arg10[%get3A_177, %get3A_178] {strides = array<i32>} : memref<32x64xi32, #tpu.memory_space<vmem>>, vector<16xi32>,
        %bitcast3A_180 = vector.bitcast %get3A_179 : vector<16xi32> to vector<32xbf16>
        %get3A_181 = arith.index_cast %add3A_166 : i32 to index
        %get3A_182 = arith.constant 32 : index
        %get3A_183 = tpu.vector_load %arg10[%get3A_181, %get3A_182] {strides = array<i32>} : memref<32x64xi32, #tpu.memory_space<vmem>>, vector<16xi32>,
        %bitcast3A_184 = vector.bitcast %get3A_183 : vector<16xi32> to vector<32xbf16>
        %get3A_185 = arith.index_cast %add3A_166 : i32 to index
        %get3A_186 = arith.constant 48 : index
        %get3A_187 = tpu.vector_load %arg10[%get3A_185, %get3A_186] {strides = array<i32>} : memref<32x64xi32, #tpu.memory_space<vmem>>, vector<16xi32>,
        %bitcast3A_188 = vector.bitcast %get3A_187 : vector<16xi32> to vector<32xbf16>
        %scan3A_189 = arith.constant 0 : i32
        %scan3A_190 = arith.constant 0 : i32
        %scan3A_191 = arith.constant 19 : i32
        %scan3A_192 = arith.addi %scan3A_190, %scan3A_191 : i32
        %scan3A_193 = arith.constant 1 : i32
        scf.for %scan3A_280 = %scan3A_190 to %scan3A_192 step %scan3A_193  : i32 {
          %mul3A_281 = arith.constant 16 : i32
          %mul3A_282 = arith.muli %scan3A_280, %mul3A_281 : i32
          %add3A_283 = arith.constant 0 : i32
          %add3A_284 = arith.addi %mul3A_282, %add3A_283 : i32
          %get3A_285 = arith.index_cast %add3A_284 : i32 to index
          %get3A_286 = arith.constant 0 : index
          %get3A_287 = tpu.vector_load %arg12[%get3A_285, %get3A_286] {strides = array<i32>} : memref<304x64xi32, #tpu.memory_space<vmem>>, vector<16xi32>,
          %bitcast3A_288 = vector.bitcast %get3A_287 : vector<16xi32> to vector<32xbf16>
          %mul3A_289 = arith.mulf %bitcast3A_288, %bitcast3A_176 : vector<32xbf16>
          %get3A_290 = arith.index_cast %add3A_284 : i32 to index
          %get3A_291 = arith.constant 16 : index
          %get3A_292 = tpu.vector_load %arg12[%get3A_290, %get3A_291] {strides = array<i32>} : memref<304x64xi32, #tpu.memory_space<vmem>>, vector<16xi32>,
          %bitcast3A_293 = vector.bitcast %get3A_292 : vector<16xi32> to vector<32xbf16>
          %mul3A_294 = arith.mulf %bitcast3A_293, %bitcast3A_180 : vector<32xbf16>
          %add3A_295 = arith.addf %mul3A_289, %mul3A_294 : vector<32xbf16>
          %get3A_296 = arith.index_cast %add3A_284 : i32 to index
          %get3A_297 = arith.constant 32 : index
          %get3A_298 = tpu.vector_load %arg12[%get3A_296, %get3A_297] {strides = array<i32>} : memref<304x64xi32, #tpu.memory_space<vmem>>, vector<16xi32>,
          %bitcast3A_299 = vector.bitcast %get3A_298 : vector<16xi32> to vector<32xbf16>
          %mul3A_300 = arith.mulf %bitcast3A_299, %bitcast3A_184 : vector<32xbf16>
          %add3A_301 = arith.addf %add3A_295, %mul3A_300 : vector<32xbf16>
          %get3A_302 = arith.index_cast %add3A_284 : i32 to index
          %get3A_303 = arith.constant 48 : index
          %get3A_304 = tpu.vector_load %arg12[%get3A_302, %get3A_303] {strides = array<i32>} : memref<304x64xi32, #tpu.memory_space<vmem>>, vector<16xi32>,
          %bitcast3A_305 = vector.bitcast %get3A_304 : vector<16xi32> to vector<32xbf16>
          %mul3A_306 = arith.mulf %bitcast3A_305, %bitcast3A_188 : vector<32xbf16>
          %add3A_307 = arith.addf %add3A_301, %mul3A_306 : vector<32xbf16>
          %unpack3A = tpu.unpack_subelements %add3A_307, 0 {pack_format = #tpu.pack_format<interleaved>} : vector<32xbf16> -> vector<16xf32>
          %unpack3A_308 = tpu.unpack_subelements %add3A_307, 1 {pack_format = #tpu.pack_format<interleaved>} : vector<32xbf16> -> vector<16xf32>
          %add3A_309 = arith.addf %unpack3A, %unpack3A_308 : vector<16xf32>
          %swap3A = arith.constant 0 : i32
          %swap3A_310 = arith.index_cast %swap3A : i32 to index
          %swap3A_311 = arith.constant 0 : index
          %swap3A_312 = tpu.vector_load %arg15[%swap3A_310, %swap3A_311] {strides = array<i32>} : memref<16x16xf32, #tpu.memory_space<vmem>>, vector<16xf32>,
          tpu.vector_store %arg15[%swap3A_310, %swap3A_311], %add3A_309 {strides = array<i32>} : memref<16x16xf32, #tpu.memory_space<vmem>>, vector<16xf32>,
          %add3A_313 = arith.constant 1 : i32
          %add3A_314 = arith.addi %mul3A_282, %add3A_313 : i32
          %get3A_315 = arith.index_cast %add3A_314 : i32 to index
          %get3A_316 = arith.constant 0 : index
          %get3A_317 = tpu.vector_load %arg12[%get3A_315, %get3A_316] {strides = array<i32>} : memref<304x64xi32, #tpu.memory_space<vmem>>, vector<16xi32>,
          %bitcast3A_318 = vector.bitcast %get3A_317 : vector<16xi32> to vector<32xbf16>
          %mul3A_319 = arith.mulf %bitcast3A_318, %bitcast3A_176 : vector<32xbf16>
          %get3A_320 = arith.index_cast %add3A_314 : i32 to index
          %get3A_321 = arith.constant 16 : index
          %get3A_322 = tpu.vector_load %arg12[%get3A_320, %get3A_321] {strides = array<i32>} : memref<304x64xi32, #tpu.memory_space<vmem>>, vector<16xi32>,
          %bitcast3A_323 = vector.bitcast %get3A_322 : vector<16xi32> to vector<32xbf16>
          %mul3A_324 = arith.mulf %bitcast3A_323, %bitcast3A_180 : vector<32xbf16>
          %add3A_325 = arith.addf %mul3A_319, %mul3A_324 : vector<32xbf16>
          %get3A_326 = arith.index_cast %add3A_314 : i32 to index
          %get3A_327 = arith.constant 32 : index
          %get3A_328 = tpu.vector_load %arg12[%get3A_326, %get3A_327] {strides = array<i32>} : memref<304x64xi32, #tpu.memory_space<vmem>>, vector<16xi32>,
          %bitcast3A_329 = vector.bitcast %get3A_328 : vector<16xi32> to vector<32xbf16>
          %mul3A_330 = arith.mulf %bitcast3A_329, %bitcast3A_184 : vector<32xbf16>
          %add3A_331 = arith.addf %add3A_325, %mul3A_330 : vector<32xbf16>
          %get3A_332 = arith.index_cast %add3A_314 : i32 to index
          %get3A_333 = arith.constant 48 : index
          %get3A_334 = tpu.vector_load %arg12[%get3A_332, %get3A_333] {strides = array<i32>} : memref<304x64xi32, #tpu.memory_space<vmem>>, vector<16xi32>,
          %bitcast3A_335 = vector.bitcast %get3A_334 : vector<16xi32> to vector<32xbf16>
          %mul3A_336 = arith.mulf %bitcast3A_335, %bitcast3A_188 : vector<32xbf16>
          %add3A_337 = arith.addf %add3A_331, %mul3A_336 : vector<32xbf16>
          %unpack3A_338 = tpu.unpack_subelements %add3A_337, 0 {pack_format = #tpu.pack_format<interleaved>} : vector<32xbf16> -> vector<16xf32>
          %unpack3A_339 = tpu.unpack_subelements %add3A_337, 1 {pack_format = #tpu.pack_format<interleaved>} : vector<32xbf16> -> vector<16xf32>
          %add3A_340 = arith.addf %unpack3A_338, %unpack3A_339 : vector<16xf32>
          %swap3A_341 = arith.constant 1 : i32
          %swap3A_342 = arith.index_cast %swap3A_341 : i32 to index
          %swap3A_343 = arith.constant 0 : index
          %swap3A_344 = tpu.vector_load %arg15[%swap3A_342, %swap3A_343] {strides = array<i32>} : memref<16x16xf32, #tpu.memory_space<vmem>>, vector<16xf32>,
          tpu.vector_store %arg15[%swap3A_342, %swap3A_343], %add3A_340 {strides = array<i32>} : memref<16x16xf32, #tpu.memory_space<vmem>>, vector<16xf32>,
          %add3A_345 = arith.constant 2 : i32
          %add3A_346 = arith.addi %mul3A_282, %add3A_345 : i32
          %get3A_347 = arith.index_cast %add3A_346 : i32 to index
          %get3A_348 = arith.constant 0 : index
          %get3A_349 = tpu.vector_load %arg12[%get3A_347, %get3A_348] {strides = array<i32>} : memref<304x64xi32, #tpu.memory_space<vmem>>, vector<16xi32>,
          %bitcast3A_350 = vector.bitcast %get3A_349 : vector<16xi32> to vector<32xbf16>
          %mul3A_351 = arith.mulf %bitcast3A_350, %bitcast3A_176 : vector<32xbf16>
          %get3A_352 = arith.index_cast %add3A_346 : i32 to index
          %get3A_353 = arith.constant 16 : index
          %get3A_354 = tpu.vector_load %arg12[%get3A_352, %get3A_353] {strides = array<i32>} : memref<304x64xi32, #tpu.memory_space<vmem>>, vector<16xi32>,
          %bitcast3A_355 = vector.bitcast %get3A_354 : vector<16xi32> to vector<32xbf16>
          %mul3A_356 = arith.mulf %bitcast3A_355, %bitcast3A_180 : vector<32xbf16>
          %add3A_357 = arith.addf %mul3A_351, %mul3A_356 : vector<32xbf16>
          %get3A_358 = arith.index_cast %add3A_346 : i32 to index
          %get3A_359 = arith.constant 32 : index
          %get3A_360 = tpu.vector_load %arg12[%get3A_358, %get3A_359] {strides = array<i32>} : memref<304x64xi32, #tpu.memory_space<vmem>>, vector<16xi32>,
          %bitcast3A_361 = vector.bitcast %get3A_360 : vector<16xi32> to vector<32xbf16>
          %mul3A_362 = arith.mulf %bitcast3A_361, %bitcast3A_184 : vector<32xbf16>
          %add3A_363 = arith.addf %add3A_357, %mul3A_362 : vector<32xbf16>
          %get3A_364 = arith.index_cast %add3A_346 : i32 to index
          %get3A_365 = arith.constant 48 : index
          %get3A_366 = tpu.vector_load %arg12[%get3A_364, %get3A_365] {strides = array<i32>} : memref<304x64xi32, #tpu.memory_space<vmem>>, vector<16xi32>,
          %bitcast3A_367 = vector.bitcast %get3A_366 : vector<16xi32> to vector<32xbf16>
          %mul3A_368 = arith.mulf %bitcast3A_367, %bitcast3A_188 : vector<32xbf16>
          %add3A_369 = arith.addf %add3A_363, %mul3A_368 : vector<32xbf16>
          %unpack3A_370 = tpu.unpack_subelements %add3A_369, 0 {pack_format = #tpu.pack_format<interleaved>} : vector<32xbf16> -> vector<16xf32>
          %unpack3A_371 = tpu.unpack_subelements %add3A_369, 1 {pack_format = #tpu.pack_format<interleaved>} : vector<32xbf16> -> vector<16xf32>
          %add3A_372 = arith.addf %unpack3A_370, %unpack3A_371 : vector<16xf32>
          %swap3A_373 = arith.constant 2 : i32
          %swap3A_374 = arith.index_cast %swap3A_373 : i32 to index
          %swap3A_375 = arith.constant 0 : index
          %swap3A_376 = tpu.vector_load %arg15[%swap3A_374, %swap3A_375] {strides = array<i32>} : memref<16x16xf32, #tpu.memory_space<vmem>>, vector<16xf32>,
          tpu.vector_store %arg15[%swap3A_374, %swap3A_375], %add3A_372 {strides = array<i32>} : memref<16x16xf32, #tpu.memory_space<vmem>>, vector<16xf32>,
          %add3A_377 = arith.constant 3 : i32
          %add3A_378 = arith.addi %mul3A_282, %add3A_377 : i32
          %get3A_379 = arith.index_cast %add3A_378 : i32 to index
          %get3A_380 = arith.constant 0 : index
          %get3A_381 = tpu.vector_load %arg12[%get3A_379, %get3A_380] {strides = array<i32>} : memref<304x64xi32, #tpu.memory_space<vmem>>, vector<16xi32>,
          %bitcast3A_382 = vector.bitcast %get3A_381 : vector<16xi32> to vector<32xbf16>
          %mul3A_383 = arith.mulf %bitcast3A_382, %bitcast3A_176 : vector<32xbf16>
          %get3A_384 = arith.index_cast %add3A_378 : i32 to index
          %get3A_385 = arith.constant 16 : index
          %get3A_386 = tpu.vector_load %arg12[%get3A_384, %get3A_385] {strides = array<i32>} : memref<304x64xi32, #tpu.memory_space<vmem>>, vector<16xi32>,
          %bitcast3A_387 = vector.bitcast %get3A_386 : vector<16xi32> to vector<32xbf16>
          %mul3A_388 = arith.mulf %bitcast3A_387, %bitcast3A_180 : vector<32xbf16>
          %add3A_389 = arith.addf %mul3A_383, %mul3A_388 : vector<32xbf16>
          %get3A_390 = arith.index_cast %add3A_378 : i32 to index
          %get3A_391 = arith.constant 32 : index
          %get3A_392 = tpu.vector_load %arg12[%get3A_390, %get3A_391] {strides = array<i32>} : memref<304x64xi32, #tpu.memory_space<vmem>>, vector<16xi32>,
          %bitcast3A_393 = vector.bitcast %get3A_392 : vector<16xi32> to vector<32xbf16>
          %mul3A_394 = arith.mulf %bitcast3A_393, %bitcast3A_184 : vector<32xbf16>
          %add3A_395 = arith.addf %add3A_389, %mul3A_394 : vector<32xbf16>
          %get3A_396 = arith.index_cast %add3A_378 : i32 to index
          %get3A_397 = arith.constant 48 : index
          %get3A_398 = tpu.vector_load %arg12[%get3A_396, %get3A_397] {strides = array<i32>} : memref<304x64xi32, #tpu.memory_space<vmem>>, vector<16xi32>,
          %bitcast3A_399 = vector.bitcast %get3A_398 : vector<16xi32> to vector<32xbf16>
          %mul3A_400 = arith.mulf %bitcast3A_399, %bitcast3A_188 : vector<32xbf16>
          %add3A_401 = arith.addf %add3A_395, %mul3A_400 : vector<32xbf16>
          %unpack3A_402 = tpu.unpack_subelements %add3A_401, 0 {pack_format = #tpu.pack_format<interleaved>} : vector<32xbf16> -> vector<16xf32>
          %unpack3A_403 = tpu.unpack_subelements %add3A_401, 1 {pack_format = #tpu.pack_format<interleaved>} : vector<32xbf16> -> vector<16xf32>
          %add3A_404 = arith.addf %unpack3A_402, %unpack3A_403 : vector<16xf32>
          %swap3A_405 = arith.constant 3 : i32
          %swap3A_406 = arith.index_cast %swap3A_405 : i32 to index
          %swap3A_407 = arith.constant 0 : index
          %swap3A_408 = tpu.vector_load %arg15[%swap3A_406, %swap3A_407] {strides = array<i32>} : memref<16x16xf32, #tpu.memory_space<vmem>>, vector<16xf32>,
          tpu.vector_store %arg15[%swap3A_406, %swap3A_407], %add3A_404 {strides = array<i32>} : memref<16x16xf32, #tpu.memory_space<vmem>>, vector<16xf32>,
          %add3A_409 = arith.constant 4 : i32
          %add3A_410 = arith.addi %mul3A_282, %add3A_409 : i32
          %get3A_411 = arith.index_cast %add3A_410 : i32 to index
          %get3A_412 = arith.constant 0 : index
          %get3A_413 = tpu.vector_load %arg12[%get3A_411, %get3A_412] {strides = array<i32>} : memref<304x64xi32, #tpu.memory_space<vmem>>, vector<16xi32>,
          %bitcast3A_414 = vector.bitcast %get3A_413 : vector<16xi32> to vector<32xbf16>
          %mul3A_415 = arith.mulf %bitcast3A_414, %bitcast3A_176 : vector<32xbf16>
          %get3A_416 = arith.index_cast %add3A_410 : i32 to index
          %get3A_417 = arith.constant 16 : index
          %get3A_418 = tpu.vector_load %arg12[%get3A_416, %get3A_417] {strides = array<i32>} : memref<304x64xi32, #tpu.memory_space<vmem>>, vector<16xi32>,
          %bitcast3A_419 = vector.bitcast %get3A_418 : vector<16xi32> to vector<32xbf16>
          %mul3A_420 = arith.mulf %bitcast3A_419, %bitcast3A_180 : vector<32xbf16>
          %add3A_421 = arith.addf %mul3A_415, %mul3A_420 : vector<32xbf16>
          %get3A_422 = arith.index_cast %add3A_410 : i32 to index
          %get3A_423 = arith.constant 32 : index
          %get3A_424 = tpu.vector_load %arg12[%get3A_422, %get3A_423] {strides = array<i32>} : memref<304x64xi32, #tpu.memory_space<vmem>>, vector<16xi32>,
          %bitcast3A_425 = vector.bitcast %get3A_424 : vector<16xi32> to vector<32xbf16>
          %mul3A_426 = arith.mulf %bitcast3A_425, %bitcast3A_184 : vector<32xbf16>
          %add3A_427 = arith.addf %add3A_421, %mul3A_426 : vector<32xbf16>
          %get3A_428 = arith.index_cast %add3A_410 : i32 to index
          %get3A_429 = arith.constant 48 : index
          %get3A_430 = tpu.vector_load %arg12[%get3A_428, %get3A_429] {strides = array<i32>} : memref<304x64xi32, #tpu.memory_space<vmem>>, vector<16xi32>,
          %bitcast3A_431 = vector.bitcast %get3A_430 : vector<16xi32> to vector<32xbf16>
          %mul3A_432 = arith.mulf %bitcast3A_431, %bitcast3A_188 : vector<32xbf16>
          %add3A_433 = arith.addf %add3A_427, %mul3A_432 : vector<32xbf16>
          %unpack3A_434 = tpu.unpack_subelements %add3A_433, 0 {pack_format = #tpu.pack_format<interleaved>} : vector<32xbf16> -> vector<16xf32>
          %unpack3A_435 = tpu.unpack_subelements %add3A_433, 1 {pack_format = #tpu.pack_format<interleaved>} : vector<32xbf16> -> vector<16xf32>
          %add3A_436 = arith.addf %unpack3A_434, %unpack3A_435 : vector<16xf32>
          %swap3A_437 = arith.constant 4 : i32
          %swap3A_438 = arith.index_cast %swap3A_437 : i32 to index
          %swap3A_439 = arith.constant 0 : index
          %swap3A_440 = tpu.vector_load %arg15[%swap3A_438, %swap3A_439] {strides = array<i32>} : memref<16x16xf32, #tpu.memory_space<vmem>>, vector<16xf32>,
          tpu.vector_store %arg15[%swap3A_438, %swap3A_439], %add3A_436 {strides = array<i32>} : memref<16x16xf32, #tpu.memory_space<vmem>>, vector<16xf32>,
          %add3A_441 = arith.constant 5 : i32
          %add3A_442 = arith.addi %mul3A_282, %add3A_441 : i32
          %get3A_443 = arith.index_cast %add3A_442 : i32 to index
          %get3A_444 = arith.constant 0 : index
          %get3A_445 = tpu.vector_load %arg12[%get3A_443, %get3A_444] {strides = array<i32>} : memref<304x64xi32, #tpu.memory_space<vmem>>, vector<16xi32>,
          %bitcast3A_446 = vector.bitcast %get3A_445 : vector<16xi32> to vector<32xbf16>
          %mul3A_447 = arith.mulf %bitcast3A_446, %bitcast3A_176 : vector<32xbf16>
          %get3A_448 = arith.index_cast %add3A_442 : i32 to index
          %get3A_449 = arith.constant 16 : index
          %get3A_450 = tpu.vector_load %arg12[%get3A_448, %get3A_449] {strides = array<i32>} : memref<304x64xi32, #tpu.memory_space<vmem>>, vector<16xi32>,
          %bitcast3A_451 = vector.bitcast %get3A_450 : vector<16xi32> to vector<32xbf16>
          %mul3A_452 = arith.mulf %bitcast3A_451, %bitcast3A_180 : vector<32xbf16>
          %add3A_453 = arith.addf %mul3A_447, %mul3A_452 : vector<32xbf16>
          %get3A_454 = arith.index_cast %add3A_442 : i32 to index
          %get3A_455 = arith.constant 32 : index
          %get3A_456 = tpu.vector_load %arg12[%get3A_454, %get3A_455] {strides = array<i32>} : memref<304x64xi32, #tpu.memory_space<vmem>>, vector<16xi32>,
          %bitcast3A_457 = vector.bitcast %get3A_456 : vector<16xi32> to vector<32xbf16>
          %mul3A_458 = arith.mulf %bitcast3A_457, %bitcast3A_184 : vector<32xbf16>
          %add3A_459 = arith.addf %add3A_453, %mul3A_458 : vector<32xbf16>
          %get3A_460 = arith.index_cast %add3A_442 : i32 to index
          %get3A_461 = arith.constant 48 : index
          %get3A_462 = tpu.vector_load %arg12[%get3A_460, %get3A_461] {strides = array<i32>} : memref<304x64xi32, #tpu.memory_space<vmem>>, vector<16xi32>,
          %bitcast3A_463 = vector.bitcast %get3A_462 : vector<16xi32> to vector<32xbf16>
          %mul3A_464 = arith.mulf %bitcast3A_463, %bitcast3A_188 : vector<32xbf16>
          %add3A_465 = arith.addf %add3A_459, %mul3A_464 : vector<32xbf16>
          %unpack3A_466 = tpu.unpack_subelements %add3A_465, 0 {pack_format = #tpu.pack_format<interleaved>} : vector<32xbf16> -> vector<16xf32>
          %unpack3A_467 = tpu.unpack_subelements %add3A_465, 1 {pack_format = #tpu.pack_format<interleaved>} : vector<32xbf16> -> vector<16xf32>
          %add3A_468 = arith.addf %unpack3A_466, %unpack3A_467 : vector<16xf32>
          %swap3A_469 = arith.constant 5 : i32
          %swap3A_470 = arith.index_cast %swap3A_469 : i32 to index
          %swap3A_471 = arith.constant 0 : index
          %swap3A_472 = tpu.vector_load %arg15[%swap3A_470, %swap3A_471] {strides = array<i32>} : memref<16x16xf32, #tpu.memory_space<vmem>>, vector<16xf32>,
          tpu.vector_store %arg15[%swap3A_470, %swap3A_471], %add3A_468 {strides = array<i32>} : memref<16x16xf32, #tpu.memory_space<vmem>>, vector<16xf32>,
          %add3A_473 = arith.constant 6 : i32
          %add3A_474 = arith.addi %mul3A_282, %add3A_473 : i32
          %get3A_475 = arith.index_cast %add3A_474 : i32 to index
          %get3A_476 = arith.constant 0 : index
          %get3A_477 = tpu.vector_load %arg12[%get3A_475, %get3A_476] {strides = array<i32>} : memref<304x64xi32, #tpu.memory_space<vmem>>, vector<16xi32>,
          %bitcast3A_478 = vector.bitcast %get3A_477 : vector<16xi32> to vector<32xbf16>
          %mul3A_479 = arith.mulf %bitcast3A_478, %bitcast3A_176 : vector<32xbf16>
          %get3A_480 = arith.index_cast %add3A_474 : i32 to index
          %get3A_481 = arith.constant 16 : index
          %get3A_482 = tpu.vector_load %arg12[%get3A_480, %get3A_481] {strides = array<i32>} : memref<304x64xi32, #tpu.memory_space<vmem>>, vector<16xi32>,
          %bitcast3A_483 = vector.bitcast %get3A_482 : vector<16xi32> to vector<32xbf16>
          %mul3A_484 = arith.mulf %bitcast3A_483, %bitcast3A_180 : vector<32xbf16>
          %add3A_485 = arith.addf %mul3A_479, %mul3A_484 : vector<32xbf16>
          %get3A_486 = arith.index_cast %add3A_474 : i32 to index
          %get3A_487 = arith.constant 32 : index
          %get3A_488 = tpu.vector_load %arg12[%get3A_486, %get3A_487] {strides = array<i32>} : memref<304x64xi32, #tpu.memory_space<vmem>>, vector<16xi32>,
          %bitcast3A_489 = vector.bitcast %get3A_488 : vector<16xi32> to vector<32xbf16>
          %mul3A_490 = arith.mulf %bitcast3A_489, %bitcast3A_184 : vector<32xbf16>
          %add3A_491 = arith.addf %add3A_485, %mul3A_490 : vector<32xbf16>
          %get3A_492 = arith.index_cast %add3A_474 : i32 to index
          %get3A_493 = arith.constant 48 : index
          %get3A_494 = tpu.vector_load %arg12[%get3A_492, %get3A_493] {strides = array<i32>} : memref<304x64xi32, #tpu.memory_space<vmem>>, vector<16xi32>,
          %bitcast3A_495 = vector.bitcast %get3A_494 : vector<16xi32> to vector<32xbf16>
          %mul3A_496 = arith.mulf %bitcast3A_495, %bitcast3A_188 : vector<32xbf16>
          %add3A_497 = arith.addf %add3A_491, %mul3A_496 : vector<32xbf16>
          %unpack3A_498 = tpu.unpack_subelements %add3A_497, 0 {pack_format = #tpu.pack_format<interleaved>} : vector<32xbf16> -> vector<16xf32>
          %unpack3A_499 = tpu.unpack_subelements %add3A_497, 1 {pack_format = #tpu.pack_format<interleaved>} : vector<32xbf16> -> vector<16xf32>
          %add3A_500 = arith.addf %unpack3A_498, %unpack3A_499 : vector<16xf32>
          %swap3A_501 = arith.constant 6 : i32
          %swap3A_502 = arith.index_cast %swap3A_501 : i32 to index
          %swap3A_503 = arith.constant 0 : index
          %swap3A_504 = tpu.vector_load %arg15[%swap3A_502, %swap3A_503] {strides = array<i32>} : memref<16x16xf32, #tpu.memory_space<vmem>>, vector<16xf32>,
          tpu.vector_store %arg15[%swap3A_502, %swap3A_503], %add3A_500 {strides = array<i32>} : memref<16x16xf32, #tpu.memory_space<vmem>>, vector<16xf32>,
          %add3A_505 = arith.constant 7 : i32
          %add3A_506 = arith.addi %mul3A_282, %add3A_505 : i32
          %get3A_507 = arith.index_cast %add3A_506 : i32 to index
          %get3A_508 = arith.constant 0 : index
          %get3A_509 = tpu.vector_load %arg12[%get3A_507, %get3A_508] {strides = array<i32>} : memref<304x64xi32, #tpu.memory_space<vmem>>, vector<16xi32>,
          %bitcast3A_510 = vector.bitcast %get3A_509 : vector<16xi32> to vector<32xbf16>
          %mul3A_511 = arith.mulf %bitcast3A_510, %bitcast3A_176 : vector<32xbf16>
          %get3A_512 = arith.index_cast %add3A_506 : i32 to index
          %get3A_513 = arith.constant 16 : index
          %get3A_514 = tpu.vector_load %arg12[%get3A_512, %get3A_513] {strides = array<i32>} : memref<304x64xi32, #tpu.memory_space<vmem>>, vector<16xi32>,
          %bitcast3A_515 = vector.bitcast %get3A_514 : vector<16xi32> to vector<32xbf16>
          %mul3A_516 = arith.mulf %bitcast3A_515, %bitcast3A_180 : vector<32xbf16>
          %add3A_517 = arith.addf %mul3A_511, %mul3A_516 : vector<32xbf16>
          %get3A_518 = arith.index_cast %add3A_506 : i32 to index
          %get3A_519 = arith.constant 32 : index
          %get3A_520 = tpu.vector_load %arg12[%get3A_518, %get3A_519] {strides = array<i32>} : memref<304x64xi32, #tpu.memory_space<vmem>>, vector<16xi32>,
          %bitcast3A_521 = vector.bitcast %get3A_520 : vector<16xi32> to vector<32xbf16>
          %mul3A_522 = arith.mulf %bitcast3A_521, %bitcast3A_184 : vector<32xbf16>
          %add3A_523 = arith.addf %add3A_517, %mul3A_522 : vector<32xbf16>
          %get3A_524 = arith.index_cast %add3A_506 : i32 to index
          %get3A_525 = arith.constant 48 : index
          %get3A_526 = tpu.vector_load %arg12[%get3A_524, %get3A_525] {strides = array<i32>} : memref<304x64xi32, #tpu.memory_space<vmem>>, vector<16xi32>,
          %bitcast3A_527 = vector.bitcast %get3A_526 : vector<16xi32> to vector<32xbf16>
          %mul3A_528 = arith.mulf %bitcast3A_527, %bitcast3A_188 : vector<32xbf16>
          %add3A_529 = arith.addf %add3A_523, %mul3A_528 : vector<32xbf16>
          %unpack3A_530 = tpu.unpack_subelements %add3A_529, 0 {pack_format = #tpu.pack_format<interleaved>} : vector<32xbf16> -> vector<16xf32>
          %unpack3A_531 = tpu.unpack_subelements %add3A_529, 1 {pack_format = #tpu.pack_format<interleaved>} : vector<32xbf16> -> vector<16xf32>
          %add3A_532 = arith.addf %unpack3A_530, %unpack3A_531 : vector<16xf32>
          %swap3A_533 = arith.constant 7 : i32
          %swap3A_534 = arith.index_cast %swap3A_533 : i32 to index
          %swap3A_535 = arith.constant 0 : index
          %swap3A_536 = tpu.vector_load %arg15[%swap3A_534, %swap3A_535] {strides = array<i32>} : memref<16x16xf32, #tpu.memory_space<vmem>>, vector<16xf32>,
          tpu.vector_store %arg15[%swap3A_534, %swap3A_535], %add3A_532 {strides = array<i32>} : memref<16x16xf32, #tpu.memory_space<vmem>>, vector<16xf32>,
          %add3A_537 = arith.constant 8 : i32
          %add3A_538 = arith.addi %mul3A_282, %add3A_537 : i32
          %get3A_539 = arith.index_cast %add3A_538 : i32 to index
          %get3A_540 = arith.constant 0 : index
          %get3A_541 = tpu.vector_load %arg12[%get3A_539, %get3A_540] {strides = array<i32>} : memref<304x64xi32, #tpu.memory_space<vmem>>, vector<16xi32>,
          %bitcast3A_542 = vector.bitcast %get3A_541 : vector<16xi32> to vector<32xbf16>
          %mul3A_543 = arith.mulf %bitcast3A_542, %bitcast3A_176 : vector<32xbf16>
          %get3A_544 = arith.index_cast %add3A_538 : i32 to index
          %get3A_545 = arith.constant 16 : index
          %get3A_546 = tpu.vector_load %arg12[%get3A_544, %get3A_545] {strides = array<i32>} : memref<304x64xi32, #tpu.memory_space<vmem>>, vector<16xi32>,
          %bitcast3A_547 = vector.bitcast %get3A_546 : vector<16xi32> to vector<32xbf16>
          %mul3A_548 = arith.mulf %bitcast3A_547, %bitcast3A_180 : vector<32xbf16>
          %add3A_549 = arith.addf %mul3A_543, %mul3A_548 : vector<32xbf16>
          %get3A_550 = arith.index_cast %add3A_538 : i32 to index
          %get3A_551 = arith.constant 32 : index
          %get3A_552 = tpu.vector_load %arg12[%get3A_550, %get3A_551] {strides = array<i32>} : memref<304x64xi32, #tpu.memory_space<vmem>>, vector<16xi32>,
          %bitcast3A_553 = vector.bitcast %get3A_552 : vector<16xi32> to vector<32xbf16>
          %mul3A_554 = arith.mulf %bitcast3A_553, %bitcast3A_184 : vector<32xbf16>
          %add3A_555 = arith.addf %add3A_549, %mul3A_554 : vector<32xbf16>
          %get3A_556 = arith.index_cast %add3A_538 : i32 to index
          %get3A_557 = arith.constant 48 : index
          %get3A_558 = tpu.vector_load %arg12[%get3A_556, %get3A_557] {strides = array<i32>} : memref<304x64xi32, #tpu.memory_space<vmem>>, vector<16xi32>,
          %bitcast3A_559 = vector.bitcast %get3A_558 : vector<16xi32> to vector<32xbf16>
          %mul3A_560 = arith.mulf %bitcast3A_559, %bitcast3A_188 : vector<32xbf16>
          %add3A_561 = arith.addf %add3A_555, %mul3A_560 : vector<32xbf16>
          %unpack3A_562 = tpu.unpack_subelements %add3A_561, 0 {pack_format = #tpu.pack_format<interleaved>} : vector<32xbf16> -> vector<16xf32>
          %unpack3A_563 = tpu.unpack_subelements %add3A_561, 1 {pack_format = #tpu.pack_format<interleaved>} : vector<32xbf16> -> vector<16xf32>
          %add3A_564 = arith.addf %unpack3A_562, %unpack3A_563 : vector<16xf32>
          %swap3A_565 = arith.constant 8 : i32
          %swap3A_566 = arith.index_cast %swap3A_565 : i32 to index
          %swap3A_567 = arith.constant 0 : index
          %swap3A_568 = tpu.vector_load %arg15[%swap3A_566, %swap3A_567] {strides = array<i32>} : memref<16x16xf32, #tpu.memory_space<vmem>>, vector<16xf32>,
          tpu.vector_store %arg15[%swap3A_566, %swap3A_567], %add3A_564 {strides = array<i32>} : memref<16x16xf32, #tpu.memory_space<vmem>>, vector<16xf32>,
          %add3A_569 = arith.constant 9 : i32
          %add3A_570 = arith.addi %mul3A_282, %add3A_569 : i32
          %get3A_571 = arith.index_cast %add3A_570 : i32 to index
          %get3A_572 = arith.constant 0 : index
          %get3A_573 = tpu.vector_load %arg12[%get3A_571, %get3A_572] {strides = array<i32>} : memref<304x64xi32, #tpu.memory_space<vmem>>, vector<16xi32>,
          %bitcast3A_574 = vector.bitcast %get3A_573 : vector<16xi32> to vector<32xbf16>
          %mul3A_575 = arith.mulf %bitcast3A_574, %bitcast3A_176 : vector<32xbf16>
          %get3A_576 = arith.index_cast %add3A_570 : i32 to index
          %get3A_577 = arith.constant 16 : index
          %get3A_578 = tpu.vector_load %arg12[%get3A_576, %get3A_577] {strides = array<i32>} : memref<304x64xi32, #tpu.memory_space<vmem>>, vector<16xi32>,
          %bitcast3A_579 = vector.bitcast %get3A_578 : vector<16xi32> to vector<32xbf16>
          %mul3A_580 = arith.mulf %bitcast3A_579, %bitcast3A_180 : vector<32xbf16>
          %add3A_581 = arith.addf %mul3A_575, %mul3A_580 : vector<32xbf16>
          %get3A_582 = arith.index_cast %add3A_570 : i32 to index
          %get3A_583 = arith.constant 32 : index
          %get3A_584 = tpu.vector_load %arg12[%get3A_582, %get3A_583] {strides = array<i32>} : memref<304x64xi32, #tpu.memory_space<vmem>>, vector<16xi32>,
          %bitcast3A_585 = vector.bitcast %get3A_584 : vector<16xi32> to vector<32xbf16>
          %mul3A_586 = arith.mulf %bitcast3A_585, %bitcast3A_184 : vector<32xbf16>
          %add3A_587 = arith.addf %add3A_581, %mul3A_586 : vector<32xbf16>
          %get3A_588 = arith.index_cast %add3A_570 : i32 to index
          %get3A_589 = arith.constant 48 : index
          %get3A_590 = tpu.vector_load %arg12[%get3A_588, %get3A_589] {strides = array<i32>} : memref<304x64xi32, #tpu.memory_space<vmem>>, vector<16xi32>,
          %bitcast3A_591 = vector.bitcast %get3A_590 : vector<16xi32> to vector<32xbf16>
          %mul3A_592 = arith.mulf %bitcast3A_591, %bitcast3A_188 : vector<32xbf16>
          %add3A_593 = arith.addf %add3A_587, %mul3A_592 : vector<32xbf16>
          %unpack3A_594 = tpu.unpack_subelements %add3A_593, 0 {pack_format = #tpu.pack_format<interleaved>} : vector<32xbf16> -> vector<16xf32>
          %unpack3A_595 = tpu.unpack_subelements %add3A_593, 1 {pack_format = #tpu.pack_format<interleaved>} : vector<32xbf16> -> vector<16xf32>
          %add3A_596 = arith.addf %unpack3A_594, %unpack3A_595 : vector<16xf32>
          %swap3A_597 = arith.constant 9 : i32
          %swap3A_598 = arith.index_cast %swap3A_597 : i32 to index
          %swap3A_599 = arith.constant 0 : index
          %swap3A_600 = tpu.vector_load %arg15[%swap3A_598, %swap3A_599] {strides = array<i32>} : memref<16x16xf32, #tpu.memory_space<vmem>>, vector<16xf32>,
          tpu.vector_store %arg15[%swap3A_598, %swap3A_599], %add3A_596 {strides = array<i32>} : memref<16x16xf32, #tpu.memory_space<vmem>>, vector<16xf32>,
          %add3A_601 = arith.constant 10 : i32
          %add3A_602 = arith.addi %mul3A_282, %add3A_601 : i32
          %get3A_603 = arith.index_cast %add3A_602 : i32 to index
          %get3A_604 = arith.constant 0 : index
          %get3A_605 = tpu.vector_load %arg12[%get3A_603, %get3A_604] {strides = array<i32>} : memref<304x64xi32, #tpu.memory_space<vmem>>, vector<16xi32>,
          %bitcast3A_606 = vector.bitcast %get3A_605 : vector<16xi32> to vector<32xbf16>
          %mul3A_607 = arith.mulf %bitcast3A_606, %bitcast3A_176 : vector<32xbf16>
          %get3A_608 = arith.index_cast %add3A_602 : i32 to index
          %get3A_609 = arith.constant 16 : index
          %get3A_610 = tpu.vector_load %arg12[%get3A_608, %get3A_609] {strides = array<i32>} : memref<304x64xi32, #tpu.memory_space<vmem>>, vector<16xi32>,
          %bitcast3A_611 = vector.bitcast %get3A_610 : vector<16xi32> to vector<32xbf16>
          %mul3A_612 = arith.mulf %bitcast3A_611, %bitcast3A_180 : vector<32xbf16>
          %add3A_613 = arith.addf %mul3A_607, %mul3A_612 : vector<32xbf16>
          %get3A_614 = arith.index_cast %add3A_602 : i32 to index
          %get3A_615 = arith.constant 32 : index
          %get3A_616 = tpu.vector_load %arg12[%get3A_614, %get3A_615] {strides = array<i32>} : memref<304x64xi32, #tpu.memory_space<vmem>>, vector<16xi32>,
          %bitcast3A_617 = vector.bitcast %get3A_616 : vector<16xi32> to vector<32xbf16>
          %mul3A_618 = arith.mulf %bitcast3A_617, %bitcast3A_184 : vector<32xbf16>
          %add3A_619 = arith.addf %add3A_613, %mul3A_618 : vector<32xbf16>
          %get3A_620 = arith.index_cast %add3A_602 : i32 to index
          %get3A_621 = arith.constant 48 : index
          %get3A_622 = tpu.vector_load %arg12[%get3A_620, %get3A_621] {strides = array<i32>} : memref<304x64xi32, #tpu.memory_space<vmem>>, vector<16xi32>,
          %bitcast3A_623 = vector.bitcast %get3A_622 : vector<16xi32> to vector<32xbf16>
          %mul3A_624 = arith.mulf %bitcast3A_623, %bitcast3A_188 : vector<32xbf16>
          %add3A_625 = arith.addf %add3A_619, %mul3A_624 : vector<32xbf16>
          %unpack3A_626 = tpu.unpack_subelements %add3A_625, 0 {pack_format = #tpu.pack_format<interleaved>} : vector<32xbf16> -> vector<16xf32>
          %unpack3A_627 = tpu.unpack_subelements %add3A_625, 1 {pack_format = #tpu.pack_format<interleaved>} : vector<32xbf16> -> vector<16xf32>
          %add3A_628 = arith.addf %unpack3A_626, %unpack3A_627 : vector<16xf32>
          %swap3A_629 = arith.constant 10 : i32
          %swap3A_630 = arith.index_cast %swap3A_629 : i32 to index
          %swap3A_631 = arith.constant 0 : index
          %swap3A_632 = tpu.vector_load %arg15[%swap3A_630, %swap3A_631] {strides = array<i32>} : memref<16x16xf32, #tpu.memory_space<vmem>>, vector<16xf32>,
          tpu.vector_store %arg15[%swap3A_630, %swap3A_631], %add3A_628 {strides = array<i32>} : memref<16x16xf32, #tpu.memory_space<vmem>>, vector<16xf32>,
          %add3A_633 = arith.constant 11 : i32
          %add3A_634 = arith.addi %mul3A_282, %add3A_633 : i32
          %get3A_635 = arith.index_cast %add3A_634 : i32 to index
          %get3A_636 = arith.constant 0 : index
          %get3A_637 = tpu.vector_load %arg12[%get3A_635, %get3A_636] {strides = array<i32>} : memref<304x64xi32, #tpu.memory_space<vmem>>, vector<16xi32>,
          %bitcast3A_638 = vector.bitcast %get3A_637 : vector<16xi32> to vector<32xbf16>
          %mul3A_639 = arith.mulf %bitcast3A_638, %bitcast3A_176 : vector<32xbf16>
          %get3A_640 = arith.index_cast %add3A_634 : i32 to index
          %get3A_641 = arith.constant 16 : index
          %get3A_642 = tpu.vector_load %arg12[%get3A_640, %get3A_641] {strides = array<i32>} : memref<304x64xi32, #tpu.memory_space<vmem>>, vector<16xi32>,
          %bitcast3A_643 = vector.bitcast %get3A_642 : vector<16xi32> to vector<32xbf16>
          %mul3A_644 = arith.mulf %bitcast3A_643, %bitcast3A_180 : vector<32xbf16>
          %add3A_645 = arith.addf %mul3A_639, %mul3A_644 : vector<32xbf16>
          %get3A_646 = arith.index_cast %add3A_634 : i32 to index
          %get3A_647 = arith.constant 32 : index
          %get3A_648 = tpu.vector_load %arg12[%get3A_646, %get3A_647] {strides = array<i32>} : memref<304x64xi32, #tpu.memory_space<vmem>>, vector<16xi32>,
          %bitcast3A_649 = vector.bitcast %get3A_648 : vector<16xi32> to vector<32xbf16>
          %mul3A_650 = arith.mulf %bitcast3A_649, %bitcast3A_184 : vector<32xbf16>
          %add3A_651 = arith.addf %add3A_645, %mul3A_650 : vector<32xbf16>
          %get3A_652 = arith.index_cast %add3A_634 : i32 to index
          %get3A_653 = arith.constant 48 : index
          %get3A_654 = tpu.vector_load %arg12[%get3A_652, %get3A_653] {strides = array<i32>} : memref<304x64xi32, #tpu.memory_space<vmem>>, vector<16xi32>,
          %bitcast3A_655 = vector.bitcast %get3A_654 : vector<16xi32> to vector<32xbf16>
          %mul3A_656 = arith.mulf %bitcast3A_655, %bitcast3A_188 : vector<32xbf16>
          %add3A_657 = arith.addf %add3A_651, %mul3A_656 : vector<32xbf16>
          %unpack3A_658 = tpu.unpack_subelements %add3A_657, 0 {pack_format = #tpu.pack_format<interleaved>} : vector<32xbf16> -> vector<16xf32>
          %unpack3A_659 = tpu.unpack_subelements %add3A_657, 1 {pack_format = #tpu.pack_format<interleaved>} : vector<32xbf16> -> vector<16xf32>
          %add3A_660 = arith.addf %unpack3A_658, %unpack3A_659 : vector<16xf32>
          %swap3A_661 = arith.constant 11 : i32
          %swap3A_662 = arith.index_cast %swap3A_661 : i32 to index
          %swap3A_663 = arith.constant 0 : index
          %swap3A_664 = tpu.vector_load %arg15[%swap3A_662, %swap3A_663] {strides = array<i32>} : memref<16x16xf32, #tpu.memory_space<vmem>>, vector<16xf32>,
          tpu.vector_store %arg15[%swap3A_662, %swap3A_663], %add3A_660 {strides = array<i32>} : memref<16x16xf32, #tpu.memory_space<vmem>>, vector<16xf32>,
          %add3A_665 = arith.constant 12 : i32
          %add3A_666 = arith.addi %mul3A_282, %add3A_665 : i32
          %get3A_667 = arith.index_cast %add3A_666 : i32 to index
          %get3A_668 = arith.constant 0 : index
          %get3A_669 = tpu.vector_load %arg12[%get3A_667, %get3A_668] {strides = array<i32>} : memref<304x64xi32, #tpu.memory_space<vmem>>, vector<16xi32>,
          %bitcast3A_670 = vector.bitcast %get3A_669 : vector<16xi32> to vector<32xbf16>
          %mul3A_671 = arith.mulf %bitcast3A_670, %bitcast3A_176 : vector<32xbf16>
          %get3A_672 = arith.index_cast %add3A_666 : i32 to index
          %get3A_673 = arith.constant 16 : index
          %get3A_674 = tpu.vector_load %arg12[%get3A_672, %get3A_673] {strides = array<i32>} : memref<304x64xi32, #tpu.memory_space<vmem>>, vector<16xi32>,
          %bitcast3A_675 = vector.bitcast %get3A_674 : vector<16xi32> to vector<32xbf16>
          %mul3A_676 = arith.mulf %bitcast3A_675, %bitcast3A_180 : vector<32xbf16>
          %add3A_677 = arith.addf %mul3A_671, %mul3A_676 : vector<32xbf16>
          %get3A_678 = arith.index_cast %add3A_666 : i32 to index
          %get3A_679 = arith.constant 32 : index
          %get3A_680 = tpu.vector_load %arg12[%get3A_678, %get3A_679] {strides = array<i32>} : memref<304x64xi32, #tpu.memory_space<vmem>>, vector<16xi32>,
          %bitcast3A_681 = vector.bitcast %get3A_680 : vector<16xi32> to vector<32xbf16>
          %mul3A_682 = arith.mulf %bitcast3A_681, %bitcast3A_184 : vector<32xbf16>
          %add3A_683 = arith.addf %add3A_677, %mul3A_682 : vector<32xbf16>
          %get3A_684 = arith.index_cast %add3A_666 : i32 to index
          %get3A_685 = arith.constant 48 : index
          %get3A_686 = tpu.vector_load %arg12[%get3A_684, %get3A_685] {strides = array<i32>} : memref<304x64xi32, #tpu.memory_space<vmem>>, vector<16xi32>,
          %bitcast3A_687 = vector.bitcast %get3A_686 : vector<16xi32> to vector<32xbf16>
          %mul3A_688 = arith.mulf %bitcast3A_687, %bitcast3A_188 : vector<32xbf16>
          %add3A_689 = arith.addf %add3A_683, %mul3A_688 : vector<32xbf16>
          %unpack3A_690 = tpu.unpack_subelements %add3A_689, 0 {pack_format = #tpu.pack_format<interleaved>} : vector<32xbf16> -> vector<16xf32>
          %unpack3A_691 = tpu.unpack_subelements %add3A_689, 1 {pack_format = #tpu.pack_format<interleaved>} : vector<32xbf16> -> vector<16xf32>
          %add3A_692 = arith.addf %unpack3A_690, %unpack3A_691 : vector<16xf32>
          %swap3A_693 = arith.constant 12 : i32
          %swap3A_694 = arith.index_cast %swap3A_693 : i32 to index
          %swap3A_695 = arith.constant 0 : index
          %swap3A_696 = tpu.vector_load %arg15[%swap3A_694, %swap3A_695] {strides = array<i32>} : memref<16x16xf32, #tpu.memory_space<vmem>>, vector<16xf32>,
          tpu.vector_store %arg15[%swap3A_694, %swap3A_695], %add3A_692 {strides = array<i32>} : memref<16x16xf32, #tpu.memory_space<vmem>>, vector<16xf32>,
          %add3A_697 = arith.constant 13 : i32
          %add3A_698 = arith.addi %mul3A_282, %add3A_697 : i32
          %get3A_699 = arith.index_cast %add3A_698 : i32 to index
          %get3A_700 = arith.constant 0 : index
          %get3A_701 = tpu.vector_load %arg12[%get3A_699, %get3A_700] {strides = array<i32>} : memref<304x64xi32, #tpu.memory_space<vmem>>, vector<16xi32>,
          %bitcast3A_702 = vector.bitcast %get3A_701 : vector<16xi32> to vector<32xbf16>
          %mul3A_703 = arith.mulf %bitcast3A_702, %bitcast3A_176 : vector<32xbf16>
          %get3A_704 = arith.index_cast %add3A_698 : i32 to index
          %get3A_705 = arith.constant 16 : index
          %get3A_706 = tpu.vector_load %arg12[%get3A_704, %get3A_705] {strides = array<i32>} : memref<304x64xi32, #tpu.memory_space<vmem>>, vector<16xi32>,
          %bitcast3A_707 = vector.bitcast %get3A_706 : vector<16xi32> to vector<32xbf16>
          %mul3A_708 = arith.mulf %bitcast3A_707, %bitcast3A_180 : vector<32xbf16>
          %add3A_709 = arith.addf %mul3A_703, %mul3A_708 : vector<32xbf16>
          %get3A_710 = arith.index_cast %add3A_698 : i32 to index
          %get3A_711 = arith.constant 32 : index
          %get3A_712 = tpu.vector_load %arg12[%get3A_710, %get3A_711] {strides = array<i32>} : memref<304x64xi32, #tpu.memory_space<vmem>>, vector<16xi32>,
          %bitcast3A_713 = vector.bitcast %get3A_712 : vector<16xi32> to vector<32xbf16>
          %mul3A_714 = arith.mulf %bitcast3A_713, %bitcast3A_184 : vector<32xbf16>
          %add3A_715 = arith.addf %add3A_709, %mul3A_714 : vector<32xbf16>
          %get3A_716 = arith.index_cast %add3A_698 : i32 to index
          %get3A_717 = arith.constant 48 : index
          %get3A_718 = tpu.vector_load %arg12[%get3A_716, %get3A_717] {strides = array<i32>} : memref<304x64xi32, #tpu.memory_space<vmem>>, vector<16xi32>,
          %bitcast3A_719 = vector.bitcast %get3A_718 : vector<16xi32> to vector<32xbf16>
          %mul3A_720 = arith.mulf %bitcast3A_719, %bitcast3A_188 : vector<32xbf16>
          %add3A_721 = arith.addf %add3A_715, %mul3A_720 : vector<32xbf16>
          %unpack3A_722 = tpu.unpack_subelements %add3A_721, 0 {pack_format = #tpu.pack_format<interleaved>} : vector<32xbf16> -> vector<16xf32>
          %unpack3A_723 = tpu.unpack_subelements %add3A_721, 1 {pack_format = #tpu.pack_format<interleaved>} : vector<32xbf16> -> vector<16xf32>
          %add3A_724 = arith.addf %unpack3A_722, %unpack3A_723 : vector<16xf32>
          %swap3A_725 = arith.constant 13 : i32
          %swap3A_726 = arith.index_cast %swap3A_725 : i32 to index
          %swap3A_727 = arith.constant 0 : index
          %swap3A_728 = tpu.vector_load %arg15[%swap3A_726, %swap3A_727] {strides = array<i32>} : memref<16x16xf32, #tpu.memory_space<vmem>>, vector<16xf32>,
          tpu.vector_store %arg15[%swap3A_726, %swap3A_727], %add3A_724 {strides = array<i32>} : memref<16x16xf32, #tpu.memory_space<vmem>>, vector<16xf32>,
          %add3A_729 = arith.constant 14 : i32
          %add3A_730 = arith.addi %mul3A_282, %add3A_729 : i32
          %get3A_731 = arith.index_cast %add3A_730 : i32 to index
          %get3A_732 = arith.constant 0 : index
          %get3A_733 = tpu.vector_load %arg12[%get3A_731, %get3A_732] {strides = array<i32>} : memref<304x64xi32, #tpu.memory_space<vmem>>, vector<16xi32>,
          %bitcast3A_734 = vector.bitcast %get3A_733 : vector<16xi32> to vector<32xbf16>
          %mul3A_735 = arith.mulf %bitcast3A_734, %bitcast3A_176 : vector<32xbf16>
          %get3A_736 = arith.index_cast %add3A_730 : i32 to index
          %get3A_737 = arith.constant 16 : index
          %get3A_738 = tpu.vector_load %arg12[%get3A_736, %get3A_737] {strides = array<i32>} : memref<304x64xi32, #tpu.memory_space<vmem>>, vector<16xi32>,
          %bitcast3A_739 = vector.bitcast %get3A_738 : vector<16xi32> to vector<32xbf16>
          %mul3A_740 = arith.mulf %bitcast3A_739, %bitcast3A_180 : vector<32xbf16>
          %add3A_741 = arith.addf %mul3A_735, %mul3A_740 : vector<32xbf16>
          %get3A_742 = arith.index_cast %add3A_730 : i32 to index
          %get3A_743 = arith.constant 32 : index
          %get3A_744 = tpu.vector_load %arg12[%get3A_742, %get3A_743] {strides = array<i32>} : memref<304x64xi32, #tpu.memory_space<vmem>>, vector<16xi32>,
          %bitcast3A_745 = vector.bitcast %get3A_744 : vector<16xi32> to vector<32xbf16>
          %mul3A_746 = arith.mulf %bitcast3A_745, %bitcast3A_184 : vector<32xbf16>
          %add3A_747 = arith.addf %add3A_741, %mul3A_746 : vector<32xbf16>
          %get3A_748 = arith.index_cast %add3A_730 : i32 to index
          %get3A_749 = arith.constant 48 : index
          %get3A_750 = tpu.vector_load %arg12[%get3A_748, %get3A_749] {strides = array<i32>} : memref<304x64xi32, #tpu.memory_space<vmem>>, vector<16xi32>,
          %bitcast3A_751 = vector.bitcast %get3A_750 : vector<16xi32> to vector<32xbf16>
          %mul3A_752 = arith.mulf %bitcast3A_751, %bitcast3A_188 : vector<32xbf16>
          %add3A_753 = arith.addf %add3A_747, %mul3A_752 : vector<32xbf16>
          %unpack3A_754 = tpu.unpack_subelements %add3A_753, 0 {pack_format = #tpu.pack_format<interleaved>} : vector<32xbf16> -> vector<16xf32>
          %unpack3A_755 = tpu.unpack_subelements %add3A_753, 1 {pack_format = #tpu.pack_format<interleaved>} : vector<32xbf16> -> vector<16xf32>
          %add3A_756 = arith.addf %unpack3A_754, %unpack3A_755 : vector<16xf32>
          %swap3A_757 = arith.constant 14 : i32
          %swap3A_758 = arith.index_cast %swap3A_757 : i32 to index
          %swap3A_759 = arith.constant 0 : index
          %swap3A_760 = tpu.vector_load %arg15[%swap3A_758, %swap3A_759] {strides = array<i32>} : memref<16x16xf32, #tpu.memory_space<vmem>>, vector<16xf32>,
          tpu.vector_store %arg15[%swap3A_758, %swap3A_759], %add3A_756 {strides = array<i32>} : memref<16x16xf32, #tpu.memory_space<vmem>>, vector<16xf32>,
          %add3A_761 = arith.constant 15 : i32
          %add3A_762 = arith.addi %mul3A_282, %add3A_761 : i32
          %get3A_763 = arith.index_cast %add3A_762 : i32 to index
          %get3A_764 = arith.constant 0 : index
          %get3A_765 = tpu.vector_load %arg12[%get3A_763, %get3A_764] {strides = array<i32>} : memref<304x64xi32, #tpu.memory_space<vmem>>, vector<16xi32>,
          %bitcast3A_766 = vector.bitcast %get3A_765 : vector<16xi32> to vector<32xbf16>
          %mul3A_767 = arith.mulf %bitcast3A_766, %bitcast3A_176 : vector<32xbf16>
          %get3A_768 = arith.index_cast %add3A_762 : i32 to index
          %get3A_769 = arith.constant 16 : index
          %get3A_770 = tpu.vector_load %arg12[%get3A_768, %get3A_769] {strides = array<i32>} : memref<304x64xi32, #tpu.memory_space<vmem>>, vector<16xi32>,
          %bitcast3A_771 = vector.bitcast %get3A_770 : vector<16xi32> to vector<32xbf16>
          %mul3A_772 = arith.mulf %bitcast3A_771, %bitcast3A_180 : vector<32xbf16>
          %add3A_773 = arith.addf %mul3A_767, %mul3A_772 : vector<32xbf16>
          %get3A_774 = arith.index_cast %add3A_762 : i32 to index
          %get3A_775 = arith.constant 32 : index
          %get3A_776 = tpu.vector_load %arg12[%get3A_774, %get3A_775] {strides = array<i32>} : memref<304x64xi32, #tpu.memory_space<vmem>>, vector<16xi32>,
          %bitcast3A_777 = vector.bitcast %get3A_776 : vector<16xi32> to vector<32xbf16>
          %mul3A_778 = arith.mulf %bitcast3A_777, %bitcast3A_184 : vector<32xbf16>
          %add3A_779 = arith.addf %add3A_773, %mul3A_778 : vector<32xbf16>
          %get3A_780 = arith.index_cast %add3A_762 : i32 to index
          %get3A_781 = arith.constant 48 : index
          %get3A_782 = tpu.vector_load %arg12[%get3A_780, %get3A_781] {strides = array<i32>} : memref<304x64xi32, #tpu.memory_space<vmem>>, vector<16xi32>,
          %bitcast3A_783 = vector.bitcast %get3A_782 : vector<16xi32> to vector<32xbf16>
          %mul3A_784 = arith.mulf %bitcast3A_783, %bitcast3A_188 : vector<32xbf16>
          %add3A_785 = arith.addf %add3A_779, %mul3A_784 : vector<32xbf16>
          %unpack3A_786 = tpu.unpack_subelements %add3A_785, 0 {pack_format = #tpu.pack_format<interleaved>} : vector<32xbf16> -> vector<16xf32>
          %unpack3A_787 = tpu.unpack_subelements %add3A_785, 1 {pack_format = #tpu.pack_format<interleaved>} : vector<32xbf16> -> vector<16xf32>
          %add3A_788 = arith.addf %unpack3A_786, %unpack3A_787 : vector<16xf32>
          %swap3A_789 = arith.constant 15 : i32
          %swap3A_790 = arith.index_cast %swap3A_789 : i32 to index
          %swap3A_791 = arith.constant 0 : index
          %swap3A_792 = tpu.vector_load %arg15[%swap3A_790, %swap3A_791] {strides = array<i32>} : memref<16x16xf32, #tpu.memory_space<vmem>>, vector<16xf32>,
          tpu.vector_store %arg15[%swap3A_790, %swap3A_791], %add3A_788 {strides = array<i32>} : memref<16x16xf32, #tpu.memory_space<vmem>>, vector<16xf32>,
          %broadcast_in_dim3A = arith.constant 0 : i32
          %broadcast_in_dim3A_793 = vector.broadcast %broadcast_in_dim3A : i32 to vector<16xi32>
          %gather3A = tpu.vector_load_idx %arg15[%iota3A, %broadcast_in_dim3A_793] : memref<16x16xf32, #tpu.memory_space<vmem>>[vector<16xi32>, vector<16xi32>], vector<16xf32>,
          %broadcast_in_dim3A_794 = arith.constant 1 : i32
          %broadcast_in_dim3A_795 = vector.broadcast %broadcast_in_dim3A_794 : i32 to vector<16xi32>
          %gather3A_796 = tpu.vector_load_idx %arg15[%iota3A, %broadcast_in_dim3A_795] : memref<16x16xf32, #tpu.memory_space<vmem>>[vector<16xi32>, vector<16xi32>], vector<16xf32>,
          %add3A_797 = arith.addf %gather3A, %gather3A_796 : vector<16xf32>
          %broadcast_in_dim3A_798 = arith.constant 2 : i32
          %broadcast_in_dim3A_799 = vector.broadcast %broadcast_in_dim3A_798 : i32 to vector<16xi32>
          %gather3A_800 = tpu.vector_load_idx %arg15[%iota3A, %broadcast_in_dim3A_799] : memref<16x16xf32, #tpu.memory_space<vmem>>[vector<16xi32>, vector<16xi32>], vector<16xf32>,
          %add3A_801 = arith.addf %add3A_797, %gather3A_800 : vector<16xf32>
          %broadcast_in_dim3A_802 = arith.constant 3 : i32
          %broadcast_in_dim3A_803 = vector.broadcast %broadcast_in_dim3A_802 : i32 to vector<16xi32>
          %gather3A_804 = tpu.vector_load_idx %arg15[%iota3A, %broadcast_in_dim3A_803] : memref<16x16xf32, #tpu.memory_space<vmem>>[vector<16xi32>, vector<16xi32>], vector<16xf32>,
          %add3A_805 = arith.addf %add3A_801, %gather3A_804 : vector<16xf32>
          %broadcast_in_dim3A_806 = arith.constant 4 : i32
          %broadcast_in_dim3A_807 = vector.broadcast %broadcast_in_dim3A_806 : i32 to vector<16xi32>
          %gather3A_808 = tpu.vector_load_idx %arg15[%iota3A, %broadcast_in_dim3A_807] : memref<16x16xf32, #tpu.memory_space<vmem>>[vector<16xi32>, vector<16xi32>], vector<16xf32>,
          %add3A_809 = arith.addf %add3A_805, %gather3A_808 : vector<16xf32>
          %broadcast_in_dim3A_810 = arith.constant 5 : i32
          %broadcast_in_dim3A_811 = vector.broadcast %broadcast_in_dim3A_810 : i32 to vector<16xi32>
          %gather3A_812 = tpu.vector_load_idx %arg15[%iota3A, %broadcast_in_dim3A_811] : memref<16x16xf32, #tpu.memory_space<vmem>>[vector<16xi32>, vector<16xi32>], vector<16xf32>,
          %add3A_813 = arith.addf %add3A_809, %gather3A_812 : vector<16xf32>
          %broadcast_in_dim3A_814 = arith.constant 6 : i32
          %broadcast_in_dim3A_815 = vector.broadcast %broadcast_in_dim3A_814 : i32 to vector<16xi32>
          %gather3A_816 = tpu.vector_load_idx %arg15[%iota3A, %broadcast_in_dim3A_815] : memref<16x16xf32, #tpu.memory_space<vmem>>[vector<16xi32>, vector<16xi32>], vector<16xf32>,
          %add3A_817 = arith.addf %add3A_813, %gather3A_816 : vector<16xf32>
          %broadcast_in_dim3A_818 = arith.constant 7 : i32
          %broadcast_in_dim3A_819 = vector.broadcast %broadcast_in_dim3A_818 : i32 to vector<16xi32>
          %gather3A_820 = tpu.vector_load_idx %arg15[%iota3A, %broadcast_in_dim3A_819] : memref<16x16xf32, #tpu.memory_space<vmem>>[vector<16xi32>, vector<16xi32>], vector<16xf32>,
          %add3A_821 = arith.addf %add3A_817, %gather3A_820 : vector<16xf32>
          %broadcast_in_dim3A_822 = arith.constant 8 : i32
          %broadcast_in_dim3A_823 = vector.broadcast %broadcast_in_dim3A_822 : i32 to vector<16xi32>
          %gather3A_824 = tpu.vector_load_idx %arg15[%iota3A, %broadcast_in_dim3A_823] : memref<16x16xf32, #tpu.memory_space<vmem>>[vector<16xi32>, vector<16xi32>], vector<16xf32>,
          %add3A_825 = arith.addf %add3A_821, %gather3A_824 : vector<16xf32>
          %broadcast_in_dim3A_826 = arith.constant 9 : i32
          %broadcast_in_dim3A_827 = vector.broadcast %broadcast_in_dim3A_826 : i32 to vector<16xi32>
          %gather3A_828 = tpu.vector_load_idx %arg15[%iota3A, %broadcast_in_dim3A_827] : memref<16x16xf32, #tpu.memory_space<vmem>>[vector<16xi32>, vector<16xi32>], vector<16xf32>,
          %add3A_829 = arith.addf %add3A_825, %gather3A_828 : vector<16xf32>
          %broadcast_in_dim3A_830 = arith.constant 10 : i32
          %broadcast_in_dim3A_831 = vector.broadcast %broadcast_in_dim3A_830 : i32 to vector<16xi32>
          %gather3A_832 = tpu.vector_load_idx %arg15[%iota3A, %broadcast_in_dim3A_831] : memref<16x16xf32, #tpu.memory_space<vmem>>[vector<16xi32>, vector<16xi32>], vector<16xf32>,
          %add3A_833 = arith.addf %add3A_829, %gather3A_832 : vector<16xf32>
          %broadcast_in_dim3A_834 = arith.constant 11 : i32
          %broadcast_in_dim3A_835 = vector.broadcast %broadcast_in_dim3A_834 : i32 to vector<16xi32>
          %gather3A_836 = tpu.vector_load_idx %arg15[%iota3A, %broadcast_in_dim3A_835] : memref<16x16xf32, #tpu.memory_space<vmem>>[vector<16xi32>, vector<16xi32>], vector<16xf32>,
          %add3A_837 = arith.addf %add3A_833, %gather3A_836 : vector<16xf32>
          %broadcast_in_dim3A_838 = arith.constant 12 : i32
          %broadcast_in_dim3A_839 = vector.broadcast %broadcast_in_dim3A_838 : i32 to vector<16xi32>
          %gather3A_840 = tpu.vector_load_idx %arg15[%iota3A, %broadcast_in_dim3A_839] : memref<16x16xf32, #tpu.memory_space<vmem>>[vector<16xi32>, vector<16xi32>], vector<16xf32>,
          %add3A_841 = arith.addf %add3A_837, %gather3A_840 : vector<16xf32>
          %broadcast_in_dim3A_842 = arith.constant 13 : i32
          %broadcast_in_dim3A_843 = vector.broadcast %broadcast_in_dim3A_842 : i32 to vector<16xi32>
          %gather3A_844 = tpu.vector_load_idx %arg15[%iota3A, %broadcast_in_dim3A_843] : memref<16x16xf32, #tpu.memory_space<vmem>>[vector<16xi32>, vector<16xi32>], vector<16xf32>,
          %add3A_845 = arith.addf %add3A_841, %gather3A_844 : vector<16xf32>
          %broadcast_in_dim3A_846 = arith.constant 14 : i32
          %broadcast_in_dim3A_847 = vector.broadcast %broadcast_in_dim3A_846 : i32 to vector<16xi32>
          %gather3A_848 = tpu.vector_load_idx %arg15[%iota3A, %broadcast_in_dim3A_847] : memref<16x16xf32, #tpu.memory_space<vmem>>[vector<16xi32>, vector<16xi32>], vector<16xf32>,
          %add3A_849 = arith.addf %add3A_845, %gather3A_848 : vector<16xf32>
          %broadcast_in_dim3A_850 = arith.constant 15 : i32
          %broadcast_in_dim3A_851 = vector.broadcast %broadcast_in_dim3A_850 : i32 to vector<16xi32>
          %gather3A_852 = tpu.vector_load_idx %arg15[%iota3A, %broadcast_in_dim3A_851] : memref<16x16xf32, #tpu.memory_space<vmem>>[vector<16xi32>, vector<16xi32>], vector<16xf32>,
          %add3A_853 = arith.addf %add3A_849, %gather3A_852 : vector<16xf32>
          %mul3A_854 = arith.constant 304 : i32
          %mul3A_855 = arith.muli %add3A_166, %mul3A_854 : i32
          %add3A_856 = arith.addi %mul3A_855, %mul3A_282 : i32
          %swap3A_857 = arith.index_cast %add3A_856 : i32 to index
          %swap3A_858 = tpu.vector_load %arg16[%swap3A_857] {strides = array<i32>} : memref<9728xf32, #tpu.memory_space<vmem>>, vector<16xf32>,
          tpu.vector_store %arg16[%swap3A_857], %add3A_853 {strides = array<i32>} : memref<9728xf32, #tpu.memory_space<vmem>>, vector<16xf32>,
        }
        %scan3A_194 = arith.constant 19 : i32
        %add3A_195 = arith.constant 4 : i32
        %add3A_196 = arith.addi %add3A_166, %add3A_195 : i32
        %lt3A_197 = arith.constant 32 : i32
        %lt3A_198 = arith.cmpi slt, %add3A_196, %lt3A_197 : i32
        %convert_element_type3A_199 = arith.extui %lt3A_198 : i1 to i32
        %cond3A_200 = arith.constant 0 : i32
        %cond3A_201 = arith.cmpi ne, %convert_element_type3A_199, %cond3A_200 : i32
        scf.if %cond3A_201 {
          %add3A_280 = arith.constant 4 : i32
          %add3A_281 = arith.addi %add3A_166, %add3A_280 : i32
          %mul3A_282 = arith.constant 304 : i32
          %mul3A_283 = arith.muli %add3A_281, %mul3A_282 : i32
          %add3A_284 = arith.constant 0 : i32
          %add3A_285 = arith.addi %mul3A_283, %add3A_284 : i32
          %dma_start3A_286 = arith.constant 0 : i32
          %dma_start3A_287 = arith.constant 0 : i32
          %dma_start3A_288 = tpu.memref_slice %arg12[%dma_start3A_286, %dma_start3A_287] : memref<304x64xi32, #tpu.memory_space<vmem>> -> memref<128x64xi32, #tpu.memory_space<vmem>>
          %dma_start3A_289 = tpu.memref_slice %arg8[%add3A_285] : memref<9728xi32, #tpu.memory_space<vmem>> -> memref<128xi32, #tpu.memory_space<vmem>>
          %dma_start3A_290 = arith.constant 0 : i32
          %dma_start3A_291 = arith.constant 0 : i32
          %dma_start3A_292 = tpu.memref_slice %arg5[%dma_start3A_290, %dma_start3A_291] : memref<100000x64xi32, #tpu.memory_space<hbm>> -> memref<100000x64xi32, #tpu.memory_space<hbm>>
          tpu.enqueue_indirect_dma source(%dma_start3A_292 : memref<100000x64xi32, #tpu.memory_space<hbm>>) target(%dma_start3A_288 : memref<128x64xi32, #tpu.memory_space<vmem>>) offsets(%dma_start3A_289 : memref<128xi32, #tpu.memory_space<vmem>>) semaphore(%arg18 : memref<!tpu.dma_semaphore, #tpu.memory_space<semaphore_mem>>)
          %add3A_293 = arith.constant 128 : i32
          %add3A_294 = arith.addi %mul3A_283, %add3A_293 : i32
          %dma_start3A_295 = arith.constant 128 : i32
          %dma_start3A_296 = arith.constant 0 : i32
          %dma_start3A_297 = tpu.memref_slice %arg12[%dma_start3A_295, %dma_start3A_296] : memref<304x64xi32, #tpu.memory_space<vmem>> -> memref<128x64xi32, #tpu.memory_space<vmem>>
          %dma_start3A_298 = tpu.memref_slice %arg8[%add3A_294] : memref<9728xi32, #tpu.memory_space<vmem>> -> memref<128xi32, #tpu.memory_space<vmem>>
          %dma_start3A_299 = arith.constant 0 : i32
          %dma_start3A_300 = arith.constant 0 : i32
          %dma_start3A_301 = tpu.memref_slice %arg5[%dma_start3A_299, %dma_start3A_300] : memref<100000x64xi32, #tpu.memory_space<hbm>> -> memref<100000x64xi32, #tpu.memory_space<hbm>>
          tpu.enqueue_indirect_dma source(%dma_start3A_301 : memref<100000x64xi32, #tpu.memory_space<hbm>>) target(%dma_start3A_297 : memref<128x64xi32, #tpu.memory_space<vmem>>) offsets(%dma_start3A_298 : memref<128xi32, #tpu.memory_space<vmem>>) semaphore(%arg18 : memref<!tpu.dma_semaphore, #tpu.memory_space<semaphore_mem>>)
          %add3A_302 = arith.constant 256 : i32
          %add3A_303 = arith.addi %mul3A_283, %add3A_302 : i32
          %dma_start3A_304 = arith.constant 256 : i32
          %dma_start3A_305 = arith.constant 0 : i32
          %dma_start3A_306 = tpu.memref_slice %arg12[%dma_start3A_304, %dma_start3A_305] : memref<304x64xi32, #tpu.memory_space<vmem>> -> memref<48x64xi32, #tpu.memory_space<vmem>>
          %dma_start3A_307 = tpu.memref_slice %arg8[%add3A_303] : memref<9728xi32, #tpu.memory_space<vmem>> -> memref<48xi32, #tpu.memory_space<vmem>>
          %dma_start3A_308 = arith.constant 0 : i32
          %dma_start3A_309 = arith.constant 0 : i32
          %dma_start3A_310 = tpu.memref_slice %arg5[%dma_start3A_308, %dma_start3A_309] : memref<100000x64xi32, #tpu.memory_space<hbm>> -> memref<100000x64xi32, #tpu.memory_space<hbm>>
          tpu.enqueue_indirect_dma source(%dma_start3A_310 : memref<100000x64xi32, #tpu.memory_space<hbm>>) target(%dma_start3A_306 : memref<48x64xi32, #tpu.memory_space<vmem>>) offsets(%dma_start3A_307 : memref<48xi32, #tpu.memory_space<vmem>>) semaphore(%arg18 : memref<!tpu.dma_semaphore, #tpu.memory_space<semaphore_mem>>)
        } else {
        }
        %mul3A_202 = arith.constant 4 : i32
        %mul3A_203 = arith.muli %mul3A_202, %scan3A_128 : i32
        %add3A_204 = arith.constant 2 : i32
        %add3A_205 = arith.addi %mul3A_203, %add3A_204 : i32
        %dma_wait3A_206 = arith.constant 0 : i32
        %dma_wait3A_207 = arith.constant 0 : i32
        %dma_wait3A_208 = tpu.memref_slice %arg5[%dma_wait3A_206, %dma_wait3A_207] : memref<100000x64xi32, #tpu.memory_space<hbm>> -> memref<304x64xi32, #tpu.memory_space<hbm>>
        %dma_wait3A_209 = arith.constant 0 : i32
        %dma_wait3A_210 = arith.constant 0 : i32
        %dma_wait3A_211 = tpu.memref_slice %arg5[%dma_wait3A_209, %dma_wait3A_210] : memref<100000x64xi32, #tpu.memory_space<hbm>> -> memref<304x64xi32, #tpu.memory_space<hbm>>
        tpu.wait_dma2 semaphore(%arg19 : memref<!tpu.dma_semaphore, #tpu.memory_space<semaphore_mem>>) src(%dma_wait3A_211 : memref<304x64xi32, #tpu.memory_space<hbm>>) dst(%arg13 : memref<304x64xi32, #tpu.memory_space<vmem>>)
        %get3A_212 = arith.index_cast %add3A_205 : i32 to index
        %get3A_213 = arith.constant 0 : index
        %get3A_214 = tpu.vector_load %arg10[%get3A_212, %get3A_213] {strides = array<i32>} : memref<32x64xi32, #tpu.memory_space<vmem>>, vector<16xi32>,
        %bitcast3A_215 = vector.bitcast %get3A_214 : vector<16xi32> to vector<32xbf16>
        %get3A_216 = arith.index_cast %add3A_205 : i32 to index
        %get3A_217 = arith.constant 16 : index
        %get3A_218 = tpu.vector_load %arg10[%get3A_216, %get3A_217] {strides = array<i32>} : memref<32x64xi32, #tpu.memory_space<vmem>>, vector<16xi32>,
        %bitcast3A_219 = vector.bitcast %get3A_218 : vector<16xi32> to vector<32xbf16>
        %get3A_220 = arith.index_cast %add3A_205 : i32 to index
        %get3A_221 = arith.constant 32 : index
        %get3A_222 = tpu.vector_load %arg10[%get3A_220, %get3A_221] {strides = array<i32>} : memref<32x64xi32, #tpu.memory_space<vmem>>, vector<16xi32>,
        %bitcast3A_223 = vector.bitcast %get3A_222 : vector<16xi32> to vector<32xbf16>
        %get3A_224 = arith.index_cast %add3A_205 : i32 to index
        %get3A_225 = arith.constant 48 : index
        %get3A_226 = tpu.vector_load %arg10[%get3A_224, %get3A_225] {strides = array<i32>} : memref<32x64xi32, #tpu.memory_space<vmem>>, vector<16xi32>,
        %bitcast3A_227 = vector.bitcast %get3A_226 : vector<16xi32> to vector<32xbf16>
        %scan3A_228 = arith.constant 0 : i32
        %scan3A_229 = arith.constant 0 : i32
        %scan3A_230 = arith.constant 19 : i32
        %scan3A_231 = arith.addi %scan3A_229, %scan3A_230 : i32
        %scan3A_232 = arith.constant 1 : i32
        scf.for %scan3A_280 = %scan3A_229 to %scan3A_231 step %scan3A_232  : i32 {
          %mul3A_281 = arith.constant 16 : i32
          %mul3A_282 = arith.muli %scan3A_280, %mul3A_281 : i32
          %add3A_283 = arith.constant 0 : i32
          %add3A_284 = arith.addi %mul3A_282, %add3A_283 : i32
          %get3A_285 = arith.index_cast %add3A_284 : i32 to index
          %get3A_286 = arith.constant 0 : index
          %get3A_287 = tpu.vector_load %arg13[%get3A_285, %get3A_286] {strides = array<i32>} : memref<304x64xi32, #tpu.memory_space<vmem>>, vector<16xi32>,
          %bitcast3A_288 = vector.bitcast %get3A_287 : vector<16xi32> to vector<32xbf16>
          %mul3A_289 = arith.mulf %bitcast3A_288, %bitcast3A_215 : vector<32xbf16>
          %get3A_290 = arith.index_cast %add3A_284 : i32 to index
          %get3A_291 = arith.constant 16 : index
          %get3A_292 = tpu.vector_load %arg13[%get3A_290, %get3A_291] {strides = array<i32>} : memref<304x64xi32, #tpu.memory_space<vmem>>, vector<16xi32>,
          %bitcast3A_293 = vector.bitcast %get3A_292 : vector<16xi32> to vector<32xbf16>
          %mul3A_294 = arith.mulf %bitcast3A_293, %bitcast3A_219 : vector<32xbf16>
          %add3A_295 = arith.addf %mul3A_289, %mul3A_294 : vector<32xbf16>
          %get3A_296 = arith.index_cast %add3A_284 : i32 to index
          %get3A_297 = arith.constant 32 : index
          %get3A_298 = tpu.vector_load %arg13[%get3A_296, %get3A_297] {strides = array<i32>} : memref<304x64xi32, #tpu.memory_space<vmem>>, vector<16xi32>,
          %bitcast3A_299 = vector.bitcast %get3A_298 : vector<16xi32> to vector<32xbf16>
          %mul3A_300 = arith.mulf %bitcast3A_299, %bitcast3A_223 : vector<32xbf16>
          %add3A_301 = arith.addf %add3A_295, %mul3A_300 : vector<32xbf16>
          %get3A_302 = arith.index_cast %add3A_284 : i32 to index
          %get3A_303 = arith.constant 48 : index
          %get3A_304 = tpu.vector_load %arg13[%get3A_302, %get3A_303] {strides = array<i32>} : memref<304x64xi32, #tpu.memory_space<vmem>>, vector<16xi32>,
          %bitcast3A_305 = vector.bitcast %get3A_304 : vector<16xi32> to vector<32xbf16>
          %mul3A_306 = arith.mulf %bitcast3A_305, %bitcast3A_227 : vector<32xbf16>
          %add3A_307 = arith.addf %add3A_301, %mul3A_306 : vector<32xbf16>
          %unpack3A = tpu.unpack_subelements %add3A_307, 0 {pack_format = #tpu.pack_format<interleaved>} : vector<32xbf16> -> vector<16xf32>
          %unpack3A_308 = tpu.unpack_subelements %add3A_307, 1 {pack_format = #tpu.pack_format<interleaved>} : vector<32xbf16> -> vector<16xf32>
          %add3A_309 = arith.addf %unpack3A, %unpack3A_308 : vector<16xf32>
          %swap3A = arith.constant 0 : i32
          %swap3A_310 = arith.index_cast %swap3A : i32 to index
          %swap3A_311 = arith.constant 0 : index
          %swap3A_312 = tpu.vector_load %arg15[%swap3A_310, %swap3A_311] {strides = array<i32>} : memref<16x16xf32, #tpu.memory_space<vmem>>, vector<16xf32>,
          tpu.vector_store %arg15[%swap3A_310, %swap3A_311], %add3A_309 {strides = array<i32>} : memref<16x16xf32, #tpu.memory_space<vmem>>, vector<16xf32>,
          %add3A_313 = arith.constant 1 : i32
          %add3A_314 = arith.addi %mul3A_282, %add3A_313 : i32
          %get3A_315 = arith.index_cast %add3A_314 : i32 to index
          %get3A_316 = arith.constant 0 : index
          %get3A_317 = tpu.vector_load %arg13[%get3A_315, %get3A_316] {strides = array<i32>} : memref<304x64xi32, #tpu.memory_space<vmem>>, vector<16xi32>,
          %bitcast3A_318 = vector.bitcast %get3A_317 : vector<16xi32> to vector<32xbf16>
          %mul3A_319 = arith.mulf %bitcast3A_318, %bitcast3A_215 : vector<32xbf16>
          %get3A_320 = arith.index_cast %add3A_314 : i32 to index
          %get3A_321 = arith.constant 16 : index
          %get3A_322 = tpu.vector_load %arg13[%get3A_320, %get3A_321] {strides = array<i32>} : memref<304x64xi32, #tpu.memory_space<vmem>>, vector<16xi32>,
          %bitcast3A_323 = vector.bitcast %get3A_322 : vector<16xi32> to vector<32xbf16>
          %mul3A_324 = arith.mulf %bitcast3A_323, %bitcast3A_219 : vector<32xbf16>
          %add3A_325 = arith.addf %mul3A_319, %mul3A_324 : vector<32xbf16>
          %get3A_326 = arith.index_cast %add3A_314 : i32 to index
          %get3A_327 = arith.constant 32 : index
          %get3A_328 = tpu.vector_load %arg13[%get3A_326, %get3A_327] {strides = array<i32>} : memref<304x64xi32, #tpu.memory_space<vmem>>, vector<16xi32>,
          %bitcast3A_329 = vector.bitcast %get3A_328 : vector<16xi32> to vector<32xbf16>
          %mul3A_330 = arith.mulf %bitcast3A_329, %bitcast3A_223 : vector<32xbf16>
          %add3A_331 = arith.addf %add3A_325, %mul3A_330 : vector<32xbf16>
          %get3A_332 = arith.index_cast %add3A_314 : i32 to index
          %get3A_333 = arith.constant 48 : index
          %get3A_334 = tpu.vector_load %arg13[%get3A_332, %get3A_333] {strides = array<i32>} : memref<304x64xi32, #tpu.memory_space<vmem>>, vector<16xi32>,
          %bitcast3A_335 = vector.bitcast %get3A_334 : vector<16xi32> to vector<32xbf16>
          %mul3A_336 = arith.mulf %bitcast3A_335, %bitcast3A_227 : vector<32xbf16>
          %add3A_337 = arith.addf %add3A_331, %mul3A_336 : vector<32xbf16>
          %unpack3A_338 = tpu.unpack_subelements %add3A_337, 0 {pack_format = #tpu.pack_format<interleaved>} : vector<32xbf16> -> vector<16xf32>
          %unpack3A_339 = tpu.unpack_subelements %add3A_337, 1 {pack_format = #tpu.pack_format<interleaved>} : vector<32xbf16> -> vector<16xf32>
          %add3A_340 = arith.addf %unpack3A_338, %unpack3A_339 : vector<16xf32>
          %swap3A_341 = arith.constant 1 : i32
          %swap3A_342 = arith.index_cast %swap3A_341 : i32 to index
          %swap3A_343 = arith.constant 0 : index
          %swap3A_344 = tpu.vector_load %arg15[%swap3A_342, %swap3A_343] {strides = array<i32>} : memref<16x16xf32, #tpu.memory_space<vmem>>, vector<16xf32>,
          tpu.vector_store %arg15[%swap3A_342, %swap3A_343], %add3A_340 {strides = array<i32>} : memref<16x16xf32, #tpu.memory_space<vmem>>, vector<16xf32>,
          %add3A_345 = arith.constant 2 : i32
          %add3A_346 = arith.addi %mul3A_282, %add3A_345 : i32
          %get3A_347 = arith.index_cast %add3A_346 : i32 to index
          %get3A_348 = arith.constant 0 : index
          %get3A_349 = tpu.vector_load %arg13[%get3A_347, %get3A_348] {strides = array<i32>} : memref<304x64xi32, #tpu.memory_space<vmem>>, vector<16xi32>,
          %bitcast3A_350 = vector.bitcast %get3A_349 : vector<16xi32> to vector<32xbf16>
          %mul3A_351 = arith.mulf %bitcast3A_350, %bitcast3A_215 : vector<32xbf16>
          %get3A_352 = arith.index_cast %add3A_346 : i32 to index
          %get3A_353 = arith.constant 16 : index
          %get3A_354 = tpu.vector_load %arg13[%get3A_352, %get3A_353] {strides = array<i32>} : memref<304x64xi32, #tpu.memory_space<vmem>>, vector<16xi32>,
          %bitcast3A_355 = vector.bitcast %get3A_354 : vector<16xi32> to vector<32xbf16>
          %mul3A_356 = arith.mulf %bitcast3A_355, %bitcast3A_219 : vector<32xbf16>
          %add3A_357 = arith.addf %mul3A_351, %mul3A_356 : vector<32xbf16>
          %get3A_358 = arith.index_cast %add3A_346 : i32 to index
          %get3A_359 = arith.constant 32 : index
          %get3A_360 = tpu.vector_load %arg13[%get3A_358, %get3A_359] {strides = array<i32>} : memref<304x64xi32, #tpu.memory_space<vmem>>, vector<16xi32>,
          %bitcast3A_361 = vector.bitcast %get3A_360 : vector<16xi32> to vector<32xbf16>
          %mul3A_362 = arith.mulf %bitcast3A_361, %bitcast3A_223 : vector<32xbf16>
          %add3A_363 = arith.addf %add3A_357, %mul3A_362 : vector<32xbf16>
          %get3A_364 = arith.index_cast %add3A_346 : i32 to index
          %get3A_365 = arith.constant 48 : index
          %get3A_366 = tpu.vector_load %arg13[%get3A_364, %get3A_365] {strides = array<i32>} : memref<304x64xi32, #tpu.memory_space<vmem>>, vector<16xi32>,
          %bitcast3A_367 = vector.bitcast %get3A_366 : vector<16xi32> to vector<32xbf16>
          %mul3A_368 = arith.mulf %bitcast3A_367, %bitcast3A_227 : vector<32xbf16>
          %add3A_369 = arith.addf %add3A_363, %mul3A_368 : vector<32xbf16>
          %unpack3A_370 = tpu.unpack_subelements %add3A_369, 0 {pack_format = #tpu.pack_format<interleaved>} : vector<32xbf16> -> vector<16xf32>
          %unpack3A_371 = tpu.unpack_subelements %add3A_369, 1 {pack_format = #tpu.pack_format<interleaved>} : vector<32xbf16> -> vector<16xf32>
          %add3A_372 = arith.addf %unpack3A_370, %unpack3A_371 : vector<16xf32>
          %swap3A_373 = arith.constant 2 : i32
          %swap3A_374 = arith.index_cast %swap3A_373 : i32 to index
          %swap3A_375 = arith.constant 0 : index
          %swap3A_376 = tpu.vector_load %arg15[%swap3A_374, %swap3A_375] {strides = array<i32>} : memref<16x16xf32, #tpu.memory_space<vmem>>, vector<16xf32>,
          tpu.vector_store %arg15[%swap3A_374, %swap3A_375], %add3A_372 {strides = array<i32>} : memref<16x16xf32, #tpu.memory_space<vmem>>, vector<16xf32>,
          %add3A_377 = arith.constant 3 : i32
          %add3A_378 = arith.addi %mul3A_282, %add3A_377 : i32
          %get3A_379 = arith.index_cast %add3A_378 : i32 to index
          %get3A_380 = arith.constant 0 : index
          %get3A_381 = tpu.vector_load %arg13[%get3A_379, %get3A_380] {strides = array<i32>} : memref<304x64xi32, #tpu.memory_space<vmem>>, vector<16xi32>,
          %bitcast3A_382 = vector.bitcast %get3A_381 : vector<16xi32> to vector<32xbf16>
          %mul3A_383 = arith.mulf %bitcast3A_382, %bitcast3A_215 : vector<32xbf16>
          %get3A_384 = arith.index_cast %add3A_378 : i32 to index
          %get3A_385 = arith.constant 16 : index
          %get3A_386 = tpu.vector_load %arg13[%get3A_384, %get3A_385] {strides = array<i32>} : memref<304x64xi32, #tpu.memory_space<vmem>>, vector<16xi32>,
          %bitcast3A_387 = vector.bitcast %get3A_386 : vector<16xi32> to vector<32xbf16>
          %mul3A_388 = arith.mulf %bitcast3A_387, %bitcast3A_219 : vector<32xbf16>
          %add3A_389 = arith.addf %mul3A_383, %mul3A_388 : vector<32xbf16>
          %get3A_390 = arith.index_cast %add3A_378 : i32 to index
          %get3A_391 = arith.constant 32 : index
          %get3A_392 = tpu.vector_load %arg13[%get3A_390, %get3A_391] {strides = array<i32>} : memref<304x64xi32, #tpu.memory_space<vmem>>, vector<16xi32>,
          %bitcast3A_393 = vector.bitcast %get3A_392 : vector<16xi32> to vector<32xbf16>
          %mul3A_394 = arith.mulf %bitcast3A_393, %bitcast3A_223 : vector<32xbf16>
          %add3A_395 = arith.addf %add3A_389, %mul3A_394 : vector<32xbf16>
          %get3A_396 = arith.index_cast %add3A_378 : i32 to index
          %get3A_397 = arith.constant 48 : index
          %get3A_398 = tpu.vector_load %arg13[%get3A_396, %get3A_397] {strides = array<i32>} : memref<304x64xi32, #tpu.memory_space<vmem>>, vector<16xi32>,
          %bitcast3A_399 = vector.bitcast %get3A_398 : vector<16xi32> to vector<32xbf16>
          %mul3A_400 = arith.mulf %bitcast3A_399, %bitcast3A_227 : vector<32xbf16>
          %add3A_401 = arith.addf %add3A_395, %mul3A_400 : vector<32xbf16>
          %unpack3A_402 = tpu.unpack_subelements %add3A_401, 0 {pack_format = #tpu.pack_format<interleaved>} : vector<32xbf16> -> vector<16xf32>
          %unpack3A_403 = tpu.unpack_subelements %add3A_401, 1 {pack_format = #tpu.pack_format<interleaved>} : vector<32xbf16> -> vector<16xf32>
          %add3A_404 = arith.addf %unpack3A_402, %unpack3A_403 : vector<16xf32>
          %swap3A_405 = arith.constant 3 : i32
          %swap3A_406 = arith.index_cast %swap3A_405 : i32 to index
          %swap3A_407 = arith.constant 0 : index
          %swap3A_408 = tpu.vector_load %arg15[%swap3A_406, %swap3A_407] {strides = array<i32>} : memref<16x16xf32, #tpu.memory_space<vmem>>, vector<16xf32>,
          tpu.vector_store %arg15[%swap3A_406, %swap3A_407], %add3A_404 {strides = array<i32>} : memref<16x16xf32, #tpu.memory_space<vmem>>, vector<16xf32>,
          %add3A_409 = arith.constant 4 : i32
          %add3A_410 = arith.addi %mul3A_282, %add3A_409 : i32
          %get3A_411 = arith.index_cast %add3A_410 : i32 to index
          %get3A_412 = arith.constant 0 : index
          %get3A_413 = tpu.vector_load %arg13[%get3A_411, %get3A_412] {strides = array<i32>} : memref<304x64xi32, #tpu.memory_space<vmem>>, vector<16xi32>,
          %bitcast3A_414 = vector.bitcast %get3A_413 : vector<16xi32> to vector<32xbf16>
          %mul3A_415 = arith.mulf %bitcast3A_414, %bitcast3A_215 : vector<32xbf16>
          %get3A_416 = arith.index_cast %add3A_410 : i32 to index
          %get3A_417 = arith.constant 16 : index
          %get3A_418 = tpu.vector_load %arg13[%get3A_416, %get3A_417] {strides = array<i32>} : memref<304x64xi32, #tpu.memory_space<vmem>>, vector<16xi32>,
          %bitcast3A_419 = vector.bitcast %get3A_418 : vector<16xi32> to vector<32xbf16>
          %mul3A_420 = arith.mulf %bitcast3A_419, %bitcast3A_219 : vector<32xbf16>
          %add3A_421 = arith.addf %mul3A_415, %mul3A_420 : vector<32xbf16>
          %get3A_422 = arith.index_cast %add3A_410 : i32 to index
          %get3A_423 = arith.constant 32 : index
          %get3A_424 = tpu.vector_load %arg13[%get3A_422, %get3A_423] {strides = array<i32>} : memref<304x64xi32, #tpu.memory_space<vmem>>, vector<16xi32>,
          %bitcast3A_425 = vector.bitcast %get3A_424 : vector<16xi32> to vector<32xbf16>
          %mul3A_426 = arith.mulf %bitcast3A_425, %bitcast3A_223 : vector<32xbf16>
          %add3A_427 = arith.addf %add3A_421, %mul3A_426 : vector<32xbf16>
          %get3A_428 = arith.index_cast %add3A_410 : i32 to index
          %get3A_429 = arith.constant 48 : index
          %get3A_430 = tpu.vector_load %arg13[%get3A_428, %get3A_429] {strides = array<i32>} : memref<304x64xi32, #tpu.memory_space<vmem>>, vector<16xi32>,
          %bitcast3A_431 = vector.bitcast %get3A_430 : vector<16xi32> to vector<32xbf16>
          %mul3A_432 = arith.mulf %bitcast3A_431, %bitcast3A_227 : vector<32xbf16>
          %add3A_433 = arith.addf %add3A_427, %mul3A_432 : vector<32xbf16>
          %unpack3A_434 = tpu.unpack_subelements %add3A_433, 0 {pack_format = #tpu.pack_format<interleaved>} : vector<32xbf16> -> vector<16xf32>
          %unpack3A_435 = tpu.unpack_subelements %add3A_433, 1 {pack_format = #tpu.pack_format<interleaved>} : vector<32xbf16> -> vector<16xf32>
          %add3A_436 = arith.addf %unpack3A_434, %unpack3A_435 : vector<16xf32>
          %swap3A_437 = arith.constant 4 : i32
          %swap3A_438 = arith.index_cast %swap3A_437 : i32 to index
          %swap3A_439 = arith.constant 0 : index
          %swap3A_440 = tpu.vector_load %arg15[%swap3A_438, %swap3A_439] {strides = array<i32>} : memref<16x16xf32, #tpu.memory_space<vmem>>, vector<16xf32>,
          tpu.vector_store %arg15[%swap3A_438, %swap3A_439], %add3A_436 {strides = array<i32>} : memref<16x16xf32, #tpu.memory_space<vmem>>, vector<16xf32>,
          %add3A_441 = arith.constant 5 : i32
          %add3A_442 = arith.addi %mul3A_282, %add3A_441 : i32
          %get3A_443 = arith.index_cast %add3A_442 : i32 to index
          %get3A_444 = arith.constant 0 : index
          %get3A_445 = tpu.vector_load %arg13[%get3A_443, %get3A_444] {strides = array<i32>} : memref<304x64xi32, #tpu.memory_space<vmem>>, vector<16xi32>,
          %bitcast3A_446 = vector.bitcast %get3A_445 : vector<16xi32> to vector<32xbf16>
          %mul3A_447 = arith.mulf %bitcast3A_446, %bitcast3A_215 : vector<32xbf16>
          %get3A_448 = arith.index_cast %add3A_442 : i32 to index
          %get3A_449 = arith.constant 16 : index
          %get3A_450 = tpu.vector_load %arg13[%get3A_448, %get3A_449] {strides = array<i32>} : memref<304x64xi32, #tpu.memory_space<vmem>>, vector<16xi32>,
          %bitcast3A_451 = vector.bitcast %get3A_450 : vector<16xi32> to vector<32xbf16>
          %mul3A_452 = arith.mulf %bitcast3A_451, %bitcast3A_219 : vector<32xbf16>
          %add3A_453 = arith.addf %mul3A_447, %mul3A_452 : vector<32xbf16>
          %get3A_454 = arith.index_cast %add3A_442 : i32 to index
          %get3A_455 = arith.constant 32 : index
          %get3A_456 = tpu.vector_load %arg13[%get3A_454, %get3A_455] {strides = array<i32>} : memref<304x64xi32, #tpu.memory_space<vmem>>, vector<16xi32>,
          %bitcast3A_457 = vector.bitcast %get3A_456 : vector<16xi32> to vector<32xbf16>
          %mul3A_458 = arith.mulf %bitcast3A_457, %bitcast3A_223 : vector<32xbf16>
          %add3A_459 = arith.addf %add3A_453, %mul3A_458 : vector<32xbf16>
          %get3A_460 = arith.index_cast %add3A_442 : i32 to index
          %get3A_461 = arith.constant 48 : index
          %get3A_462 = tpu.vector_load %arg13[%get3A_460, %get3A_461] {strides = array<i32>} : memref<304x64xi32, #tpu.memory_space<vmem>>, vector<16xi32>,
          %bitcast3A_463 = vector.bitcast %get3A_462 : vector<16xi32> to vector<32xbf16>
          %mul3A_464 = arith.mulf %bitcast3A_463, %bitcast3A_227 : vector<32xbf16>
          %add3A_465 = arith.addf %add3A_459, %mul3A_464 : vector<32xbf16>
          %unpack3A_466 = tpu.unpack_subelements %add3A_465, 0 {pack_format = #tpu.pack_format<interleaved>} : vector<32xbf16> -> vector<16xf32>
          %unpack3A_467 = tpu.unpack_subelements %add3A_465, 1 {pack_format = #tpu.pack_format<interleaved>} : vector<32xbf16> -> vector<16xf32>
          %add3A_468 = arith.addf %unpack3A_466, %unpack3A_467 : vector<16xf32>
          %swap3A_469 = arith.constant 5 : i32
          %swap3A_470 = arith.index_cast %swap3A_469 : i32 to index
          %swap3A_471 = arith.constant 0 : index
          %swap3A_472 = tpu.vector_load %arg15[%swap3A_470, %swap3A_471] {strides = array<i32>} : memref<16x16xf32, #tpu.memory_space<vmem>>, vector<16xf32>,
          tpu.vector_store %arg15[%swap3A_470, %swap3A_471], %add3A_468 {strides = array<i32>} : memref<16x16xf32, #tpu.memory_space<vmem>>, vector<16xf32>,
          %add3A_473 = arith.constant 6 : i32
          %add3A_474 = arith.addi %mul3A_282, %add3A_473 : i32
          %get3A_475 = arith.index_cast %add3A_474 : i32 to index
          %get3A_476 = arith.constant 0 : index
          %get3A_477 = tpu.vector_load %arg13[%get3A_475, %get3A_476] {strides = array<i32>} : memref<304x64xi32, #tpu.memory_space<vmem>>, vector<16xi32>,
          %bitcast3A_478 = vector.bitcast %get3A_477 : vector<16xi32> to vector<32xbf16>
          %mul3A_479 = arith.mulf %bitcast3A_478, %bitcast3A_215 : vector<32xbf16>
          %get3A_480 = arith.index_cast %add3A_474 : i32 to index
          %get3A_481 = arith.constant 16 : index
          %get3A_482 = tpu.vector_load %arg13[%get3A_480, %get3A_481] {strides = array<i32>} : memref<304x64xi32, #tpu.memory_space<vmem>>, vector<16xi32>,
          %bitcast3A_483 = vector.bitcast %get3A_482 : vector<16xi32> to vector<32xbf16>
          %mul3A_484 = arith.mulf %bitcast3A_483, %bitcast3A_219 : vector<32xbf16>
          %add3A_485 = arith.addf %mul3A_479, %mul3A_484 : vector<32xbf16>
          %get3A_486 = arith.index_cast %add3A_474 : i32 to index
          %get3A_487 = arith.constant 32 : index
          %get3A_488 = tpu.vector_load %arg13[%get3A_486, %get3A_487] {strides = array<i32>} : memref<304x64xi32, #tpu.memory_space<vmem>>, vector<16xi32>,
          %bitcast3A_489 = vector.bitcast %get3A_488 : vector<16xi32> to vector<32xbf16>
          %mul3A_490 = arith.mulf %bitcast3A_489, %bitcast3A_223 : vector<32xbf16>
          %add3A_491 = arith.addf %add3A_485, %mul3A_490 : vector<32xbf16>
          %get3A_492 = arith.index_cast %add3A_474 : i32 to index
          %get3A_493 = arith.constant 48 : index
          %get3A_494 = tpu.vector_load %arg13[%get3A_492, %get3A_493] {strides = array<i32>} : memref<304x64xi32, #tpu.memory_space<vmem>>, vector<16xi32>,
          %bitcast3A_495 = vector.bitcast %get3A_494 : vector<16xi32> to vector<32xbf16>
          %mul3A_496 = arith.mulf %bitcast3A_495, %bitcast3A_227 : vector<32xbf16>
          %add3A_497 = arith.addf %add3A_491, %mul3A_496 : vector<32xbf16>
          %unpack3A_498 = tpu.unpack_subelements %add3A_497, 0 {pack_format = #tpu.pack_format<interleaved>} : vector<32xbf16> -> vector<16xf32>
          %unpack3A_499 = tpu.unpack_subelements %add3A_497, 1 {pack_format = #tpu.pack_format<interleaved>} : vector<32xbf16> -> vector<16xf32>
          %add3A_500 = arith.addf %unpack3A_498, %unpack3A_499 : vector<16xf32>
          %swap3A_501 = arith.constant 6 : i32
          %swap3A_502 = arith.index_cast %swap3A_501 : i32 to index
          %swap3A_503 = arith.constant 0 : index
          %swap3A_504 = tpu.vector_load %arg15[%swap3A_502, %swap3A_503] {strides = array<i32>} : memref<16x16xf32, #tpu.memory_space<vmem>>, vector<16xf32>,
          tpu.vector_store %arg15[%swap3A_502, %swap3A_503], %add3A_500 {strides = array<i32>} : memref<16x16xf32, #tpu.memory_space<vmem>>, vector<16xf32>,
          %add3A_505 = arith.constant 7 : i32
          %add3A_506 = arith.addi %mul3A_282, %add3A_505 : i32
          %get3A_507 = arith.index_cast %add3A_506 : i32 to index
          %get3A_508 = arith.constant 0 : index
          %get3A_509 = tpu.vector_load %arg13[%get3A_507, %get3A_508] {strides = array<i32>} : memref<304x64xi32, #tpu.memory_space<vmem>>, vector<16xi32>,
          %bitcast3A_510 = vector.bitcast %get3A_509 : vector<16xi32> to vector<32xbf16>
          %mul3A_511 = arith.mulf %bitcast3A_510, %bitcast3A_215 : vector<32xbf16>
          %get3A_512 = arith.index_cast %add3A_506 : i32 to index
          %get3A_513 = arith.constant 16 : index
          %get3A_514 = tpu.vector_load %arg13[%get3A_512, %get3A_513] {strides = array<i32>} : memref<304x64xi32, #tpu.memory_space<vmem>>, vector<16xi32>,
          %bitcast3A_515 = vector.bitcast %get3A_514 : vector<16xi32> to vector<32xbf16>
          %mul3A_516 = arith.mulf %bitcast3A_515, %bitcast3A_219 : vector<32xbf16>
          %add3A_517 = arith.addf %mul3A_511, %mul3A_516 : vector<32xbf16>
          %get3A_518 = arith.index_cast %add3A_506 : i32 to index
          %get3A_519 = arith.constant 32 : index
          %get3A_520 = tpu.vector_load %arg13[%get3A_518, %get3A_519] {strides = array<i32>} : memref<304x64xi32, #tpu.memory_space<vmem>>, vector<16xi32>,
          %bitcast3A_521 = vector.bitcast %get3A_520 : vector<16xi32> to vector<32xbf16>
          %mul3A_522 = arith.mulf %bitcast3A_521, %bitcast3A_223 : vector<32xbf16>
          %add3A_523 = arith.addf %add3A_517, %mul3A_522 : vector<32xbf16>
          %get3A_524 = arith.index_cast %add3A_506 : i32 to index
          %get3A_525 = arith.constant 48 : index
          %get3A_526 = tpu.vector_load %arg13[%get3A_524, %get3A_525] {strides = array<i32>} : memref<304x64xi32, #tpu.memory_space<vmem>>, vector<16xi32>,
          %bitcast3A_527 = vector.bitcast %get3A_526 : vector<16xi32> to vector<32xbf16>
          %mul3A_528 = arith.mulf %bitcast3A_527, %bitcast3A_227 : vector<32xbf16>
          %add3A_529 = arith.addf %add3A_523, %mul3A_528 : vector<32xbf16>
          %unpack3A_530 = tpu.unpack_subelements %add3A_529, 0 {pack_format = #tpu.pack_format<interleaved>} : vector<32xbf16> -> vector<16xf32>
          %unpack3A_531 = tpu.unpack_subelements %add3A_529, 1 {pack_format = #tpu.pack_format<interleaved>} : vector<32xbf16> -> vector<16xf32>
          %add3A_532 = arith.addf %unpack3A_530, %unpack3A_531 : vector<16xf32>
          %swap3A_533 = arith.constant 7 : i32
          %swap3A_534 = arith.index_cast %swap3A_533 : i32 to index
          %swap3A_535 = arith.constant 0 : index
          %swap3A_536 = tpu.vector_load %arg15[%swap3A_534, %swap3A_535] {strides = array<i32>} : memref<16x16xf32, #tpu.memory_space<vmem>>, vector<16xf32>,
          tpu.vector_store %arg15[%swap3A_534, %swap3A_535], %add3A_532 {strides = array<i32>} : memref<16x16xf32, #tpu.memory_space<vmem>>, vector<16xf32>,
          %add3A_537 = arith.constant 8 : i32
          %add3A_538 = arith.addi %mul3A_282, %add3A_537 : i32
          %get3A_539 = arith.index_cast %add3A_538 : i32 to index
          %get3A_540 = arith.constant 0 : index
          %get3A_541 = tpu.vector_load %arg13[%get3A_539, %get3A_540] {strides = array<i32>} : memref<304x64xi32, #tpu.memory_space<vmem>>, vector<16xi32>,
          %bitcast3A_542 = vector.bitcast %get3A_541 : vector<16xi32> to vector<32xbf16>
          %mul3A_543 = arith.mulf %bitcast3A_542, %bitcast3A_215 : vector<32xbf16>
          %get3A_544 = arith.index_cast %add3A_538 : i32 to index
          %get3A_545 = arith.constant 16 : index
          %get3A_546 = tpu.vector_load %arg13[%get3A_544, %get3A_545] {strides = array<i32>} : memref<304x64xi32, #tpu.memory_space<vmem>>, vector<16xi32>,
          %bitcast3A_547 = vector.bitcast %get3A_546 : vector<16xi32> to vector<32xbf16>
          %mul3A_548 = arith.mulf %bitcast3A_547, %bitcast3A_219 : vector<32xbf16>
          %add3A_549 = arith.addf %mul3A_543, %mul3A_548 : vector<32xbf16>
          %get3A_550 = arith.index_cast %add3A_538 : i32 to index
          %get3A_551 = arith.constant 32 : index
          %get3A_552 = tpu.vector_load %arg13[%get3A_550, %get3A_551] {strides = array<i32>} : memref<304x64xi32, #tpu.memory_space<vmem>>, vector<16xi32>,
          %bitcast3A_553 = vector.bitcast %get3A_552 : vector<16xi32> to vector<32xbf16>
          %mul3A_554 = arith.mulf %bitcast3A_553, %bitcast3A_223 : vector<32xbf16>
          %add3A_555 = arith.addf %add3A_549, %mul3A_554 : vector<32xbf16>
          %get3A_556 = arith.index_cast %add3A_538 : i32 to index
          %get3A_557 = arith.constant 48 : index
          %get3A_558 = tpu.vector_load %arg13[%get3A_556, %get3A_557] {strides = array<i32>} : memref<304x64xi32, #tpu.memory_space<vmem>>, vector<16xi32>,
          %bitcast3A_559 = vector.bitcast %get3A_558 : vector<16xi32> to vector<32xbf16>
          %mul3A_560 = arith.mulf %bitcast3A_559, %bitcast3A_227 : vector<32xbf16>
          %add3A_561 = arith.addf %add3A_555, %mul3A_560 : vector<32xbf16>
          %unpack3A_562 = tpu.unpack_subelements %add3A_561, 0 {pack_format = #tpu.pack_format<interleaved>} : vector<32xbf16> -> vector<16xf32>
          %unpack3A_563 = tpu.unpack_subelements %add3A_561, 1 {pack_format = #tpu.pack_format<interleaved>} : vector<32xbf16> -> vector<16xf32>
          %add3A_564 = arith.addf %unpack3A_562, %unpack3A_563 : vector<16xf32>
          %swap3A_565 = arith.constant 8 : i32
          %swap3A_566 = arith.index_cast %swap3A_565 : i32 to index
          %swap3A_567 = arith.constant 0 : index
          %swap3A_568 = tpu.vector_load %arg15[%swap3A_566, %swap3A_567] {strides = array<i32>} : memref<16x16xf32, #tpu.memory_space<vmem>>, vector<16xf32>,
          tpu.vector_store %arg15[%swap3A_566, %swap3A_567], %add3A_564 {strides = array<i32>} : memref<16x16xf32, #tpu.memory_space<vmem>>, vector<16xf32>,
          %add3A_569 = arith.constant 9 : i32
          %add3A_570 = arith.addi %mul3A_282, %add3A_569 : i32
          %get3A_571 = arith.index_cast %add3A_570 : i32 to index
          %get3A_572 = arith.constant 0 : index
          %get3A_573 = tpu.vector_load %arg13[%get3A_571, %get3A_572] {strides = array<i32>} : memref<304x64xi32, #tpu.memory_space<vmem>>, vector<16xi32>,
          %bitcast3A_574 = vector.bitcast %get3A_573 : vector<16xi32> to vector<32xbf16>
          %mul3A_575 = arith.mulf %bitcast3A_574, %bitcast3A_215 : vector<32xbf16>
          %get3A_576 = arith.index_cast %add3A_570 : i32 to index
          %get3A_577 = arith.constant 16 : index
          %get3A_578 = tpu.vector_load %arg13[%get3A_576, %get3A_577] {strides = array<i32>} : memref<304x64xi32, #tpu.memory_space<vmem>>, vector<16xi32>,
          %bitcast3A_579 = vector.bitcast %get3A_578 : vector<16xi32> to vector<32xbf16>
          %mul3A_580 = arith.mulf %bitcast3A_579, %bitcast3A_219 : vector<32xbf16>
          %add3A_581 = arith.addf %mul3A_575, %mul3A_580 : vector<32xbf16>
          %get3A_582 = arith.index_cast %add3A_570 : i32 to index
          %get3A_583 = arith.constant 32 : index
          %get3A_584 = tpu.vector_load %arg13[%get3A_582, %get3A_583] {strides = array<i32>} : memref<304x64xi32, #tpu.memory_space<vmem>>, vector<16xi32>,
          %bitcast3A_585 = vector.bitcast %get3A_584 : vector<16xi32> to vector<32xbf16>
          %mul3A_586 = arith.mulf %bitcast3A_585, %bitcast3A_223 : vector<32xbf16>
          %add3A_587 = arith.addf %add3A_581, %mul3A_586 : vector<32xbf16>
          %get3A_588 = arith.index_cast %add3A_570 : i32 to index
          %get3A_589 = arith.constant 48 : index
          %get3A_590 = tpu.vector_load %arg13[%get3A_588, %get3A_589] {strides = array<i32>} : memref<304x64xi32, #tpu.memory_space<vmem>>, vector<16xi32>,
          %bitcast3A_591 = vector.bitcast %get3A_590 : vector<16xi32> to vector<32xbf16>
          %mul3A_592 = arith.mulf %bitcast3A_591, %bitcast3A_227 : vector<32xbf16>
          %add3A_593 = arith.addf %add3A_587, %mul3A_592 : vector<32xbf16>
          %unpack3A_594 = tpu.unpack_subelements %add3A_593, 0 {pack_format = #tpu.pack_format<interleaved>} : vector<32xbf16> -> vector<16xf32>
          %unpack3A_595 = tpu.unpack_subelements %add3A_593, 1 {pack_format = #tpu.pack_format<interleaved>} : vector<32xbf16> -> vector<16xf32>
          %add3A_596 = arith.addf %unpack3A_594, %unpack3A_595 : vector<16xf32>
          %swap3A_597 = arith.constant 9 : i32
          %swap3A_598 = arith.index_cast %swap3A_597 : i32 to index
          %swap3A_599 = arith.constant 0 : index
          %swap3A_600 = tpu.vector_load %arg15[%swap3A_598, %swap3A_599] {strides = array<i32>} : memref<16x16xf32, #tpu.memory_space<vmem>>, vector<16xf32>,
          tpu.vector_store %arg15[%swap3A_598, %swap3A_599], %add3A_596 {strides = array<i32>} : memref<16x16xf32, #tpu.memory_space<vmem>>, vector<16xf32>,
          %add3A_601 = arith.constant 10 : i32
          %add3A_602 = arith.addi %mul3A_282, %add3A_601 : i32
          %get3A_603 = arith.index_cast %add3A_602 : i32 to index
          %get3A_604 = arith.constant 0 : index
          %get3A_605 = tpu.vector_load %arg13[%get3A_603, %get3A_604] {strides = array<i32>} : memref<304x64xi32, #tpu.memory_space<vmem>>, vector<16xi32>,
          %bitcast3A_606 = vector.bitcast %get3A_605 : vector<16xi32> to vector<32xbf16>
          %mul3A_607 = arith.mulf %bitcast3A_606, %bitcast3A_215 : vector<32xbf16>
          %get3A_608 = arith.index_cast %add3A_602 : i32 to index
          %get3A_609 = arith.constant 16 : index
          %get3A_610 = tpu.vector_load %arg13[%get3A_608, %get3A_609] {strides = array<i32>} : memref<304x64xi32, #tpu.memory_space<vmem>>, vector<16xi32>,
          %bitcast3A_611 = vector.bitcast %get3A_610 : vector<16xi32> to vector<32xbf16>
          %mul3A_612 = arith.mulf %bitcast3A_611, %bitcast3A_219 : vector<32xbf16>
          %add3A_613 = arith.addf %mul3A_607, %mul3A_612 : vector<32xbf16>
          %get3A_614 = arith.index_cast %add3A_602 : i32 to index
          %get3A_615 = arith.constant 32 : index
          %get3A_616 = tpu.vector_load %arg13[%get3A_614, %get3A_615] {strides = array<i32>} : memref<304x64xi32, #tpu.memory_space<vmem>>, vector<16xi32>,
          %bitcast3A_617 = vector.bitcast %get3A_616 : vector<16xi32> to vector<32xbf16>
          %mul3A_618 = arith.mulf %bitcast3A_617, %bitcast3A_223 : vector<32xbf16>
          %add3A_619 = arith.addf %add3A_613, %mul3A_618 : vector<32xbf16>
          %get3A_620 = arith.index_cast %add3A_602 : i32 to index
          %get3A_621 = arith.constant 48 : index
          %get3A_622 = tpu.vector_load %arg13[%get3A_620, %get3A_621] {strides = array<i32>} : memref<304x64xi32, #tpu.memory_space<vmem>>, vector<16xi32>,
          %bitcast3A_623 = vector.bitcast %get3A_622 : vector<16xi32> to vector<32xbf16>
          %mul3A_624 = arith.mulf %bitcast3A_623, %bitcast3A_227 : vector<32xbf16>
          %add3A_625 = arith.addf %add3A_619, %mul3A_624 : vector<32xbf16>
          %unpack3A_626 = tpu.unpack_subelements %add3A_625, 0 {pack_format = #tpu.pack_format<interleaved>} : vector<32xbf16> -> vector<16xf32>
          %unpack3A_627 = tpu.unpack_subelements %add3A_625, 1 {pack_format = #tpu.pack_format<interleaved>} : vector<32xbf16> -> vector<16xf32>
          %add3A_628 = arith.addf %unpack3A_626, %unpack3A_627 : vector<16xf32>
          %swap3A_629 = arith.constant 10 : i32
          %swap3A_630 = arith.index_cast %swap3A_629 : i32 to index
          %swap3A_631 = arith.constant 0 : index
          %swap3A_632 = tpu.vector_load %arg15[%swap3A_630, %swap3A_631] {strides = array<i32>} : memref<16x16xf32, #tpu.memory_space<vmem>>, vector<16xf32>,
          tpu.vector_store %arg15[%swap3A_630, %swap3A_631], %add3A_628 {strides = array<i32>} : memref<16x16xf32, #tpu.memory_space<vmem>>, vector<16xf32>,
          %add3A_633 = arith.constant 11 : i32
          %add3A_634 = arith.addi %mul3A_282, %add3A_633 : i32
          %get3A_635 = arith.index_cast %add3A_634 : i32 to index
          %get3A_636 = arith.constant 0 : index
          %get3A_637 = tpu.vector_load %arg13[%get3A_635, %get3A_636] {strides = array<i32>} : memref<304x64xi32, #tpu.memory_space<vmem>>, vector<16xi32>,
          %bitcast3A_638 = vector.bitcast %get3A_637 : vector<16xi32> to vector<32xbf16>
          %mul3A_639 = arith.mulf %bitcast3A_638, %bitcast3A_215 : vector<32xbf16>
          %get3A_640 = arith.index_cast %add3A_634 : i32 to index
          %get3A_641 = arith.constant 16 : index
          %get3A_642 = tpu.vector_load %arg13[%get3A_640, %get3A_641] {strides = array<i32>} : memref<304x64xi32, #tpu.memory_space<vmem>>, vector<16xi32>,
          %bitcast3A_643 = vector.bitcast %get3A_642 : vector<16xi32> to vector<32xbf16>
          %mul3A_644 = arith.mulf %bitcast3A_643, %bitcast3A_219 : vector<32xbf16>
          %add3A_645 = arith.addf %mul3A_639, %mul3A_644 : vector<32xbf16>
          %get3A_646 = arith.index_cast %add3A_634 : i32 to index
          %get3A_647 = arith.constant 32 : index
          %get3A_648 = tpu.vector_load %arg13[%get3A_646, %get3A_647] {strides = array<i32>} : memref<304x64xi32, #tpu.memory_space<vmem>>, vector<16xi32>,
          %bitcast3A_649 = vector.bitcast %get3A_648 : vector<16xi32> to vector<32xbf16>
          %mul3A_650 = arith.mulf %bitcast3A_649, %bitcast3A_223 : vector<32xbf16>
          %add3A_651 = arith.addf %add3A_645, %mul3A_650 : vector<32xbf16>
          %get3A_652 = arith.index_cast %add3A_634 : i32 to index
          %get3A_653 = arith.constant 48 : index
          %get3A_654 = tpu.vector_load %arg13[%get3A_652, %get3A_653] {strides = array<i32>} : memref<304x64xi32, #tpu.memory_space<vmem>>, vector<16xi32>,
          %bitcast3A_655 = vector.bitcast %get3A_654 : vector<16xi32> to vector<32xbf16>
          %mul3A_656 = arith.mulf %bitcast3A_655, %bitcast3A_227 : vector<32xbf16>
          %add3A_657 = arith.addf %add3A_651, %mul3A_656 : vector<32xbf16>
          %unpack3A_658 = tpu.unpack_subelements %add3A_657, 0 {pack_format = #tpu.pack_format<interleaved>} : vector<32xbf16> -> vector<16xf32>
          %unpack3A_659 = tpu.unpack_subelements %add3A_657, 1 {pack_format = #tpu.pack_format<interleaved>} : vector<32xbf16> -> vector<16xf32>
          %add3A_660 = arith.addf %unpack3A_658, %unpack3A_659 : vector<16xf32>
          %swap3A_661 = arith.constant 11 : i32
          %swap3A_662 = arith.index_cast %swap3A_661 : i32 to index
          %swap3A_663 = arith.constant 0 : index
          %swap3A_664 = tpu.vector_load %arg15[%swap3A_662, %swap3A_663] {strides = array<i32>} : memref<16x16xf32, #tpu.memory_space<vmem>>, vector<16xf32>,
          tpu.vector_store %arg15[%swap3A_662, %swap3A_663], %add3A_660 {strides = array<i32>} : memref<16x16xf32, #tpu.memory_space<vmem>>, vector<16xf32>,
          %add3A_665 = arith.constant 12 : i32
          %add3A_666 = arith.addi %mul3A_282, %add3A_665 : i32
          %get3A_667 = arith.index_cast %add3A_666 : i32 to index
          %get3A_668 = arith.constant 0 : index
          %get3A_669 = tpu.vector_load %arg13[%get3A_667, %get3A_668] {strides = array<i32>} : memref<304x64xi32, #tpu.memory_space<vmem>>, vector<16xi32>,
          %bitcast3A_670 = vector.bitcast %get3A_669 : vector<16xi32> to vector<32xbf16>
          %mul3A_671 = arith.mulf %bitcast3A_670, %bitcast3A_215 : vector<32xbf16>
          %get3A_672 = arith.index_cast %add3A_666 : i32 to index
          %get3A_673 = arith.constant 16 : index
          %get3A_674 = tpu.vector_load %arg13[%get3A_672, %get3A_673] {strides = array<i32>} : memref<304x64xi32, #tpu.memory_space<vmem>>, vector<16xi32>,
          %bitcast3A_675 = vector.bitcast %get3A_674 : vector<16xi32> to vector<32xbf16>
          %mul3A_676 = arith.mulf %bitcast3A_675, %bitcast3A_219 : vector<32xbf16>
          %add3A_677 = arith.addf %mul3A_671, %mul3A_676 : vector<32xbf16>
          %get3A_678 = arith.index_cast %add3A_666 : i32 to index
          %get3A_679 = arith.constant 32 : index
          %get3A_680 = tpu.vector_load %arg13[%get3A_678, %get3A_679] {strides = array<i32>} : memref<304x64xi32, #tpu.memory_space<vmem>>, vector<16xi32>,
          %bitcast3A_681 = vector.bitcast %get3A_680 : vector<16xi32> to vector<32xbf16>
          %mul3A_682 = arith.mulf %bitcast3A_681, %bitcast3A_223 : vector<32xbf16>
          %add3A_683 = arith.addf %add3A_677, %mul3A_682 : vector<32xbf16>
          %get3A_684 = arith.index_cast %add3A_666 : i32 to index
          %get3A_685 = arith.constant 48 : index
          %get3A_686 = tpu.vector_load %arg13[%get3A_684, %get3A_685] {strides = array<i32>} : memref<304x64xi32, #tpu.memory_space<vmem>>, vector<16xi32>,
          %bitcast3A_687 = vector.bitcast %get3A_686 : vector<16xi32> to vector<32xbf16>
          %mul3A_688 = arith.mulf %bitcast3A_687, %bitcast3A_227 : vector<32xbf16>
          %add3A_689 = arith.addf %add3A_683, %mul3A_688 : vector<32xbf16>
          %unpack3A_690 = tpu.unpack_subelements %add3A_689, 0 {pack_format = #tpu.pack_format<interleaved>} : vector<32xbf16> -> vector<16xf32>
          %unpack3A_691 = tpu.unpack_subelements %add3A_689, 1 {pack_format = #tpu.pack_format<interleaved>} : vector<32xbf16> -> vector<16xf32>
          %add3A_692 = arith.addf %unpack3A_690, %unpack3A_691 : vector<16xf32>
          %swap3A_693 = arith.constant 12 : i32
          %swap3A_694 = arith.index_cast %swap3A_693 : i32 to index
          %swap3A_695 = arith.constant 0 : index
          %swap3A_696 = tpu.vector_load %arg15[%swap3A_694, %swap3A_695] {strides = array<i32>} : memref<16x16xf32, #tpu.memory_space<vmem>>, vector<16xf32>,
          tpu.vector_store %arg15[%swap3A_694, %swap3A_695], %add3A_692 {strides = array<i32>} : memref<16x16xf32, #tpu.memory_space<vmem>>, vector<16xf32>,
          %add3A_697 = arith.constant 13 : i32
          %add3A_698 = arith.addi %mul3A_282, %add3A_697 : i32
          %get3A_699 = arith.index_cast %add3A_698 : i32 to index
          %get3A_700 = arith.constant 0 : index
          %get3A_701 = tpu.vector_load %arg13[%get3A_699, %get3A_700] {strides = array<i32>} : memref<304x64xi32, #tpu.memory_space<vmem>>, vector<16xi32>,
          %bitcast3A_702 = vector.bitcast %get3A_701 : vector<16xi32> to vector<32xbf16>
          %mul3A_703 = arith.mulf %bitcast3A_702, %bitcast3A_215 : vector<32xbf16>
          %get3A_704 = arith.index_cast %add3A_698 : i32 to index
          %get3A_705 = arith.constant 16 : index
          %get3A_706 = tpu.vector_load %arg13[%get3A_704, %get3A_705] {strides = array<i32>} : memref<304x64xi32, #tpu.memory_space<vmem>>, vector<16xi32>,
          %bitcast3A_707 = vector.bitcast %get3A_706 : vector<16xi32> to vector<32xbf16>
          %mul3A_708 = arith.mulf %bitcast3A_707, %bitcast3A_219 : vector<32xbf16>
          %add3A_709 = arith.addf %mul3A_703, %mul3A_708 : vector<32xbf16>
          %get3A_710 = arith.index_cast %add3A_698 : i32 to index
          %get3A_711 = arith.constant 32 : index
          %get3A_712 = tpu.vector_load %arg13[%get3A_710, %get3A_711] {strides = array<i32>} : memref<304x64xi32, #tpu.memory_space<vmem>>, vector<16xi32>,
          %bitcast3A_713 = vector.bitcast %get3A_712 : vector<16xi32> to vector<32xbf16>
          %mul3A_714 = arith.mulf %bitcast3A_713, %bitcast3A_223 : vector<32xbf16>
          %add3A_715 = arith.addf %add3A_709, %mul3A_714 : vector<32xbf16>
          %get3A_716 = arith.index_cast %add3A_698 : i32 to index
          %get3A_717 = arith.constant 48 : index
          %get3A_718 = tpu.vector_load %arg13[%get3A_716, %get3A_717] {strides = array<i32>} : memref<304x64xi32, #tpu.memory_space<vmem>>, vector<16xi32>,
          %bitcast3A_719 = vector.bitcast %get3A_718 : vector<16xi32> to vector<32xbf16>
          %mul3A_720 = arith.mulf %bitcast3A_719, %bitcast3A_227 : vector<32xbf16>
          %add3A_721 = arith.addf %add3A_715, %mul3A_720 : vector<32xbf16>
          %unpack3A_722 = tpu.unpack_subelements %add3A_721, 0 {pack_format = #tpu.pack_format<interleaved>} : vector<32xbf16> -> vector<16xf32>
          %unpack3A_723 = tpu.unpack_subelements %add3A_721, 1 {pack_format = #tpu.pack_format<interleaved>} : vector<32xbf16> -> vector<16xf32>
          %add3A_724 = arith.addf %unpack3A_722, %unpack3A_723 : vector<16xf32>
          %swap3A_725 = arith.constant 13 : i32
          %swap3A_726 = arith.index_cast %swap3A_725 : i32 to index
          %swap3A_727 = arith.constant 0 : index
          %swap3A_728 = tpu.vector_load %arg15[%swap3A_726, %swap3A_727] {strides = array<i32>} : memref<16x16xf32, #tpu.memory_space<vmem>>, vector<16xf32>,
          tpu.vector_store %arg15[%swap3A_726, %swap3A_727], %add3A_724 {strides = array<i32>} : memref<16x16xf32, #tpu.memory_space<vmem>>, vector<16xf32>,
          %add3A_729 = arith.constant 14 : i32
          %add3A_730 = arith.addi %mul3A_282, %add3A_729 : i32
          %get3A_731 = arith.index_cast %add3A_730 : i32 to index
          %get3A_732 = arith.constant 0 : index
          %get3A_733 = tpu.vector_load %arg13[%get3A_731, %get3A_732] {strides = array<i32>} : memref<304x64xi32, #tpu.memory_space<vmem>>, vector<16xi32>,
          %bitcast3A_734 = vector.bitcast %get3A_733 : vector<16xi32> to vector<32xbf16>
          %mul3A_735 = arith.mulf %bitcast3A_734, %bitcast3A_215 : vector<32xbf16>
          %get3A_736 = arith.index_cast %add3A_730 : i32 to index
          %get3A_737 = arith.constant 16 : index
          %get3A_738 = tpu.vector_load %arg13[%get3A_736, %get3A_737] {strides = array<i32>} : memref<304x64xi32, #tpu.memory_space<vmem>>, vector<16xi32>,
          %bitcast3A_739 = vector.bitcast %get3A_738 : vector<16xi32> to vector<32xbf16>
          %mul3A_740 = arith.mulf %bitcast3A_739, %bitcast3A_219 : vector<32xbf16>
          %add3A_741 = arith.addf %mul3A_735, %mul3A_740 : vector<32xbf16>
          %get3A_742 = arith.index_cast %add3A_730 : i32 to index
          %get3A_743 = arith.constant 32 : index
          %get3A_744 = tpu.vector_load %arg13[%get3A_742, %get3A_743] {strides = array<i32>} : memref<304x64xi32, #tpu.memory_space<vmem>>, vector<16xi32>,
          %bitcast3A_745 = vector.bitcast %get3A_744 : vector<16xi32> to vector<32xbf16>
          %mul3A_746 = arith.mulf %bitcast3A_745, %bitcast3A_223 : vector<32xbf16>
          %add3A_747 = arith.addf %add3A_741, %mul3A_746 : vector<32xbf16>
          %get3A_748 = arith.index_cast %add3A_730 : i32 to index
          %get3A_749 = arith.constant 48 : index
          %get3A_750 = tpu.vector_load %arg13[%get3A_748, %get3A_749] {strides = array<i32>} : memref<304x64xi32, #tpu.memory_space<vmem>>, vector<16xi32>,
          %bitcast3A_751 = vector.bitcast %get3A_750 : vector<16xi32> to vector<32xbf16>
          %mul3A_752 = arith.mulf %bitcast3A_751, %bitcast3A_227 : vector<32xbf16>
          %add3A_753 = arith.addf %add3A_747, %mul3A_752 : vector<32xbf16>
          %unpack3A_754 = tpu.unpack_subelements %add3A_753, 0 {pack_format = #tpu.pack_format<interleaved>} : vector<32xbf16> -> vector<16xf32>
          %unpack3A_755 = tpu.unpack_subelements %add3A_753, 1 {pack_format = #tpu.pack_format<interleaved>} : vector<32xbf16> -> vector<16xf32>
          %add3A_756 = arith.addf %unpack3A_754, %unpack3A_755 : vector<16xf32>
          %swap3A_757 = arith.constant 14 : i32
          %swap3A_758 = arith.index_cast %swap3A_757 : i32 to index
          %swap3A_759 = arith.constant 0 : index
          %swap3A_760 = tpu.vector_load %arg15[%swap3A_758, %swap3A_759] {strides = array<i32>} : memref<16x16xf32, #tpu.memory_space<vmem>>, vector<16xf32>,
          tpu.vector_store %arg15[%swap3A_758, %swap3A_759], %add3A_756 {strides = array<i32>} : memref<16x16xf32, #tpu.memory_space<vmem>>, vector<16xf32>,
          %add3A_761 = arith.constant 15 : i32
          %add3A_762 = arith.addi %mul3A_282, %add3A_761 : i32
          %get3A_763 = arith.index_cast %add3A_762 : i32 to index
          %get3A_764 = arith.constant 0 : index
          %get3A_765 = tpu.vector_load %arg13[%get3A_763, %get3A_764] {strides = array<i32>} : memref<304x64xi32, #tpu.memory_space<vmem>>, vector<16xi32>,
          %bitcast3A_766 = vector.bitcast %get3A_765 : vector<16xi32> to vector<32xbf16>
          %mul3A_767 = arith.mulf %bitcast3A_766, %bitcast3A_215 : vector<32xbf16>
          %get3A_768 = arith.index_cast %add3A_762 : i32 to index
          %get3A_769 = arith.constant 16 : index
          %get3A_770 = tpu.vector_load %arg13[%get3A_768, %get3A_769] {strides = array<i32>} : memref<304x64xi32, #tpu.memory_space<vmem>>, vector<16xi32>,
          %bitcast3A_771 = vector.bitcast %get3A_770 : vector<16xi32> to vector<32xbf16>
          %mul3A_772 = arith.mulf %bitcast3A_771, %bitcast3A_219 : vector<32xbf16>
          %add3A_773 = arith.addf %mul3A_767, %mul3A_772 : vector<32xbf16>
          %get3A_774 = arith.index_cast %add3A_762 : i32 to index
          %get3A_775 = arith.constant 32 : index
          %get3A_776 = tpu.vector_load %arg13[%get3A_774, %get3A_775] {strides = array<i32>} : memref<304x64xi32, #tpu.memory_space<vmem>>, vector<16xi32>,
          %bitcast3A_777 = vector.bitcast %get3A_776 : vector<16xi32> to vector<32xbf16>
          %mul3A_778 = arith.mulf %bitcast3A_777, %bitcast3A_223 : vector<32xbf16>
          %add3A_779 = arith.addf %add3A_773, %mul3A_778 : vector<32xbf16>
          %get3A_780 = arith.index_cast %add3A_762 : i32 to index
          %get3A_781 = arith.constant 48 : index
          %get3A_782 = tpu.vector_load %arg13[%get3A_780, %get3A_781] {strides = array<i32>} : memref<304x64xi32, #tpu.memory_space<vmem>>, vector<16xi32>,
          %bitcast3A_783 = vector.bitcast %get3A_782 : vector<16xi32> to vector<32xbf16>
          %mul3A_784 = arith.mulf %bitcast3A_783, %bitcast3A_227 : vector<32xbf16>
          %add3A_785 = arith.addf %add3A_779, %mul3A_784 : vector<32xbf16>
          %unpack3A_786 = tpu.unpack_subelements %add3A_785, 0 {pack_format = #tpu.pack_format<interleaved>} : vector<32xbf16> -> vector<16xf32>
          %unpack3A_787 = tpu.unpack_subelements %add3A_785, 1 {pack_format = #tpu.pack_format<interleaved>} : vector<32xbf16> -> vector<16xf32>
          %add3A_788 = arith.addf %unpack3A_786, %unpack3A_787 : vector<16xf32>
          %swap3A_789 = arith.constant 15 : i32
          %swap3A_790 = arith.index_cast %swap3A_789 : i32 to index
          %swap3A_791 = arith.constant 0 : index
          %swap3A_792 = tpu.vector_load %arg15[%swap3A_790, %swap3A_791] {strides = array<i32>} : memref<16x16xf32, #tpu.memory_space<vmem>>, vector<16xf32>,
          tpu.vector_store %arg15[%swap3A_790, %swap3A_791], %add3A_788 {strides = array<i32>} : memref<16x16xf32, #tpu.memory_space<vmem>>, vector<16xf32>,
          %broadcast_in_dim3A = arith.constant 0 : i32
          %broadcast_in_dim3A_793 = vector.broadcast %broadcast_in_dim3A : i32 to vector<16xi32>
          %gather3A = tpu.vector_load_idx %arg15[%iota3A, %broadcast_in_dim3A_793] : memref<16x16xf32, #tpu.memory_space<vmem>>[vector<16xi32>, vector<16xi32>], vector<16xf32>,
          %broadcast_in_dim3A_794 = arith.constant 1 : i32
          %broadcast_in_dim3A_795 = vector.broadcast %broadcast_in_dim3A_794 : i32 to vector<16xi32>
          %gather3A_796 = tpu.vector_load_idx %arg15[%iota3A, %broadcast_in_dim3A_795] : memref<16x16xf32, #tpu.memory_space<vmem>>[vector<16xi32>, vector<16xi32>], vector<16xf32>,
          %add3A_797 = arith.addf %gather3A, %gather3A_796 : vector<16xf32>
          %broadcast_in_dim3A_798 = arith.constant 2 : i32
          %broadcast_in_dim3A_799 = vector.broadcast %broadcast_in_dim3A_798 : i32 to vector<16xi32>
          %gather3A_800 = tpu.vector_load_idx %arg15[%iota3A, %broadcast_in_dim3A_799] : memref<16x16xf32, #tpu.memory_space<vmem>>[vector<16xi32>, vector<16xi32>], vector<16xf32>,
          %add3A_801 = arith.addf %add3A_797, %gather3A_800 : vector<16xf32>
          %broadcast_in_dim3A_802 = arith.constant 3 : i32
          %broadcast_in_dim3A_803 = vector.broadcast %broadcast_in_dim3A_802 : i32 to vector<16xi32>
          %gather3A_804 = tpu.vector_load_idx %arg15[%iota3A, %broadcast_in_dim3A_803] : memref<16x16xf32, #tpu.memory_space<vmem>>[vector<16xi32>, vector<16xi32>], vector<16xf32>,
          %add3A_805 = arith.addf %add3A_801, %gather3A_804 : vector<16xf32>
          %broadcast_in_dim3A_806 = arith.constant 4 : i32
          %broadcast_in_dim3A_807 = vector.broadcast %broadcast_in_dim3A_806 : i32 to vector<16xi32>
          %gather3A_808 = tpu.vector_load_idx %arg15[%iota3A, %broadcast_in_dim3A_807] : memref<16x16xf32, #tpu.memory_space<vmem>>[vector<16xi32>, vector<16xi32>], vector<16xf32>,
          %add3A_809 = arith.addf %add3A_805, %gather3A_808 : vector<16xf32>
          %broadcast_in_dim3A_810 = arith.constant 5 : i32
          %broadcast_in_dim3A_811 = vector.broadcast %broadcast_in_dim3A_810 : i32 to vector<16xi32>
          %gather3A_812 = tpu.vector_load_idx %arg15[%iota3A, %broadcast_in_dim3A_811] : memref<16x16xf32, #tpu.memory_space<vmem>>[vector<16xi32>, vector<16xi32>], vector<16xf32>,
          %add3A_813 = arith.addf %add3A_809, %gather3A_812 : vector<16xf32>
          %broadcast_in_dim3A_814 = arith.constant 6 : i32
          %broadcast_in_dim3A_815 = vector.broadcast %broadcast_in_dim3A_814 : i32 to vector<16xi32>
          %gather3A_816 = tpu.vector_load_idx %arg15[%iota3A, %broadcast_in_dim3A_815] : memref<16x16xf32, #tpu.memory_space<vmem>>[vector<16xi32>, vector<16xi32>], vector<16xf32>,
          %add3A_817 = arith.addf %add3A_813, %gather3A_816 : vector<16xf32>
          %broadcast_in_dim3A_818 = arith.constant 7 : i32
          %broadcast_in_dim3A_819 = vector.broadcast %broadcast_in_dim3A_818 : i32 to vector<16xi32>
          %gather3A_820 = tpu.vector_load_idx %arg15[%iota3A, %broadcast_in_dim3A_819] : memref<16x16xf32, #tpu.memory_space<vmem>>[vector<16xi32>, vector<16xi32>], vector<16xf32>,
          %add3A_821 = arith.addf %add3A_817, %gather3A_820 : vector<16xf32>
          %broadcast_in_dim3A_822 = arith.constant 8 : i32
          %broadcast_in_dim3A_823 = vector.broadcast %broadcast_in_dim3A_822 : i32 to vector<16xi32>
          %gather3A_824 = tpu.vector_load_idx %arg15[%iota3A, %broadcast_in_dim3A_823] : memref<16x16xf32, #tpu.memory_space<vmem>>[vector<16xi32>, vector<16xi32>], vector<16xf32>,
          %add3A_825 = arith.addf %add3A_821, %gather3A_824 : vector<16xf32>
          %broadcast_in_dim3A_826 = arith.constant 9 : i32
          %broadcast_in_dim3A_827 = vector.broadcast %broadcast_in_dim3A_826 : i32 to vector<16xi32>
          %gather3A_828 = tpu.vector_load_idx %arg15[%iota3A, %broadcast_in_dim3A_827] : memref<16x16xf32, #tpu.memory_space<vmem>>[vector<16xi32>, vector<16xi32>], vector<16xf32>,
          %add3A_829 = arith.addf %add3A_825, %gather3A_828 : vector<16xf32>
          %broadcast_in_dim3A_830 = arith.constant 10 : i32
          %broadcast_in_dim3A_831 = vector.broadcast %broadcast_in_dim3A_830 : i32 to vector<16xi32>
          %gather3A_832 = tpu.vector_load_idx %arg15[%iota3A, %broadcast_in_dim3A_831] : memref<16x16xf32, #tpu.memory_space<vmem>>[vector<16xi32>, vector<16xi32>], vector<16xf32>,
          %add3A_833 = arith.addf %add3A_829, %gather3A_832 : vector<16xf32>
          %broadcast_in_dim3A_834 = arith.constant 11 : i32
          %broadcast_in_dim3A_835 = vector.broadcast %broadcast_in_dim3A_834 : i32 to vector<16xi32>
          %gather3A_836 = tpu.vector_load_idx %arg15[%iota3A, %broadcast_in_dim3A_835] : memref<16x16xf32, #tpu.memory_space<vmem>>[vector<16xi32>, vector<16xi32>], vector<16xf32>,
          %add3A_837 = arith.addf %add3A_833, %gather3A_836 : vector<16xf32>
          %broadcast_in_dim3A_838 = arith.constant 12 : i32
          %broadcast_in_dim3A_839 = vector.broadcast %broadcast_in_dim3A_838 : i32 to vector<16xi32>
          %gather3A_840 = tpu.vector_load_idx %arg15[%iota3A, %broadcast_in_dim3A_839] : memref<16x16xf32, #tpu.memory_space<vmem>>[vector<16xi32>, vector<16xi32>], vector<16xf32>,
          %add3A_841 = arith.addf %add3A_837, %gather3A_840 : vector<16xf32>
          %broadcast_in_dim3A_842 = arith.constant 13 : i32
          %broadcast_in_dim3A_843 = vector.broadcast %broadcast_in_dim3A_842 : i32 to vector<16xi32>
          %gather3A_844 = tpu.vector_load_idx %arg15[%iota3A, %broadcast_in_dim3A_843] : memref<16x16xf32, #tpu.memory_space<vmem>>[vector<16xi32>, vector<16xi32>], vector<16xf32>,
          %add3A_845 = arith.addf %add3A_841, %gather3A_844 : vector<16xf32>
          %broadcast_in_dim3A_846 = arith.constant 14 : i32
          %broadcast_in_dim3A_847 = vector.broadcast %broadcast_in_dim3A_846 : i32 to vector<16xi32>
          %gather3A_848 = tpu.vector_load_idx %arg15[%iota3A, %broadcast_in_dim3A_847] : memref<16x16xf32, #tpu.memory_space<vmem>>[vector<16xi32>, vector<16xi32>], vector<16xf32>,
          %add3A_849 = arith.addf %add3A_845, %gather3A_848 : vector<16xf32>
          %broadcast_in_dim3A_850 = arith.constant 15 : i32
          %broadcast_in_dim3A_851 = vector.broadcast %broadcast_in_dim3A_850 : i32 to vector<16xi32>
          %gather3A_852 = tpu.vector_load_idx %arg15[%iota3A, %broadcast_in_dim3A_851] : memref<16x16xf32, #tpu.memory_space<vmem>>[vector<16xi32>, vector<16xi32>], vector<16xf32>,
          %add3A_853 = arith.addf %add3A_849, %gather3A_852 : vector<16xf32>
          %mul3A_854 = arith.constant 304 : i32
          %mul3A_855 = arith.muli %add3A_205, %mul3A_854 : i32
          %add3A_856 = arith.addi %mul3A_855, %mul3A_282 : i32
          %swap3A_857 = arith.index_cast %add3A_856 : i32 to index
          %swap3A_858 = tpu.vector_load %arg16[%swap3A_857] {strides = array<i32>} : memref<9728xf32, #tpu.memory_space<vmem>>, vector<16xf32>,
          tpu.vector_store %arg16[%swap3A_857], %add3A_853 {strides = array<i32>} : memref<9728xf32, #tpu.memory_space<vmem>>, vector<16xf32>,
        }
        %scan3A_233 = arith.constant 19 : i32
        %add3A_234 = arith.constant 4 : i32
        %add3A_235 = arith.addi %add3A_205, %add3A_234 : i32
        %lt3A_236 = arith.constant 32 : i32
        %lt3A_237 = arith.cmpi slt, %add3A_235, %lt3A_236 : i32
        %convert_element_type3A_238 = arith.extui %lt3A_237 : i1 to i32
        %cond3A_239 = arith.constant 0 : i32
        %cond3A_240 = arith.cmpi ne, %convert_element_type3A_238, %cond3A_239 : i32
        scf.if %cond3A_240 {
          %add3A_280 = arith.constant 4 : i32
          %add3A_281 = arith.addi %add3A_205, %add3A_280 : i32
          %mul3A_282 = arith.constant 304 : i32
          %mul3A_283 = arith.muli %add3A_281, %mul3A_282 : i32
          %add3A_284 = arith.constant 0 : i32
          %add3A_285 = arith.addi %mul3A_283, %add3A_284 : i32
          %dma_start3A_286 = arith.constant 0 : i32
          %dma_start3A_287 = arith.constant 0 : i32
          %dma_start3A_288 = tpu.memref_slice %arg13[%dma_start3A_286, %dma_start3A_287] : memref<304x64xi32, #tpu.memory_space<vmem>> -> memref<128x64xi32, #tpu.memory_space<vmem>>
          %dma_start3A_289 = tpu.memref_slice %arg8[%add3A_285] : memref<9728xi32, #tpu.memory_space<vmem>> -> memref<128xi32, #tpu.memory_space<vmem>>
          %dma_start3A_290 = arith.constant 0 : i32
          %dma_start3A_291 = arith.constant 0 : i32
          %dma_start3A_292 = tpu.memref_slice %arg5[%dma_start3A_290, %dma_start3A_291] : memref<100000x64xi32, #tpu.memory_space<hbm>> -> memref<100000x64xi32, #tpu.memory_space<hbm>>
          tpu.enqueue_indirect_dma source(%dma_start3A_292 : memref<100000x64xi32, #tpu.memory_space<hbm>>) target(%dma_start3A_288 : memref<128x64xi32, #tpu.memory_space<vmem>>) offsets(%dma_start3A_289 : memref<128xi32, #tpu.memory_space<vmem>>) semaphore(%arg19 : memref<!tpu.dma_semaphore, #tpu.memory_space<semaphore_mem>>)
          %add3A_293 = arith.constant 128 : i32
          %add3A_294 = arith.addi %mul3A_283, %add3A_293 : i32
          %dma_start3A_295 = arith.constant 128 : i32
          %dma_start3A_296 = arith.constant 0 : i32
          %dma_start3A_297 = tpu.memref_slice %arg13[%dma_start3A_295, %dma_start3A_296] : memref<304x64xi32, #tpu.memory_space<vmem>> -> memref<128x64xi32, #tpu.memory_space<vmem>>
          %dma_start3A_298 = tpu.memref_slice %arg8[%add3A_294] : memref<9728xi32, #tpu.memory_space<vmem>> -> memref<128xi32, #tpu.memory_space<vmem>>
          %dma_start3A_299 = arith.constant 0 : i32
          %dma_start3A_300 = arith.constant 0 : i32
          %dma_start3A_301 = tpu.memref_slice %arg5[%dma_start3A_299, %dma_start3A_300] : memref<100000x64xi32, #tpu.memory_space<hbm>> -> memref<100000x64xi32, #tpu.memory_space<hbm>>
          tpu.enqueue_indirect_dma source(%dma_start3A_301 : memref<100000x64xi32, #tpu.memory_space<hbm>>) target(%dma_start3A_297 : memref<128x64xi32, #tpu.memory_space<vmem>>) offsets(%dma_start3A_298 : memref<128xi32, #tpu.memory_space<vmem>>) semaphore(%arg19 : memref<!tpu.dma_semaphore, #tpu.memory_space<semaphore_mem>>)
          %add3A_302 = arith.constant 256 : i32
          %add3A_303 = arith.addi %mul3A_283, %add3A_302 : i32
          %dma_start3A_304 = arith.constant 256 : i32
          %dma_start3A_305 = arith.constant 0 : i32
          %dma_start3A_306 = tpu.memref_slice %arg13[%dma_start3A_304, %dma_start3A_305] : memref<304x64xi32, #tpu.memory_space<vmem>> -> memref<48x64xi32, #tpu.memory_space<vmem>>
          %dma_start3A_307 = tpu.memref_slice %arg8[%add3A_303] : memref<9728xi32, #tpu.memory_space<vmem>> -> memref<48xi32, #tpu.memory_space<vmem>>
          %dma_start3A_308 = arith.constant 0 : i32
          %dma_start3A_309 = arith.constant 0 : i32
          %dma_start3A_310 = tpu.memref_slice %arg5[%dma_start3A_308, %dma_start3A_309] : memref<100000x64xi32, #tpu.memory_space<hbm>> -> memref<100000x64xi32, #tpu.memory_space<hbm>>
          tpu.enqueue_indirect_dma source(%dma_start3A_310 : memref<100000x64xi32, #tpu.memory_space<hbm>>) target(%dma_start3A_306 : memref<48x64xi32, #tpu.memory_space<vmem>>) offsets(%dma_start3A_307 : memref<48xi32, #tpu.memory_space<vmem>>) semaphore(%arg19 : memref<!tpu.dma_semaphore, #tpu.memory_space<semaphore_mem>>)
        } else {
        }
        %mul3A_241 = arith.constant 4 : i32
        %mul3A_242 = arith.muli %mul3A_241, %scan3A_128 : i32
        %add3A_243 = arith.constant 3 : i32
        %add3A_244 = arith.addi %mul3A_242, %add3A_243 : i32
        %dma_wait3A_245 = arith.constant 0 : i32
        %dma_wait3A_246 = arith.constant 0 : i32
        %dma_wait3A_247 = tpu.memref_slice %arg5[%dma_wait3A_245, %dma_wait3A_246] : memref<100000x64xi32, #tpu.memory_space<hbm>> -> memref<304x64xi32, #tpu.memory_space<hbm>>
        %dma_wait3A_248 = arith.constant 0 : i32
        %dma_wait3A_249 = arith.constant 0 : i32
        %dma_wait3A_250 = tpu.memref_slice %arg5[%dma_wait3A_248, %dma_wait3A_249] : memref<100000x64xi32, #tpu.memory_space<hbm>> -> memref<304x64xi32, #tpu.memory_space<hbm>>
        tpu.wait_dma2 semaphore(%arg20 : memref<!tpu.dma_semaphore, #tpu.memory_space<semaphore_mem>>) src(%dma_wait3A_250 : memref<304x64xi32, #tpu.memory_space<hbm>>) dst(%arg14 : memref<304x64xi32, #tpu.memory_space<vmem>>)
        %get3A_251 = arith.index_cast %add3A_244 : i32 to index
        %get3A_252 = arith.constant 0 : index
        %get3A_253 = tpu.vector_load %arg10[%get3A_251, %get3A_252] {strides = array<i32>} : memref<32x64xi32, #tpu.memory_space<vmem>>, vector<16xi32>,
        %bitcast3A_254 = vector.bitcast %get3A_253 : vector<16xi32> to vector<32xbf16>
        %get3A_255 = arith.index_cast %add3A_244 : i32 to index
        %get3A_256 = arith.constant 16 : index
        %get3A_257 = tpu.vector_load %arg10[%get3A_255, %get3A_256] {strides = array<i32>} : memref<32x64xi32, #tpu.memory_space<vmem>>, vector<16xi32>,
        %bitcast3A_258 = vector.bitcast %get3A_257 : vector<16xi32> to vector<32xbf16>
        %get3A_259 = arith.index_cast %add3A_244 : i32 to index
        %get3A_260 = arith.constant 32 : index
        %get3A_261 = tpu.vector_load %arg10[%get3A_259, %get3A_260] {strides = array<i32>} : memref<32x64xi32, #tpu.memory_space<vmem>>, vector<16xi32>,
        %bitcast3A_262 = vector.bitcast %get3A_261 : vector<16xi32> to vector<32xbf16>
        %get3A_263 = arith.index_cast %add3A_244 : i32 to index
        %get3A_264 = arith.constant 48 : index
        %get3A_265 = tpu.vector_load %arg10[%get3A_263, %get3A_264] {strides = array<i32>} : memref<32x64xi32, #tpu.memory_space<vmem>>, vector<16xi32>,
        %bitcast3A_266 = vector.bitcast %get3A_265 : vector<16xi32> to vector<32xbf16>
        %scan3A_267 = arith.constant 0 : i32
        %scan3A_268 = arith.constant 0 : i32
        %scan3A_269 = arith.constant 19 : i32
        %scan3A_270 = arith.addi %scan3A_268, %scan3A_269 : i32
        %scan3A_271 = arith.constant 1 : i32
        scf.for %scan3A_280 = %scan3A_268 to %scan3A_270 step %scan3A_271  : i32 {
          %mul3A_281 = arith.constant 16 : i32
          %mul3A_282 = arith.muli %scan3A_280, %mul3A_281 : i32
          %add3A_283 = arith.constant 0 : i32
          %add3A_284 = arith.addi %mul3A_282, %add3A_283 : i32
          %get3A_285 = arith.index_cast %add3A_284 : i32 to index
          %get3A_286 = arith.constant 0 : index
          %get3A_287 = tpu.vector_load %arg14[%get3A_285, %get3A_286] {strides = array<i32>} : memref<304x64xi32, #tpu.memory_space<vmem>>, vector<16xi32>,
          %bitcast3A_288 = vector.bitcast %get3A_287 : vector<16xi32> to vector<32xbf16>
          %mul3A_289 = arith.mulf %bitcast3A_288, %bitcast3A_254 : vector<32xbf16>
          %get3A_290 = arith.index_cast %add3A_284 : i32 to index
          %get3A_291 = arith.constant 16 : index
          %get3A_292 = tpu.vector_load %arg14[%get3A_290, %get3A_291] {strides = array<i32>} : memref<304x64xi32, #tpu.memory_space<vmem>>, vector<16xi32>,
          %bitcast3A_293 = vector.bitcast %get3A_292 : vector<16xi32> to vector<32xbf16>
          %mul3A_294 = arith.mulf %bitcast3A_293, %bitcast3A_258 : vector<32xbf16>
          %add3A_295 = arith.addf %mul3A_289, %mul3A_294 : vector<32xbf16>
          %get3A_296 = arith.index_cast %add3A_284 : i32 to index
          %get3A_297 = arith.constant 32 : index
          %get3A_298 = tpu.vector_load %arg14[%get3A_296, %get3A_297] {strides = array<i32>} : memref<304x64xi32, #tpu.memory_space<vmem>>, vector<16xi32>,
          %bitcast3A_299 = vector.bitcast %get3A_298 : vector<16xi32> to vector<32xbf16>
          %mul3A_300 = arith.mulf %bitcast3A_299, %bitcast3A_262 : vector<32xbf16>
          %add3A_301 = arith.addf %add3A_295, %mul3A_300 : vector<32xbf16>
          %get3A_302 = arith.index_cast %add3A_284 : i32 to index
          %get3A_303 = arith.constant 48 : index
          %get3A_304 = tpu.vector_load %arg14[%get3A_302, %get3A_303] {strides = array<i32>} : memref<304x64xi32, #tpu.memory_space<vmem>>, vector<16xi32>,
          %bitcast3A_305 = vector.bitcast %get3A_304 : vector<16xi32> to vector<32xbf16>
          %mul3A_306 = arith.mulf %bitcast3A_305, %bitcast3A_266 : vector<32xbf16>
          %add3A_307 = arith.addf %add3A_301, %mul3A_306 : vector<32xbf16>
          %unpack3A = tpu.unpack_subelements %add3A_307, 0 {pack_format = #tpu.pack_format<interleaved>} : vector<32xbf16> -> vector<16xf32>
          %unpack3A_308 = tpu.unpack_subelements %add3A_307, 1 {pack_format = #tpu.pack_format<interleaved>} : vector<32xbf16> -> vector<16xf32>
          %add3A_309 = arith.addf %unpack3A, %unpack3A_308 : vector<16xf32>
          %swap3A = arith.constant 0 : i32
          %swap3A_310 = arith.index_cast %swap3A : i32 to index
          %swap3A_311 = arith.constant 0 : index
          %swap3A_312 = tpu.vector_load %arg15[%swap3A_310, %swap3A_311] {strides = array<i32>} : memref<16x16xf32, #tpu.memory_space<vmem>>, vector<16xf32>,
          tpu.vector_store %arg15[%swap3A_310, %swap3A_311], %add3A_309 {strides = array<i32>} : memref<16x16xf32, #tpu.memory_space<vmem>>, vector<16xf32>,
          %add3A_313 = arith.constant 1 : i32
          %add3A_314 = arith.addi %mul3A_282, %add3A_313 : i32
          %get3A_315 = arith.index_cast %add3A_314 : i32 to index
          %get3A_316 = arith.constant 0 : index
          %get3A_317 = tpu.vector_load %arg14[%get3A_315, %get3A_316] {strides = array<i32>} : memref<304x64xi32, #tpu.memory_space<vmem>>, vector<16xi32>,
          %bitcast3A_318 = vector.bitcast %get3A_317 : vector<16xi32> to vector<32xbf16>
          %mul3A_319 = arith.mulf %bitcast3A_318, %bitcast3A_254 : vector<32xbf16>
          %get3A_320 = arith.index_cast %add3A_314 : i32 to index
          %get3A_321 = arith.constant 16 : index
          %get3A_322 = tpu.vector_load %arg14[%get3A_320, %get3A_321] {strides = array<i32>} : memref<304x64xi32, #tpu.memory_space<vmem>>, vector<16xi32>,
          %bitcast3A_323 = vector.bitcast %get3A_322 : vector<16xi32> to vector<32xbf16>
          %mul3A_324 = arith.mulf %bitcast3A_323, %bitcast3A_258 : vector<32xbf16>
          %add3A_325 = arith.addf %mul3A_319, %mul3A_324 : vector<32xbf16>
          %get3A_326 = arith.index_cast %add3A_314 : i32 to index
          %get3A_327 = arith.constant 32 : index
          %get3A_328 = tpu.vector_load %arg14[%get3A_326, %get3A_327] {strides = array<i32>} : memref<304x64xi32, #tpu.memory_space<vmem>>, vector<16xi32>,
          %bitcast3A_329 = vector.bitcast %get3A_328 : vector<16xi32> to vector<32xbf16>
          %mul3A_330 = arith.mulf %bitcast3A_329, %bitcast3A_262 : vector<32xbf16>
          %add3A_331 = arith.addf %add3A_325, %mul3A_330 : vector<32xbf16>
          %get3A_332 = arith.index_cast %add3A_314 : i32 to index
          %get3A_333 = arith.constant 48 : index
          %get3A_334 = tpu.vector_load %arg14[%get3A_332, %get3A_333] {strides = array<i32>} : memref<304x64xi32, #tpu.memory_space<vmem>>, vector<16xi32>,
          %bitcast3A_335 = vector.bitcast %get3A_334 : vector<16xi32> to vector<32xbf16>
          %mul3A_336 = arith.mulf %bitcast3A_335, %bitcast3A_266 : vector<32xbf16>
          %add3A_337 = arith.addf %add3A_331, %mul3A_336 : vector<32xbf16>
          %unpack3A_338 = tpu.unpack_subelements %add3A_337, 0 {pack_format = #tpu.pack_format<interleaved>} : vector<32xbf16> -> vector<16xf32>
          %unpack3A_339 = tpu.unpack_subelements %add3A_337, 1 {pack_format = #tpu.pack_format<interleaved>} : vector<32xbf16> -> vector<16xf32>
          %add3A_340 = arith.addf %unpack3A_338, %unpack3A_339 : vector<16xf32>
          %swap3A_341 = arith.constant 1 : i32
          %swap3A_342 = arith.index_cast %swap3A_341 : i32 to index
          %swap3A_343 = arith.constant 0 : index
          %swap3A_344 = tpu.vector_load %arg15[%swap3A_342, %swap3A_343] {strides = array<i32>} : memref<16x16xf32, #tpu.memory_space<vmem>>, vector<16xf32>,
          tpu.vector_store %arg15[%swap3A_342, %swap3A_343], %add3A_340 {strides = array<i32>} : memref<16x16xf32, #tpu.memory_space<vmem>>, vector<16xf32>,
          %add3A_345 = arith.constant 2 : i32
          %add3A_346 = arith.addi %mul3A_282, %add3A_345 : i32
          %get3A_347 = arith.index_cast %add3A_346 : i32 to index
          %get3A_348 = arith.constant 0 : index
          %get3A_349 = tpu.vector_load %arg14[%get3A_347, %get3A_348] {strides = array<i32>} : memref<304x64xi32, #tpu.memory_space<vmem>>, vector<16xi32>,
          %bitcast3A_350 = vector.bitcast %get3A_349 : vector<16xi32> to vector<32xbf16>
          %mul3A_351 = arith.mulf %bitcast3A_350, %bitcast3A_254 : vector<32xbf16>
          %get3A_352 = arith.index_cast %add3A_346 : i32 to index
          %get3A_353 = arith.constant 16 : index
          %get3A_354 = tpu.vector_load %arg14[%get3A_352, %get3A_353] {strides = array<i32>} : memref<304x64xi32, #tpu.memory_space<vmem>>, vector<16xi32>,
          %bitcast3A_355 = vector.bitcast %get3A_354 : vector<16xi32> to vector<32xbf16>
          %mul3A_356 = arith.mulf %bitcast3A_355, %bitcast3A_258 : vector<32xbf16>
          %add3A_357 = arith.addf %mul3A_351, %mul3A_356 : vector<32xbf16>
          %get3A_358 = arith.index_cast %add3A_346 : i32 to index
          %get3A_359 = arith.constant 32 : index
          %get3A_360 = tpu.vector_load %arg14[%get3A_358, %get3A_359] {strides = array<i32>} : memref<304x64xi32, #tpu.memory_space<vmem>>, vector<16xi32>,
          %bitcast3A_361 = vector.bitcast %get3A_360 : vector<16xi32> to vector<32xbf16>
          %mul3A_362 = arith.mulf %bitcast3A_361, %bitcast3A_262 : vector<32xbf16>
          %add3A_363 = arith.addf %add3A_357, %mul3A_362 : vector<32xbf16>
          %get3A_364 = arith.index_cast %add3A_346 : i32 to index
          %get3A_365 = arith.constant 48 : index
          %get3A_366 = tpu.vector_load %arg14[%get3A_364, %get3A_365] {strides = array<i32>} : memref<304x64xi32, #tpu.memory_space<vmem>>, vector<16xi32>,
          %bitcast3A_367 = vector.bitcast %get3A_366 : vector<16xi32> to vector<32xbf16>
          %mul3A_368 = arith.mulf %bitcast3A_367, %bitcast3A_266 : vector<32xbf16>
          %add3A_369 = arith.addf %add3A_363, %mul3A_368 : vector<32xbf16>
          %unpack3A_370 = tpu.unpack_subelements %add3A_369, 0 {pack_format = #tpu.pack_format<interleaved>} : vector<32xbf16> -> vector<16xf32>
          %unpack3A_371 = tpu.unpack_subelements %add3A_369, 1 {pack_format = #tpu.pack_format<interleaved>} : vector<32xbf16> -> vector<16xf32>
          %add3A_372 = arith.addf %unpack3A_370, %unpack3A_371 : vector<16xf32>
          %swap3A_373 = arith.constant 2 : i32
          %swap3A_374 = arith.index_cast %swap3A_373 : i32 to index
          %swap3A_375 = arith.constant 0 : index
          %swap3A_376 = tpu.vector_load %arg15[%swap3A_374, %swap3A_375] {strides = array<i32>} : memref<16x16xf32, #tpu.memory_space<vmem>>, vector<16xf32>,
          tpu.vector_store %arg15[%swap3A_374, %swap3A_375], %add3A_372 {strides = array<i32>} : memref<16x16xf32, #tpu.memory_space<vmem>>, vector<16xf32>,
          %add3A_377 = arith.constant 3 : i32
          %add3A_378 = arith.addi %mul3A_282, %add3A_377 : i32
          %get3A_379 = arith.index_cast %add3A_378 : i32 to index
          %get3A_380 = arith.constant 0 : index
          %get3A_381 = tpu.vector_load %arg14[%get3A_379, %get3A_380] {strides = array<i32>} : memref<304x64xi32, #tpu.memory_space<vmem>>, vector<16xi32>,
          %bitcast3A_382 = vector.bitcast %get3A_381 : vector<16xi32> to vector<32xbf16>
          %mul3A_383 = arith.mulf %bitcast3A_382, %bitcast3A_254 : vector<32xbf16>
          %get3A_384 = arith.index_cast %add3A_378 : i32 to index
          %get3A_385 = arith.constant 16 : index
          %get3A_386 = tpu.vector_load %arg14[%get3A_384, %get3A_385] {strides = array<i32>} : memref<304x64xi32, #tpu.memory_space<vmem>>, vector<16xi32>,
          %bitcast3A_387 = vector.bitcast %get3A_386 : vector<16xi32> to vector<32xbf16>
          %mul3A_388 = arith.mulf %bitcast3A_387, %bitcast3A_258 : vector<32xbf16>
          %add3A_389 = arith.addf %mul3A_383, %mul3A_388 : vector<32xbf16>
          %get3A_390 = arith.index_cast %add3A_378 : i32 to index
          %get3A_391 = arith.constant 32 : index
          %get3A_392 = tpu.vector_load %arg14[%get3A_390, %get3A_391] {strides = array<i32>} : memref<304x64xi32, #tpu.memory_space<vmem>>, vector<16xi32>,
          %bitcast3A_393 = vector.bitcast %get3A_392 : vector<16xi32> to vector<32xbf16>
          %mul3A_394 = arith.mulf %bitcast3A_393, %bitcast3A_262 : vector<32xbf16>
          %add3A_395 = arith.addf %add3A_389, %mul3A_394 : vector<32xbf16>
          %get3A_396 = arith.index_cast %add3A_378 : i32 to index
          %get3A_397 = arith.constant 48 : index
          %get3A_398 = tpu.vector_load %arg14[%get3A_396, %get3A_397] {strides = array<i32>} : memref<304x64xi32, #tpu.memory_space<vmem>>, vector<16xi32>,
          %bitcast3A_399 = vector.bitcast %get3A_398 : vector<16xi32> to vector<32xbf16>
          %mul3A_400 = arith.mulf %bitcast3A_399, %bitcast3A_266 : vector<32xbf16>
          %add3A_401 = arith.addf %add3A_395, %mul3A_400 : vector<32xbf16>
          %unpack3A_402 = tpu.unpack_subelements %add3A_401, 0 {pack_format = #tpu.pack_format<interleaved>} : vector<32xbf16> -> vector<16xf32>
          %unpack3A_403 = tpu.unpack_subelements %add3A_401, 1 {pack_format = #tpu.pack_format<interleaved>} : vector<32xbf16> -> vector<16xf32>
          %add3A_404 = arith.addf %unpack3A_402, %unpack3A_403 : vector<16xf32>
          %swap3A_405 = arith.constant 3 : i32
          %swap3A_406 = arith.index_cast %swap3A_405 : i32 to index
          %swap3A_407 = arith.constant 0 : index
          %swap3A_408 = tpu.vector_load %arg15[%swap3A_406, %swap3A_407] {strides = array<i32>} : memref<16x16xf32, #tpu.memory_space<vmem>>, vector<16xf32>,
          tpu.vector_store %arg15[%swap3A_406, %swap3A_407], %add3A_404 {strides = array<i32>} : memref<16x16xf32, #tpu.memory_space<vmem>>, vector<16xf32>,
          %add3A_409 = arith.constant 4 : i32
          %add3A_410 = arith.addi %mul3A_282, %add3A_409 : i32
          %get3A_411 = arith.index_cast %add3A_410 : i32 to index
          %get3A_412 = arith.constant 0 : index
          %get3A_413 = tpu.vector_load %arg14[%get3A_411, %get3A_412] {strides = array<i32>} : memref<304x64xi32, #tpu.memory_space<vmem>>, vector<16xi32>,
          %bitcast3A_414 = vector.bitcast %get3A_413 : vector<16xi32> to vector<32xbf16>
          %mul3A_415 = arith.mulf %bitcast3A_414, %bitcast3A_254 : vector<32xbf16>
          %get3A_416 = arith.index_cast %add3A_410 : i32 to index
          %get3A_417 = arith.constant 16 : index
          %get3A_418 = tpu.vector_load %arg14[%get3A_416, %get3A_417] {strides = array<i32>} : memref<304x64xi32, #tpu.memory_space<vmem>>, vector<16xi32>,
          %bitcast3A_419 = vector.bitcast %get3A_418 : vector<16xi32> to vector<32xbf16>
          %mul3A_420 = arith.mulf %bitcast3A_419, %bitcast3A_258 : vector<32xbf16>
          %add3A_421 = arith.addf %mul3A_415, %mul3A_420 : vector<32xbf16>
          %get3A_422 = arith.index_cast %add3A_410 : i32 to index
          %get3A_423 = arith.constant 32 : index
          %get3A_424 = tpu.vector_load %arg14[%get3A_422, %get3A_423] {strides = array<i32>} : memref<304x64xi32, #tpu.memory_space<vmem>>, vector<16xi32>,
          %bitcast3A_425 = vector.bitcast %get3A_424 : vector<16xi32> to vector<32xbf16>
          %mul3A_426 = arith.mulf %bitcast3A_425, %bitcast3A_262 : vector<32xbf16>
          %add3A_427 = arith.addf %add3A_421, %mul3A_426 : vector<32xbf16>
          %get3A_428 = arith.index_cast %add3A_410 : i32 to index
          %get3A_429 = arith.constant 48 : index
          %get3A_430 = tpu.vector_load %arg14[%get3A_428, %get3A_429] {strides = array<i32>} : memref<304x64xi32, #tpu.memory_space<vmem>>, vector<16xi32>,
          %bitcast3A_431 = vector.bitcast %get3A_430 : vector<16xi32> to vector<32xbf16>
          %mul3A_432 = arith.mulf %bitcast3A_431, %bitcast3A_266 : vector<32xbf16>
          %add3A_433 = arith.addf %add3A_427, %mul3A_432 : vector<32xbf16>
          %unpack3A_434 = tpu.unpack_subelements %add3A_433, 0 {pack_format = #tpu.pack_format<interleaved>} : vector<32xbf16> -> vector<16xf32>
          %unpack3A_435 = tpu.unpack_subelements %add3A_433, 1 {pack_format = #tpu.pack_format<interleaved>} : vector<32xbf16> -> vector<16xf32>
          %add3A_436 = arith.addf %unpack3A_434, %unpack3A_435 : vector<16xf32>
          %swap3A_437 = arith.constant 4 : i32
          %swap3A_438 = arith.index_cast %swap3A_437 : i32 to index
          %swap3A_439 = arith.constant 0 : index
          %swap3A_440 = tpu.vector_load %arg15[%swap3A_438, %swap3A_439] {strides = array<i32>} : memref<16x16xf32, #tpu.memory_space<vmem>>, vector<16xf32>,
          tpu.vector_store %arg15[%swap3A_438, %swap3A_439], %add3A_436 {strides = array<i32>} : memref<16x16xf32, #tpu.memory_space<vmem>>, vector<16xf32>,
          %add3A_441 = arith.constant 5 : i32
          %add3A_442 = arith.addi %mul3A_282, %add3A_441 : i32
          %get3A_443 = arith.index_cast %add3A_442 : i32 to index
          %get3A_444 = arith.constant 0 : index
          %get3A_445 = tpu.vector_load %arg14[%get3A_443, %get3A_444] {strides = array<i32>} : memref<304x64xi32, #tpu.memory_space<vmem>>, vector<16xi32>,
          %bitcast3A_446 = vector.bitcast %get3A_445 : vector<16xi32> to vector<32xbf16>
          %mul3A_447 = arith.mulf %bitcast3A_446, %bitcast3A_254 : vector<32xbf16>
          %get3A_448 = arith.index_cast %add3A_442 : i32 to index
          %get3A_449 = arith.constant 16 : index
          %get3A_450 = tpu.vector_load %arg14[%get3A_448, %get3A_449] {strides = array<i32>} : memref<304x64xi32, #tpu.memory_space<vmem>>, vector<16xi32>,
          %bitcast3A_451 = vector.bitcast %get3A_450 : vector<16xi32> to vector<32xbf16>
          %mul3A_452 = arith.mulf %bitcast3A_451, %bitcast3A_258 : vector<32xbf16>
          %add3A_453 = arith.addf %mul3A_447, %mul3A_452 : vector<32xbf16>
          %get3A_454 = arith.index_cast %add3A_442 : i32 to index
          %get3A_455 = arith.constant 32 : index
          %get3A_456 = tpu.vector_load %arg14[%get3A_454, %get3A_455] {strides = array<i32>} : memref<304x64xi32, #tpu.memory_space<vmem>>, vector<16xi32>,
          %bitcast3A_457 = vector.bitcast %get3A_456 : vector<16xi32> to vector<32xbf16>
          %mul3A_458 = arith.mulf %bitcast3A_457, %bitcast3A_262 : vector<32xbf16>
          %add3A_459 = arith.addf %add3A_453, %mul3A_458 : vector<32xbf16>
          %get3A_460 = arith.index_cast %add3A_442 : i32 to index
          %get3A_461 = arith.constant 48 : index
          %get3A_462 = tpu.vector_load %arg14[%get3A_460, %get3A_461] {strides = array<i32>} : memref<304x64xi32, #tpu.memory_space<vmem>>, vector<16xi32>,
          %bitcast3A_463 = vector.bitcast %get3A_462 : vector<16xi32> to vector<32xbf16>
          %mul3A_464 = arith.mulf %bitcast3A_463, %bitcast3A_266 : vector<32xbf16>
          %add3A_465 = arith.addf %add3A_459, %mul3A_464 : vector<32xbf16>
          %unpack3A_466 = tpu.unpack_subelements %add3A_465, 0 {pack_format = #tpu.pack_format<interleaved>} : vector<32xbf16> -> vector<16xf32>
          %unpack3A_467 = tpu.unpack_subelements %add3A_465, 1 {pack_format = #tpu.pack_format<interleaved>} : vector<32xbf16> -> vector<16xf32>
          %add3A_468 = arith.addf %unpack3A_466, %unpack3A_467 : vector<16xf32>
          %swap3A_469 = arith.constant 5 : i32
          %swap3A_470 = arith.index_cast %swap3A_469 : i32 to index
          %swap3A_471 = arith.constant 0 : index
          %swap3A_472 = tpu.vector_load %arg15[%swap3A_470, %swap3A_471] {strides = array<i32>} : memref<16x16xf32, #tpu.memory_space<vmem>>, vector<16xf32>,
          tpu.vector_store %arg15[%swap3A_470, %swap3A_471], %add3A_468 {strides = array<i32>} : memref<16x16xf32, #tpu.memory_space<vmem>>, vector<16xf32>,
          %add3A_473 = arith.constant 6 : i32
          %add3A_474 = arith.addi %mul3A_282, %add3A_473 : i32
          %get3A_475 = arith.index_cast %add3A_474 : i32 to index
          %get3A_476 = arith.constant 0 : index
          %get3A_477 = tpu.vector_load %arg14[%get3A_475, %get3A_476] {strides = array<i32>} : memref<304x64xi32, #tpu.memory_space<vmem>>, vector<16xi32>,
          %bitcast3A_478 = vector.bitcast %get3A_477 : vector<16xi32> to vector<32xbf16>
          %mul3A_479 = arith.mulf %bitcast3A_478, %bitcast3A_254 : vector<32xbf16>
          %get3A_480 = arith.index_cast %add3A_474 : i32 to index
          %get3A_481 = arith.constant 16 : index
          %get3A_482 = tpu.vector_load %arg14[%get3A_480, %get3A_481] {strides = array<i32>} : memref<304x64xi32, #tpu.memory_space<vmem>>, vector<16xi32>,
          %bitcast3A_483 = vector.bitcast %get3A_482 : vector<16xi32> to vector<32xbf16>
          %mul3A_484 = arith.mulf %bitcast3A_483, %bitcast3A_258 : vector<32xbf16>
          %add3A_485 = arith.addf %mul3A_479, %mul3A_484 : vector<32xbf16>
          %get3A_486 = arith.index_cast %add3A_474 : i32 to index
          %get3A_487 = arith.constant 32 : index
          %get3A_488 = tpu.vector_load %arg14[%get3A_486, %get3A_487] {strides = array<i32>} : memref<304x64xi32, #tpu.memory_space<vmem>>, vector<16xi32>,
          %bitcast3A_489 = vector.bitcast %get3A_488 : vector<16xi32> to vector<32xbf16>
          %mul3A_490 = arith.mulf %bitcast3A_489, %bitcast3A_262 : vector<32xbf16>
          %add3A_491 = arith.addf %add3A_485, %mul3A_490 : vector<32xbf16>
          %get3A_492 = arith.index_cast %add3A_474 : i32 to index
          %get3A_493 = arith.constant 48 : index
          %get3A_494 = tpu.vector_load %arg14[%get3A_492, %get3A_493] {strides = array<i32>} : memref<304x64xi32, #tpu.memory_space<vmem>>, vector<16xi32>,
          %bitcast3A_495 = vector.bitcast %get3A_494 : vector<16xi32> to vector<32xbf16>
          %mul3A_496 = arith.mulf %bitcast3A_495, %bitcast3A_266 : vector<32xbf16>
          %add3A_497 = arith.addf %add3A_491, %mul3A_496 : vector<32xbf16>
          %unpack3A_498 = tpu.unpack_subelements %add3A_497, 0 {pack_format = #tpu.pack_format<interleaved>} : vector<32xbf16> -> vector<16xf32>
          %unpack3A_499 = tpu.unpack_subelements %add3A_497, 1 {pack_format = #tpu.pack_format<interleaved>} : vector<32xbf16> -> vector<16xf32>
          %add3A_500 = arith.addf %unpack3A_498, %unpack3A_499 : vector<16xf32>
          %swap3A_501 = arith.constant 6 : i32
          %swap3A_502 = arith.index_cast %swap3A_501 : i32 to index
          %swap3A_503 = arith.constant 0 : index
          %swap3A_504 = tpu.vector_load %arg15[%swap3A_502, %swap3A_503] {strides = array<i32>} : memref<16x16xf32, #tpu.memory_space<vmem>>, vector<16xf32>,
          tpu.vector_store %arg15[%swap3A_502, %swap3A_503], %add3A_500 {strides = array<i32>} : memref<16x16xf32, #tpu.memory_space<vmem>>, vector<16xf32>,
          %add3A_505 = arith.constant 7 : i32
          %add3A_506 = arith.addi %mul3A_282, %add3A_505 : i32
          %get3A_507 = arith.index_cast %add3A_506 : i32 to index
          %get3A_508 = arith.constant 0 : index
          %get3A_509 = tpu.vector_load %arg14[%get3A_507, %get3A_508] {strides = array<i32>} : memref<304x64xi32, #tpu.memory_space<vmem>>, vector<16xi32>,
          %bitcast3A_510 = vector.bitcast %get3A_509 : vector<16xi32> to vector<32xbf16>
          %mul3A_511 = arith.mulf %bitcast3A_510, %bitcast3A_254 : vector<32xbf16>
          %get3A_512 = arith.index_cast %add3A_506 : i32 to index
          %get3A_513 = arith.constant 16 : index
          %get3A_514 = tpu.vector_load %arg14[%get3A_512, %get3A_513] {strides = array<i32>} : memref<304x64xi32, #tpu.memory_space<vmem>>, vector<16xi32>,
          %bitcast3A_515 = vector.bitcast %get3A_514 : vector<16xi32> to vector<32xbf16>
          %mul3A_516 = arith.mulf %bitcast3A_515, %bitcast3A_258 : vector<32xbf16>
          %add3A_517 = arith.addf %mul3A_511, %mul3A_516 : vector<32xbf16>
          %get3A_518 = arith.index_cast %add3A_506 : i32 to index
          %get3A_519 = arith.constant 32 : index
          %get3A_520 = tpu.vector_load %arg14[%get3A_518, %get3A_519] {strides = array<i32>} : memref<304x64xi32, #tpu.memory_space<vmem>>, vector<16xi32>,
          %bitcast3A_521 = vector.bitcast %get3A_520 : vector<16xi32> to vector<32xbf16>
          %mul3A_522 = arith.mulf %bitcast3A_521, %bitcast3A_262 : vector<32xbf16>
          %add3A_523 = arith.addf %add3A_517, %mul3A_522 : vector<32xbf16>
          %get3A_524 = arith.index_cast %add3A_506 : i32 to index
          %get3A_525 = arith.constant 48 : index
          %get3A_526 = tpu.vector_load %arg14[%get3A_524, %get3A_525] {strides = array<i32>} : memref<304x64xi32, #tpu.memory_space<vmem>>, vector<16xi32>,
          %bitcast3A_527 = vector.bitcast %get3A_526 : vector<16xi32> to vector<32xbf16>
          %mul3A_528 = arith.mulf %bitcast3A_527, %bitcast3A_266 : vector<32xbf16>
          %add3A_529 = arith.addf %add3A_523, %mul3A_528 : vector<32xbf16>
          %unpack3A_530 = tpu.unpack_subelements %add3A_529, 0 {pack_format = #tpu.pack_format<interleaved>} : vector<32xbf16> -> vector<16xf32>
          %unpack3A_531 = tpu.unpack_subelements %add3A_529, 1 {pack_format = #tpu.pack_format<interleaved>} : vector<32xbf16> -> vector<16xf32>
          %add3A_532 = arith.addf %unpack3A_530, %unpack3A_531 : vector<16xf32>
          %swap3A_533 = arith.constant 7 : i32
          %swap3A_534 = arith.index_cast %swap3A_533 : i32 to index
          %swap3A_535 = arith.constant 0 : index
          %swap3A_536 = tpu.vector_load %arg15[%swap3A_534, %swap3A_535] {strides = array<i32>} : memref<16x16xf32, #tpu.memory_space<vmem>>, vector<16xf32>,
          tpu.vector_store %arg15[%swap3A_534, %swap3A_535], %add3A_532 {strides = array<i32>} : memref<16x16xf32, #tpu.memory_space<vmem>>, vector<16xf32>,
          %add3A_537 = arith.constant 8 : i32
          %add3A_538 = arith.addi %mul3A_282, %add3A_537 : i32
          %get3A_539 = arith.index_cast %add3A_538 : i32 to index
          %get3A_540 = arith.constant 0 : index
          %get3A_541 = tpu.vector_load %arg14[%get3A_539, %get3A_540] {strides = array<i32>} : memref<304x64xi32, #tpu.memory_space<vmem>>, vector<16xi32>,
          %bitcast3A_542 = vector.bitcast %get3A_541 : vector<16xi32> to vector<32xbf16>
          %mul3A_543 = arith.mulf %bitcast3A_542, %bitcast3A_254 : vector<32xbf16>
          %get3A_544 = arith.index_cast %add3A_538 : i32 to index
          %get3A_545 = arith.constant 16 : index
          %get3A_546 = tpu.vector_load %arg14[%get3A_544, %get3A_545] {strides = array<i32>} : memref<304x64xi32, #tpu.memory_space<vmem>>, vector<16xi32>,
          %bitcast3A_547 = vector.bitcast %get3A_546 : vector<16xi32> to vector<32xbf16>
          %mul3A_548 = arith.mulf %bitcast3A_547, %bitcast3A_258 : vector<32xbf16>
          %add3A_549 = arith.addf %mul3A_543, %mul3A_548 : vector<32xbf16>
          %get3A_550 = arith.index_cast %add3A_538 : i32 to index
          %get3A_551 = arith.constant 32 : index
          %get3A_552 = tpu.vector_load %arg14[%get3A_550, %get3A_551] {strides = array<i32>} : memref<304x64xi32, #tpu.memory_space<vmem>>, vector<16xi32>,
          %bitcast3A_553 = vector.bitcast %get3A_552 : vector<16xi32> to vector<32xbf16>
          %mul3A_554 = arith.mulf %bitcast3A_553, %bitcast3A_262 : vector<32xbf16>
          %add3A_555 = arith.addf %add3A_549, %mul3A_554 : vector<32xbf16>
          %get3A_556 = arith.index_cast %add3A_538 : i32 to index
          %get3A_557 = arith.constant 48 : index
          %get3A_558 = tpu.vector_load %arg14[%get3A_556, %get3A_557] {strides = array<i32>} : memref<304x64xi32, #tpu.memory_space<vmem>>, vector<16xi32>,
          %bitcast3A_559 = vector.bitcast %get3A_558 : vector<16xi32> to vector<32xbf16>
          %mul3A_560 = arith.mulf %bitcast3A_559, %bitcast3A_266 : vector<32xbf16>
          %add3A_561 = arith.addf %add3A_555, %mul3A_560 : vector<32xbf16>
          %unpack3A_562 = tpu.unpack_subelements %add3A_561, 0 {pack_format = #tpu.pack_format<interleaved>} : vector<32xbf16> -> vector<16xf32>
          %unpack3A_563 = tpu.unpack_subelements %add3A_561, 1 {pack_format = #tpu.pack_format<interleaved>} : vector<32xbf16> -> vector<16xf32>
          %add3A_564 = arith.addf %unpack3A_562, %unpack3A_563 : vector<16xf32>
          %swap3A_565 = arith.constant 8 : i32
          %swap3A_566 = arith.index_cast %swap3A_565 : i32 to index
          %swap3A_567 = arith.constant 0 : index
          %swap3A_568 = tpu.vector_load %arg15[%swap3A_566, %swap3A_567] {strides = array<i32>} : memref<16x16xf32, #tpu.memory_space<vmem>>, vector<16xf32>,
          tpu.vector_store %arg15[%swap3A_566, %swap3A_567], %add3A_564 {strides = array<i32>} : memref<16x16xf32, #tpu.memory_space<vmem>>, vector<16xf32>,
          %add3A_569 = arith.constant 9 : i32
          %add3A_570 = arith.addi %mul3A_282, %add3A_569 : i32
          %get3A_571 = arith.index_cast %add3A_570 : i32 to index
          %get3A_572 = arith.constant 0 : index
          %get3A_573 = tpu.vector_load %arg14[%get3A_571, %get3A_572] {strides = array<i32>} : memref<304x64xi32, #tpu.memory_space<vmem>>, vector<16xi32>,
          %bitcast3A_574 = vector.bitcast %get3A_573 : vector<16xi32> to vector<32xbf16>
          %mul3A_575 = arith.mulf %bitcast3A_574, %bitcast3A_254 : vector<32xbf16>
          %get3A_576 = arith.index_cast %add3A_570 : i32 to index
          %get3A_577 = arith.constant 16 : index
          %get3A_578 = tpu.vector_load %arg14[%get3A_576, %get3A_577] {strides = array<i32>} : memref<304x64xi32, #tpu.memory_space<vmem>>, vector<16xi32>,
          %bitcast3A_579 = vector.bitcast %get3A_578 : vector<16xi32> to vector<32xbf16>
          %mul3A_580 = arith.mulf %bitcast3A_579, %bitcast3A_258 : vector<32xbf16>
          %add3A_581 = arith.addf %mul3A_575, %mul3A_580 : vector<32xbf16>
          %get3A_582 = arith.index_cast %add3A_570 : i32 to index
          %get3A_583 = arith.constant 32 : index
          %get3A_584 = tpu.vector_load %arg14[%get3A_582, %get3A_583] {strides = array<i32>} : memref<304x64xi32, #tpu.memory_space<vmem>>, vector<16xi32>,
          %bitcast3A_585 = vector.bitcast %get3A_584 : vector<16xi32> to vector<32xbf16>
          %mul3A_586 = arith.mulf %bitcast3A_585, %bitcast3A_262 : vector<32xbf16>
          %add3A_587 = arith.addf %add3A_581, %mul3A_586 : vector<32xbf16>
          %get3A_588 = arith.index_cast %add3A_570 : i32 to index
          %get3A_589 = arith.constant 48 : index
          %get3A_590 = tpu.vector_load %arg14[%get3A_588, %get3A_589] {strides = array<i32>} : memref<304x64xi32, #tpu.memory_space<vmem>>, vector<16xi32>,
          %bitcast3A_591 = vector.bitcast %get3A_590 : vector<16xi32> to vector<32xbf16>
          %mul3A_592 = arith.mulf %bitcast3A_591, %bitcast3A_266 : vector<32xbf16>
          %add3A_593 = arith.addf %add3A_587, %mul3A_592 : vector<32xbf16>
          %unpack3A_594 = tpu.unpack_subelements %add3A_593, 0 {pack_format = #tpu.pack_format<interleaved>} : vector<32xbf16> -> vector<16xf32>
          %unpack3A_595 = tpu.unpack_subelements %add3A_593, 1 {pack_format = #tpu.pack_format<interleaved>} : vector<32xbf16> -> vector<16xf32>
          %add3A_596 = arith.addf %unpack3A_594, %unpack3A_595 : vector<16xf32>
          %swap3A_597 = arith.constant 9 : i32
          %swap3A_598 = arith.index_cast %swap3A_597 : i32 to index
          %swap3A_599 = arith.constant 0 : index
          %swap3A_600 = tpu.vector_load %arg15[%swap3A_598, %swap3A_599] {strides = array<i32>} : memref<16x16xf32, #tpu.memory_space<vmem>>, vector<16xf32>,
          tpu.vector_store %arg15[%swap3A_598, %swap3A_599], %add3A_596 {strides = array<i32>} : memref<16x16xf32, #tpu.memory_space<vmem>>, vector<16xf32>,
          %add3A_601 = arith.constant 10 : i32
          %add3A_602 = arith.addi %mul3A_282, %add3A_601 : i32
          %get3A_603 = arith.index_cast %add3A_602 : i32 to index
          %get3A_604 = arith.constant 0 : index
          %get3A_605 = tpu.vector_load %arg14[%get3A_603, %get3A_604] {strides = array<i32>} : memref<304x64xi32, #tpu.memory_space<vmem>>, vector<16xi32>,
          %bitcast3A_606 = vector.bitcast %get3A_605 : vector<16xi32> to vector<32xbf16>
          %mul3A_607 = arith.mulf %bitcast3A_606, %bitcast3A_254 : vector<32xbf16>
          %get3A_608 = arith.index_cast %add3A_602 : i32 to index
          %get3A_609 = arith.constant 16 : index
          %get3A_610 = tpu.vector_load %arg14[%get3A_608, %get3A_609] {strides = array<i32>} : memref<304x64xi32, #tpu.memory_space<vmem>>, vector<16xi32>,
          %bitcast3A_611 = vector.bitcast %get3A_610 : vector<16xi32> to vector<32xbf16>
          %mul3A_612 = arith.mulf %bitcast3A_611, %bitcast3A_258 : vector<32xbf16>
          %add3A_613 = arith.addf %mul3A_607, %mul3A_612 : vector<32xbf16>
          %get3A_614 = arith.index_cast %add3A_602 : i32 to index
          %get3A_615 = arith.constant 32 : index
          %get3A_616 = tpu.vector_load %arg14[%get3A_614, %get3A_615] {strides = array<i32>} : memref<304x64xi32, #tpu.memory_space<vmem>>, vector<16xi32>,
          %bitcast3A_617 = vector.bitcast %get3A_616 : vector<16xi32> to vector<32xbf16>
          %mul3A_618 = arith.mulf %bitcast3A_617, %bitcast3A_262 : vector<32xbf16>
          %add3A_619 = arith.addf %add3A_613, %mul3A_618 : vector<32xbf16>
          %get3A_620 = arith.index_cast %add3A_602 : i32 to index
          %get3A_621 = arith.constant 48 : index
          %get3A_622 = tpu.vector_load %arg14[%get3A_620, %get3A_621] {strides = array<i32>} : memref<304x64xi32, #tpu.memory_space<vmem>>, vector<16xi32>,
          %bitcast3A_623 = vector.bitcast %get3A_622 : vector<16xi32> to vector<32xbf16>
          %mul3A_624 = arith.mulf %bitcast3A_623, %bitcast3A_266 : vector<32xbf16>
          %add3A_625 = arith.addf %add3A_619, %mul3A_624 : vector<32xbf16>
          %unpack3A_626 = tpu.unpack_subelements %add3A_625, 0 {pack_format = #tpu.pack_format<interleaved>} : vector<32xbf16> -> vector<16xf32>
          %unpack3A_627 = tpu.unpack_subelements %add3A_625, 1 {pack_format = #tpu.pack_format<interleaved>} : vector<32xbf16> -> vector<16xf32>
          %add3A_628 = arith.addf %unpack3A_626, %unpack3A_627 : vector<16xf32>
          %swap3A_629 = arith.constant 10 : i32
          %swap3A_630 = arith.index_cast %swap3A_629 : i32 to index
          %swap3A_631 = arith.constant 0 : index
          %swap3A_632 = tpu.vector_load %arg15[%swap3A_630, %swap3A_631] {strides = array<i32>} : memref<16x16xf32, #tpu.memory_space<vmem>>, vector<16xf32>,
          tpu.vector_store %arg15[%swap3A_630, %swap3A_631], %add3A_628 {strides = array<i32>} : memref<16x16xf32, #tpu.memory_space<vmem>>, vector<16xf32>,
          %add3A_633 = arith.constant 11 : i32
          %add3A_634 = arith.addi %mul3A_282, %add3A_633 : i32
          %get3A_635 = arith.index_cast %add3A_634 : i32 to index
          %get3A_636 = arith.constant 0 : index
          %get3A_637 = tpu.vector_load %arg14[%get3A_635, %get3A_636] {strides = array<i32>} : memref<304x64xi32, #tpu.memory_space<vmem>>, vector<16xi32>,
          %bitcast3A_638 = vector.bitcast %get3A_637 : vector<16xi32> to vector<32xbf16>
          %mul3A_639 = arith.mulf %bitcast3A_638, %bitcast3A_254 : vector<32xbf16>
          %get3A_640 = arith.index_cast %add3A_634 : i32 to index
          %get3A_641 = arith.constant 16 : index
          %get3A_642 = tpu.vector_load %arg14[%get3A_640, %get3A_641] {strides = array<i32>} : memref<304x64xi32, #tpu.memory_space<vmem>>, vector<16xi32>,
          %bitcast3A_643 = vector.bitcast %get3A_642 : vector<16xi32> to vector<32xbf16>
          %mul3A_644 = arith.mulf %bitcast3A_643, %bitcast3A_258 : vector<32xbf16>
          %add3A_645 = arith.addf %mul3A_639, %mul3A_644 : vector<32xbf16>
          %get3A_646 = arith.index_cast %add3A_634 : i32 to index
          %get3A_647 = arith.constant 32 : index
          %get3A_648 = tpu.vector_load %arg14[%get3A_646, %get3A_647] {strides = array<i32>} : memref<304x64xi32, #tpu.memory_space<vmem>>, vector<16xi32>,
          %bitcast3A_649 = vector.bitcast %get3A_648 : vector<16xi32> to vector<32xbf16>
          %mul3A_650 = arith.mulf %bitcast3A_649, %bitcast3A_262 : vector<32xbf16>
          %add3A_651 = arith.addf %add3A_645, %mul3A_650 : vector<32xbf16>
          %get3A_652 = arith.index_cast %add3A_634 : i32 to index
          %get3A_653 = arith.constant 48 : index
          %get3A_654 = tpu.vector_load %arg14[%get3A_652, %get3A_653] {strides = array<i32>} : memref<304x64xi32, #tpu.memory_space<vmem>>, vector<16xi32>,
          %bitcast3A_655 = vector.bitcast %get3A_654 : vector<16xi32> to vector<32xbf16>
          %mul3A_656 = arith.mulf %bitcast3A_655, %bitcast3A_266 : vector<32xbf16>
          %add3A_657 = arith.addf %add3A_651, %mul3A_656 : vector<32xbf16>
          %unpack3A_658 = tpu.unpack_subelements %add3A_657, 0 {pack_format = #tpu.pack_format<interleaved>} : vector<32xbf16> -> vector<16xf32>
          %unpack3A_659 = tpu.unpack_subelements %add3A_657, 1 {pack_format = #tpu.pack_format<interleaved>} : vector<32xbf16> -> vector<16xf32>
          %add3A_660 = arith.addf %unpack3A_658, %unpack3A_659 : vector<16xf32>
          %swap3A_661 = arith.constant 11 : i32
          %swap3A_662 = arith.index_cast %swap3A_661 : i32 to index
          %swap3A_663 = arith.constant 0 : index
          %swap3A_664 = tpu.vector_load %arg15[%swap3A_662, %swap3A_663] {strides = array<i32>} : memref<16x16xf32, #tpu.memory_space<vmem>>, vector<16xf32>,
          tpu.vector_store %arg15[%swap3A_662, %swap3A_663], %add3A_660 {strides = array<i32>} : memref<16x16xf32, #tpu.memory_space<vmem>>, vector<16xf32>,
          %add3A_665 = arith.constant 12 : i32
          %add3A_666 = arith.addi %mul3A_282, %add3A_665 : i32
          %get3A_667 = arith.index_cast %add3A_666 : i32 to index
          %get3A_668 = arith.constant 0 : index
          %get3A_669 = tpu.vector_load %arg14[%get3A_667, %get3A_668] {strides = array<i32>} : memref<304x64xi32, #tpu.memory_space<vmem>>, vector<16xi32>,
          %bitcast3A_670 = vector.bitcast %get3A_669 : vector<16xi32> to vector<32xbf16>
          %mul3A_671 = arith.mulf %bitcast3A_670, %bitcast3A_254 : vector<32xbf16>
          %get3A_672 = arith.index_cast %add3A_666 : i32 to index
          %get3A_673 = arith.constant 16 : index
          %get3A_674 = tpu.vector_load %arg14[%get3A_672, %get3A_673] {strides = array<i32>} : memref<304x64xi32, #tpu.memory_space<vmem>>, vector<16xi32>,
          %bitcast3A_675 = vector.bitcast %get3A_674 : vector<16xi32> to vector<32xbf16>
          %mul3A_676 = arith.mulf %bitcast3A_675, %bitcast3A_258 : vector<32xbf16>
          %add3A_677 = arith.addf %mul3A_671, %mul3A_676 : vector<32xbf16>
          %get3A_678 = arith.index_cast %add3A_666 : i32 to index
          %get3A_679 = arith.constant 32 : index
          %get3A_680 = tpu.vector_load %arg14[%get3A_678, %get3A_679] {strides = array<i32>} : memref<304x64xi32, #tpu.memory_space<vmem>>, vector<16xi32>,
          %bitcast3A_681 = vector.bitcast %get3A_680 : vector<16xi32> to vector<32xbf16>
          %mul3A_682 = arith.mulf %bitcast3A_681, %bitcast3A_262 : vector<32xbf16>
          %add3A_683 = arith.addf %add3A_677, %mul3A_682 : vector<32xbf16>
          %get3A_684 = arith.index_cast %add3A_666 : i32 to index
          %get3A_685 = arith.constant 48 : index
          %get3A_686 = tpu.vector_load %arg14[%get3A_684, %get3A_685] {strides = array<i32>} : memref<304x64xi32, #tpu.memory_space<vmem>>, vector<16xi32>,
          %bitcast3A_687 = vector.bitcast %get3A_686 : vector<16xi32> to vector<32xbf16>
          %mul3A_688 = arith.mulf %bitcast3A_687, %bitcast3A_266 : vector<32xbf16>
          %add3A_689 = arith.addf %add3A_683, %mul3A_688 : vector<32xbf16>
          %unpack3A_690 = tpu.unpack_subelements %add3A_689, 0 {pack_format = #tpu.pack_format<interleaved>} : vector<32xbf16> -> vector<16xf32>
          %unpack3A_691 = tpu.unpack_subelements %add3A_689, 1 {pack_format = #tpu.pack_format<interleaved>} : vector<32xbf16> -> vector<16xf32>
          %add3A_692 = arith.addf %unpack3A_690, %unpack3A_691 : vector<16xf32>
          %swap3A_693 = arith.constant 12 : i32
          %swap3A_694 = arith.index_cast %swap3A_693 : i32 to index
          %swap3A_695 = arith.constant 0 : index
          %swap3A_696 = tpu.vector_load %arg15[%swap3A_694, %swap3A_695] {strides = array<i32>} : memref<16x16xf32, #tpu.memory_space<vmem>>, vector<16xf32>,
          tpu.vector_store %arg15[%swap3A_694, %swap3A_695], %add3A_692 {strides = array<i32>} : memref<16x16xf32, #tpu.memory_space<vmem>>, vector<16xf32>,
          %add3A_697 = arith.constant 13 : i32
          %add3A_698 = arith.addi %mul3A_282, %add3A_697 : i32
          %get3A_699 = arith.index_cast %add3A_698 : i32 to index
          %get3A_700 = arith.constant 0 : index
          %get3A_701 = tpu.vector_load %arg14[%get3A_699, %get3A_700] {strides = array<i32>} : memref<304x64xi32, #tpu.memory_space<vmem>>, vector<16xi32>,
          %bitcast3A_702 = vector.bitcast %get3A_701 : vector<16xi32> to vector<32xbf16>
          %mul3A_703 = arith.mulf %bitcast3A_702, %bitcast3A_254 : vector<32xbf16>
          %get3A_704 = arith.index_cast %add3A_698 : i32 to index
          %get3A_705 = arith.constant 16 : index
          %get3A_706 = tpu.vector_load %arg14[%get3A_704, %get3A_705] {strides = array<i32>} : memref<304x64xi32, #tpu.memory_space<vmem>>, vector<16xi32>,
          %bitcast3A_707 = vector.bitcast %get3A_706 : vector<16xi32> to vector<32xbf16>
          %mul3A_708 = arith.mulf %bitcast3A_707, %bitcast3A_258 : vector<32xbf16>
          %add3A_709 = arith.addf %mul3A_703, %mul3A_708 : vector<32xbf16>
          %get3A_710 = arith.index_cast %add3A_698 : i32 to index
          %get3A_711 = arith.constant 32 : index
          %get3A_712 = tpu.vector_load %arg14[%get3A_710, %get3A_711] {strides = array<i32>} : memref<304x64xi32, #tpu.memory_space<vmem>>, vector<16xi32>,
          %bitcast3A_713 = vector.bitcast %get3A_712 : vector<16xi32> to vector<32xbf16>
          %mul3A_714 = arith.mulf %bitcast3A_713, %bitcast3A_262 : vector<32xbf16>
          %add3A_715 = arith.addf %add3A_709, %mul3A_714 : vector<32xbf16>
          %get3A_716 = arith.index_cast %add3A_698 : i32 to index
          %get3A_717 = arith.constant 48 : index
          %get3A_718 = tpu.vector_load %arg14[%get3A_716, %get3A_717] {strides = array<i32>} : memref<304x64xi32, #tpu.memory_space<vmem>>, vector<16xi32>,
          %bitcast3A_719 = vector.bitcast %get3A_718 : vector<16xi32> to vector<32xbf16>
          %mul3A_720 = arith.mulf %bitcast3A_719, %bitcast3A_266 : vector<32xbf16>
          %add3A_721 = arith.addf %add3A_715, %mul3A_720 : vector<32xbf16>
          %unpack3A_722 = tpu.unpack_subelements %add3A_721, 0 {pack_format = #tpu.pack_format<interleaved>} : vector<32xbf16> -> vector<16xf32>
          %unpack3A_723 = tpu.unpack_subelements %add3A_721, 1 {pack_format = #tpu.pack_format<interleaved>} : vector<32xbf16> -> vector<16xf32>
          %add3A_724 = arith.addf %unpack3A_722, %unpack3A_723 : vector<16xf32>
          %swap3A_725 = arith.constant 13 : i32
          %swap3A_726 = arith.index_cast %swap3A_725 : i32 to index
          %swap3A_727 = arith.constant 0 : index
          %swap3A_728 = tpu.vector_load %arg15[%swap3A_726, %swap3A_727] {strides = array<i32>} : memref<16x16xf32, #tpu.memory_space<vmem>>, vector<16xf32>,
          tpu.vector_store %arg15[%swap3A_726, %swap3A_727], %add3A_724 {strides = array<i32>} : memref<16x16xf32, #tpu.memory_space<vmem>>, vector<16xf32>,
          %add3A_729 = arith.constant 14 : i32
          %add3A_730 = arith.addi %mul3A_282, %add3A_729 : i32
          %get3A_731 = arith.index_cast %add3A_730 : i32 to index
          %get3A_732 = arith.constant 0 : index
          %get3A_733 = tpu.vector_load %arg14[%get3A_731, %get3A_732] {strides = array<i32>} : memref<304x64xi32, #tpu.memory_space<vmem>>, vector<16xi32>,
          %bitcast3A_734 = vector.bitcast %get3A_733 : vector<16xi32> to vector<32xbf16>
          %mul3A_735 = arith.mulf %bitcast3A_734, %bitcast3A_254 : vector<32xbf16>
          %get3A_736 = arith.index_cast %add3A_730 : i32 to index
          %get3A_737 = arith.constant 16 : index
          %get3A_738 = tpu.vector_load %arg14[%get3A_736, %get3A_737] {strides = array<i32>} : memref<304x64xi32, #tpu.memory_space<vmem>>, vector<16xi32>,
          %bitcast3A_739 = vector.bitcast %get3A_738 : vector<16xi32> to vector<32xbf16>
          %mul3A_740 = arith.mulf %bitcast3A_739, %bitcast3A_258 : vector<32xbf16>
          %add3A_741 = arith.addf %mul3A_735, %mul3A_740 : vector<32xbf16>
          %get3A_742 = arith.index_cast %add3A_730 : i32 to index
          %get3A_743 = arith.constant 32 : index
          %get3A_744 = tpu.vector_load %arg14[%get3A_742, %get3A_743] {strides = array<i32>} : memref<304x64xi32, #tpu.memory_space<vmem>>, vector<16xi32>,
          %bitcast3A_745 = vector.bitcast %get3A_744 : vector<16xi32> to vector<32xbf16>
          %mul3A_746 = arith.mulf %bitcast3A_745, %bitcast3A_262 : vector<32xbf16>
          %add3A_747 = arith.addf %add3A_741, %mul3A_746 : vector<32xbf16>
          %get3A_748 = arith.index_cast %add3A_730 : i32 to index
          %get3A_749 = arith.constant 48 : index
          %get3A_750 = tpu.vector_load %arg14[%get3A_748, %get3A_749] {strides = array<i32>} : memref<304x64xi32, #tpu.memory_space<vmem>>, vector<16xi32>,
          %bitcast3A_751 = vector.bitcast %get3A_750 : vector<16xi32> to vector<32xbf16>
          %mul3A_752 = arith.mulf %bitcast3A_751, %bitcast3A_266 : vector<32xbf16>
          %add3A_753 = arith.addf %add3A_747, %mul3A_752 : vector<32xbf16>
          %unpack3A_754 = tpu.unpack_subelements %add3A_753, 0 {pack_format = #tpu.pack_format<interleaved>} : vector<32xbf16> -> vector<16xf32>
          %unpack3A_755 = tpu.unpack_subelements %add3A_753, 1 {pack_format = #tpu.pack_format<interleaved>} : vector<32xbf16> -> vector<16xf32>
          %add3A_756 = arith.addf %unpack3A_754, %unpack3A_755 : vector<16xf32>
          %swap3A_757 = arith.constant 14 : i32
          %swap3A_758 = arith.index_cast %swap3A_757 : i32 to index
          %swap3A_759 = arith.constant 0 : index
          %swap3A_760 = tpu.vector_load %arg15[%swap3A_758, %swap3A_759] {strides = array<i32>} : memref<16x16xf32, #tpu.memory_space<vmem>>, vector<16xf32>,
          tpu.vector_store %arg15[%swap3A_758, %swap3A_759], %add3A_756 {strides = array<i32>} : memref<16x16xf32, #tpu.memory_space<vmem>>, vector<16xf32>,
          %add3A_761 = arith.constant 15 : i32
          %add3A_762 = arith.addi %mul3A_282, %add3A_761 : i32
          %get3A_763 = arith.index_cast %add3A_762 : i32 to index
          %get3A_764 = arith.constant 0 : index
          %get3A_765 = tpu.vector_load %arg14[%get3A_763, %get3A_764] {strides = array<i32>} : memref<304x64xi32, #tpu.memory_space<vmem>>, vector<16xi32>,
          %bitcast3A_766 = vector.bitcast %get3A_765 : vector<16xi32> to vector<32xbf16>
          %mul3A_767 = arith.mulf %bitcast3A_766, %bitcast3A_254 : vector<32xbf16>
          %get3A_768 = arith.index_cast %add3A_762 : i32 to index
          %get3A_769 = arith.constant 16 : index
          %get3A_770 = tpu.vector_load %arg14[%get3A_768, %get3A_769] {strides = array<i32>} : memref<304x64xi32, #tpu.memory_space<vmem>>, vector<16xi32>,
          %bitcast3A_771 = vector.bitcast %get3A_770 : vector<16xi32> to vector<32xbf16>
          %mul3A_772 = arith.mulf %bitcast3A_771, %bitcast3A_258 : vector<32xbf16>
          %add3A_773 = arith.addf %mul3A_767, %mul3A_772 : vector<32xbf16>
          %get3A_774 = arith.index_cast %add3A_762 : i32 to index
          %get3A_775 = arith.constant 32 : index
          %get3A_776 = tpu.vector_load %arg14[%get3A_774, %get3A_775] {strides = array<i32>} : memref<304x64xi32, #tpu.memory_space<vmem>>, vector<16xi32>,
          %bitcast3A_777 = vector.bitcast %get3A_776 : vector<16xi32> to vector<32xbf16>
          %mul3A_778 = arith.mulf %bitcast3A_777, %bitcast3A_262 : vector<32xbf16>
          %add3A_779 = arith.addf %add3A_773, %mul3A_778 : vector<32xbf16>
          %get3A_780 = arith.index_cast %add3A_762 : i32 to index
          %get3A_781 = arith.constant 48 : index
          %get3A_782 = tpu.vector_load %arg14[%get3A_780, %get3A_781] {strides = array<i32>} : memref<304x64xi32, #tpu.memory_space<vmem>>, vector<16xi32>,
          %bitcast3A_783 = vector.bitcast %get3A_782 : vector<16xi32> to vector<32xbf16>
          %mul3A_784 = arith.mulf %bitcast3A_783, %bitcast3A_266 : vector<32xbf16>
          %add3A_785 = arith.addf %add3A_779, %mul3A_784 : vector<32xbf16>
          %unpack3A_786 = tpu.unpack_subelements %add3A_785, 0 {pack_format = #tpu.pack_format<interleaved>} : vector<32xbf16> -> vector<16xf32>
          %unpack3A_787 = tpu.unpack_subelements %add3A_785, 1 {pack_format = #tpu.pack_format<interleaved>} : vector<32xbf16> -> vector<16xf32>
          %add3A_788 = arith.addf %unpack3A_786, %unpack3A_787 : vector<16xf32>
          %swap3A_789 = arith.constant 15 : i32
          %swap3A_790 = arith.index_cast %swap3A_789 : i32 to index
          %swap3A_791 = arith.constant 0 : index
          %swap3A_792 = tpu.vector_load %arg15[%swap3A_790, %swap3A_791] {strides = array<i32>} : memref<16x16xf32, #tpu.memory_space<vmem>>, vector<16xf32>,
          tpu.vector_store %arg15[%swap3A_790, %swap3A_791], %add3A_788 {strides = array<i32>} : memref<16x16xf32, #tpu.memory_space<vmem>>, vector<16xf32>,
          %broadcast_in_dim3A = arith.constant 0 : i32
          %broadcast_in_dim3A_793 = vector.broadcast %broadcast_in_dim3A : i32 to vector<16xi32>
          %gather3A = tpu.vector_load_idx %arg15[%iota3A, %broadcast_in_dim3A_793] : memref<16x16xf32, #tpu.memory_space<vmem>>[vector<16xi32>, vector<16xi32>], vector<16xf32>,
          %broadcast_in_dim3A_794 = arith.constant 1 : i32
          %broadcast_in_dim3A_795 = vector.broadcast %broadcast_in_dim3A_794 : i32 to vector<16xi32>
          %gather3A_796 = tpu.vector_load_idx %arg15[%iota3A, %broadcast_in_dim3A_795] : memref<16x16xf32, #tpu.memory_space<vmem>>[vector<16xi32>, vector<16xi32>], vector<16xf32>,
          %add3A_797 = arith.addf %gather3A, %gather3A_796 : vector<16xf32>
          %broadcast_in_dim3A_798 = arith.constant 2 : i32
          %broadcast_in_dim3A_799 = vector.broadcast %broadcast_in_dim3A_798 : i32 to vector<16xi32>
          %gather3A_800 = tpu.vector_load_idx %arg15[%iota3A, %broadcast_in_dim3A_799] : memref<16x16xf32, #tpu.memory_space<vmem>>[vector<16xi32>, vector<16xi32>], vector<16xf32>,
          %add3A_801 = arith.addf %add3A_797, %gather3A_800 : vector<16xf32>
          %broadcast_in_dim3A_802 = arith.constant 3 : i32
          %broadcast_in_dim3A_803 = vector.broadcast %broadcast_in_dim3A_802 : i32 to vector<16xi32>
          %gather3A_804 = tpu.vector_load_idx %arg15[%iota3A, %broadcast_in_dim3A_803] : memref<16x16xf32, #tpu.memory_space<vmem>>[vector<16xi32>, vector<16xi32>], vector<16xf32>,
          %add3A_805 = arith.addf %add3A_801, %gather3A_804 : vector<16xf32>
          %broadcast_in_dim3A_806 = arith.constant 4 : i32
          %broadcast_in_dim3A_807 = vector.broadcast %broadcast_in_dim3A_806 : i32 to vector<16xi32>
          %gather3A_808 = tpu.vector_load_idx %arg15[%iota3A, %broadcast_in_dim3A_807] : memref<16x16xf32, #tpu.memory_space<vmem>>[vector<16xi32>, vector<16xi32>], vector<16xf32>,
          %add3A_809 = arith.addf %add3A_805, %gather3A_808 : vector<16xf32>
          %broadcast_in_dim3A_810 = arith.constant 5 : i32
          %broadcast_in_dim3A_811 = vector.broadcast %broadcast_in_dim3A_810 : i32 to vector<16xi32>
          %gather3A_812 = tpu.vector_load_idx %arg15[%iota3A, %broadcast_in_dim3A_811] : memref<16x16xf32, #tpu.memory_space<vmem>>[vector<16xi32>, vector<16xi32>], vector<16xf32>,
          %add3A_813 = arith.addf %add3A_809, %gather3A_812 : vector<16xf32>
          %broadcast_in_dim3A_814 = arith.constant 6 : i32
          %broadcast_in_dim3A_815 = vector.broadcast %broadcast_in_dim3A_814 : i32 to vector<16xi32>
          %gather3A_816 = tpu.vector_load_idx %arg15[%iota3A, %broadcast_in_dim3A_815] : memref<16x16xf32, #tpu.memory_space<vmem>>[vector<16xi32>, vector<16xi32>], vector<16xf32>,
          %add3A_817 = arith.addf %add3A_813, %gather3A_816 : vector<16xf32>
          %broadcast_in_dim3A_818 = arith.constant 7 : i32
          %broadcast_in_dim3A_819 = vector.broadcast %broadcast_in_dim3A_818 : i32 to vector<16xi32>
          %gather3A_820 = tpu.vector_load_idx %arg15[%iota3A, %broadcast_in_dim3A_819] : memref<16x16xf32, #tpu.memory_space<vmem>>[vector<16xi32>, vector<16xi32>], vector<16xf32>,
          %add3A_821 = arith.addf %add3A_817, %gather3A_820 : vector<16xf32>
          %broadcast_in_dim3A_822 = arith.constant 8 : i32
          %broadcast_in_dim3A_823 = vector.broadcast %broadcast_in_dim3A_822 : i32 to vector<16xi32>
          %gather3A_824 = tpu.vector_load_idx %arg15[%iota3A, %broadcast_in_dim3A_823] : memref<16x16xf32, #tpu.memory_space<vmem>>[vector<16xi32>, vector<16xi32>], vector<16xf32>,
          %add3A_825 = arith.addf %add3A_821, %gather3A_824 : vector<16xf32>
          %broadcast_in_dim3A_826 = arith.constant 9 : i32
          %broadcast_in_dim3A_827 = vector.broadcast %broadcast_in_dim3A_826 : i32 to vector<16xi32>
          %gather3A_828 = tpu.vector_load_idx %arg15[%iota3A, %broadcast_in_dim3A_827] : memref<16x16xf32, #tpu.memory_space<vmem>>[vector<16xi32>, vector<16xi32>], vector<16xf32>,
          %add3A_829 = arith.addf %add3A_825, %gather3A_828 : vector<16xf32>
          %broadcast_in_dim3A_830 = arith.constant 10 : i32
          %broadcast_in_dim3A_831 = vector.broadcast %broadcast_in_dim3A_830 : i32 to vector<16xi32>
          %gather3A_832 = tpu.vector_load_idx %arg15[%iota3A, %broadcast_in_dim3A_831] : memref<16x16xf32, #tpu.memory_space<vmem>>[vector<16xi32>, vector<16xi32>], vector<16xf32>,
          %add3A_833 = arith.addf %add3A_829, %gather3A_832 : vector<16xf32>
          %broadcast_in_dim3A_834 = arith.constant 11 : i32
          %broadcast_in_dim3A_835 = vector.broadcast %broadcast_in_dim3A_834 : i32 to vector<16xi32>
          %gather3A_836 = tpu.vector_load_idx %arg15[%iota3A, %broadcast_in_dim3A_835] : memref<16x16xf32, #tpu.memory_space<vmem>>[vector<16xi32>, vector<16xi32>], vector<16xf32>,
          %add3A_837 = arith.addf %add3A_833, %gather3A_836 : vector<16xf32>
          %broadcast_in_dim3A_838 = arith.constant 12 : i32
          %broadcast_in_dim3A_839 = vector.broadcast %broadcast_in_dim3A_838 : i32 to vector<16xi32>
          %gather3A_840 = tpu.vector_load_idx %arg15[%iota3A, %broadcast_in_dim3A_839] : memref<16x16xf32, #tpu.memory_space<vmem>>[vector<16xi32>, vector<16xi32>], vector<16xf32>,
          %add3A_841 = arith.addf %add3A_837, %gather3A_840 : vector<16xf32>
          %broadcast_in_dim3A_842 = arith.constant 13 : i32
          %broadcast_in_dim3A_843 = vector.broadcast %broadcast_in_dim3A_842 : i32 to vector<16xi32>
          %gather3A_844 = tpu.vector_load_idx %arg15[%iota3A, %broadcast_in_dim3A_843] : memref<16x16xf32, #tpu.memory_space<vmem>>[vector<16xi32>, vector<16xi32>], vector<16xf32>,
          %add3A_845 = arith.addf %add3A_841, %gather3A_844 : vector<16xf32>
          %broadcast_in_dim3A_846 = arith.constant 14 : i32
          %broadcast_in_dim3A_847 = vector.broadcast %broadcast_in_dim3A_846 : i32 to vector<16xi32>
          %gather3A_848 = tpu.vector_load_idx %arg15[%iota3A, %broadcast_in_dim3A_847] : memref<16x16xf32, #tpu.memory_space<vmem>>[vector<16xi32>, vector<16xi32>], vector<16xf32>,
          %add3A_849 = arith.addf %add3A_845, %gather3A_848 : vector<16xf32>
          %broadcast_in_dim3A_850 = arith.constant 15 : i32
          %broadcast_in_dim3A_851 = vector.broadcast %broadcast_in_dim3A_850 : i32 to vector<16xi32>
          %gather3A_852 = tpu.vector_load_idx %arg15[%iota3A, %broadcast_in_dim3A_851] : memref<16x16xf32, #tpu.memory_space<vmem>>[vector<16xi32>, vector<16xi32>], vector<16xf32>,
          %add3A_853 = arith.addf %add3A_849, %gather3A_852 : vector<16xf32>
          %mul3A_854 = arith.constant 304 : i32
          %mul3A_855 = arith.muli %add3A_244, %mul3A_854 : i32
          %add3A_856 = arith.addi %mul3A_855, %mul3A_282 : i32
          %swap3A_857 = arith.index_cast %add3A_856 : i32 to index
          %swap3A_858 = tpu.vector_load %arg16[%swap3A_857] {strides = array<i32>} : memref<9728xf32, #tpu.memory_space<vmem>>, vector<16xf32>,
          tpu.vector_store %arg16[%swap3A_857], %add3A_853 {strides = array<i32>} : memref<9728xf32, #tpu.memory_space<vmem>>, vector<16xf32>,
        }
        %scan3A_272 = arith.constant 19 : i32
        %add3A_273 = arith.constant 4 : i32
        %add3A_274 = arith.addi %add3A_244, %add3A_273 : i32
        %lt3A_275 = arith.constant 32 : i32
        %lt3A_276 = arith.cmpi slt, %add3A_274, %lt3A_275 : i32
        %convert_element_type3A_277 = arith.extui %lt3A_276 : i1 to i32
        %cond3A_278 = arith.constant 0 : i32
        %cond3A_279 = arith.cmpi ne, %convert_element_type3A_277, %cond3A_278 : i32
        scf.if %cond3A_279 {
          %add3A_280 = arith.constant 4 : i32
          %add3A_281 = arith.addi %add3A_244, %add3A_280 : i32
          %mul3A_282 = arith.constant 304 : i32
          %mul3A_283 = arith.muli %add3A_281, %mul3A_282 : i32
          %add3A_284 = arith.constant 0 : i32
          %add3A_285 = arith.addi %mul3A_283, %add3A_284 : i32
          %dma_start3A_286 = arith.constant 0 : i32
          %dma_start3A_287 = arith.constant 0 : i32
          %dma_start3A_288 = tpu.memref_slice %arg14[%dma_start3A_286, %dma_start3A_287] : memref<304x64xi32, #tpu.memory_space<vmem>> -> memref<128x64xi32, #tpu.memory_space<vmem>>
          %dma_start3A_289 = tpu.memref_slice %arg8[%add3A_285] : memref<9728xi32, #tpu.memory_space<vmem>> -> memref<128xi32, #tpu.memory_space<vmem>>
          %dma_start3A_290 = arith.constant 0 : i32
          %dma_start3A_291 = arith.constant 0 : i32
          %dma_start3A_292 = tpu.memref_slice %arg5[%dma_start3A_290, %dma_start3A_291] : memref<100000x64xi32, #tpu.memory_space<hbm>> -> memref<100000x64xi32, #tpu.memory_space<hbm>>
          tpu.enqueue_indirect_dma source(%dma_start3A_292 : memref<100000x64xi32, #tpu.memory_space<hbm>>) target(%dma_start3A_288 : memref<128x64xi32, #tpu.memory_space<vmem>>) offsets(%dma_start3A_289 : memref<128xi32, #tpu.memory_space<vmem>>) semaphore(%arg20 : memref<!tpu.dma_semaphore, #tpu.memory_space<semaphore_mem>>)
          %add3A_293 = arith.constant 128 : i32
          %add3A_294 = arith.addi %mul3A_283, %add3A_293 : i32
          %dma_start3A_295 = arith.constant 128 : i32
          %dma_start3A_296 = arith.constant 0 : i32
          %dma_start3A_297 = tpu.memref_slice %arg14[%dma_start3A_295, %dma_start3A_296] : memref<304x64xi32, #tpu.memory_space<vmem>> -> memref<128x64xi32, #tpu.memory_space<vmem>>
          %dma_start3A_298 = tpu.memref_slice %arg8[%add3A_294] : memref<9728xi32, #tpu.memory_space<vmem>> -> memref<128xi32, #tpu.memory_space<vmem>>
          %dma_start3A_299 = arith.constant 0 : i32
          %dma_start3A_300 = arith.constant 0 : i32
          %dma_start3A_301 = tpu.memref_slice %arg5[%dma_start3A_299, %dma_start3A_300] : memref<100000x64xi32, #tpu.memory_space<hbm>> -> memref<100000x64xi32, #tpu.memory_space<hbm>>
          tpu.enqueue_indirect_dma source(%dma_start3A_301 : memref<100000x64xi32, #tpu.memory_space<hbm>>) target(%dma_start3A_297 : memref<128x64xi32, #tpu.memory_space<vmem>>) offsets(%dma_start3A_298 : memref<128xi32, #tpu.memory_space<vmem>>) semaphore(%arg20 : memref<!tpu.dma_semaphore, #tpu.memory_space<semaphore_mem>>)
          %add3A_302 = arith.constant 256 : i32
          %add3A_303 = arith.addi %mul3A_283, %add3A_302 : i32
          %dma_start3A_304 = arith.constant 256 : i32
          %dma_start3A_305 = arith.constant 0 : i32
          %dma_start3A_306 = tpu.memref_slice %arg14[%dma_start3A_304, %dma_start3A_305] : memref<304x64xi32, #tpu.memory_space<vmem>> -> memref<48x64xi32, #tpu.memory_space<vmem>>
          %dma_start3A_307 = tpu.memref_slice %arg8[%add3A_303] : memref<9728xi32, #tpu.memory_space<vmem>> -> memref<48xi32, #tpu.memory_space<vmem>>
          %dma_start3A_308 = arith.constant 0 : i32
          %dma_start3A_309 = arith.constant 0 : i32
          %dma_start3A_310 = tpu.memref_slice %arg5[%dma_start3A_308, %dma_start3A_309] : memref<100000x64xi32, #tpu.memory_space<hbm>> -> memref<100000x64xi32, #tpu.memory_space<hbm>>
          tpu.enqueue_indirect_dma source(%dma_start3A_310 : memref<100000x64xi32, #tpu.memory_space<hbm>>) target(%dma_start3A_306 : memref<48x64xi32, #tpu.memory_space<vmem>>) offsets(%dma_start3A_307 : memref<48xi32, #tpu.memory_space<vmem>>) semaphore(%arg20 : memref<!tpu.dma_semaphore, #tpu.memory_space<semaphore_mem>>)
        } else {
        }
      }
      %scan3A_125 = arith.constant 8 : i32
      %mul3A_126 = arith.constant 304 : i32
      %mul3A_127 = arith.muli %add3A_11, %mul3A_126 : i32
      "tpu.region"() ({
        %run_scoped3A = tpu.sem_alloc : memref<!tpu.dma_semaphore, #tpu.memory_space<semaphore_mem>>
        %dma_start3A_128 = tpu.memref_slice %arg6[%mul3A_127] : memref<1245184xf32, #tpu.memory_space<hbm>> -> memref<9728xf32, #tpu.memory_space<hbm>>
        %dma_start3A_129 = tpu.memref_slice %arg6[%mul3A_127] : memref<1245184xf32, #tpu.memory_space<hbm>> -> memref<9728xf32, #tpu.memory_space<hbm>>
        tpu.enqueue_dma source(%arg16 : memref<9728xf32, #tpu.memory_space<vmem>>) target(%dma_start3A_129 : memref<9728xf32, #tpu.memory_space<hbm>>) target_semaphore(%run_scoped3A : memref<!tpu.dma_semaphore, #tpu.memory_space<semaphore_mem>>)
        %dma_wait3A_130 = tpu.memref_slice %arg6[%mul3A_127] : memref<1245184xf32, #tpu.memory_space<hbm>> -> memref<9728xf32, #tpu.memory_space<hbm>>
        %dma_wait3A_131 = tpu.memref_slice %arg6[%mul3A_127] : memref<1245184xf32, #tpu.memory_space<hbm>> -> memref<9728xf32, #tpu.memory_space<hbm>>
        tpu.wait_dma2 semaphore(%run_scoped3A : memref<!tpu.dma_semaphore, #tpu.memory_space<semaphore_mem>>) src(%arg16 : memref<9728xf32, #tpu.memory_space<vmem>>) dst(%dma_wait3A_131 : memref<9728xf32, #tpu.memory_space<hbm>>)
        tpu.yield
      }) : () -> ()
    }
    %scan3A_7 = arith.constant 4 : i32
    return
  }
}

</mosaic_0001>

<sc_bundles>
// kernel: _sc_dots.3.cloned.1.call-start
scs
__scs_entry_jumppad:
0x0: {  	(pc) =	sbr.rel $0x88, $3  }
0x1: {  	(tag) =	ssettag $0x0;
	lr =	simm.s32 $0x1  }
0x2: {  	[smem:$0x3F9D] =	sst lr;
	_ =	strace $0xD0000000  }
0x3: {  	_ = 	snop  }
0x4: {  	_ = 	snop  }
0x5: {  	_ = 	snop  }
0x6: {  	_ = 	snop  }
0x7: {  	_ = 	snop  }
__scs_overlays_trampoline_lowered:
0x8: {  	[smem:$0x3FAC] =	sst s0  }
0x9: {  	[smem:$0x3FAD] =	sst s1  }
0xa: {  	[smem:$0x3FAE] =	sst s2  }
0xb: {  	[smem:$0x3FAF] =	sst s3  }
0xc: {  	[smem:$0x3FB0] =	sst s4  }
0xd: {  	[smem:$0x3FB1] =	sst s5  }
0xe: {  	[smem:$0x3FB2] =	sst s6  }
0xf: {  	[smem:$0x3FB3] =	sst s7  }
0x10: {  	[smem:$0x3FB4] =	sst s8  }
0x11: {  	[smem:$0x3FB5] =	sst s9;
	s0 =	simm.s32 @!p0 $0x0  }
0x12: {  	s1 =	sld [smem:$0x3F9B];
	s0 =	simm.s32 @p0 $0x1  }
0x13: {  	[smem:$0x3FB6] =	sst s0;
	s0 =	simm.s32 @!p1 $0x0  }
0x14: {  	s2 =	sld [smem:$0x3F9A];
	s0 =	simm.s32 @p1 $0x1  }
0x15: {  	[smem:$0x3FB7] =	sst s0;
	s0 =	simm.s32 @!p2 $0x0  }
0x16: {  	s3 =	sld [smem:$0x3FDB];
	s0 =	simm.s32 @p2 $0x1  }
0x17: {  	s4 =	simm.s32 $0x1BF5;
	[smem:$0x3FB9] =	sst s0  }
0x18: {  	s0 =	sld [smem:$0x3F9C];
	_ =	swait.ge [sflag:s4], $0x0  }
0x19: {  	s7 =	sld [smem:$0x3F9D]  }
0x1a: {  	s8 =	sadd.s32 $0xFFFFE003, lr  }
0x1b: {  	s9 =	sadd.s32 $0xFFFFFEF7, lr;
	s5 =	simm.s32 $0xFFFFFFFF;
	p2 =	slt.u32 s8, $0xFFFFF086  }
0x1c: {  	p1 =	slt.u32 s9, $0xF7A;
	s5 =	simm.s32 @!p2 $0x0  }
0x1d: {  	s5 =	simm.s32 @p1 $0x1;
	p0 =	seq.s32 s7, s2  }
0x1e: {  	s7 =	smul.u32 @!p0 $0xF7A, s2;
	p2 =	seq.s32 @!p0 s5, $0x0  }
0x1f: {  	s9 =	smul.u32 $0xF7A, s1;
	s8 =	simm.s32 @!p0 $0x1BF5;
	p2 =	por !p2, p0  }
0x20: {  	[sflag:s8] =	ssyncset.s32 @!p0 $0xFFFFF086;
	s6 =	sadd.s32 @!p0 s3, s7;
	s7 =	simm.s32 @!p0 $0x108  }
0x21: {  	s3 =	sadd.s32 s3, s9;
	s6 =	sadd.s32 @!p0 $0x88, s6;
	s7 =	simm.s32 @p2 $0x1082  }
0x22: {  	[simem:s7], [sflag:s8] =	dma.local @!p0 [hbm:s6], $0xF7A  }
0x23: {  	s9 =	sor.u32 $0xD0000000, s2;
	s6 =	simm.s32 $0x108;
	_ =	swait.ge @!p0 [sflag:s8], $0x0  }
0x24: {  	s3 =	sadd.s32 $0x88, s3;
	s6 =	simm.s32 @!p1 $0x1082;
	[sflag:s4] =	ssyncset.s32 $0xFFFFF086  }
0x25: {  	[simem:s6], [sflag:s4] =	dma.local [hbm:s3], $0xF7A  }
0x26: {  	[smem:$0x3F9D] =	sst s1;
	(tag) =	ssettag s2;
	_ =	strace s9  }
0x27: {  	s1 =	sld [smem:$0x3FAD]  }
0x28: {  	s2 =	sld [smem:$0x3FAE]  }
0x29: {  	s4 =	sld [smem:$0x3FB0]  }
0x2a: {  	p0 =	seq.s32 s5, $0x0;
	s5 =	sld [smem:$0x3FB1]  }
0x2b: {  	s6 =	sld [smem:$0x3FB2]  }
0x2c: {  	s7 =	sld [smem:$0x3FB3]  }
0x2d: {  	s3 =	simm.s32 $0x108;
	s8 =	sld [smem:$0x3FB4]  }
0x2e: {  	s3 =	simm.s32 @!p0 $0x1082;
	s9 =	sld [smem:$0x3FB5]  }
0x2f: {  	lr =	sadd.s32 s0, s3;
	s0 =	sld [smem:$0x3FAC]  }
0x30: {  	s3 =	sld [smem:$0x3FAF]  }
0x31: {  	[smem:$0x3FB8] =	sst s10  }
0x32: {  	s10 =	sld [smem:$0x3FB6];
	_ =	sdelay $0x3  }
0x33: {  	p0 =	seq.s32 s10, $0x1;
	s10 =	sld [smem:$0x3FB8];
	_ =	sdelay $0x3  }
0x34: {  	[smem:$0x3FB8] =	sst s10  }
0x35: {  	s10 =	sld [smem:$0x3FB7];
	_ =	sdelay $0x3  }
0x36: {  	p1 =	seq.s32 s10, $0x1;
	s10 =	sld [smem:$0x3FB8];
	_ =	sdelay $0x3  }
0x37: {  	[smem:$0x3FB8] =	sst s10  }
0x38: {  	s10 =	sld [smem:$0x3FB9]  }
0x39: {  	_ = 	snop;
	(pc) =	sbr.ind lr, $3  }
0x3a: {  	_ = 	snop  }
0x3b: {  	_ = 	snop  }
0x3c: {  	p2 =	seq.s32 s10, $0x1;
	s10 =	sld [smem:$0x3FB8]  }
0x3d: {  	_ =	shalt  }
0x3e: {  	_ =	shalt  }
0x3f: {  	_ =	shalt  }
0x40: {  	_ =	shalt  }
0x41: {  	_ =	shalt  }
0x42: {  	_ =	shalt  }
0x43: {  	_ =	shalt  }
0x44: {  	_ =	shalt  }
0x45: {  	_ =	shalt  }
0x46: {  	_ =	shalt  }
0x47: {  	_ =	shalt  }
0x48: {  	_ =	shalt  }
0x49: {  	_ =	shalt  }
0x4a: {  	_ =	shalt  }
0x4b: {  	_ =	shalt  }
0x4c: {  	_ =	shalt  }
0x4d: {  	_ =	shalt  }
0x4e: {  	_ =	shalt  }
0x4f: {  	_ =	shalt  }
0x50: {  	_ =	shalt  }
0x51: {  	_ =	shalt  }
0x52: {  	_ =	shalt  }
0x53: {  	_ =	shalt  }
0x54: {  	_ =	shalt  }
0x55: {  	_ =	shalt  }
0x56: {  	_ =	shalt  }
0x57: {  	_ =	shalt  }
0x58: {  	_ =	shalt  }
0x59: {  	_ =	shalt  }
0x5a: {  	_ =	shalt  }
0x5b: {  	_ =	shalt  }
0x5c: {  	_ =	shalt  }
0x5d: {  	_ =	shalt  }
0x5e: {  	_ =	shalt  }
0x5f: {  	_ =	shalt  }
0x60: {  	_ =	shalt  }
0x61: {  	_ =	shalt  }
0x62: {  	_ =	shalt  }
0x63: {  	_ =	shalt  }
0x64: {  	_ =	shalt  }
0x65: {  	_ =	shalt  }
0x66: {  	_ =	shalt  }
0x67: {  	_ =	shalt  }
0x68: {  	_ =	shalt  }
0x69: {  	_ =	shalt  }
0x6a: {  	_ =	shalt  }
0x6b: {  	_ =	shalt  }
0x6c: {  	_ =	shalt  }
0x6d: {  	_ =	shalt  }
0x6e: {  	_ =	shalt  }
0x6f: {  	_ =	shalt  }
0x70: {  	_ =	shalt  }
0x71: {  	_ =	shalt  }
0x72: {  	_ =	shalt  }
0x73: {  	_ =	shalt  }
0x74: {  	_ =	shalt  }
0x75: {  	_ =	shalt  }
0x76: {  	_ =	shalt  }
0x77: {  	_ =	shalt  }
0x78: {  	_ =	shalt  }
0x79: {  	_ =	shalt  }
0x7a: {  	_ =	shalt  }
0x7b: {  	_ =	shalt  }
0x7c: {  	_ =	shalt  }
0x7d: {  	_ =	shalt  }
0x7e: {  	_ =	shalt  }
0x7f: {  	_ =	shalt  }
0x80: {  	_ =	shalt  }
0x81: {  	_ =	shalt  }
0x82: {  	_ =	shalt  }
0x83: {  	_ =	shalt  }
0x84: {  	_ =	shalt  }
0x85: {  	_ =	shalt  }
0x86: {  	_ =	shalt  }
0x87: {  	_ =	shalt  }
.Lfunc_end0:
.L_simem_size_0:
called_computation_lowered:
.L_overlay_start_0:
0x88: {  	s2 =	sld [smem:$0x3FD9]  }
0x89: {  	s3 =	sld [smem:$0x3FFE];
	_ =	sdelay $0x1  }
0x8a: {  	s1 =	srdreg.scid  }
0x8b: {  	s0 =	sand.u32 $0x1, s1  }
0x8c: {  	s17 =	sshll.u32 s0, $0xA;
	s2 =	sadd.s32 s3, s2  }
0x8d: {  	s2 =	sadd.s32 s2, s17  }
0x8e: {  	[smem:$0x3FC4] =	sst s2  }
0x8f: {  	_ = 	snop  }
0x90: {  	s2 =	sld [smem:$0x3FC9]  }
0x91: {  	s18 =	sld [smem:$0x3FC8]  }
0x92: {  	s4 =	sld [smem:$0x3FC7]  }
0x93: {  	s5 =	sld [smem:$0x3FD0];
	(tm) =	ssettm $0x1  }
0x94: {  	s6 =	sld [smem:$0x3FFB];
	_ =	sdelay $0x3  }
0x95: {  	_ =	strace s6  }
0x96: {  	s6 =	sld [smem:$0x3FFC];
	_ =	sdelay $0x3  }
0x97: {  	_ =	strace s6  }
0x98: {  	s6 =	sld [smem:$0x3FFD];
	_ =	sdelay $0x3  }
0x99: {  	_ =	strace s6  }
0x9a: {  	_ =	strace $0x8FFFFFFF  }
0x9b: {  	s19 =	sld [smem:$0x3FDB];
	_ =	sdelay $0x1  }
0x9c: {  	s7 =	simm.s32 $_scs_section_size  }
0x9d: {  	s8 =	simm.s32 $_size__tile_overlayer_lowered;
	s9 =	simm.s32 $_tile_overlayer_lowered  }
0x9e: {  	s22 =	simm.s32 $0x1BFF;
	s21 =	sshll.u32 s9, $0x1;
	s6 =	sadd.s32 s7, s19  }
0x9f: {  	s10 =	simm.s32 $0x0;
	s20 =	sshll.u32 s8, $0x1;
	s8 =	sadd.s32 s21, s6  }
0xa0: {  	[timem:s10], [sflag:s22] =	dma.local [hbm:s8], s20  }
0xa1: {  	_ =	swait.ge [sflag:s22], s20  }
0xa2: {  	s7 =	ssub.s32 $0x0, s20;
	[sflag:s22] =	ssyncset.done $0x0  }
0xa3: {  	[sflag:s22] =	ssyncadd.s32 s7;
	_ =	sdelay $0x1  }
0xa4: {  	s23 =	simm.s32 $0x1B8B  }
0xa5: {  	_ =	swait.ge [sflag:s23], $0x1  }
0xa6: {  	[sflag:s23] =	ssyncset.done $0x0  }
0xa7: {  	s25 =	simm.s32 $0x1B8E;
	s24 =	sld [smem:$0x3FFE];
	[sflag:s23] =	ssyncadd.s32 $0xFFFFFFFF  }
0xa8: {  	s26 =	simm.s32 $execute0_lowered;
	[smem:$0x3FD2] =	sst s25  }
0xa9: {  	s8 =	sshll.u32 s26, $0x1;
	_ =	strace $0x80000046;
	[dreg:$0x1] =	wrdreg $0xFFFFFFFF  }
0xaa: {  	s28 =	simm.s32 $_size_execute0_lowered;
	s6 =	sadd.s32 s6, s8;
	[dreg:$0x0] =	wrdreg $0x0  }
0xab: {  	s8 =	sshll.u32 s28, $0x1;
	[dreg:$0x2] =	wrdreg s6  }
0xac: {  	[dreg:$0x3] =	wrdreg s8  }
0xad: {  	[dreg:$0x4] =	wrdreg $0xC0  }
0xae: {  	_ =	task [dreg:s10], $0x5FFFF  }
0xaf: {  	[dreg:$0x1] =	wrdreg $0xFFFFFFFF  }
0xb0: {  	[dreg:$0x0] =	wrdreg $0x60  }
0xb1: {  	[dreg:$0x2] =	wrdreg s2  }
0xb2: {  	[dreg:$0x3] =	wrdreg s18  }
0xb3: {  	[dreg:$0x4] =	wrdreg s4  }
0xb4: {  	[dreg:$0x5] =	wrdreg s24  }
0xb5: {  	[dreg:$0x6] =	wrdreg s5  }
0xb6: {  	[dreg:$0x7] =	wrdreg $0x9  }
0xb7: {  	_ =	task.clear_ibuf [dreg:s10], $0x8FFFF;
	_ =	strace $0x90000046  }
0xb8: {  	s29 =	simm.s32 $0x9;
	_ =	strace $0x80000048  }
0xb9: {  	_ =	swait.ge [sflag:s29], $0x1  }
0xba: {  	[sflag:s29] =	ssyncadd.s32 $0xFFFFFFFF  }
0xbb: {  	_ =	strace $0x90000048  }
0xbc: {  	_ =	sfence  }
0xbd: {  	s30 =	sld [smem:$0x0];
	_ =	sdelay $0x2  }
0xbe: {  	s31 =	sshll.u32 s1, $0xD;
	s1 =	sshrl.u32 s1, $0x2  }
0xbf: {  	s3 =	sand.u32 $0x4000, s31;
	s1 =	sadd.s32 s1, s30  }
0xc0: {  	s0 =	sor.u32 s3, s0;
	s1 =	sshll.u32 s1, $0x11  }
0xc1: {  	s0 =	sor.u32 s1, s0  }
0xc2: {  	s0 =	sadd.s32 $0x8F2B, s0  }
0xc3: {  	[sflag:s0] =	ssyncadd.remote.s32 $0x1  }
0xc4: {  	_ =	sfence.sel $0xFFFF  }
0xc5: {  	[dreg:$0x0] =	wrdreg $0xFFFFFFFF;
	(pc) =	sbr.abs _section_cstart, $3  }
0xc6: {  	[dreg:$0x1] =	wrdreg $0xFFFFFFFF  }
0xc7: {  	_ =	task.clear_ibuf [dreg:s10], $0x2FFFF;
	_ =	strace $0x9FFFFFFF  }
0xc8: {  	(tm) =	ssettm $0x7FFFFFFF  }
0xc9: {  	_ =	shalt  }
tec
execute0_lowered:
.L_overlay_start_1:
0x0: {  	(tag) =	ssettag $0x1  }
0x1: {  	s0 =	rddreg [dreg:$0x3];
	s1 =	srdreg.scid  }
0x2: {  	s2 =	simm.s32 $0x0;
	s4 =	stileid.u32;
	s10 =	simm.s32 $0x6  }
0x3: {  	s11 =	simm.s32 $0x20;
	s13 =	simm.s32 $0x5;
	s14 =	simm.s32 $0x80  }
0x4: {  	s18 =	simm.s32 $0x30;
	v0 =	vlaneseq.u32;
	s5 =	simm.s32 $0x16220;
	s12 =	simm.s32 $0x1  }
0x5: {  	s15 =	simm.s32 $0x16E20;
	s16 =	simm.s32 $0x2;
	s17 =	simm.s32 $0x3;
	v0 =	vmul.u32 $0x10, v0  }
0x6: {  	s19 =	simm.s32 $0x4;
	s20 =	simm.s32 $0x16F20;
	s1 =	sand.u32 $0x1, s1  }
.Ltmp0:
0x7: {  	[smem:$0x7FF] =	sst s2;
	s29 =	ssub.s32 $0x2, s1;
	v1 =	vor.u32 $0x1, v0;
	v2 =	vor.u32 $0x2, v0;
	v3 =	vor.u32 $0x3, v0;
	(pc) =	sbr.rel .LBB2_1-.Ltmp0, $4  }
0x8: {  	s30 =	sshll.u32 s4, $0x8;
	s7 =	sadd.s32 $0x186E00, s0;
	s3 =	sshrl.u32 s29, $0x1;
	v4 =	vor.u32 $0x4, v0;
	v5 =	vor.u32 $0x5, v0;
	v6 =	vor.u32 $0x6, v0  }
0x9: {  	_ =	strace $0x80000047;
	s1 =	sshll.u32 s1, $0x7;
	v7 =	vor.u32 $0x7, v0;
	v8 =	vor.u32 $0x8, v0;
	v9 =	vor.u32 $0x9, v0;
	s2 =	ssub.s32 s29, s3  }
0xa: {  	s8 =	sor.u32 s1, s30;
	s1 =	simm.s32 $0x12220;
	v10 =	vor.u32 $0xA, v0;
	v11 =	vor.u32 $0xB, v0;
	v12 =	vor.u32 $0xC, v0;
	s31 =	smax.u32 s2, $0x1  }
0xb: {  	v13 =	vor.u32 $0xD, v0;
	v14 =	vor.u32 $0xE, v0;
	v15 =	vor.u32 $0xF, v0;
	s3 =	simm.s32 $0x14220;
	s2 =	simm.s32 $0x0;
	[dreg:$0x6] =	wrdreg s31  }
.LBB2_16:
0xc: {  	s2 =	rddreg [dreg:$0x7]  }
0xd: {  	s0 =	rddreg [dreg:$0x6];
	s2 =	sadd.s32 $0x1, s2  }
0xe: {  	p0 =	sne.s32 s2, s0  }
.Ltmp1:
0xf: {  	_ = 	snop;
	(pc) =	sbr.rel @!p0 .LBB2_17-.Ltmp1, $1  }
0x10: {  	_ =	sdelay $0x3  }
.LBB2_1:
.Ltmp2:
0x11: {  	(pc) =	sbr.rel .LBB2_2-.Ltmp2, $2  }
0x12: {  	_ =	sdelay $0x2  }
0x13: {  	[dreg:$0x7] =	wrdreg s2;
	s21 =	simm.s32 $0x0  }
.LBB2_15:
0x14: {  	s21 =	sadd.s32 $0x1, s21  }
0x15: {  	s0 =	rddreg [dreg:$0x4];
	p0 =	sne.s32 s21, $0x4  }
.Ltmp3:
0x16: {  	s2 =	simm.s32 $0x0;
	s0 =	sadd.s32 s0, s22;
	(pc) =	sbr.rel @!p0 .LBB2_16-.Ltmp3, $4  }
0x17: {  	[hbm4b:s0+s2] =	stream.linear.scatter [tilespmem:s20], [sflag:$0x6], $0x2600, $0x38;
	[tilespmem:$0x19520] =	vst v63  }
0x18: {  	_ =	swait.ge [sflag:s10], $0x2600  }
0x19: {  	[sflag:s10] =	ssyncset.done $0x0  }
0x1a: {  	[sflag:s10] =	ssyncadd.s32 $0xFFFFDA00  }
.LBB2_2:
0x1b: {  	s0 =	sshll.u32 s21, $0x5  }
0x1c: {  	s0 =	sadd.s32 s8, s0  }
0x1d: {  	s2 =	rddreg [dreg:$0x0];
	s6 =	sshrl.u32 s0, $0x3  }
0x1e: {  	s9 =	simm.s32 $0x0;
	s6 =	sadd.s32 s2, s6  }
0x1f: {  	[tilespmem:s9], [sflag:$0x6] =	stream.linear.gather [hbm4b:s6+s9], $0x20, $0x38;
	[tilespmem:$0x19520] =	vst v63  }
0x20: {  	_ =	swait.ge [sflag:s10], $0x20  }
0x21: {  	[sflag:s10] =	ssyncset.done $0x0  }
0x22: {  	s22 =	smul.u32 $0x26, s0;
	[sflag:s10] =	ssyncadd.s32 $0xFFFFFFE0  }
0x23: {  	s29 =	rddreg [dreg:$0x1]  }
0x24: {  	s0 =	sadd.s32 s29, s22  }
0x25: {  	[tilespmem:s11], [sflag:$0x6] =	stream.linear.gather [hbm4b:s0+s9], $0x2600, $0x38;
	[tilespmem:$0x19520] =	vst v63  }
0x26: {  	_ =	swait.ge [sflag:s10], $0x2600  }
0x27: {  	[sflag:s10] =	ssyncset.done $0x0  }
0x28: {  	[sflag:s10] =	ssyncadd.s32 $0xFFFFDA00  }
0x29: {  	s31 =	simm.s32 $0x2620;
	s30 =	rddreg [dreg:$0x2]  }
0x2a: {  	[tilespmem:s31], [sflag:$0x5] =	stream.indirect.gather [hbm4b:s30+s11], $0x80, s9, s11, $0xb8;
	[tilespmem:$0x19520] =	vst v63  }
0x2b: {  	_ =	swait.ge [sflag:s13], $0x1000  }
0x2c: {  	[sflag:s13] =	ssyncset.done $0x0  }
0x2d: {  	s0 =	simm.s32 $0x2660;
	[sflag:s13] =	ssyncadd.s32 $0xFFFFF000  }
0x2e: {  	v16 =	vld [tilespmem:s0+$0xFFFFFFC0]  }
0x2f: {  	v17 =	vld [tilespmem:s0+$0x0];
	_ =	sdelay $0x4  }
0x30: {  	v18 =	vshrl.u32 v16, $0x10;
	v19 =	vshrl.u32 v17, $0x10  }
0x31: {  	v18 =	vand.u32 $0x1, v18;
	v19 =	vand.u32 $0x1, v19  }
0x32: {  	v16 =	vadd.s32 v18, v16;
	v17 =	vadd.s32 v19, v17  }
0x33: {  	v16 =	vadd.s32 $0x7FFF, v16;
	v17 =	vadd.s32 $0x7FFF, v17  }
0x34: {  	v16 =	vshrl.u32 v16, $0x10;
	v17 =	vand.u32 $0xFFFF0000, v17  }
0x35: {  	s6 =	simm.s32 $0x0;
	v16 =	vor.u32 v16, v17  }
0x36: {  	[tilespmem:s6+$0x3620] =	vst v16  }
0x37: {  	v16 =	vld [tilespmem:s0+$0xFFFFFFD0]  }
0x38: {  	v17 =	vld [tilespmem:s0+$0x10];
	_ =	sdelay $0x4  }
0x39: {  	v18 =	vshrl.u32 v16, $0x10;
	v19 =	vshrl.u32 v17, $0x10  }
0x3a: {  	v18 =	vand.u32 $0x1, v18;
	v19 =	vand.u32 $0x1, v19  }
0x3b: {  	v16 =	vadd.s32 v18, v16;
	v17 =	vadd.s32 v19, v17  }
0x3c: {  	v16 =	vadd.s32 $0x7FFF, v16;
	v17 =	vadd.s32 $0x7FFF, v17  }
0x3d: {  	v16 =	vshrl.u32 v16, $0x10;
	v17 =	vand.u32 $0xFFFF0000, v17  }
0x3e: {  	v16 =	vor.u32 v16, v17  }
0x3f: {  	[tilespmem:s6+$0x3630] =	vst v16  }
0x40: {  	v16 =	vld [tilespmem:s0+$0xFFFFFFE0]  }
0x41: {  	v17 =	vld [tilespmem:s0+$0x20];
	_ =	sdelay $0x4  }
0x42: {  	v18 =	vshrl.u32 v16, $0x10;
	v19 =	vshrl.u32 v17, $0x10  }
0x43: {  	v18 =	vand.u32 $0x1, v18;
	v19 =	vand.u32 $0x1, v19  }
0x44: {  	v16 =	vadd.s32 v18, v16;
	v17 =	vadd.s32 v19, v17  }
0x45: {  	v16 =	vadd.s32 $0x7FFF, v16;
	v17 =	vadd.s32 $0x7FFF, v17  }
0x46: {  	v16 =	vshrl.u32 v16, $0x10;
	v17 =	vand.u32 $0xFFFF0000, v17  }
0x47: {  	v16 =	vor.u32 v16, v17  }
0x48: {  	[tilespmem:s6+$0x3640] =	vst v16  }
0x49: {  	v16 =	vld [tilespmem:s0+$0xFFFFFFF0]  }
0x4a: {  	v17 =	vld [tilespmem:s0+$0x30];
	_ =	sdelay $0x3  }
0x4b: {  	v18 =	vshrl.u32 v16, $0x10  }
0x4c: {  	v19 =	vshrl.u32 v17, $0x10;
	v18 =	vand.u32 $0x1, v18  }
0x4d: {  	v16 =	vadd.s32 v18, v16;
	v18 =	vand.u32 $0x1, v19  }
0x4e: {  	s9 =	simm.s32 $0x100;
	v16 =	vadd.s32 $0x7FFF, v16;
	v17 =	vadd.s32 v18, v17  }
.LBB2_3:
0x4f: {  	p0 =	sne.s32 s9, $0x1F00  }
0x50: {  	v16 =	vshrl.u32 v16, $0x10;
	v17 =	vadd.s32 $0x7FFF, v17;
	s0 =	sadd.s32 $0x80, s0;
	s23 =	smov.u32 s9;
	s9 =	sadd.s32 $0x100, s9  }
0x51: {  	v17 =	vand.u32 $0xFFFF0000, v17  }
0x52: {  	v16 =	vor.u32 v16, v17  }
0x53: {  	[tilespmem:s6+$0x3650] =	vst v16  }
0x54: {  	v16 =	vld [tilespmem:s0+$0xFFFFFFC0]  }
0x55: {  	v17 =	vld [tilespmem:s0+$0x0];
	_ =	sdelay $0x3  }
0x56: {  	v18 =	vshrl.u32 v16, $0x10  }
0x57: {  	v18 =	vand.u32 $0x1, v18;
	v19 =	vshrl.u32 v17, $0x10  }
0x58: {  	v16 =	vadd.s32 v18, v16;
	v18 =	vand.u32 $0x1, v19  }
0x59: {  	v16 =	vadd.s32 $0x7FFF, v16;
	v17 =	vadd.s32 v18, v17  }
0x5a: {  	v17 =	vadd.s32 $0x7FFF, v17  }
0x5b: {  	v16 =	vshrl.u32 v16, $0x10;
	v17 =	vand.u32 $0xFFFF0000, v17  }
0x5c: {  	s6 =	sshra.s32 s23, $0x2;
	v16 =	vor.u32 v16, v17  }
0x5d: {  	[tilespmem:s6+$0x3620] =	vst v16  }
0x5e: {  	v16 =	vld [tilespmem:s0+$0xFFFFFFD0]  }
0x5f: {  	v17 =	vld [tilespmem:s0+$0x10];
	_ =	sdelay $0x3  }
0x60: {  	v18 =	vshrl.u32 v16, $0x10  }
0x61: {  	v18 =	vand.u32 $0x1, v18;
	v19 =	vshrl.u32 v17, $0x10  }
0x62: {  	v16 =	vadd.s32 v18, v16;
	v18 =	vand.u32 $0x1, v19  }
0x63: {  	v16 =	vadd.s32 $0x7FFF, v16;
	v17 =	vadd.s32 v18, v17  }
0x64: {  	v16 =	vshrl.u32 v16, $0x10;
	v17 =	vadd.s32 $0x7FFF, v17  }
0x65: {  	v17 =	vand.u32 $0xFFFF0000, v17  }
0x66: {  	v16 =	vor.u32 v16, v17  }
0x67: {  	[tilespmem:s6+$0x3630] =	vst v16  }
0x68: {  	v16 =	vld [tilespmem:s0+$0xFFFFFFE0]  }
0x69: {  	v17 =	vld [tilespmem:s0+$0x20];
	_ =	sdelay $0x3  }
0x6a: {  	v18 =	vshrl.u32 v16, $0x10  }
0x6b: {  	v18 =	vand.u32 $0x1, v18;
	v19 =	vshrl.u32 v17, $0x10  }
0x6c: {  	v16 =	vadd.s32 v18, v16;
	v18 =	vand.u32 $0x1, v19  }
0x6d: {  	v16 =	vadd.s32 $0x7FFF, v16;
	v17 =	vadd.s32 v18, v17  }
0x6e: {  	v16 =	vshrl.u32 v16, $0x10;
	v17 =	vadd.s32 $0x7FFF, v17  }
0x6f: {  	v17 =	vand.u32 $0xFFFF0000, v17  }
0x70: {  	v16 =	vor.u32 v16, v17  }
0x71: {  	[tilespmem:s6+$0x3640] =	vst v16  }
0x72: {  	v16 =	vld [tilespmem:s0+$0xFFFFFFF0]  }
0x73: {  	v17 =	vld [tilespmem:s0+$0x30];
	_ =	sdelay $0x2  }
.Ltmp4:
0x74: {  	(pc) =	sbr.rel @p0 .LBB2_3-.Ltmp4, $4  }
0x75: {  	v18 =	vshrl.u32 v16, $0x10  }
0x76: {  	v18 =	vand.u32 $0x1, v18;
	v19 =	vshrl.u32 v17, $0x10  }
0x77: {  	v16 =	vadd.s32 v18, v16;
	v18 =	vand.u32 $0x1, v19  }
0x78: {  	v16 =	vadd.s32 $0x7FFF, v16;
	v17 =	vadd.s32 v18, v17  }
0x79: {  	v17 =	vadd.s32 $0x7FFF, v17  }
0x7a: {  	v16 =	vshrl.u32 v16, $0x10;
	v17 =	vand.u32 $0xFFFF0000, v17  }
0x7b: {  	v16 =	vor.u32 v16, v17  }
0x7c: {  	s0 =	simm.s32 $0x3E20;
	[tilespmem:s6+$0x3650] =	vst v16  }
0x7d: {  	[tilespmem:s0], [sflag:$0x1] =	stream.indirect.gather [hbm4b:s7+s14], $0x40, s11, s14, $0xb8;
	[tilespmem:$0x19520] =	vst v63  }
0x7e: {  	s23 =	simm.s32 $0xA0;
	s2 =	simm.s32 $0x5E20  }
0x7f: {  	[tilespmem:s2], [sflag:$0x1] =	stream.indirect.gather [hbm4b:s7+s14], $0x40, s23, s14, $0xb8;
	[tilespmem:$0x19520] =	vst v63  }
0x80: {  	s24 =	simm.s32 $0x120;
	s25 =	simm.s32 $0x7E20  }
0x81: {  	[tilespmem:s25], [sflag:$0x1] =	stream.indirect.gather [hbm4b:s7+s18], $0x40, s24, s18, $0xb8;
	[tilespmem:$0x19520] =	vst v63  }
0x82: {  	s26 =	simm.s32 $0x150;
	s29 =	simm.s32 $0x8A20  }
0x83: {  	[tilespmem:s29], [sflag:$0x2] =	stream.indirect.gather [hbm4b:s7+s14], $0x40, s26, s14, $0xb8;
	[tilespmem:$0x19520] =	vst v63  }
0x84: {  	s30 =	simm.s32 $0x1D0;
	s31 =	simm.s32 $0xAA20  }
0x85: {  	[tilespmem:s31], [sflag:$0x2] =	stream.indirect.gather [hbm4b:s7+s14], $0x40, s30, s14, $0xb8;
	[tilespmem:$0x19520] =	vst v63  }
0x86: {  	s4 =	simm.s32 $0xCA20;
	s2 =	simm.s32 $0x250  }
0x87: {  	[tilespmem:s4], [sflag:$0x2] =	stream.indirect.gather [hbm4b:s7+s18], $0x40, s2, s18, $0xb8;
	[tilespmem:$0x19520] =	vst v63  }
0x88: {  	s9 =	simm.s32 $0xD620;
	s6 =	simm.s32 $0x280  }
0x89: {  	[tilespmem:s9], [sflag:$0x3] =	stream.indirect.gather [hbm4b:s7+s14], $0x40, s6, s14, $0xb8;
	[tilespmem:$0x19520] =	vst v63  }
0x8a: {  	s23 =	simm.s32 $0x300;
	s24 =	simm.s32 $0xF620  }
0x8b: {  	[tilespmem:s24], [sflag:$0x3] =	stream.indirect.gather [hbm4b:s7+s14], $0x40, s23, s14, $0xb8;
	[tilespmem:$0x19520] =	vst v63  }
0x8c: {  	s25 =	simm.s32 $0x380;
	s26 =	simm.s32 $0x11620  }
0x8d: {  	[tilespmem:s26], [sflag:$0x3] =	stream.indirect.gather [hbm4b:s7+s18], $0x40, s25, s18, $0xb8;
	[tilespmem:$0x19520] =	vst v63  }
0x8e: {  	s28 =	simm.s32 $0x172B0;
	s29 =	simm.s32 $0x3B0  }
0x8f: {  	[tilespmem:s1], [sflag:$0x4] =	stream.indirect.gather [hbm4b:s7+s14], $0x40, s29, s14, $0xb8;
	[tilespmem:$0x19520] =	vst v63  }
0x90: {  	s30 =	simm.s32 $0x430;
	s31 =	simm.s32 $0x4B0;
	s23 =	simm.s32 $0x0  }
0x91: {  	[tilespmem:s3], [sflag:$0x4] =	stream.indirect.gather [hbm4b:s7+s14], $0x40, s30, s14, $0xb8;
	[tilespmem:$0x19520] =	vst v63  }
0x92: {  	s24 =	simm.s32 $0x16F20;
	s25 =	simm.s32 $0x17050;
	s26 =	simm.s32 $0x17180  }
0x93: {  	[tilespmem:s5], [sflag:$0x4] =	stream.indirect.gather [hbm4b:s7+s18], $0x40, s31, s18, $0xb8;
	[tilespmem:$0x19520] =	vst v63  }
.LBB2_5:
0x94: {  	_ =	swait.ge [sflag:s12], $0x4C00  }
0x95: {  	s0 =	sshll.u32 s23, $0x8;
	[sflag:s12] =	ssyncset.done $0x0  }
0x96: {  	s0 =	sand.u32 $0x3FFFFF00, s0;
	[sflag:s12] =	ssyncadd.s32 $0xFFFFB400  }
0x97: {  	v16 =	vld [tilespmem:s0+$0x3620]  }
0x98: {  	s30 =	simm.s32 $0x4020;
	v17 =	vld [tilespmem:s0+$0x3630]  }
0x99: {  	v20 =	vld [tilespmem:s30+$0xFFFFFE00]  }
0x9a: {  	v21 =	vld [tilespmem:s30+$0xFFFFFE10]  }
0x9b: {  	v18 =	vld [tilespmem:s0+$0x3640]  }
0x9c: {  	v22 =	vld [tilespmem:s30+$0xFFFFFE20]  }
0x9d: {  	v19 =	vld [tilespmem:s0+$0x3650]  }
0x9e: {  	v23 =	vld [tilespmem:s30+$0xFFFFFE30]  }
0x9f: {  	v20 =	vmul.bf16 v20, v16;
	v21 =	vmul.bf16 v21, v17;
	_ =	sdelay $0x1  }
0xa0: {  	v20 =	vadd.bf16 v21, v20;
	v21 =	vmul.bf16 v22, v18;
	_ =	sdelay $0x1  }
0xa1: {  	v22 =	vmul.bf16 v23, v19;
	v20 =	vadd.bf16 v21, v20;
	_ =	sdelay $0x1  }
0xa2: {  	v20 =	vadd.bf16 v22, v20;
	_ =	sdelay $0x1  }
0xa3: {  	v21 =	vunpack.i.u.bf16.f32 v20;
	v20 =	vunpack.i.l.bf16.f32 v20  }
0xa4: {  	v20 =	vadd.f32 v20, v21;
	_ =	sdelay $0x1  }
0xa5: {  	[tilespmem:$0x16E20] =	vst v20  }
0xa6: {  	v20 =	vld [tilespmem:s30+$0xFFFFFE40]  }
0xa7: {  	v21 =	vld [tilespmem:s30+$0xFFFFFE50];
	_ =	sdelay $0x1  }
0xa8: {  	v22 =	vld [tilespmem:s30+$0xFFFFFE60];
	_ =	sdelay $0x1  }
0xa9: {  	v23 =	vld [tilespmem:s30+$0xFFFFFE70]  }
0xaa: {  	v20 =	vmul.bf16 v20, v16;
	v21 =	vmul.bf16 v21, v17;
	_ =	sdelay $0x1  }
0xab: {  	v20 =	vadd.bf16 v21, v20;
	v21 =	vmul.bf16 v22, v18;
	_ =	sdelay $0x1  }
0xac: {  	v20 =	vadd.bf16 v21, v20;
	v21 =	vmul.bf16 v23, v19;
	_ =	sdelay $0x1  }
0xad: {  	v20 =	vadd.bf16 v21, v20;
	_ =	sdelay $0x1  }
0xae: {  	v21 =	vunpack.i.u.bf16.f32 v20;
	v20 =	vunpack.i.l.bf16.f32 v20  }
0xaf: {  	v20 =	vadd.f32 v20, v21;
	_ =	sdelay $0x1  }
0xb0: {  	[tilespmem:$0x16E30] =	vst v20  }
0xb1: {  	v20 =	vld [tilespmem:s30+$0xFFFFFE80]  }
0xb2: {  	v21 =	vld [tilespmem:s30+$0xFFFFFE90];
	_ =	sdelay $0x1  }
0xb3: {  	v22 =	vld [tilespmem:s30+$0xFFFFFEA0];
	_ =	sdelay $0x1  }
0xb4: {  	v23 =	vld [tilespmem:s30+$0xFFFFFEB0]  }
0xb5: {  	v20 =	vmul.bf16 v20, v16;
	v21 =	vmul.bf16 v21, v17;
	_ =	sdelay $0x1  }
0xb6: {  	v20 =	vadd.bf16 v21, v20;
	v21 =	vmul.bf16 v22, v18;
	_ =	sdelay $0x1  }
0xb7: {  	v20 =	vadd.bf16 v21, v20;
	v21 =	vmul.bf16 v23, v19;
	_ =	sdelay $0x1  }
0xb8: {  	v20 =	vadd.bf16 v21, v20;
	_ =	sdelay $0x1  }
0xb9: {  	v21 =	vunpack.i.u.bf16.f32 v20;
	v20 =	vunpack.i.l.bf16.f32 v20  }
0xba: {  	v20 =	vadd.f32 v20, v21;
	_ =	sdelay $0x1  }
0xbb: {  	[tilespmem:$0x16E40] =	vst v20  }
0xbc: {  	v20 =	vld [tilespmem:s30+$0xFFFFFEC0]  }
0xbd: {  	v21 =	vld [tilespmem:s30+$0xFFFFFED0];
	_ =	sdelay $0x1  }
0xbe: {  	v22 =	vld [tilespmem:s30+$0xFFFFFEE0];
	_ =	sdelay $0x1  }
0xbf: {  	v23 =	vld [tilespmem:s30+$0xFFFFFEF0]  }
0xc0: {  	v20 =	vmul.bf16 v20, v16;
	v21 =	vmul.bf16 v21, v17;
	_ =	sdelay $0x1  }
0xc1: {  	v20 =	vadd.bf16 v21, v20;
	v21 =	vmul.bf16 v22, v18;
	_ =	sdelay $0x1  }
0xc2: {  	v20 =	vadd.bf16 v21, v20;
	v21 =	vmul.bf16 v23, v19;
	_ =	sdelay $0x1  }
0xc3: {  	v20 =	vadd.bf16 v21, v20;
	_ =	sdelay $0x1  }
0xc4: {  	v21 =	vunpack.i.u.bf16.f32 v20;
	v20 =	vunpack.i.l.bf16.f32 v20  }
0xc5: {  	v20 =	vadd.f32 v20, v21;
	_ =	sdelay $0x1  }
0xc6: {  	[tilespmem:$0x16E50] =	vst v20  }
0xc7: {  	v20 =	vld [tilespmem:s30+$0xFFFFFF00]  }
0xc8: {  	v21 =	vld [tilespmem:s30+$0xFFFFFF10];
	_ =	sdelay $0x1  }
0xc9: {  	v22 =	vld [tilespmem:s30+$0xFFFFFF20];
	_ =	sdelay $0x1  }
0xca: {  	v23 =	vld [tilespmem:s30+$0xFFFFFF30]  }
0xcb: {  	v20 =	vmul.bf16 v20, v16;
	v21 =	vmul.bf16 v21, v17;
	_ =	sdelay $0x1  }
0xcc: {  	v20 =	vadd.bf16 v21, v20;
	v21 =	vmul.bf16 v22, v18;
	_ =	sdelay $0x1  }
0xcd: {  	v20 =	vadd.bf16 v21, v20;
	v21 =	vmul.bf16 v23, v19;
	_ =	sdelay $0x1  }
0xce: {  	v20 =	vadd.bf16 v21, v20;
	_ =	sdelay $0x1  }
0xcf: {  	v21 =	vunpack.i.u.bf16.f32 v20;
	v20 =	vunpack.i.l.bf16.f32 v20  }
0xd0: {  	v20 =	vadd.f32 v20, v21;
	_ =	sdelay $0x1  }
0xd1: {  	[tilespmem:$0x16E60] =	vst v20  }
0xd2: {  	v20 =	vld [tilespmem:s30+$0xFFFFFF40]  }
0xd3: {  	v21 =	vld [tilespmem:s30+$0xFFFFFF50];
	_ =	sdelay $0x1  }
0xd4: {  	v22 =	vld [tilespmem:s30+$0xFFFFFF60];
	_ =	sdelay $0x1  }
0xd5: {  	v23 =	vld [tilespmem:s30+$0xFFFFFF70]  }
0xd6: {  	v20 =	vmul.bf16 v20, v16;
	v21 =	vmul.bf16 v21, v17;
	_ =	sdelay $0x1  }
0xd7: {  	v20 =	vadd.bf16 v21, v20;
	v21 =	vmul.bf16 v22, v18;
	_ =	sdelay $0x1  }
0xd8: {  	v20 =	vadd.bf16 v21, v20;
	v21 =	vmul.bf16 v23, v19;
	_ =	sdelay $0x1  }
0xd9: {  	v20 =	vadd.bf16 v21, v20;
	_ =	sdelay $0x1  }
0xda: {  	v21 =	vunpack.i.u.bf16.f32 v20;
	v20 =	vunpack.i.l.bf16.f32 v20  }
0xdb: {  	v20 =	vadd.f32 v20, v21;
	_ =	sdelay $0x1  }
0xdc: {  	[tilespmem:$0x16E70] =	vst v20  }
0xdd: {  	v20 =	vld [tilespmem:s30+$0xFFFFFF80]  }
0xde: {  	v21 =	vld [tilespmem:s30+$0xFFFFFF90];
	_ =	sdelay $0x1  }
0xdf: {  	v22 =	vld [tilespmem:s30+$0xFFFFFFA0];
	_ =	sdelay $0x1  }
0xe0: {  	v23 =	vld [tilespmem:s30+$0xFFFFFFB0]  }
0xe1: {  	v20 =	vmul.bf16 v20, v16;
	v21 =	vmul.bf16 v21, v17;
	_ =	sdelay $0x1  }
0xe2: {  	v20 =	vadd.bf16 v21, v20;
	v21 =	vmul.bf16 v22, v18;
	_ =	sdelay $0x1  }
0xe3: {  	v20 =	vadd.bf16 v21, v20;
	v21 =	vmul.bf16 v23, v19;
	_ =	sdelay $0x1  }
0xe4: {  	v20 =	vadd.bf16 v21, v20;
	_ =	sdelay $0x1  }
0xe5: {  	v21 =	vunpack.i.u.bf16.f32 v20;
	v20 =	vunpack.i.l.bf16.f32 v20  }
0xe6: {  	v20 =	vadd.f32 v20, v21;
	_ =	sdelay $0x1  }
0xe7: {  	[tilespmem:$0x16E80] =	vst v20  }
0xe8: {  	v20 =	vld [tilespmem:s30+$0xFFFFFFC0]  }
0xe9: {  	v21 =	vld [tilespmem:s30+$0xFFFFFFD0];
	_ =	sdelay $0x1  }
0xea: {  	v22 =	vld [tilespmem:s30+$0xFFFFFFE0];
	_ =	sdelay $0x1  }
0xeb: {  	v23 =	vld [tilespmem:s30+$0xFFFFFFF0]  }
0xec: {  	v20 =	vmul.bf16 v20, v16;
	v21 =	vmul.bf16 v21, v17;
	_ =	sdelay $0x1  }
0xed: {  	v20 =	vadd.bf16 v21, v20;
	v21 =	vmul.bf16 v22, v18;
	_ =	sdelay $0x1  }
0xee: {  	v20 =	vadd.bf16 v21, v20;
	v21 =	vmul.bf16 v23, v19;
	_ =	sdelay $0x1  }
0xef: {  	v20 =	vadd.bf16 v21, v20;
	_ =	sdelay $0x1  }
0xf0: {  	v21 =	vunpack.i.u.bf16.f32 v20;
	v20 =	vunpack.i.l.bf16.f32 v20  }
0xf1: {  	v20 =	vadd.f32 v20, v21;
	_ =	sdelay $0x1  }
0xf2: {  	[tilespmem:$0x16E90] =	vst v20  }
0xf3: {  	v20 =	vld [tilespmem:s30+$0x0]  }
0xf4: {  	v21 =	vld [tilespmem:s30+$0x10];
	_ =	sdelay $0x1  }
0xf5: {  	v22 =	vld [tilespmem:s30+$0x20];
	_ =	sdelay $0x1  }
0xf6: {  	v23 =	vld [tilespmem:s30+$0x30]  }
0xf7: {  	v20 =	vmul.bf16 v20, v16;
	v21 =	vmul.bf16 v21, v17;
	_ =	sdelay $0x1  }
0xf8: {  	v20 =	vadd.bf16 v21, v20;
	v21 =	vmul.bf16 v22, v18;
	_ =	sdelay $0x1  }
0xf9: {  	v20 =	vadd.bf16 v21, v20;
	v21 =	vmul.bf16 v23, v19;
	_ =	sdelay $0x1  }
0xfa: {  	v20 =	vadd.bf16 v21, v20;
	_ =	sdelay $0x1  }
0xfb: {  	v21 =	vunpack.i.u.bf16.f32 v20;
	v20 =	vunpack.i.l.bf16.f32 v20  }
0xfc: {  	v20 =	vadd.f32 v20, v21;
	_ =	sdelay $0x1  }
0xfd: {  	[tilespmem:$0x16EA0] =	vst v20  }
0xfe: {  	v20 =	vld [tilespmem:s30+$0x40]  }
0xff: {  	v21 =	vld [tilespmem:s30+$0x50];
	_ =	sdelay $0x1  }
0x100: {  	v22 =	vld [tilespmem:s30+$0x60];
	_ =	sdelay $0x1  }
0x101: {  	v23 =	vld [tilespmem:s30+$0x70]  }
0x102: {  	v20 =	vmul.bf16 v20, v16;
	v21 =	vmul.bf16 v21, v17;
	_ =	sdelay $0x1  }
0x103: {  	v20 =	vadd.bf16 v21, v20;
	v21 =	vmul.bf16 v22, v18;
	_ =	sdelay $0x1  }
0x104: {  	v20 =	vadd.bf16 v21, v20;
	v21 =	vmul.bf16 v23, v19;
	_ =	sdelay $0x1  }
0x105: {  	v20 =	vadd.bf16 v21, v20;
	_ =	sdelay $0x1  }
0x106: {  	v21 =	vunpack.i.u.bf16.f32 v20;
	v20 =	vunpack.i.l.bf16.f32 v20  }
0x107: {  	v20 =	vadd.f32 v20, v21;
	_ =	sdelay $0x1  }
0x108: {  	[tilespmem:$0x16EB0] =	vst v20  }
0x109: {  	v20 =	vld [tilespmem:s30+$0x80]  }
0x10a: {  	v21 =	vld [tilespmem:s30+$0x90];
	_ =	sdelay $0x1  }
0x10b: {  	v22 =	vld [tilespmem:s30+$0xA0];
	_ =	sdelay $0x1  }
0x10c: {  	v23 =	vld [tilespmem:s30+$0xB0]  }
0x10d: {  	v20 =	vmul.bf16 v20, v16;
	v21 =	vmul.bf16 v21, v17;
	_ =	sdelay $0x1  }
0x10e: {  	v20 =	vadd.bf16 v21, v20;
	v21 =	vmul.bf16 v22, v18;
	_ =	sdelay $0x1  }
0x10f: {  	v20 =	vadd.bf16 v21, v20;
	v21 =	vmul.bf16 v23, v19;
	_ =	sdelay $0x1  }
0x110: {  	v20 =	vadd.bf16 v21, v20;
	_ =	sdelay $0x1  }
0x111: {  	v21 =	vunpack.i.u.bf16.f32 v20;
	v20 =	vunpack.i.l.bf16.f32 v20  }
0x112: {  	v20 =	vadd.f32 v20, v21;
	_ =	sdelay $0x1  }
0x113: {  	[tilespmem:$0x16EC0] =	vst v20  }
0x114: {  	v20 =	vld [tilespmem:s30+$0xC0]  }
0x115: {  	v21 =	vld [tilespmem:s30+$0xD0];
	_ =	sdelay $0x1  }
0x116: {  	v22 =	vld [tilespmem:s30+$0xE0];
	_ =	sdelay $0x1  }
0x117: {  	v23 =	vld [tilespmem:s30+$0xF0]  }
0x118: {  	v20 =	vmul.bf16 v20, v16;
	v21 =	vmul.bf16 v21, v17;
	_ =	sdelay $0x1  }
0x119: {  	v20 =	vadd.bf16 v21, v20;
	v21 =	vmul.bf16 v22, v18;
	_ =	sdelay $0x1  }
0x11a: {  	v20 =	vadd.bf16 v21, v20;
	v21 =	vmul.bf16 v23, v19;
	_ =	sdelay $0x1  }
0x11b: {  	v20 =	vadd.bf16 v21, v20;
	_ =	sdelay $0x1  }
0x11c: {  	v21 =	vunpack.i.u.bf16.f32 v20;
	v20 =	vunpack.i.l.bf16.f32 v20  }
0x11d: {  	v20 =	vadd.f32 v20, v21;
	_ =	sdelay $0x1  }
0x11e: {  	[tilespmem:$0x16ED0] =	vst v20  }
0x11f: {  	v20 =	vld [tilespmem:s30+$0x100]  }
0x120: {  	v21 =	vld [tilespmem:s30+$0x110];
	_ =	sdelay $0x1  }
0x121: {  	v22 =	vld [tilespmem:s30+$0x120];
	_ =	sdelay $0x1  }
0x122: {  	v23 =	vld [tilespmem:s30+$0x130]  }
0x123: {  	v20 =	vmul.bf16 v20, v16;
	v21 =	vmul.bf16 v21, v17;
	_ =	sdelay $0x1  }
0x124: {  	v20 =	vadd.bf16 v21, v20;
	v21 =	vmul.bf16 v22, v18;
	_ =	sdelay $0x1  }
0x125: {  	v20 =	vadd.bf16 v21, v20;
	v21 =	vmul.bf16 v23, v19;
	_ =	sdelay $0x1  }
0x126: {  	v20 =	vadd.bf16 v21, v20;
	_ =	sdelay $0x1  }
0x127: {  	v21 =	vunpack.i.u.bf16.f32 v20;
	v20 =	vunpack.i.l.bf16.f32 v20  }
0x128: {  	v20 =	vadd.f32 v20, v21;
	_ =	sdelay $0x1  }
0x129: {  	[tilespmem:$0x16EE0] =	vst v20  }
0x12a: {  	v20 =	vld [tilespmem:s30+$0x140]  }
0x12b: {  	v21 =	vld [tilespmem:s30+$0x150];
	_ =	sdelay $0x1  }
0x12c: {  	v22 =	vld [tilespmem:s30+$0x160];
	_ =	sdelay $0x1  }
0x12d: {  	v23 =	vld [tilespmem:s30+$0x170]  }
0x12e: {  	v20 =	vmul.bf16 v20, v16;
	v21 =	vmul.bf16 v21, v17;
	_ =	sdelay $0x1  }
0x12f: {  	v20 =	vadd.bf16 v21, v20;
	v21 =	vmul.bf16 v22, v18;
	_ =	sdelay $0x1  }
0x130: {  	v20 =	vadd.bf16 v21, v20;
	v21 =	vmul.bf16 v23, v19;
	_ =	sdelay $0x1  }
0x131: {  	v20 =	vadd.bf16 v21, v20;
	_ =	sdelay $0x1  }
0x132: {  	v21 =	vunpack.i.u.bf16.f32 v20;
	v20 =	vunpack.i.l.bf16.f32 v20  }
0x133: {  	v20 =	vadd.f32 v20, v21;
	_ =	sdelay $0x1  }
0x134: {  	[tilespmem:$0x16EF0] =	vst v20  }
0x135: {  	v20 =	vld [tilespmem:s30+$0x180]  }
0x136: {  	v21 =	vld [tilespmem:s30+$0x190];
	_ =	sdelay $0x1  }
0x137: {  	v22 =	vld [tilespmem:s30+$0x1A0];
	_ =	sdelay $0x1  }
0x138: {  	v23 =	vld [tilespmem:s30+$0x1B0]  }
0x139: {  	v20 =	vmul.bf16 v20, v16;
	v21 =	vmul.bf16 v21, v17;
	_ =	sdelay $0x1  }
0x13a: {  	v20 =	vadd.bf16 v21, v20;
	v21 =	vmul.bf16 v22, v18;
	_ =	sdelay $0x1  }
0x13b: {  	v20 =	vadd.bf16 v21, v20;
	v21 =	vmul.bf16 v23, v19;
	_ =	sdelay $0x1  }
0x13c: {  	v20 =	vadd.bf16 v21, v20;
	_ =	sdelay $0x1  }
0x13d: {  	v21 =	vunpack.i.u.bf16.f32 v20;
	v20 =	vunpack.i.l.bf16.f32 v20  }
0x13e: {  	v20 =	vadd.f32 v20, v21;
	_ =	sdelay $0x1  }
0x13f: {  	[tilespmem:$0x16F00] =	vst v20  }
0x140: {  	v20 =	vld [tilespmem:s30+$0x1C0]  }
0x141: {  	v21 =	vld [tilespmem:s30+$0x1D0];
	_ =	sdelay $0x1  }
0x142: {  	v22 =	vld [tilespmem:s30+$0x1E0];
	_ =	sdelay $0x1  }
0x143: {  	v23 =	vld [tilespmem:s30+$0x1F0]  }
0x144: {  	v20 =	vmul.bf16 v20, v16;
	v21 =	vmul.bf16 v21, v17;
	_ =	sdelay $0x1  }
0x145: {  	v20 =	vadd.bf16 v21, v20;
	v21 =	vmul.bf16 v22, v18;
	_ =	sdelay $0x1  }
0x146: {  	v20 =	vadd.bf16 v21, v20;
	v21 =	vmul.bf16 v23, v19;
	_ =	sdelay $0x1  }
0x147: {  	v20 =	vadd.bf16 v21, v20;
	_ =	sdelay $0x1  }
0x148: {  	v21 =	vunpack.i.u.bf16.f32 v20;
	v20 =	vunpack.i.l.bf16.f32 v20  }
0x149: {  	v20 =	vadd.f32 v20, v21;
	_ =	sdelay $0x1  }
0x14a: {  	[tilespmem:$0x16F10] =	vst v20  }
0x14b: {  	v23 =	vld.idx.msk [tilespmem:v0+s15+$0x0], $0xffff  }
0x14c: {  	v25 =	vld.idx.msk [tilespmem:v1+s15+$0x0], $0xffff  }
0x14d: {  	v24 =	vld.idx.msk [tilespmem:v2+s15+$0x0], $0xffff  }
0x14e: {  	v22 =	vld.idx.msk [tilespmem:v3+s15+$0x0], $0xffff  }
0x14f: {  	s29 =	smul.u32 $0x1300, s23;
	s6 =	simm.s32 $0x40;
	s0 =	simm.s32 $0x0;
	v20 =	vmov s24;
	v21 =	vld.idx.msk [tilespmem:v4+s15+$0x0], $0xffff  }
.LBB2_6:
0x150: {  	p0 =	sne.s32 s6, $0x480  }
0x151: {  	v26 =	vld.idx.msk [tilespmem:v5+s15+$0x0], $0xffff;
	s30 =	sadd.s32 $0x400, s30;
	s9 =	smov.u32 s6;
	s6 =	sadd.s32 $0x40, s6  }
0x152: {  	v27 =	vld.idx.msk [tilespmem:v6+s15+$0x0], $0xffff  }
0x153: {  	v23 =	vadd.f32 v25, v23;
	v25 =	vld.idx.msk [tilespmem:v7+s15+$0x0], $0xffff  }
0x154: {  	v28 =	vld.idx.msk [tilespmem:v8+s15+$0x0], $0xffff  }
0x155: {  	v23 =	vadd.f32 v24, v23;
	v24 =	vld.idx.msk [tilespmem:v9+s15+$0x0], $0xffff  }
0x156: {  	v29 =	vld.idx.msk [tilespmem:v10+s15+$0x0], $0xffff  }
0x157: {  	v22 =	vadd.f32 v22, v23;
	v23 =	vld.idx.msk [tilespmem:v11+s15+$0x0], $0xffff  }
0x158: {  	v30 =	vld.idx.msk [tilespmem:v12+s15+$0x0], $0xffff  }
0x159: {  	v21 =	vadd.f32 v21, v22;
	v22 =	vld.idx.msk [tilespmem:v13+s15+$0x0], $0xffff  }
0x15a: {  	v31 =	vld.idx.msk [tilespmem:v14+s15+$0x0], $0xffff  }
0x15b: {  	v21 =	vadd.f32 v26, v21;
	v26 =	vld.idx.msk [tilespmem:v15+s15+$0x0], $0xffff;
	_ =	sdelay $0x1  }
0x15c: {  	v21 =	vadd.f32 v27, v21;
	_ =	sdelay $0x1  }
0x15d: {  	v21 =	vadd.f32 v25, v21;
	_ =	sdelay $0x1  }
0x15e: {  	v21 =	vadd.f32 v28, v21;
	_ =	sdelay $0x1  }
0x15f: {  	v21 =	vadd.f32 v24, v21;
	_ =	sdelay $0x1  }
0x160: {  	v21 =	vadd.f32 v29, v21;
	_ =	sdelay $0x1  }
0x161: {  	v21 =	vadd.f32 v23, v21;
	_ =	sdelay $0x1  }
0x162: {  	v21 =	vadd.f32 v30, v21;
	_ =	sdelay $0x1  }
0x163: {  	v21 =	vadd.f32 v22, v21;
	_ =	sdelay $0x1  }
0x164: {  	v21 =	vadd.f32 v31, v21  }
0x165: {  	s31 =	sshra.s32 s0, $0x2;
	s0 =	smov.u32 s9  }
0x166: {  	v21 =	vadd.f32 v26, v21;
	_ =	sdelay $0x1  }
0x167: {  	[tilespmem:v20+s31+$0x0 ss:$0x1] =	vst.idx.msk $0xffff, v21  }
0x168: {  	v21 =	vld [tilespmem:s30+$0xFFFFFE00]  }
0x169: {  	v22 =	vld [tilespmem:s30+$0xFFFFFE10]  }
0x16a: {  	v23 =	vld [tilespmem:s30+$0xFFFFFE30]  }
0x16b: {  	v24 =	vld [tilespmem:s30+$0xFFFFFE20];
	_ =	sdelay $0x1  }
0x16c: {  	v21 =	vmul.bf16 v21, v16  }
0x16d: {  	v22 =	vmul.bf16 v22, v17  }
0x16e: {  	v23 =	vmul.bf16 v23, v19  }
0x16f: {  	v21 =	vadd.bf16 v22, v21;
	v22 =	vmul.bf16 v24, v18;
	_ =	sdelay $0x1  }
0x170: {  	v21 =	vadd.bf16 v22, v21;
	_ =	sdelay $0x1  }
0x171: {  	v21 =	vadd.bf16 v23, v21;
	_ =	sdelay $0x1  }
0x172: {  	v22 =	vunpack.i.u.bf16.f32 v21;
	v21 =	vunpack.i.l.bf16.f32 v21  }
0x173: {  	v21 =	vadd.f32 v21, v22;
	_ =	sdelay $0x1  }
0x174: {  	[tilespmem:$0x16E20] =	vst v21  }
0x175: {  	v21 =	vld [tilespmem:s30+$0xFFFFFE40]  }
0x176: {  	v22 =	vld [tilespmem:s30+$0xFFFFFE50];
	_ =	sdelay $0x1  }
0x177: {  	v23 =	vld [tilespmem:s30+$0xFFFFFE60];
	_ =	sdelay $0x1  }
0x178: {  	v21 =	vmul.bf16 v21, v16;
	v24 =	vld [tilespmem:s30+$0xFFFFFE70]  }
0x179: {  	v22 =	vmul.bf16 v22, v17;
	_ =	sdelay $0x1  }
0x17a: {  	v21 =	vadd.bf16 v22, v21;
	v22 =	vmul.bf16 v23, v18;
	_ =	sdelay $0x1  }
0x17b: {  	v21 =	vadd.bf16 v22, v21;
	v22 =	vmul.bf16 v24, v19;
	_ =	sdelay $0x1  }
0x17c: {  	v21 =	vadd.bf16 v22, v21;
	_ =	sdelay $0x1  }
0x17d: {  	v22 =	vunpack.i.u.bf16.f32 v21;
	v21 =	vunpack.i.l.bf16.f32 v21  }
0x17e: {  	v21 =	vadd.f32 v21, v22;
	_ =	sdelay $0x1  }
0x17f: {  	[tilespmem:$0x16E30] =	vst v21  }
0x180: {  	v21 =	vld [tilespmem:s30+$0xFFFFFE80]  }
0x181: {  	v22 =	vld [tilespmem:s30+$0xFFFFFE90];
	_ =	sdelay $0x1  }
0x182: {  	v23 =	vld [tilespmem:s30+$0xFFFFFEA0];
	_ =	sdelay $0x1  }
0x183: {  	v21 =	vmul.bf16 v21, v16;
	v24 =	vld [tilespmem:s30+$0xFFFFFEB0]  }
0x184: {  	v22 =	vmul.bf16 v22, v17;
	_ =	sdelay $0x1  }
0x185: {  	v21 =	vadd.bf16 v22, v21;
	v22 =	vmul.bf16 v23, v18;
	_ =	sdelay $0x1  }
0x186: {  	v21 =	vadd.bf16 v22, v21;
	v22 =	vmul.bf16 v24, v19;
	_ =	sdelay $0x1  }
0x187: {  	v21 =	vadd.bf16 v22, v21;
	_ =	sdelay $0x1  }
0x188: {  	v22 =	vunpack.i.u.bf16.f32 v21;
	v21 =	vunpack.i.l.bf16.f32 v21  }
0x189: {  	v21 =	vadd.f32 v21, v22;
	_ =	sdelay $0x1  }
0x18a: {  	[tilespmem:$0x16E40] =	vst v21  }
0x18b: {  	v21 =	vld [tilespmem:s30+$0xFFFFFEC0]  }
0x18c: {  	v22 =	vld [tilespmem:s30+$0xFFFFFED0];
	_ =	sdelay $0x1  }
0x18d: {  	v23 =	vld [tilespmem:s30+$0xFFFFFEE0];
	_ =	sdelay $0x1  }
0x18e: {  	v21 =	vmul.bf16 v21, v16;
	v24 =	vld [tilespmem:s30+$0xFFFFFEF0]  }
0x18f: {  	v22 =	vmul.bf16 v22, v17;
	_ =	sdelay $0x1  }
0x190: {  	v21 =	vadd.bf16 v22, v21;
	v22 =	vmul.bf16 v23, v18;
	_ =	sdelay $0x1  }
0x191: {  	v21 =	vadd.bf16 v22, v21;
	v22 =	vmul.bf16 v24, v19;
	_ =	sdelay $0x1  }
0x192: {  	v21 =	vadd.bf16 v22, v21;
	_ =	sdelay $0x1  }
0x193: {  	v22 =	vunpack.i.u.bf16.f32 v21;
	v21 =	vunpack.i.l.bf16.f32 v21  }
0x194: {  	v21 =	vadd.f32 v21, v22;
	_ =	sdelay $0x1  }
0x195: {  	[tilespmem:$0x16E50] =	vst v21  }
0x196: {  	v21 =	vld [tilespmem:s30+$0xFFFFFF00]  }
0x197: {  	v22 =	vld [tilespmem:s30+$0xFFFFFF10]  }
0x198: {  	v23 =	vld [tilespmem:s30+$0xFFFFFF20]  }
0x199: {  	v24 =	vld [tilespmem:s30+$0xFFFFFF30];
	_ =	sdelay $0x1  }
0x19a: {  	v21 =	vmul.bf16 v21, v16  }
0x19b: {  	v22 =	vmul.bf16 v22, v17;
	_ =	sdelay $0x1  }
0x19c: {  	v21 =	vadd.bf16 v22, v21;
	v22 =	vmul.bf16 v23, v18;
	_ =	sdelay $0x1  }
0x19d: {  	v21 =	vadd.bf16 v22, v21;
	v22 =	vmul.bf16 v24, v19;
	_ =	sdelay $0x1  }
0x19e: {  	v21 =	vadd.bf16 v22, v21;
	_ =	sdelay $0x1  }
0x19f: {  	v22 =	vunpack.i.u.bf16.f32 v21;
	v21 =	vunpack.i.l.bf16.f32 v21  }
0x1a0: {  	v21 =	vadd.f32 v21, v22;
	_ =	sdelay $0x1  }
0x1a1: {  	[tilespmem:$0x16E60] =	vst v21  }
0x1a2: {  	v21 =	vld [tilespmem:s30+$0xFFFFFF40]  }
0x1a3: {  	v22 =	vld [tilespmem:s30+$0xFFFFFF50]  }
0x1a4: {  	v23 =	vld [tilespmem:s30+$0xFFFFFF60]  }
0x1a5: {  	v24 =	vld [tilespmem:s30+$0xFFFFFF70];
	_ =	sdelay $0x1  }
0x1a6: {  	v21 =	vmul.bf16 v21, v16  }
0x1a7: {  	v22 =	vmul.bf16 v22, v17;
	_ =	sdelay $0x1  }
0x1a8: {  	v21 =	vadd.bf16 v22, v21;
	v22 =	vmul.bf16 v23, v18;
	_ =	sdelay $0x1  }
0x1a9: {  	v21 =	vadd.bf16 v22, v21;
	v22 =	vmul.bf16 v24, v19;
	_ =	sdelay $0x1  }
0x1aa: {  	v21 =	vadd.bf16 v22, v21;
	_ =	sdelay $0x1  }
0x1ab: {  	v22 =	vunpack.i.u.bf16.f32 v21;
	v21 =	vunpack.i.l.bf16.f32 v21  }
0x1ac: {  	v21 =	vadd.f32 v21, v22;
	_ =	sdelay $0x1  }
0x1ad: {  	[tilespmem:$0x16E70] =	vst v21  }
0x1ae: {  	v21 =	vld [tilespmem:s30+$0xFFFFFF80]  }
0x1af: {  	v22 =	vld [tilespmem:s30+$0xFFFFFF90]  }
0x1b0: {  	v23 =	vld [tilespmem:s30+$0xFFFFFFA0]  }
0x1b1: {  	v24 =	vld [tilespmem:s30+$0xFFFFFFB0];
	_ =	sdelay $0x2  }
0x1b2: {  	v21 =	vmul.bf16 v21, v16;
	v22 =	vmul.bf16 v22, v17;
	_ =	sdelay $0x1  }
0x1b3: {  	v21 =	vadd.bf16 v22, v21;
	v22 =	vmul.bf16 v23, v18;
	_ =	sdelay $0x1  }
0x1b4: {  	v21 =	vadd.bf16 v22, v21;
	v22 =	vmul.bf16 v24, v19;
	_ =	sdelay $0x1  }
0x1b5: {  	v21 =	vadd.bf16 v22, v21;
	_ =	sdelay $0x1  }
0x1b6: {  	v22 =	vunpack.i.u.bf16.f32 v21;
	v21 =	vunpack.i.l.bf16.f32 v21  }
0x1b7: {  	v21 =	vadd.f32 v21, v22;
	_ =	sdelay $0x1  }
0x1b8: {  	[tilespmem:$0x16E80] =	vst v21  }
0x1b9: {  	v21 =	vld [tilespmem:s30+$0xFFFFFFC0]  }
0x1ba: {  	v22 =	vld [tilespmem:s30+$0xFFFFFFD0]  }
0x1bb: {  	v23 =	vld [tilespmem:s30+$0xFFFFFFF0]  }
0x1bc: {  	v24 =	vld [tilespmem:s30+$0xFFFFFFE0];
	_ =	sdelay $0x1  }
0x1bd: {  	v21 =	vmul.bf16 v21, v16  }
0x1be: {  	v22 =	vmul.bf16 v22, v17;
	_ =	sdelay $0x1  }
0x1bf: {  	v21 =	vadd.bf16 v22, v21;
	v22 =	vmul.bf16 v24, v18;
	_ =	sdelay $0x1  }
0x1c0: {  	v21 =	vadd.bf16 v22, v21;
	v22 =	vmul.bf16 v23, v19;
	_ =	sdelay $0x1  }
0x1c1: {  	v21 =	vadd.bf16 v22, v21;
	_ =	sdelay $0x1  }
0x1c2: {  	v22 =	vunpack.i.u.bf16.f32 v21;
	v21 =	vunpack.i.l.bf16.f32 v21  }
0x1c3: {  	v21 =	vadd.f32 v21, v22;
	_ =	sdelay $0x1  }
0x1c4: {  	[tilespmem:$0x16E90] =	vst v21  }
0x1c5: {  	v21 =	vld [tilespmem:s30+$0x0]  }
0x1c6: {  	v22 =	vld [tilespmem:s30+$0x10]  }
0x1c7: {  	v23 =	vld [tilespmem:s30+$0x20]  }
0x1c8: {  	v24 =	vld [tilespmem:s30+$0x30];
	_ =	sdelay $0x1  }
0x1c9: {  	v21 =	vmul.bf16 v21, v16  }
0x1ca: {  	v22 =	vmul.bf16 v22, v17;
	_ =	sdelay $0x1  }
0x1cb: {  	v21 =	vadd.bf16 v22, v21;
	v22 =	vmul.bf16 v23, v18;
	_ =	sdelay $0x1  }
0x1cc: {  	v21 =	vadd.bf16 v22, v21;
	v22 =	vmul.bf16 v24, v19;
	_ =	sdelay $0x1  }
0x1cd: {  	v21 =	vadd.bf16 v22, v21;
	_ =	sdelay $0x1  }
0x1ce: {  	v22 =	vunpack.i.u.bf16.f32 v21;
	v21 =	vunpack.i.l.bf16.f32 v21  }
0x1cf: {  	v21 =	vadd.f32 v21, v22;
	_ =	sdelay $0x1  }
0x1d0: {  	[tilespmem:$0x16EA0] =	vst v21  }
0x1d1: {  	v21 =	vld [tilespmem:s30+$0x40]  }
0x1d2: {  	v22 =	vld [tilespmem:s30+$0x50]  }
0x1d3: {  	v23 =	vld [tilespmem:s30+$0x60]  }
0x1d4: {  	v24 =	vld [tilespmem:s30+$0x70];
	_ =	sdelay $0x1  }
0x1d5: {  	v21 =	vmul.bf16 v21, v16  }
0x1d6: {  	v22 =	vmul.bf16 v22, v17;
	_ =	sdelay $0x1  }
0x1d7: {  	v21 =	vadd.bf16 v22, v21;
	v22 =	vmul.bf16 v23, v18;
	_ =	sdelay $0x1  }
0x1d8: {  	v21 =	vadd.bf16 v22, v21;
	v22 =	vmul.bf16 v24, v19;
	_ =	sdelay $0x1  }
0x1d9: {  	v21 =	vadd.bf16 v22, v21;
	_ =	sdelay $0x1  }
0x1da: {  	v22 =	vunpack.i.u.bf16.f32 v21;
	v21 =	vunpack.i.l.bf16.f32 v21  }
0x1db: {  	v21 =	vadd.f32 v21, v22;
	_ =	sdelay $0x1  }
0x1dc: {  	[tilespmem:$0x16EB0] =	vst v21  }
0x1dd: {  	v21 =	vld [tilespmem:s30+$0x80]  }
0x1de: {  	v22 =	vld [tilespmem:s30+$0x90]  }
0x1df: {  	v23 =	vld [tilespmem:s30+$0xA0]  }
0x1e0: {  	v24 =	vld [tilespmem:s30+$0xB0];
	_ =	sdelay $0x2  }
0x1e1: {  	v21 =	vmul.bf16 v21, v16;
	v22 =	vmul.bf16 v22, v17;
	_ =	sdelay $0x1  }
0x1e2: {  	v21 =	vadd.bf16 v22, v21;
	v22 =	vmul.bf16 v23, v18;
	_ =	sdelay $0x1  }
0x1e3: {  	v21 =	vadd.bf16 v22, v21;
	v22 =	vmul.bf16 v24, v19;
	_ =	sdelay $0x1  }
0x1e4: {  	v21 =	vadd.bf16 v22, v21;
	_ =	sdelay $0x1  }
0x1e5: {  	v22 =	vunpack.i.u.bf16.f32 v21;
	v21 =	vunpack.i.l.bf16.f32 v21  }
0x1e6: {  	v21 =	vadd.f32 v21, v22;
	_ =	sdelay $0x1  }
0x1e7: {  	[tilespmem:$0x16EC0] =	vst v21  }
0x1e8: {  	v21 =	vld [tilespmem:s30+$0xC0]  }
0x1e9: {  	v22 =	vld [tilespmem:s30+$0xD0]  }
0x1ea: {  	v23 =	vld [tilespmem:s30+$0xE0]  }
0x1eb: {  	v24 =	vld [tilespmem:s30+$0xF0];
	_ =	sdelay $0x1  }
0x1ec: {  	v21 =	vmul.bf16 v21, v16  }
0x1ed: {  	v22 =	vmul.bf16 v22, v17;
	_ =	sdelay $0x1  }
0x1ee: {  	v21 =	vadd.bf16 v22, v21;
	v22 =	vmul.bf16 v23, v18;
	_ =	sdelay $0x1  }
0x1ef: {  	v21 =	vadd.bf16 v22, v21;
	v22 =	vmul.bf16 v24, v19;
	_ =	sdelay $0x1  }
0x1f0: {  	v21 =	vadd.bf16 v22, v21;
	_ =	sdelay $0x1  }
0x1f1: {  	v22 =	vunpack.i.u.bf16.f32 v21;
	v21 =	vunpack.i.l.bf16.f32 v21  }
0x1f2: {  	v21 =	vadd.f32 v21, v22;
	_ =	sdelay $0x1  }
0x1f3: {  	[tilespmem:$0x16ED0] =	vst v21  }
0x1f4: {  	v21 =	vld [tilespmem:s30+$0x100]  }
0x1f5: {  	v22 =	vld [tilespmem:s30+$0x110]  }
0x1f6: {  	v23 =	vld [tilespmem:s30+$0x120]  }
0x1f7: {  	v24 =	vld [tilespmem:s30+$0x130];
	_ =	sdelay $0x1  }
0x1f8: {  	v21 =	vmul.bf16 v21, v16  }
0x1f9: {  	v22 =	vmul.bf16 v22, v17;
	_ =	sdelay $0x1  }
0x1fa: {  	v21 =	vadd.bf16 v22, v21;
	v22 =	vmul.bf16 v23, v18;
	_ =	sdelay $0x1  }
0x1fb: {  	v21 =	vadd.bf16 v22, v21;
	v22 =	vmul.bf16 v24, v19;
	_ =	sdelay $0x1  }
0x1fc: {  	v21 =	vadd.bf16 v22, v21;
	_ =	sdelay $0x1  }
0x1fd: {  	v22 =	vunpack.i.u.bf16.f32 v21;
	v21 =	vunpack.i.l.bf16.f32 v21  }
0x1fe: {  	v21 =	vadd.f32 v21, v22;
	_ =	sdelay $0x1  }
0x1ff: {  	[tilespmem:$0x16EE0] =	vst v21  }
0x200: {  	v21 =	vld [tilespmem:s30+$0x140]  }
0x201: {  	v22 =	vld [tilespmem:s30+$0x150]  }
0x202: {  	v23 =	vld [tilespmem:s30+$0x160]  }
0x203: {  	v24 =	vld [tilespmem:s30+$0x170];
	_ =	sdelay $0x1  }
0x204: {  	v21 =	vmul.bf16 v21, v16  }
0x205: {  	v22 =	vmul.bf16 v22, v17;
	_ =	sdelay $0x1  }
0x206: {  	v21 =	vadd.bf16 v22, v21;
	v22 =	vmul.bf16 v23, v18;
	_ =	sdelay $0x1  }
0x207: {  	v21 =	vadd.bf16 v22, v21;
	v22 =	vmul.bf16 v24, v19;
	_ =	sdelay $0x1  }
0x208: {  	v21 =	vadd.bf16 v22, v21;
	_ =	sdelay $0x1  }
0x209: {  	v22 =	vunpack.i.u.bf16.f32 v21;
	v21 =	vunpack.i.l.bf16.f32 v21  }
0x20a: {  	v21 =	vadd.f32 v21, v22;
	_ =	sdelay $0x1  }
0x20b: {  	[tilespmem:$0x16EF0] =	vst v21  }
0x20c: {  	v21 =	vld [tilespmem:s30+$0x180]  }
0x20d: {  	v22 =	vld [tilespmem:s30+$0x190]  }
0x20e: {  	v23 =	vld [tilespmem:s30+$0x1A0]  }
0x20f: {  	v24 =	vld [tilespmem:s30+$0x1B0];
	_ =	sdelay $0x1  }
0x210: {  	v21 =	vmul.bf16 v21, v16  }
0x211: {  	v22 =	vmul.bf16 v22, v17;
	_ =	sdelay $0x1  }
0x212: {  	v21 =	vadd.bf16 v22, v21;
	v22 =	vmul.bf16 v23, v18;
	_ =	sdelay $0x1  }
0x213: {  	v21 =	vadd.bf16 v22, v21;
	v22 =	vmul.bf16 v24, v19;
	_ =	sdelay $0x1  }
0x214: {  	v21 =	vadd.bf16 v22, v21;
	_ =	sdelay $0x1  }
0x215: {  	v22 =	vunpack.i.u.bf16.f32 v21;
	v21 =	vunpack.i.l.bf16.f32 v21  }
0x216: {  	v21 =	vadd.f32 v21, v22;
	_ =	sdelay $0x1  }
0x217: {  	[tilespmem:$0x16F00] =	vst v21  }
0x218: {  	v21 =	vld [tilespmem:s30+$0x1C0]  }
0x219: {  	v22 =	vld [tilespmem:s30+$0x1D0]  }
0x21a: {  	v23 =	vld [tilespmem:s30+$0x1E0]  }
0x21b: {  	v24 =	vld [tilespmem:s30+$0x1F0];
	_ =	sdelay $0x2  }
0x21c: {  	v21 =	vmul.bf16 v21, v16;
	v22 =	vmul.bf16 v22, v17;
	_ =	sdelay $0x1  }
0x21d: {  	v21 =	vadd.bf16 v22, v21;
	v22 =	vmul.bf16 v23, v18;
	_ =	sdelay $0x1  }
0x21e: {  	v21 =	vadd.bf16 v22, v21;
	v22 =	vmul.bf16 v24, v19;
	_ =	sdelay $0x1  }
0x21f: {  	v21 =	vadd.bf16 v22, v21;
	_ =	sdelay $0x1  }
0x220: {  	v22 =	vunpack.i.u.bf16.f32 v21;
	v21 =	vunpack.i.l.bf16.f32 v21  }
0x221: {  	v21 =	vadd.f32 v21, v22;
	_ =	sdelay $0x1  }
0x222: {  	[tilespmem:$0x16F10] =	vst v21  }
.Ltmp5:
0x223: {  	v23 =	vld.idx.msk [tilespmem:v0+s15+$0x0], $0xffff;
	(pc) =	sbr.rel @p0 .LBB2_6-.Ltmp5, $4  }
0x224: {  	v25 =	vld.idx.msk [tilespmem:v1+s15+$0x0], $0xffff  }
0x225: {  	v24 =	vld.idx.msk [tilespmem:v2+s15+$0x0], $0xffff  }
0x226: {  	v22 =	vld.idx.msk [tilespmem:v3+s15+$0x0], $0xffff  }
0x227: {  	v21 =	vld.idx.msk [tilespmem:v4+s15+$0x0], $0xffff  }
0x228: {  	_ = 	snop  }
0x229: {  	v16 =	vadd.f32 v25, v23;
	_ =	sdelay $0x1  }
0x22a: {  	v16 =	vadd.f32 v24, v16  }
0x22b: {  	v17 =	vld.idx.msk [tilespmem:v5+s15+$0x0], $0xffff  }
0x22c: {  	v16 =	vadd.f32 v22, v16  }
0x22d: {  	v18 =	vld.idx.msk [tilespmem:v6+s15+$0x0], $0xffff  }
0x22e: {  	v16 =	vadd.f32 v21, v16  }
0x22f: {  	v19 =	vld.idx.msk [tilespmem:v7+s15+$0x0], $0xffff  }
0x230: {  	v16 =	vadd.f32 v17, v16  }
0x231: {  	v17 =	vld.idx.msk [tilespmem:v8+s15+$0x0], $0xffff  }
0x232: {  	v16 =	vadd.f32 v18, v16  }
0x233: {  	v18 =	vld.idx.msk [tilespmem:v9+s15+$0x0], $0xffff  }
0x234: {  	v16 =	vadd.f32 v19, v16  }
0x235: {  	v19 =	vld.idx.msk [tilespmem:v10+s15+$0x0], $0xffff  }
0x236: {  	v16 =	vadd.f32 v17, v16  }
0x237: {  	v17 =	vld.idx.msk [tilespmem:v11+s15+$0x0], $0xffff  }
0x238: {  	v16 =	vadd.f32 v18, v16  }
0x239: {  	v18 =	vld.idx.msk [tilespmem:v12+s15+$0x0], $0xffff  }
0x23a: {  	v16 =	vadd.f32 v19, v16  }
0x23b: {  	v19 =	vld.idx.msk [tilespmem:v13+s15+$0x0], $0xffff  }
0x23c: {  	v16 =	vadd.f32 v17, v16  }
0x23d: {  	v17 =	vld.idx.msk [tilespmem:v14+s15+$0x0], $0xffff  }
0x23e: {  	v16 =	vadd.f32 v18, v16  }
0x23f: {  	v18 =	vld.idx.msk [tilespmem:v15+s15+$0x0], $0xffff  }
0x240: {  	v16 =	vadd.f32 v19, v16;
	_ =	sdelay $0x1  }
0x241: {  	v16 =	vadd.f32 v17, v16;
	_ =	sdelay $0x1  }
0x242: {  	p0 =	seq.s32 s23, $0x7;
	v16 =	vadd.f32 v18, v16  }
0x243: {  	s0 =	sshra.s32 s0, $0x2;
	s30 =	sshra.s32 @!p0 s29, $0x2  }
0x244: {  	s6 =	simm.s32 @!p0 $0x80;
	s9 =	simm.s32 @!p0 $0x3E20;
	[tilespmem:v20+s0+$0x0 ss:$0x1] =	vst.idx.msk $0xffff, v16;
	s0 =	sadd.s32 @!p0 $0x4E0, s30  }
0x245: {  	[tilespmem:s9], [sflag:$0x1] =	stream.indirect.gather @!p0 [hbm4b:s7+s6], $0x40, s0, s6, $0xb8;
	[tilespmem:$0x19520] =	vst v63  }
0x246: {  	s4 =	sshll.u32 s23, $0x2;
	s31 =	simm.s32 @!p0 $0x5E20;
	s9 =	sadd.s32 @!p0 $0x560, s30  }
0x247: {  	[tilespmem:s31], [sflag:$0x1] =	stream.indirect.gather @!p0 [hbm4b:s7+s6], $0x40, s9, s6, $0xb8;
	[tilespmem:$0x19520] =	vst v63  }
0x248: {  	s6 =	sadd.s32 @!p0 $0x5E0, s30;
	s9 =	simm.s32 @!p0 $0x30;
	s31 =	simm.s32 @!p0 $0x7E20  }
0x249: {  	[tilespmem:s31], [sflag:$0x1] =	stream.indirect.gather @!p0 [hbm4b:s7+s9], $0x40, s6, s9, $0xb8;
	[tilespmem:$0x19520] =	vst v63  }
0x24a: {  	s31 =	sshll.u32 s4, $0x6;
	_ =	swait.ge [sflag:s16], $0x4C00  }
0x24b: {  	s0 =	sor.u32 $0x40, s31;
	[sflag:s16] =	ssyncset.done $0x0  }
0x24c: {  	s9 =	sand.u32 $0x3FFFFFC0, s0;
	[sflag:s16] =	ssyncadd.s32 $0xFFFFB400  }
0x24d: {  	v16 =	vld [tilespmem:s9+$0x3620]  }
0x24e: {  	s0 =	simm.s32 $0x8C20;
	v17 =	vld [tilespmem:s9+$0x3630]  }
0x24f: {  	v20 =	vld [tilespmem:s0+$0xFFFFFE00]  }
0x250: {  	v21 =	vld [tilespmem:s0+$0xFFFFFE10]  }
0x251: {  	v18 =	vld [tilespmem:s9+$0x3640]  }
0x252: {  	v22 =	vld [tilespmem:s0+$0xFFFFFE20]  }
0x253: {  	v19 =	vld [tilespmem:s9+$0x3650]  }
0x254: {  	v23 =	vld [tilespmem:s0+$0xFFFFFE30]  }
0x255: {  	v20 =	vmul.bf16 v20, v16;
	v21 =	vmul.bf16 v21, v17;
	_ =	sdelay $0x1  }
0x256: {  	v20 =	vadd.bf16 v21, v20;
	v21 =	vmul.bf16 v22, v18;
	_ =	sdelay $0x1  }
0x257: {  	v22 =	vmul.bf16 v23, v19;
	v20 =	vadd.bf16 v21, v20;
	_ =	sdelay $0x1  }
0x258: {  	v20 =	vadd.bf16 v22, v20;
	_ =	sdelay $0x1  }
0x259: {  	v21 =	vunpack.i.u.bf16.f32 v20;
	v20 =	vunpack.i.l.bf16.f32 v20  }
0x25a: {  	v20 =	vadd.f32 v20, v21;
	_ =	sdelay $0x1  }
0x25b: {  	[tilespmem:$0x16E20] =	vst v20  }
0x25c: {  	v20 =	vld [tilespmem:s0+$0xFFFFFE40]  }
0x25d: {  	v21 =	vld [tilespmem:s0+$0xFFFFFE50];
	_ =	sdelay $0x1  }
0x25e: {  	v22 =	vld [tilespmem:s0+$0xFFFFFE60];
	_ =	sdelay $0x1  }
0x25f: {  	v23 =	vld [tilespmem:s0+$0xFFFFFE70]  }
0x260: {  	v20 =	vmul.bf16 v20, v16;
	v21 =	vmul.bf16 v21, v17;
	_ =	sdelay $0x1  }
0x261: {  	v20 =	vadd.bf16 v21, v20;
	v21 =	vmul.bf16 v22, v18;
	_ =	sdelay $0x1  }
0x262: {  	v20 =	vadd.bf16 v21, v20;
	v21 =	vmul.bf16 v23, v19;
	_ =	sdelay $0x1  }
0x263: {  	v20 =	vadd.bf16 v21, v20;
	_ =	sdelay $0x1  }
0x264: {  	v21 =	vunpack.i.u.bf16.f32 v20;
	v20 =	vunpack.i.l.bf16.f32 v20  }
0x265: {  	v20 =	vadd.f32 v20, v21;
	_ =	sdelay $0x1  }
0x266: {  	[tilespmem:$0x16E30] =	vst v20  }
0x267: {  	v20 =	vld [tilespmem:s0+$0xFFFFFE80]  }
0x268: {  	v21 =	vld [tilespmem:s0+$0xFFFFFE90];
	_ =	sdelay $0x1  }
0x269: {  	v22 =	vld [tilespmem:s0+$0xFFFFFEA0];
	_ =	sdelay $0x1  }
0x26a: {  	v23 =	vld [tilespmem:s0+$0xFFFFFEB0]  }
0x26b: {  	v20 =	vmul.bf16 v20, v16;
	v21 =	vmul.bf16 v21, v17;
	_ =	sdelay $0x1  }
0x26c: {  	v20 =	vadd.bf16 v21, v20;
	v21 =	vmul.bf16 v22, v18;
	_ =	sdelay $0x1  }
0x26d: {  	v20 =	vadd.bf16 v21, v20;
	v21 =	vmul.bf16 v23, v19;
	_ =	sdelay $0x1  }
0x26e: {  	v20 =	vadd.bf16 v21, v20;
	_ =	sdelay $0x1  }
0x26f: {  	v21 =	vunpack.i.u.bf16.f32 v20;
	v20 =	vunpack.i.l.bf16.f32 v20  }
0x270: {  	v20 =	vadd.f32 v20, v21;
	_ =	sdelay $0x1  }
0x271: {  	[tilespmem:$0x16E40] =	vst v20  }
0x272: {  	v20 =	vld [tilespmem:s0+$0xFFFFFEC0]  }
0x273: {  	v21 =	vld [tilespmem:s0+$0xFFFFFED0];
	_ =	sdelay $0x1  }
0x274: {  	v22 =	vld [tilespmem:s0+$0xFFFFFEE0];
	_ =	sdelay $0x1  }
0x275: {  	v23 =	vld [tilespmem:s0+$0xFFFFFEF0]  }
0x276: {  	v20 =	vmul.bf16 v20, v16;
	v21 =	vmul.bf16 v21, v17;
	_ =	sdelay $0x1  }
0x277: {  	v20 =	vadd.bf16 v21, v20;
	v21 =	vmul.bf16 v22, v18;
	_ =	sdelay $0x1  }
0x278: {  	v20 =	vadd.bf16 v21, v20;
	v21 =	vmul.bf16 v23, v19;
	_ =	sdelay $0x1  }
0x279: {  	v20 =	vadd.bf16 v21, v20;
	_ =	sdelay $0x1  }
0x27a: {  	v21 =	vunpack.i.u.bf16.f32 v20;
	v20 =	vunpack.i.l.bf16.f32 v20  }
0x27b: {  	v20 =	vadd.f32 v20, v21;
	_ =	sdelay $0x1  }
0x27c: {  	[tilespmem:$0x16E50] =	vst v20  }
0x27d: {  	v20 =	vld [tilespmem:s0+$0xFFFFFF00]  }
0x27e: {  	v21 =	vld [tilespmem:s0+$0xFFFFFF10];
	_ =	sdelay $0x1  }
0x27f: {  	v22 =	vld [tilespmem:s0+$0xFFFFFF20];
	_ =	sdelay $0x1  }
0x280: {  	v23 =	vld [tilespmem:s0+$0xFFFFFF30]  }
0x281: {  	v20 =	vmul.bf16 v20, v16;
	v21 =	vmul.bf16 v21, v17;
	_ =	sdelay $0x1  }
0x282: {  	v20 =	vadd.bf16 v21, v20;
	v21 =	vmul.bf16 v22, v18;
	_ =	sdelay $0x1  }
0x283: {  	v20 =	vadd.bf16 v21, v20;
	v21 =	vmul.bf16 v23, v19;
	_ =	sdelay $0x1  }
0x284: {  	v20 =	vadd.bf16 v21, v20;
	_ =	sdelay $0x1  }
0x285: {  	v21 =	vunpack.i.u.bf16.f32 v20;
	v20 =	vunpack.i.l.bf16.f32 v20  }
0x286: {  	v20 =	vadd.f32 v20, v21;
	_ =	sdelay $0x1  }
0x287: {  	[tilespmem:$0x16E60] =	vst v20  }
0x288: {  	v20 =	vld [tilespmem:s0+$0xFFFFFF40]  }
0x289: {  	v21 =	vld [tilespmem:s0+$0xFFFFFF50];
	_ =	sdelay $0x1  }
0x28a: {  	v22 =	vld [tilespmem:s0+$0xFFFFFF60];
	_ =	sdelay $0x1  }
0x28b: {  	v23 =	vld [tilespmem:s0+$0xFFFFFF70]  }
0x28c: {  	v20 =	vmul.bf16 v20, v16;
	v21 =	vmul.bf16 v21, v17;
	_ =	sdelay $0x1  }
0x28d: {  	v20 =	vadd.bf16 v21, v20;
	v21 =	vmul.bf16 v22, v18;
	_ =	sdelay $0x1  }
0x28e: {  	v20 =	vadd.bf16 v21, v20;
	v21 =	vmul.bf16 v23, v19;
	_ =	sdelay $0x1  }
0x28f: {  	v20 =	vadd.bf16 v21, v20;
	_ =	sdelay $0x1  }
0x290: {  	v21 =	vunpack.i.u.bf16.f32 v20;
	v20 =	vunpack.i.l.bf16.f32 v20  }
0x291: {  	v20 =	vadd.f32 v20, v21;
	_ =	sdelay $0x1  }
0x292: {  	[tilespmem:$0x16E70] =	vst v20  }
0x293: {  	v20 =	vld [tilespmem:s0+$0xFFFFFF80]  }
0x294: {  	v21 =	vld [tilespmem:s0+$0xFFFFFF90];
	_ =	sdelay $0x1  }
0x295: {  	v22 =	vld [tilespmem:s0+$0xFFFFFFA0];
	_ =	sdelay $0x1  }
0x296: {  	v23 =	vld [tilespmem:s0+$0xFFFFFFB0]  }
0x297: {  	v20 =	vmul.bf16 v20, v16;
	v21 =	vmul.bf16 v21, v17;
	_ =	sdelay $0x1  }
0x298: {  	v20 =	vadd.bf16 v21, v20;
	v21 =	vmul.bf16 v22, v18;
	_ =	sdelay $0x1  }
0x299: {  	v20 =	vadd.bf16 v21, v20;
	v21 =	vmul.bf16 v23, v19;
	_ =	sdelay $0x1  }
0x29a: {  	v20 =	vadd.bf16 v21, v20;
	_ =	sdelay $0x1  }
0x29b: {  	v21 =	vunpack.i.u.bf16.f32 v20;
	v20 =	vunpack.i.l.bf16.f32 v20  }
0x29c: {  	v20 =	vadd.f32 v20, v21;
	_ =	sdelay $0x1  }
0x29d: {  	[tilespmem:$0x16E80] =	vst v20  }
0x29e: {  	v20 =	vld [tilespmem:s0+$0xFFFFFFC0]  }
0x29f: {  	v21 =	vld [tilespmem:s0+$0xFFFFFFD0];
	_ =	sdelay $0x1  }
0x2a0: {  	v22 =	vld [tilespmem:s0+$0xFFFFFFE0];
	_ =	sdelay $0x1  }
0x2a1: {  	v23 =	vld [tilespmem:s0+$0xFFFFFFF0]  }
0x2a2: {  	v20 =	vmul.bf16 v20, v16;
	v21 =	vmul.bf16 v21, v17;
	_ =	sdelay $0x1  }
0x2a3: {  	v20 =	vadd.bf16 v21, v20;
	v21 =	vmul.bf16 v22, v18;
	_ =	sdelay $0x1  }
0x2a4: {  	v20 =	vadd.bf16 v21, v20;
	v21 =	vmul.bf16 v23, v19;
	_ =	sdelay $0x1  }
0x2a5: {  	v20 =	vadd.bf16 v21, v20;
	_ =	sdelay $0x1  }
0x2a6: {  	v21 =	vunpack.i.u.bf16.f32 v20;
	v20 =	vunpack.i.l.bf16.f32 v20  }
0x2a7: {  	v20 =	vadd.f32 v20, v21;
	_ =	sdelay $0x1  }
0x2a8: {  	[tilespmem:$0x16E90] =	vst v20  }
0x2a9: {  	v20 =	vld [tilespmem:s0+$0x0]  }
0x2aa: {  	v21 =	vld [tilespmem:s0+$0x10];
	_ =	sdelay $0x1  }
0x2ab: {  	v22 =	vld [tilespmem:s0+$0x20];
	_ =	sdelay $0x1  }
0x2ac: {  	v23 =	vld [tilespmem:s0+$0x30]  }
0x2ad: {  	v20 =	vmul.bf16 v20, v16;
	v21 =	vmul.bf16 v21, v17;
	_ =	sdelay $0x1  }
0x2ae: {  	v20 =	vadd.bf16 v21, v20;
	v21 =	vmul.bf16 v22, v18;
	_ =	sdelay $0x1  }
0x2af: {  	v20 =	vadd.bf16 v21, v20;
	v21 =	vmul.bf16 v23, v19;
	_ =	sdelay $0x1  }
0x2b0: {  	v20 =	vadd.bf16 v21, v20;
	_ =	sdelay $0x1  }
0x2b1: {  	v21 =	vunpack.i.u.bf16.f32 v20;
	v20 =	vunpack.i.l.bf16.f32 v20  }
0x2b2: {  	v20 =	vadd.f32 v20, v21;
	_ =	sdelay $0x1  }
0x2b3: {  	[tilespmem:$0x16EA0] =	vst v20  }
0x2b4: {  	v20 =	vld [tilespmem:s0+$0x40]  }
0x2b5: {  	v21 =	vld [tilespmem:s0+$0x50];
	_ =	sdelay $0x1  }
0x2b6: {  	v22 =	vld [tilespmem:s0+$0x60];
	_ =	sdelay $0x1  }
0x2b7: {  	v23 =	vld [tilespmem:s0+$0x70]  }
0x2b8: {  	v20 =	vmul.bf16 v20, v16;
	v21 =	vmul.bf16 v21, v17;
	_ =	sdelay $0x1  }
0x2b9: {  	v20 =	vadd.bf16 v21, v20;
	v21 =	vmul.bf16 v22, v18;
	_ =	sdelay $0x1  }
0x2ba: {  	v20 =	vadd.bf16 v21, v20;
	v21 =	vmul.bf16 v23, v19;
	_ =	sdelay $0x1  }
0x2bb: {  	v20 =	vadd.bf16 v21, v20;
	_ =	sdelay $0x1  }
0x2bc: {  	v21 =	vunpack.i.u.bf16.f32 v20;
	v20 =	vunpack.i.l.bf16.f32 v20  }
0x2bd: {  	v20 =	vadd.f32 v20, v21;
	_ =	sdelay $0x1  }
0x2be: {  	[tilespmem:$0x16EB0] =	vst v20  }
0x2bf: {  	v20 =	vld [tilespmem:s0+$0x80]  }
0x2c0: {  	v21 =	vld [tilespmem:s0+$0x90];
	_ =	sdelay $0x1  }
0x2c1: {  	v22 =	vld [tilespmem:s0+$0xA0];
	_ =	sdelay $0x1  }
0x2c2: {  	v23 =	vld [tilespmem:s0+$0xB0]  }
0x2c3: {  	v20 =	vmul.bf16 v20, v16;
	v21 =	vmul.bf16 v21, v17;
	_ =	sdelay $0x1  }
0x2c4: {  	v20 =	vadd.bf16 v21, v20;
	v21 =	vmul.bf16 v22, v18;
	_ =	sdelay $0x1  }
0x2c5: {  	v20 =	vadd.bf16 v21, v20;
	v21 =	vmul.bf16 v23, v19;
	_ =	sdelay $0x1  }
0x2c6: {  	v20 =	vadd.bf16 v21, v20;
	_ =	sdelay $0x1  }
0x2c7: {  	v21 =	vunpack.i.u.bf16.f32 v20;
	v20 =	vunpack.i.l.bf16.f32 v20  }
0x2c8: {  	v20 =	vadd.f32 v20, v21;
	_ =	sdelay $0x1  }
0x2c9: {  	[tilespmem:$0x16EC0] =	vst v20  }
0x2ca: {  	v20 =	vld [tilespmem:s0+$0xC0]  }
0x2cb: {  	v21 =	vld [tilespmem:s0+$0xD0];
	_ =	sdelay $0x1  }
0x2cc: {  	v22 =	vld [tilespmem:s0+$0xE0];
	_ =	sdelay $0x1  }
0x2cd: {  	v23 =	vld [tilespmem:s0+$0xF0]  }
0x2ce: {  	v20 =	vmul.bf16 v20, v16;
	v21 =	vmul.bf16 v21, v17;
	_ =	sdelay $0x1  }
0x2cf: {  	v20 =	vadd.bf16 v21, v20;
	v21 =	vmul.bf16 v22, v18;
	_ =	sdelay $0x1  }
0x2d0: {  	v20 =	vadd.bf16 v21, v20;
	v21 =	vmul.bf16 v23, v19;
	_ =	sdelay $0x1  }
0x2d1: {  	v20 =	vadd.bf16 v21, v20;
	_ =	sdelay $0x1  }
0x2d2: {  	v21 =	vunpack.i.u.bf16.f32 v20;
	v20 =	vunpack.i.l.bf16.f32 v20  }
0x2d3: {  	v20 =	vadd.f32 v20, v21;
	_ =	sdelay $0x1  }
0x2d4: {  	[tilespmem:$0x16ED0] =	vst v20  }
0x2d5: {  	v20 =	vld [tilespmem:s0+$0x100]  }
0x2d6: {  	v21 =	vld [tilespmem:s0+$0x110];
	_ =	sdelay $0x1  }
0x2d7: {  	v22 =	vld [tilespmem:s0+$0x120];
	_ =	sdelay $0x1  }
0x2d8: {  	v23 =	vld [tilespmem:s0+$0x130]  }
0x2d9: {  	v20 =	vmul.bf16 v20, v16;
	v21 =	vmul.bf16 v21, v17;
	_ =	sdelay $0x1  }
0x2da: {  	v20 =	vadd.bf16 v21, v20;
	v21 =	vmul.bf16 v22, v18;
	_ =	sdelay $0x1  }
0x2db: {  	v20 =	vadd.bf16 v21, v20;
	v21 =	vmul.bf16 v23, v19;
	_ =	sdelay $0x1  }
0x2dc: {  	v20 =	vadd.bf16 v21, v20;
	_ =	sdelay $0x1  }
0x2dd: {  	v21 =	vunpack.i.u.bf16.f32 v20;
	v20 =	vunpack.i.l.bf16.f32 v20  }
0x2de: {  	v20 =	vadd.f32 v20, v21;
	_ =	sdelay $0x1  }
0x2df: {  	[tilespmem:$0x16EE0] =	vst v20  }
0x2e0: {  	v20 =	vld [tilespmem:s0+$0x140]  }
0x2e1: {  	v21 =	vld [tilespmem:s0+$0x150];
	_ =	sdelay $0x1  }
0x2e2: {  	v22 =	vld [tilespmem:s0+$0x160];
	_ =	sdelay $0x1  }
0x2e3: {  	v23 =	vld [tilespmem:s0+$0x170]  }
0x2e4: {  	v20 =	vmul.bf16 v20, v16;
	v21 =	vmul.bf16 v21, v17;
	_ =	sdelay $0x1  }
0x2e5: {  	v20 =	vadd.bf16 v21, v20;
	v21 =	vmul.bf16 v22, v18;
	_ =	sdelay $0x1  }
0x2e6: {  	v20 =	vadd.bf16 v21, v20;
	v21 =	vmul.bf16 v23, v19;
	_ =	sdelay $0x1  }
0x2e7: {  	v20 =	vadd.bf16 v21, v20;
	_ =	sdelay $0x1  }
0x2e8: {  	v21 =	vunpack.i.u.bf16.f32 v20;
	v20 =	vunpack.i.l.bf16.f32 v20  }
0x2e9: {  	v20 =	vadd.f32 v20, v21;
	_ =	sdelay $0x1  }
0x2ea: {  	[tilespmem:$0x16EF0] =	vst v20  }
0x2eb: {  	v20 =	vld [tilespmem:s0+$0x180]  }
0x2ec: {  	v21 =	vld [tilespmem:s0+$0x190];
	_ =	sdelay $0x1  }
0x2ed: {  	v22 =	vld [tilespmem:s0+$0x1A0];
	_ =	sdelay $0x1  }
0x2ee: {  	v23 =	vld [tilespmem:s0+$0x1B0]  }
0x2ef: {  	v20 =	vmul.bf16 v20, v16;
	v21 =	vmul.bf16 v21, v17;
	_ =	sdelay $0x1  }
0x2f0: {  	v20 =	vadd.bf16 v21, v20;
	v21 =	vmul.bf16 v22, v18;
	_ =	sdelay $0x1  }
0x2f1: {  	v20 =	vadd.bf16 v21, v20;
	v21 =	vmul.bf16 v23, v19;
	_ =	sdelay $0x1  }
0x2f2: {  	v20 =	vadd.bf16 v21, v20;
	_ =	sdelay $0x1  }
0x2f3: {  	v21 =	vunpack.i.u.bf16.f32 v20;
	v20 =	vunpack.i.l.bf16.f32 v20  }
0x2f4: {  	v20 =	vadd.f32 v20, v21;
	_ =	sdelay $0x1  }
0x2f5: {  	[tilespmem:$0x16F00] =	vst v20  }
0x2f6: {  	v20 =	vld [tilespmem:s0+$0x1C0]  }
0x2f7: {  	v21 =	vld [tilespmem:s0+$0x1D0];
	_ =	sdelay $0x1  }
0x2f8: {  	v22 =	vld [tilespmem:s0+$0x1E0];
	_ =	sdelay $0x1  }
0x2f9: {  	v23 =	vld [tilespmem:s0+$0x1F0]  }
0x2fa: {  	v20 =	vmul.bf16 v20, v16;
	v21 =	vmul.bf16 v21, v17;
	_ =	sdelay $0x1  }
0x2fb: {  	v20 =	vadd.bf16 v21, v20;
	v21 =	vmul.bf16 v22, v18;
	_ =	sdelay $0x1  }
0x2fc: {  	v20 =	vadd.bf16 v21, v20;
	v21 =	vmul.bf16 v23, v19;
	_ =	sdelay $0x1  }
0x2fd: {  	v20 =	vadd.bf16 v21, v20;
	_ =	sdelay $0x1  }
0x2fe: {  	v21 =	vunpack.i.u.bf16.f32 v20;
	v20 =	vunpack.i.l.bf16.f32 v20  }
0x2ff: {  	v20 =	vadd.f32 v20, v21;
	_ =	sdelay $0x1  }
0x300: {  	[tilespmem:$0x16F10] =	vst v20  }
0x301: {  	v23 =	vld.idx.msk [tilespmem:v0+s15+$0x0], $0xffff  }
0x302: {  	v25 =	vld.idx.msk [tilespmem:v1+s15+$0x0], $0xffff  }
0x303: {  	v24 =	vld.idx.msk [tilespmem:v2+s15+$0x0], $0xffff  }
0x304: {  	v22 =	vld.idx.msk [tilespmem:v3+s15+$0x0], $0xffff  }
0x305: {  	s6 =	simm.s32 $0x0;
	s9 =	simm.s32 $0x40;
	v20 =	vmov s25;
	v21 =	vld.idx.msk [tilespmem:v4+s15+$0x0], $0xffff  }
.LBB2_8:
0x306: {  	p1 =	sne.s32 s9, $0x480  }
0x307: {  	v26 =	vld.idx.msk [tilespmem:v5+s15+$0x0], $0xffff;
	s0 =	sadd.s32 $0x400, s0;
	s2 =	smov.u32 s9;
	s9 =	sadd.s32 $0x40, s9  }
0x308: {  	v27 =	vld.idx.msk [tilespmem:v6+s15+$0x0], $0xffff  }
0x309: {  	v23 =	vadd.f32 v25, v23;
	v25 =	vld.idx.msk [tilespmem:v7+s15+$0x0], $0xffff  }
0x30a: {  	v28 =	vld.idx.msk [tilespmem:v8+s15+$0x0], $0xffff  }
0x30b: {  	v23 =	vadd.f32 v24, v23;
	v24 =	vld.idx.msk [tilespmem:v9+s15+$0x0], $0xffff  }
0x30c: {  	v29 =	vld.idx.msk [tilespmem:v10+s15+$0x0], $0xffff  }
0x30d: {  	v22 =	vadd.f32 v22, v23;
	v23 =	vld.idx.msk [tilespmem:v11+s15+$0x0], $0xffff  }
0x30e: {  	v30 =	vld.idx.msk [tilespmem:v12+s15+$0x0], $0xffff  }
0x30f: {  	v21 =	vadd.f32 v21, v22;
	v22 =	vld.idx.msk [tilespmem:v13+s15+$0x0], $0xffff  }
0x310: {  	v31 =	vld.idx.msk [tilespmem:v14+s15+$0x0], $0xffff  }
0x311: {  	v21 =	vadd.f32 v26, v21;
	v26 =	vld.idx.msk [tilespmem:v15+s15+$0x0], $0xffff;
	_ =	sdelay $0x1  }
0x312: {  	v21 =	vadd.f32 v27, v21;
	_ =	sdelay $0x1  }
0x313: {  	v21 =	vadd.f32 v25, v21;
	_ =	sdelay $0x1  }
0x314: {  	v21 =	vadd.f32 v28, v21;
	_ =	sdelay $0x1  }
0x315: {  	v21 =	vadd.f32 v24, v21;
	_ =	sdelay $0x1  }
0x316: {  	v21 =	vadd.f32 v29, v21;
	_ =	sdelay $0x1  }
0x317: {  	v21 =	vadd.f32 v23, v21;
	_ =	sdelay $0x1  }
0x318: {  	v21 =	vadd.f32 v30, v21;
	_ =	sdelay $0x1  }
0x319: {  	v21 =	vadd.f32 v22, v21;
	_ =	sdelay $0x1  }
0x31a: {  	v21 =	vadd.f32 v31, v21  }
0x31b: {  	s4 =	sshra.s32 s6, $0x2;
	s6 =	smov.u32 s2  }
0x31c: {  	v21 =	vadd.f32 v26, v21;
	_ =	sdelay $0x1  }
0x31d: {  	[tilespmem:v20+s4+$0x0 ss:$0x1] =	vst.idx.msk $0xffff, v21  }
0x31e: {  	v21 =	vld [tilespmem:s0+$0xFFFFFE00]  }
0x31f: {  	v22 =	vld [tilespmem:s0+$0xFFFFFE10]  }
0x320: {  	v23 =	vld [tilespmem:s0+$0xFFFFFE30]  }
0x321: {  	v24 =	vld [tilespmem:s0+$0xFFFFFE20];
	_ =	sdelay $0x1  }
0x322: {  	v21 =	vmul.bf16 v21, v16  }
0x323: {  	v22 =	vmul.bf16 v22, v17  }
0x324: {  	v23 =	vmul.bf16 v23, v19  }
0x325: {  	v21 =	vadd.bf16 v22, v21;
	v22 =	vmul.bf16 v24, v18;
	_ =	sdelay $0x1  }
0x326: {  	v21 =	vadd.bf16 v22, v21;
	_ =	sdelay $0x1  }
0x327: {  	v21 =	vadd.bf16 v23, v21;
	_ =	sdelay $0x1  }
0x328: {  	v22 =	vunpack.i.u.bf16.f32 v21;
	v21 =	vunpack.i.l.bf16.f32 v21  }
0x329: {  	v21 =	vadd.f32 v21, v22;
	_ =	sdelay $0x1  }
0x32a: {  	[tilespmem:$0x16E20] =	vst v21  }
0x32b: {  	v21 =	vld [tilespmem:s0+$0xFFFFFE40]  }
0x32c: {  	v22 =	vld [tilespmem:s0+$0xFFFFFE50];
	_ =	sdelay $0x1  }
0x32d: {  	v23 =	vld [tilespmem:s0+$0xFFFFFE60];
	_ =	sdelay $0x1  }
0x32e: {  	v21 =	vmul.bf16 v21, v16;
	v24 =	vld [tilespmem:s0+$0xFFFFFE70]  }
0x32f: {  	v22 =	vmul.bf16 v22, v17;
	_ =	sdelay $0x1  }
0x330: {  	v21 =	vadd.bf16 v22, v21;
	v22 =	vmul.bf16 v23, v18;
	_ =	sdelay $0x1  }
0x331: {  	v21 =	vadd.bf16 v22, v21;
	v22 =	vmul.bf16 v24, v19;
	_ =	sdelay $0x1  }
0x332: {  	v21 =	vadd.bf16 v22, v21;
	_ =	sdelay $0x1  }
0x333: {  	v22 =	vunpack.i.u.bf16.f32 v21;
	v21 =	vunpack.i.l.bf16.f32 v21  }
0x334: {  	v21 =	vadd.f32 v21, v22;
	_ =	sdelay $0x1  }
0x335: {  	[tilespmem:$0x16E30] =	vst v21  }
0x336: {  	v21 =	vld [tilespmem:s0+$0xFFFFFE80]  }
0x337: {  	v22 =	vld [tilespmem:s0+$0xFFFFFE90];
	_ =	sdelay $0x1  }
0x338: {  	v23 =	vld [tilespmem:s0+$0xFFFFFEA0];
	_ =	sdelay $0x1  }
0x339: {  	v21 =	vmul.bf16 v21, v16;
	v24 =	vld [tilespmem:s0+$0xFFFFFEB0]  }
0x33a: {  	v22 =	vmul.bf16 v22, v17;
	_ =	sdelay $0x1  }
0x33b: {  	v21 =	vadd.bf16 v22, v21;
	v22 =	vmul.bf16 v23, v18;
	_ =	sdelay $0x1  }
0x33c: {  	v21 =	vadd.bf16 v22, v21;
	v22 =	vmul.bf16 v24, v19;
	_ =	sdelay $0x1  }
0x33d: {  	v21 =	vadd.bf16 v22, v21;
	_ =	sdelay $0x1  }
0x33e: {  	v22 =	vunpack.i.u.bf16.f32 v21;
	v21 =	vunpack.i.l.bf16.f32 v21  }
0x33f: {  	v21 =	vadd.f32 v21, v22;
	_ =	sdelay $0x1  }
0x340: {  	[tilespmem:$0x16E40] =	vst v21  }
0x341: {  	v21 =	vld [tilespmem:s0+$0xFFFFFEC0]  }
0x342: {  	v22 =	vld [tilespmem:s0+$0xFFFFFED0];
	_ =	sdelay $0x1  }
0x343: {  	v23 =	vld [tilespmem:s0+$0xFFFFFEE0];
	_ =	sdelay $0x1  }
0x344: {  	v21 =	vmul.bf16 v21, v16;
	v24 =	vld [tilespmem:s0+$0xFFFFFEF0]  }
0x345: {  	v22 =	vmul.bf16 v22, v17;
	_ =	sdelay $0x1  }
0x346: {  	v21 =	vadd.bf16 v22, v21;
	v22 =	vmul.bf16 v23, v18;
	_ =	sdelay $0x1  }
0x347: {  	v21 =	vadd.bf16 v22, v21;
	v22 =	vmul.bf16 v24, v19;
	_ =	sdelay $0x1  }
0x348: {  	v21 =	vadd.bf16 v22, v21;
	_ =	sdelay $0x1  }
0x349: {  	v22 =	vunpack.i.u.bf16.f32 v21;
	v21 =	vunpack.i.l.bf16.f32 v21  }
0x34a: {  	v21 =	vadd.f32 v21, v22;
	_ =	sdelay $0x1  }
0x34b: {  	[tilespmem:$0x16E50] =	vst v21  }
0x34c: {  	v21 =	vld [tilespmem:s0+$0xFFFFFF00]  }
0x34d: {  	v22 =	vld [tilespmem:s0+$0xFFFFFF10]  }
0x34e: {  	v23 =	vld [tilespmem:s0+$0xFFFFFF20]  }
0x34f: {  	v24 =	vld [tilespmem:s0+$0xFFFFFF30];
	_ =	sdelay $0x1  }
0x350: {  	v21 =	vmul.bf16 v21, v16  }
0x351: {  	v22 =	vmul.bf16 v22, v17;
	_ =	sdelay $0x1  }
0x352: {  	v21 =	vadd.bf16 v22, v21;
	v22 =	vmul.bf16 v23, v18;
	_ =	sdelay $0x1  }
0x353: {  	v21 =	vadd.bf16 v22, v21;
	v22 =	vmul.bf16 v24, v19;
	_ =	sdelay $0x1  }
0x354: {  	v21 =	vadd.bf16 v22, v21;
	_ =	sdelay $0x1  }
0x355: {  	v22 =	vunpack.i.u.bf16.f32 v21;
	v21 =	vunpack.i.l.bf16.f32 v21  }
0x356: {  	v21 =	vadd.f32 v21, v22;
	_ =	sdelay $0x1  }
0x357: {  	[tilespmem:$0x16E60] =	vst v21  }
0x358: {  	v21 =	vld [tilespmem:s0+$0xFFFFFF40]  }
0x359: {  	v22 =	vld [tilespmem:s0+$0xFFFFFF50]  }
0x35a: {  	v23 =	vld [tilespmem:s0+$0xFFFFFF60]  }
0x35b: {  	v24 =	vld [tilespmem:s0+$0xFFFFFF70];
	_ =	sdelay $0x1  }
0x35c: {  	v21 =	vmul.bf16 v21, v16  }
0x35d: {  	v22 =	vmul.bf16 v22, v17;
	_ =	sdelay $0x1  }
0x35e: {  	v21 =	vadd.bf16 v22, v21;
	v22 =	vmul.bf16 v23, v18;
	_ =	sdelay $0x1  }
0x35f: {  	v21 =	vadd.bf16 v22, v21;
	v22 =	vmul.bf16 v24, v19;
	_ =	sdelay $0x1  }
0x360: {  	v21 =	vadd.bf16 v22, v21;
	_ =	sdelay $0x1  }
0x361: {  	v22 =	vunpack.i.u.bf16.f32 v21;
	v21 =	vunpack.i.l.bf16.f32 v21  }
0x362: {  	v21 =	vadd.f32 v21, v22;
	_ =	sdelay $0x1  }
0x363: {  	[tilespmem:$0x16E70] =	vst v21  }
0x364: {  	v21 =	vld [tilespmem:s0+$0xFFFFFF80]  }
0x365: {  	v22 =	vld [tilespmem:s0+$0xFFFFFF90]  }
0x366: {  	v23 =	vld [tilespmem:s0+$0xFFFFFFA0]  }
0x367: {  	v24 =	vld [tilespmem:s0+$0xFFFFFFB0];
	_ =	sdelay $0x2  }
0x368: {  	v21 =	vmul.bf16 v21, v16;
	v22 =	vmul.bf16 v22, v17;
	_ =	sdelay $0x1  }
0x369: {  	v21 =	vadd.bf16 v22, v21;
	v22 =	vmul.bf16 v23, v18;
	_ =	sdelay $0x1  }
0x36a: {  	v21 =	vadd.bf16 v22, v21;
	v22 =	vmul.bf16 v24, v19;
	_ =	sdelay $0x1  }
0x36b: {  	v21 =	vadd.bf16 v22, v21;
	_ =	sdelay $0x1  }
0x36c: {  	v22 =	vunpack.i.u.bf16.f32 v21;
	v21 =	vunpack.i.l.bf16.f32 v21  }
0x36d: {  	v21 =	vadd.f32 v21, v22;
	_ =	sdelay $0x1  }
0x36e: {  	[tilespmem:$0x16E80] =	vst v21  }
0x36f: {  	v21 =	vld [tilespmem:s0+$0xFFFFFFC0]  }
0x370: {  	v22 =	vld [tilespmem:s0+$0xFFFFFFD0]  }
0x371: {  	v23 =	vld [tilespmem:s0+$0xFFFFFFF0]  }
0x372: {  	v24 =	vld [tilespmem:s0+$0xFFFFFFE0];
	_ =	sdelay $0x1  }
0x373: {  	v21 =	vmul.bf16 v21, v16  }
0x374: {  	v22 =	vmul.bf16 v22, v17;
	_ =	sdelay $0x1  }
0x375: {  	v21 =	vadd.bf16 v22, v21;
	v22 =	vmul.bf16 v24, v18;
	_ =	sdelay $0x1  }
0x376: {  	v21 =	vadd.bf16 v22, v21;
	v22 =	vmul.bf16 v23, v19;
	_ =	sdelay $0x1  }
0x377: {  	v21 =	vadd.bf16 v22, v21;
	_ =	sdelay $0x1  }
0x378: {  	v22 =	vunpack.i.u.bf16.f32 v21;
	v21 =	vunpack.i.l.bf16.f32 v21  }
0x379: {  	v21 =	vadd.f32 v21, v22;
	_ =	sdelay $0x1  }
0x37a: {  	[tilespmem:$0x16E90] =	vst v21  }
0x37b: {  	v21 =	vld [tilespmem:s0+$0x0]  }
0x37c: {  	v22 =	vld [tilespmem:s0+$0x10]  }
0x37d: {  	v23 =	vld [tilespmem:s0+$0x20]  }
0x37e: {  	v24 =	vld [tilespmem:s0+$0x30];
	_ =	sdelay $0x1  }
0x37f: {  	v21 =	vmul.bf16 v21, v16  }
0x380: {  	v22 =	vmul.bf16 v22, v17;
	_ =	sdelay $0x1  }
0x381: {  	v21 =	vadd.bf16 v22, v21;
	v22 =	vmul.bf16 v23, v18;
	_ =	sdelay $0x1  }
0x382: {  	v21 =	vadd.bf16 v22, v21;
	v22 =	vmul.bf16 v24, v19;
	_ =	sdelay $0x1  }
0x383: {  	v21 =	vadd.bf16 v22, v21;
	_ =	sdelay $0x1  }
0x384: {  	v22 =	vunpack.i.u.bf16.f32 v21;
	v21 =	vunpack.i.l.bf16.f32 v21  }
0x385: {  	v21 =	vadd.f32 v21, v22;
	_ =	sdelay $0x1  }
0x386: {  	[tilespmem:$0x16EA0] =	vst v21  }
0x387: {  	v21 =	vld [tilespmem:s0+$0x40]  }
0x388: {  	v22 =	vld [tilespmem:s0+$0x50]  }
0x389: {  	v23 =	vld [tilespmem:s0+$0x60]  }
0x38a: {  	v24 =	vld [tilespmem:s0+$0x70];
	_ =	sdelay $0x1  }
0x38b: {  	v21 =	vmul.bf16 v21, v16  }
0x38c: {  	v22 =	vmul.bf16 v22, v17;
	_ =	sdelay $0x1  }
0x38d: {  	v21 =	vadd.bf16 v22, v21;
	v22 =	vmul.bf16 v23, v18;
	_ =	sdelay $0x1  }
0x38e: {  	v21 =	vadd.bf16 v22, v21;
	v22 =	vmul.bf16 v24, v19;
	_ =	sdelay $0x1  }
0x38f: {  	v21 =	vadd.bf16 v22, v21;
	_ =	sdelay $0x1  }
0x390: {  	v22 =	vunpack.i.u.bf16.f32 v21;
	v21 =	vunpack.i.l.bf16.f32 v21  }
0x391: {  	v21 =	vadd.f32 v21, v22;
	_ =	sdelay $0x1  }
0x392: {  	[tilespmem:$0x16EB0] =	vst v21  }
0x393: {  	v21 =	vld [tilespmem:s0+$0x80]  }
0x394: {  	v22 =	vld [tilespmem:s0+$0x90]  }
0x395: {  	v23 =	vld [tilespmem:s0+$0xA0]  }
0x396: {  	v24 =	vld [tilespmem:s0+$0xB0];
	_ =	sdelay $0x2  }
0x397: {  	v21 =	vmul.bf16 v21, v16;
	v22 =	vmul.bf16 v22, v17;
	_ =	sdelay $0x1  }
0x398: {  	v21 =	vadd.bf16 v22, v21;
	v22 =	vmul.bf16 v23, v18;
	_ =	sdelay $0x1  }
0x399: {  	v21 =	vadd.bf16 v22, v21;
	v22 =	vmul.bf16 v24, v19;
	_ =	sdelay $0x1  }
0x39a: {  	v21 =	vadd.bf16 v22, v21;
	_ =	sdelay $0x1  }
0x39b: {  	v22 =	vunpack.i.u.bf16.f32 v21;
	v21 =	vunpack.i.l.bf16.f32 v21  }
0x39c: {  	v21 =	vadd.f32 v21, v22;
	_ =	sdelay $0x1  }
0x39d: {  	[tilespmem:$0x16EC0] =	vst v21  }
0x39e: {  	v21 =	vld [tilespmem:s0+$0xC0]  }
0x39f: {  	v22 =	vld [tilespmem:s0+$0xD0]  }
0x3a0: {  	v23 =	vld [tilespmem:s0+$0xE0]  }
0x3a1: {  	v24 =	vld [tilespmem:s0+$0xF0];
	_ =	sdelay $0x1  }
0x3a2: {  	v21 =	vmul.bf16 v21, v16  }
0x3a3: {  	v22 =	vmul.bf16 v22, v17;
	_ =	sdelay $0x1  }
0x3a4: {  	v21 =	vadd.bf16 v22, v21;
	v22 =	vmul.bf16 v23, v18;
	_ =	sdelay $0x1  }
0x3a5: {  	v21 =	vadd.bf16 v22, v21;
	v22 =	vmul.bf16 v24, v19;
	_ =	sdelay $0x1  }
0x3a6: {  	v21 =	vadd.bf16 v22, v21;
	_ =	sdelay $0x1  }
0x3a7: {  	v22 =	vunpack.i.u.bf16.f32 v21;
	v21 =	vunpack.i.l.bf16.f32 v21  }
0x3a8: {  	v21 =	vadd.f32 v21, v22;
	_ =	sdelay $0x1  }
0x3a9: {  	[tilespmem:$0x16ED0] =	vst v21  }
0x3aa: {  	v21 =	vld [tilespmem:s0+$0x100]  }
0x3ab: {  	v22 =	vld [tilespmem:s0+$0x110]  }
0x3ac: {  	v23 =	vld [tilespmem:s0+$0x120]  }
0x3ad: {  	v24 =	vld [tilespmem:s0+$0x130];
	_ =	sdelay $0x1  }
0x3ae: {  	v21 =	vmul.bf16 v21, v16  }
0x3af: {  	v22 =	vmul.bf16 v22, v17;
	_ =	sdelay $0x1  }
0x3b0: {  	v21 =	vadd.bf16 v22, v21;
	v22 =	vmul.bf16 v23, v18;
	_ =	sdelay $0x1  }
0x3b1: {  	v21 =	vadd.bf16 v22, v21;
	v22 =	vmul.bf16 v24, v19;
	_ =	sdelay $0x1  }
0x3b2: {  	v21 =	vadd.bf16 v22, v21;
	_ =	sdelay $0x1  }
0x3b3: {  	v22 =	vunpack.i.u.bf16.f32 v21;
	v21 =	vunpack.i.l.bf16.f32 v21  }
0x3b4: {  	v21 =	vadd.f32 v21, v22;
	_ =	sdelay $0x1  }
0x3b5: {  	[tilespmem:$0x16EE0] =	vst v21  }
0x3b6: {  	v21 =	vld [tilespmem:s0+$0x140]  }
0x3b7: {  	v22 =	vld [tilespmem:s0+$0x150]  }
0x3b8: {  	v23 =	vld [tilespmem:s0+$0x160]  }
0x3b9: {  	v24 =	vld [tilespmem:s0+$0x170];
	_ =	sdelay $0x1  }
0x3ba: {  	v21 =	vmul.bf16 v21, v16  }
0x3bb: {  	v22 =	vmul.bf16 v22, v17;
	_ =	sdelay $0x1  }
0x3bc: {  	v21 =	vadd.bf16 v22, v21;
	v22 =	vmul.bf16 v23, v18;
	_ =	sdelay $0x1  }
0x3bd: {  	v21 =	vadd.bf16 v22, v21;
	v22 =	vmul.bf16 v24, v19;
	_ =	sdelay $0x1  }
0x3be: {  	v21 =	vadd.bf16 v22, v21;
	_ =	sdelay $0x1  }
0x3bf: {  	v22 =	vunpack.i.u.bf16.f32 v21;
	v21 =	vunpack.i.l.bf16.f32 v21  }
0x3c0: {  	v21 =	vadd.f32 v21, v22;
	_ =	sdelay $0x1  }
0x3c1: {  	[tilespmem:$0x16EF0] =	vst v21  }
0x3c2: {  	v21 =	vld [tilespmem:s0+$0x180]  }
0x3c3: {  	v22 =	vld [tilespmem:s0+$0x190]  }
0x3c4: {  	v23 =	vld [tilespmem:s0+$0x1A0]  }
0x3c5: {  	v24 =	vld [tilespmem:s0+$0x1B0];
	_ =	sdelay $0x1  }
0x3c6: {  	v21 =	vmul.bf16 v21, v16  }
0x3c7: {  	v22 =	vmul.bf16 v22, v17;
	_ =	sdelay $0x1  }
0x3c8: {  	v21 =	vadd.bf16 v22, v21;
	v22 =	vmul.bf16 v23, v18;
	_ =	sdelay $0x1  }
0x3c9: {  	v21 =	vadd.bf16 v22, v21;
	v22 =	vmul.bf16 v24, v19;
	_ =	sdelay $0x1  }
0x3ca: {  	v21 =	vadd.bf16 v22, v21;
	_ =	sdelay $0x1  }
0x3cb: {  	v22 =	vunpack.i.u.bf16.f32 v21;
	v21 =	vunpack.i.l.bf16.f32 v21  }
0x3cc: {  	v21 =	vadd.f32 v21, v22;
	_ =	sdelay $0x1  }
0x3cd: {  	[tilespmem:$0x16F00] =	vst v21  }
0x3ce: {  	v21 =	vld [tilespmem:s0+$0x1C0]  }
0x3cf: {  	v22 =	vld [tilespmem:s0+$0x1D0]  }
0x3d0: {  	v23 =	vld [tilespmem:s0+$0x1E0]  }
0x3d1: {  	v24 =	vld [tilespmem:s0+$0x1F0];
	_ =	sdelay $0x2  }
0x3d2: {  	v21 =	vmul.bf16 v21, v16;
	v22 =	vmul.bf16 v22, v17;
	_ =	sdelay $0x1  }
0x3d3: {  	v21 =	vadd.bf16 v22, v21;
	v22 =	vmul.bf16 v23, v18;
	_ =	sdelay $0x1  }
0x3d4: {  	v21 =	vadd.bf16 v22, v21;
	v22 =	vmul.bf16 v24, v19;
	_ =	sdelay $0x1  }
0x3d5: {  	v21 =	vadd.bf16 v22, v21;
	_ =	sdelay $0x1  }
0x3d6: {  	v22 =	vunpack.i.u.bf16.f32 v21;
	v21 =	vunpack.i.l.bf16.f32 v21  }
0x3d7: {  	v21 =	vadd.f32 v21, v22;
	_ =	sdelay $0x1  }
0x3d8: {  	[tilespmem:$0x16F10] =	vst v21  }
.Ltmp6:
0x3d9: {  	v23 =	vld.idx.msk [tilespmem:v0+s15+$0x0], $0xffff;
	(pc) =	sbr.rel @p1 .LBB2_8-.Ltmp6, $4  }
0x3da: {  	v25 =	vld.idx.msk [tilespmem:v1+s15+$0x0], $0xffff  }
0x3db: {  	v24 =	vld.idx.msk [tilespmem:v2+s15+$0x0], $0xffff  }
0x3dc: {  	v22 =	vld.idx.msk [tilespmem:v3+s15+$0x0], $0xffff  }
0x3dd: {  	v21 =	vld.idx.msk [tilespmem:v4+s15+$0x0], $0xffff  }
0x3de: {  	_ = 	snop  }
0x3df: {  	v16 =	vadd.f32 v25, v23;
	_ =	sdelay $0x1  }
0x3e0: {  	v16 =	vadd.f32 v24, v16  }
0x3e1: {  	v17 =	vld.idx.msk [tilespmem:v5+s15+$0x0], $0xffff  }
0x3e2: {  	v16 =	vadd.f32 v22, v16  }
0x3e3: {  	v18 =	vld.idx.msk [tilespmem:v6+s15+$0x0], $0xffff  }
0x3e4: {  	v16 =	vadd.f32 v21, v16  }
0x3e5: {  	v19 =	vld.idx.msk [tilespmem:v7+s15+$0x0], $0xffff  }
0x3e6: {  	v16 =	vadd.f32 v17, v16  }
0x3e7: {  	v17 =	vld.idx.msk [tilespmem:v8+s15+$0x0], $0xffff  }
0x3e8: {  	v16 =	vadd.f32 v18, v16  }
0x3e9: {  	v18 =	vld.idx.msk [tilespmem:v9+s15+$0x0], $0xffff  }
0x3ea: {  	v16 =	vadd.f32 v19, v16  }
0x3eb: {  	v19 =	vld.idx.msk [tilespmem:v10+s15+$0x0], $0xffff  }
0x3ec: {  	v16 =	vadd.f32 v17, v16  }
0x3ed: {  	v17 =	vld.idx.msk [tilespmem:v11+s15+$0x0], $0xffff  }
0x3ee: {  	v16 =	vadd.f32 v18, v16  }
0x3ef: {  	v18 =	vld.idx.msk [tilespmem:v12+s15+$0x0], $0xffff  }
0x3f0: {  	v16 =	vadd.f32 v19, v16  }
0x3f1: {  	v19 =	vld.idx.msk [tilespmem:v13+s15+$0x0], $0xffff  }
0x3f2: {  	v16 =	vadd.f32 v17, v16  }
0x3f3: {  	v17 =	vld.idx.msk [tilespmem:v14+s15+$0x0], $0xffff  }
0x3f4: {  	v16 =	vadd.f32 v18, v16  }
0x3f5: {  	v18 =	vld.idx.msk [tilespmem:v15+s15+$0x0], $0xffff  }
0x3f6: {  	v16 =	vadd.f32 v19, v16;
	_ =	sdelay $0x1  }
0x3f7: {  	v16 =	vadd.f32 v17, v16;
	_ =	sdelay $0x1  }
0x3f8: {  	v16 =	vadd.f32 v18, v16  }
0x3f9: {  	s0 =	sshra.s32 s6, $0x2  }
0x3fa: {  	s2 =	simm.s32 @!p0 $0x80;
	s4 =	simm.s32 @!p0 $0x8A20;
	[tilespmem:v20+s0+$0x0 ss:$0x1] =	vst.idx.msk $0xffff, v16;
	s0 =	sadd.s32 @!p0 $0x610, s30  }
0x3fb: {  	[tilespmem:s4], [sflag:$0x2] =	stream.indirect.gather @!p0 [hbm4b:s7+s2], $0x40, s0, s2, $0xb8;
	[tilespmem:$0x19520] =	vst v63  }
0x3fc: {  	s0 =	sadd.s32 @!p0 $0x690, s30;
	s4 =	simm.s32 @!p0 $0xAA20  }
0x3fd: {  	[tilespmem:s4], [sflag:$0x2] =	stream.indirect.gather @!p0 [hbm4b:s7+s2], $0x40, s0, s2, $0xb8;
	[tilespmem:$0x19520] =	vst v63  }
0x3fe: {  	s0 =	sadd.s32 @!p0 $0x710, s30;
	s2 =	simm.s32 @!p0 $0x30;
	s4 =	simm.s32 @!p0 $0xCA20  }
0x3ff: {  	[tilespmem:s4], [sflag:$0x2] =	stream.indirect.gather @!p0 [hbm4b:s7+s2], $0x40, s0, s2, $0xb8;
	[tilespmem:$0x19520] =	vst v63  }
0x400: {  	_ =	swait.ge [sflag:s17], $0x4C00  }
0x401: {  	s6 =	sor.u32 $0x80, s31;
	[sflag:s17] =	ssyncset.done $0x0  }
0x402: {  	s9 =	sand.u32 $0x3FFFFFC0, s6;
	[sflag:s17] =	ssyncadd.s32 $0xFFFFB400  }
0x403: {  	v16 =	vld [tilespmem:s9+$0x3620]  }
0x404: {  	s0 =	simm.s32 $0xD820;
	v17 =	vld [tilespmem:s9+$0x3630]  }
0x405: {  	v20 =	vld [tilespmem:s0+$0xFFFFFE00]  }
0x406: {  	v21 =	vld [tilespmem:s0+$0xFFFFFE10]  }
0x407: {  	v18 =	vld [tilespmem:s9+$0x3640]  }
0x408: {  	v22 =	vld [tilespmem:s0+$0xFFFFFE20]  }
0x409: {  	v19 =	vld [tilespmem:s9+$0x3650]  }
0x40a: {  	v23 =	vld [tilespmem:s0+$0xFFFFFE30]  }
0x40b: {  	v20 =	vmul.bf16 v20, v16;
	v21 =	vmul.bf16 v21, v17;
	_ =	sdelay $0x1  }
0x40c: {  	v20 =	vadd.bf16 v21, v20;
	v21 =	vmul.bf16 v22, v18;
	_ =	sdelay $0x1  }
0x40d: {  	v22 =	vmul.bf16 v23, v19;
	v20 =	vadd.bf16 v21, v20;
	_ =	sdelay $0x1  }
0x40e: {  	v20 =	vadd.bf16 v22, v20;
	_ =	sdelay $0x1  }
0x40f: {  	v21 =	vunpack.i.u.bf16.f32 v20;
	v20 =	vunpack.i.l.bf16.f32 v20  }
0x410: {  	v20 =	vadd.f32 v20, v21;
	_ =	sdelay $0x1  }
0x411: {  	[tilespmem:$0x16E20] =	vst v20  }
0x412: {  	v20 =	vld [tilespmem:s0+$0xFFFFFE40]  }
0x413: {  	v21 =	vld [tilespmem:s0+$0xFFFFFE50];
	_ =	sdelay $0x1  }
0x414: {  	v22 =	vld [tilespmem:s0+$0xFFFFFE60];
	_ =	sdelay $0x1  }
0x415: {  	v23 =	vld [tilespmem:s0+$0xFFFFFE70]  }
0x416: {  	v20 =	vmul.bf16 v20, v16;
	v21 =	vmul.bf16 v21, v17;
	_ =	sdelay $0x1  }
0x417: {  	v20 =	vadd.bf16 v21, v20;
	v21 =	vmul.bf16 v22, v18;
	_ =	sdelay $0x1  }
0x418: {  	v20 =	vadd.bf16 v21, v20;
	v21 =	vmul.bf16 v23, v19;
	_ =	sdelay $0x1  }
0x419: {  	v20 =	vadd.bf16 v21, v20;
	_ =	sdelay $0x1  }
0x41a: {  	v21 =	vunpack.i.u.bf16.f32 v20;
	v20 =	vunpack.i.l.bf16.f32 v20  }
0x41b: {  	v20 =	vadd.f32 v20, v21;
	_ =	sdelay $0x1  }
0x41c: {  	[tilespmem:$0x16E30] =	vst v20  }
0x41d: {  	v20 =	vld [tilespmem:s0+$0xFFFFFE80]  }
0x41e: {  	v21 =	vld [tilespmem:s0+$0xFFFFFE90];
	_ =	sdelay $0x1  }
0x41f: {  	v22 =	vld [tilespmem:s0+$0xFFFFFEA0];
	_ =	sdelay $0x1  }
0x420: {  	v23 =	vld [tilespmem:s0+$0xFFFFFEB0]  }
0x421: {  	v20 =	vmul.bf16 v20, v16;
	v21 =	vmul.bf16 v21, v17;
	_ =	sdelay $0x1  }
0x422: {  	v20 =	vadd.bf16 v21, v20;
	v21 =	vmul.bf16 v22, v18;
	_ =	sdelay $0x1  }
0x423: {  	v20 =	vadd.bf16 v21, v20;
	v21 =	vmul.bf16 v23, v19;
	_ =	sdelay $0x1  }
0x424: {  	v20 =	vadd.bf16 v21, v20;
	_ =	sdelay $0x1  }
0x425: {  	v21 =	vunpack.i.u.bf16.f32 v20;
	v20 =	vunpack.i.l.bf16.f32 v20  }
0x426: {  	v20 =	vadd.f32 v20, v21;
	_ =	sdelay $0x1  }
0x427: {  	[tilespmem:$0x16E40] =	vst v20  }
0x428: {  	v20 =	vld [tilespmem:s0+$0xFFFFFEC0]  }
0x429: {  	v21 =	vld [tilespmem:s0+$0xFFFFFED0];
	_ =	sdelay $0x1  }
0x42a: {  	v22 =	vld [tilespmem:s0+$0xFFFFFEE0];
	_ =	sdelay $0x1  }
0x42b: {  	v23 =	vld [tilespmem:s0+$0xFFFFFEF0]  }
0x42c: {  	v20 =	vmul.bf16 v20, v16;
	v21 =	vmul.bf16 v21, v17;
	_ =	sdelay $0x1  }
0x42d: {  	v20 =	vadd.bf16 v21, v20;
	v21 =	vmul.bf16 v22, v18;
	_ =	sdelay $0x1  }
0x42e: {  	v20 =	vadd.bf16 v21, v20;
	v21 =	vmul.bf16 v23, v19;
	_ =	sdelay $0x1  }
0x42f: {  	v20 =	vadd.bf16 v21, v20;
	_ =	sdelay $0x1  }
0x430: {  	v21 =	vunpack.i.u.bf16.f32 v20;
	v20 =	vunpack.i.l.bf16.f32 v20  }
0x431: {  	v20 =	vadd.f32 v20, v21;
	_ =	sdelay $0x1  }
0x432: {  	[tilespmem:$0x16E50] =	vst v20  }
0x433: {  	v20 =	vld [tilespmem:s0+$0xFFFFFF00]  }
0x434: {  	v21 =	vld [tilespmem:s0+$0xFFFFFF10];
	_ =	sdelay $0x1  }
0x435: {  	v22 =	vld [tilespmem:s0+$0xFFFFFF20];
	_ =	sdelay $0x1  }
0x436: {  	v23 =	vld [tilespmem:s0+$0xFFFFFF30]  }
0x437: {  	v20 =	vmul.bf16 v20, v16;
	v21 =	vmul.bf16 v21, v17;
	_ =	sdelay $0x1  }
0x438: {  	v20 =	vadd.bf16 v21, v20;
	v21 =	vmul.bf16 v22, v18;
	_ =	sdelay $0x1  }
0x439: {  	v20 =	vadd.bf16 v21, v20;
	v21 =	vmul.bf16 v23, v19;
	_ =	sdelay $0x1  }
0x43a: {  	v20 =	vadd.bf16 v21, v20;
	_ =	sdelay $0x1  }
0x43b: {  	v21 =	vunpack.i.u.bf16.f32 v20;
	v20 =	vunpack.i.l.bf16.f32 v20  }
0x43c: {  	v20 =	vadd.f32 v20, v21;
	_ =	sdelay $0x1  }
0x43d: {  	[tilespmem:$0x16E60] =	vst v20  }
0x43e: {  	v20 =	vld [tilespmem:s0+$0xFFFFFF40]  }
0x43f: {  	v21 =	vld [tilespmem:s0+$0xFFFFFF50];
	_ =	sdelay $0x1  }
0x440: {  	v22 =	vld [tilespmem:s0+$0xFFFFFF60];
	_ =	sdelay $0x1  }
0x441: {  	v23 =	vld [tilespmem:s0+$0xFFFFFF70]  }
0x442: {  	v20 =	vmul.bf16 v20, v16;
	v21 =	vmul.bf16 v21, v17;
	_ =	sdelay $0x1  }
0x443: {  	v20 =	vadd.bf16 v21, v20;
	v21 =	vmul.bf16 v22, v18;
	_ =	sdelay $0x1  }
0x444: {  	v20 =	vadd.bf16 v21, v20;
	v21 =	vmul.bf16 v23, v19;
	_ =	sdelay $0x1  }
0x445: {  	v20 =	vadd.bf16 v21, v20;
	_ =	sdelay $0x1  }
0x446: {  	v21 =	vunpack.i.u.bf16.f32 v20;
	v20 =	vunpack.i.l.bf16.f32 v20  }
0x447: {  	v20 =	vadd.f32 v20, v21;
	_ =	sdelay $0x1  }
0x448: {  	[tilespmem:$0x16E70] =	vst v20  }
0x449: {  	v20 =	vld [tilespmem:s0+$0xFFFFFF80]  }
0x44a: {  	v21 =	vld [tilespmem:s0+$0xFFFFFF90];
	_ =	sdelay $0x1  }
0x44b: {  	v22 =	vld [tilespmem:s0+$0xFFFFFFA0];
	_ =	sdelay $0x1  }
0x44c: {  	v23 =	vld [tilespmem:s0+$0xFFFFFFB0]  }
0x44d: {  	v20 =	vmul.bf16 v20, v16;
	v21 =	vmul.bf16 v21, v17;
	_ =	sdelay $0x1  }
0x44e: {  	v20 =	vadd.bf16 v21, v20;
	v21 =	vmul.bf16 v22, v18;
	_ =	sdelay $0x1  }
0x44f: {  	v20 =	vadd.bf16 v21, v20;
	v21 =	vmul.bf16 v23, v19;
	_ =	sdelay $0x1  }
0x450: {  	v20 =	vadd.bf16 v21, v20;
	_ =	sdelay $0x1  }
0x451: {  	v21 =	vunpack.i.u.bf16.f32 v20;
	v20 =	vunpack.i.l.bf16.f32 v20  }
0x452: {  	v20 =	vadd.f32 v20, v21;
	_ =	sdelay $0x1  }
0x453: {  	[tilespmem:$0x16E80] =	vst v20  }
0x454: {  	v20 =	vld [tilespmem:s0+$0xFFFFFFC0]  }
0x455: {  	v21 =	vld [tilespmem:s0+$0xFFFFFFD0];
	_ =	sdelay $0x1  }
0x456: {  	v22 =	vld [tilespmem:s0+$0xFFFFFFE0];
	_ =	sdelay $0x1  }
0x457: {  	v23 =	vld [tilespmem:s0+$0xFFFFFFF0]  }
0x458: {  	v20 =	vmul.bf16 v20, v16;
	v21 =	vmul.bf16 v21, v17;
	_ =	sdelay $0x1  }
0x459: {  	v20 =	vadd.bf16 v21, v20;
	v21 =	vmul.bf16 v22, v18;
	_ =	sdelay $0x1  }
0x45a: {  	v20 =	vadd.bf16 v21, v20;
	v21 =	vmul.bf16 v23, v19;
	_ =	sdelay $0x1  }
0x45b: {  	v20 =	vadd.bf16 v21, v20;
	_ =	sdelay $0x1  }
0x45c: {  	v21 =	vunpack.i.u.bf16.f32 v20;
	v20 =	vunpack.i.l.bf16.f32 v20  }
0x45d: {  	v20 =	vadd.f32 v20, v21;
	_ =	sdelay $0x1  }
0x45e: {  	[tilespmem:$0x16E90] =	vst v20  }
0x45f: {  	v20 =	vld [tilespmem:s0+$0x0]  }
0x460: {  	v21 =	vld [tilespmem:s0+$0x10];
	_ =	sdelay $0x1  }
0x461: {  	v22 =	vld [tilespmem:s0+$0x20];
	_ =	sdelay $0x1  }
0x462: {  	v23 =	vld [tilespmem:s0+$0x30]  }
0x463: {  	v20 =	vmul.bf16 v20, v16;
	v21 =	vmul.bf16 v21, v17;
	_ =	sdelay $0x1  }
0x464: {  	v20 =	vadd.bf16 v21, v20;
	v21 =	vmul.bf16 v22, v18;
	_ =	sdelay $0x1  }
0x465: {  	v20 =	vadd.bf16 v21, v20;
	v21 =	vmul.bf16 v23, v19;
	_ =	sdelay $0x1  }
0x466: {  	v20 =	vadd.bf16 v21, v20;
	_ =	sdelay $0x1  }
0x467: {  	v21 =	vunpack.i.u.bf16.f32 v20;
	v20 =	vunpack.i.l.bf16.f32 v20  }
0x468: {  	v20 =	vadd.f32 v20, v21;
	_ =	sdelay $0x1  }
0x469: {  	[tilespmem:$0x16EA0] =	vst v20  }
0x46a: {  	v20 =	vld [tilespmem:s0+$0x40]  }
0x46b: {  	v21 =	vld [tilespmem:s0+$0x50];
	_ =	sdelay $0x1  }
0x46c: {  	v22 =	vld [tilespmem:s0+$0x60];
	_ =	sdelay $0x1  }
0x46d: {  	v23 =	vld [tilespmem:s0+$0x70]  }
0x46e: {  	v20 =	vmul.bf16 v20, v16;
	v21 =	vmul.bf16 v21, v17;
	_ =	sdelay $0x1  }
0x46f: {  	v20 =	vadd.bf16 v21, v20;
	v21 =	vmul.bf16 v22, v18;
	_ =	sdelay $0x1  }
0x470: {  	v20 =	vadd.bf16 v21, v20;
	v21 =	vmul.bf16 v23, v19;
	_ =	sdelay $0x1  }
0x471: {  	v20 =	vadd.bf16 v21, v20;
	_ =	sdelay $0x1  }
0x472: {  	v21 =	vunpack.i.u.bf16.f32 v20;
	v20 =	vunpack.i.l.bf16.f32 v20  }
0x473: {  	v20 =	vadd.f32 v20, v21;
	_ =	sdelay $0x1  }
0x474: {  	[tilespmem:$0x16EB0] =	vst v20  }
0x475: {  	v20 =	vld [tilespmem:s0+$0x80]  }
0x476: {  	v21 =	vld [tilespmem:s0+$0x90];
	_ =	sdelay $0x1  }
0x477: {  	v22 =	vld [tilespmem:s0+$0xA0];
	_ =	sdelay $0x1  }
0x478: {  	v23 =	vld [tilespmem:s0+$0xB0]  }
0x479: {  	v20 =	vmul.bf16 v20, v16;
	v21 =	vmul.bf16 v21, v17;
	_ =	sdelay $0x1  }
0x47a: {  	v20 =	vadd.bf16 v21, v20;
	v21 =	vmul.bf16 v22, v18;
	_ =	sdelay $0x1  }
0x47b: {  	v20 =	vadd.bf16 v21, v20;
	v21 =	vmul.bf16 v23, v19;
	_ =	sdelay $0x1  }
0x47c: {  	v20 =	vadd.bf16 v21, v20;
	_ =	sdelay $0x1  }
0x47d: {  	v21 =	vunpack.i.u.bf16.f32 v20;
	v20 =	vunpack.i.l.bf16.f32 v20  }
0x47e: {  	v20 =	vadd.f32 v20, v21;
	_ =	sdelay $0x1  }
0x47f: {  	[tilespmem:$0x16EC0] =	vst v20  }
0x480: {  	v20 =	vld [tilespmem:s0+$0xC0]  }
0x481: {  	v21 =	vld [tilespmem:s0+$0xD0];
	_ =	sdelay $0x1  }
0x482: {  	v22 =	vld [tilespmem:s0+$0xE0];
	_ =	sdelay $0x1  }
0x483: {  	v23 =	vld [tilespmem:s0+$0xF0]  }
0x484: {  	v20 =	vmul.bf16 v20, v16;
	v21 =	vmul.bf16 v21, v17;
	_ =	sdelay $0x1  }
0x485: {  	v20 =	vadd.bf16 v21, v20;
	v21 =	vmul.bf16 v22, v18;
	_ =	sdelay $0x1  }
0x486: {  	v20 =	vadd.bf16 v21, v20;
	v21 =	vmul.bf16 v23, v19;
	_ =	sdelay $0x1  }
0x487: {  	v20 =	vadd.bf16 v21, v20;
	_ =	sdelay $0x1  }
0x488: {  	v21 =	vunpack.i.u.bf16.f32 v20;
	v20 =	vunpack.i.l.bf16.f32 v20  }
0x489: {  	v20 =	vadd.f32 v20, v21;
	_ =	sdelay $0x1  }
0x48a: {  	[tilespmem:$0x16ED0] =	vst v20  }
0x48b: {  	v20 =	vld [tilespmem:s0+$0x100]  }
0x48c: {  	v21 =	vld [tilespmem:s0+$0x110];
	_ =	sdelay $0x1  }
0x48d: {  	v22 =	vld [tilespmem:s0+$0x120];
	_ =	sdelay $0x1  }
0x48e: {  	v23 =	vld [tilespmem:s0+$0x130]  }
0x48f: {  	v20 =	vmul.bf16 v20, v16;
	v21 =	vmul.bf16 v21, v17;
	_ =	sdelay $0x1  }
0x490: {  	v20 =	vadd.bf16 v21, v20;
	v21 =	vmul.bf16 v22, v18;
	_ =	sdelay $0x1  }
0x491: {  	v20 =	vadd.bf16 v21, v20;
	v21 =	vmul.bf16 v23, v19;
	_ =	sdelay $0x1  }
0x492: {  	v20 =	vadd.bf16 v21, v20;
	_ =	sdelay $0x1  }
0x493: {  	v21 =	vunpack.i.u.bf16.f32 v20;
	v20 =	vunpack.i.l.bf16.f32 v20  }
0x494: {  	v20 =	vadd.f32 v20, v21;
	_ =	sdelay $0x1  }
0x495: {  	[tilespmem:$0x16EE0] =	vst v20  }
0x496: {  	v20 =	vld [tilespmem:s0+$0x140]  }
0x497: {  	v21 =	vld [tilespmem:s0+$0x150];
	_ =	sdelay $0x1  }
0x498: {  	v22 =	vld [tilespmem:s0+$0x160];
	_ =	sdelay $0x1  }
0x499: {  	v23 =	vld [tilespmem:s0+$0x170]  }
0x49a: {  	v20 =	vmul.bf16 v20, v16;
	v21 =	vmul.bf16 v21, v17;
	_ =	sdelay $0x1  }
0x49b: {  	v20 =	vadd.bf16 v21, v20;
	v21 =	vmul.bf16 v22, v18;
	_ =	sdelay $0x1  }
0x49c: {  	v20 =	vadd.bf16 v21, v20;
	v21 =	vmul.bf16 v23, v19;
	_ =	sdelay $0x1  }
0x49d: {  	v20 =	vadd.bf16 v21, v20;
	_ =	sdelay $0x1  }
0x49e: {  	v21 =	vunpack.i.u.bf16.f32 v20;
	v20 =	vunpack.i.l.bf16.f32 v20  }
0x49f: {  	v20 =	vadd.f32 v20, v21;
	_ =	sdelay $0x1  }
0x4a0: {  	[tilespmem:$0x16EF0] =	vst v20  }
0x4a1: {  	v20 =	vld [tilespmem:s0+$0x180]  }
0x4a2: {  	v21 =	vld [tilespmem:s0+$0x190];
	_ =	sdelay $0x1  }
0x4a3: {  	v22 =	vld [tilespmem:s0+$0x1A0];
	_ =	sdelay $0x1  }
0x4a4: {  	v23 =	vld [tilespmem:s0+$0x1B0]  }
0x4a5: {  	v20 =	vmul.bf16 v20, v16;
	v21 =	vmul.bf16 v21, v17;
	_ =	sdelay $0x1  }
0x4a6: {  	v20 =	vadd.bf16 v21, v20;
	v21 =	vmul.bf16 v22, v18;
	_ =	sdelay $0x1  }
0x4a7: {  	v20 =	vadd.bf16 v21, v20;
	v21 =	vmul.bf16 v23, v19;
	_ =	sdelay $0x1  }
0x4a8: {  	v20 =	vadd.bf16 v21, v20;
	_ =	sdelay $0x1  }
0x4a9: {  	v21 =	vunpack.i.u.bf16.f32 v20;
	v20 =	vunpack.i.l.bf16.f32 v20  }
0x4aa: {  	v20 =	vadd.f32 v20, v21;
	_ =	sdelay $0x1  }
0x4ab: {  	[tilespmem:$0x16F00] =	vst v20  }
0x4ac: {  	v20 =	vld [tilespmem:s0+$0x1C0]  }
0x4ad: {  	v21 =	vld [tilespmem:s0+$0x1D0];
	_ =	sdelay $0x1  }
0x4ae: {  	v22 =	vld [tilespmem:s0+$0x1E0];
	_ =	sdelay $0x1  }
0x4af: {  	v23 =	vld [tilespmem:s0+$0x1F0]  }
0x4b0: {  	v20 =	vmul.bf16 v20, v16;
	v21 =	vmul.bf16 v21, v17;
	_ =	sdelay $0x1  }
0x4b1: {  	v20 =	vadd.bf16 v21, v20;
	v21 =	vmul.bf16 v22, v18;
	_ =	sdelay $0x1  }
0x4b2: {  	v20 =	vadd.bf16 v21, v20;
	v21 =	vmul.bf16 v23, v19;
	_ =	sdelay $0x1  }
0x4b3: {  	v20 =	vadd.bf16 v21, v20;
	_ =	sdelay $0x1  }
0x4b4: {  	v21 =	vunpack.i.u.bf16.f32 v20;
	v20 =	vunpack.i.l.bf16.f32 v20  }
0x4b5: {  	v20 =	vadd.f32 v20, v21;
	_ =	sdelay $0x1  }
0x4b6: {  	[tilespmem:$0x16F10] =	vst v20  }
0x4b7: {  	v23 =	vld.idx.msk [tilespmem:v0+s15+$0x0], $0xffff  }
0x4b8: {  	v25 =	vld.idx.msk [tilespmem:v1+s15+$0x0], $0xffff  }
0x4b9: {  	v24 =	vld.idx.msk [tilespmem:v2+s15+$0x0], $0xffff  }
0x4ba: {  	v22 =	vld.idx.msk [tilespmem:v3+s15+$0x0], $0xffff  }
0x4bb: {  	s6 =	simm.s32 $0x0;
	s9 =	simm.s32 $0x40;
	v20 =	vmov s26;
	v21 =	vld.idx.msk [tilespmem:v4+s15+$0x0], $0xffff  }
.LBB2_10:
0x4bc: {  	p1 =	sne.s32 s9, $0x480  }
0x4bd: {  	v26 =	vld.idx.msk [tilespmem:v5+s15+$0x0], $0xffff;
	s0 =	sadd.s32 $0x400, s0;
	s2 =	smov.u32 s9;
	s9 =	sadd.s32 $0x40, s9  }
0x4be: {  	v27 =	vld.idx.msk [tilespmem:v6+s15+$0x0], $0xffff  }
0x4bf: {  	v23 =	vadd.f32 v25, v23;
	v25 =	vld.idx.msk [tilespmem:v7+s15+$0x0], $0xffff  }
0x4c0: {  	v28 =	vld.idx.msk [tilespmem:v8+s15+$0x0], $0xffff  }
0x4c1: {  	v23 =	vadd.f32 v24, v23;
	v24 =	vld.idx.msk [tilespmem:v9+s15+$0x0], $0xffff  }
0x4c2: {  	v29 =	vld.idx.msk [tilespmem:v10+s15+$0x0], $0xffff  }
0x4c3: {  	v22 =	vadd.f32 v22, v23;
	v23 =	vld.idx.msk [tilespmem:v11+s15+$0x0], $0xffff  }
0x4c4: {  	v30 =	vld.idx.msk [tilespmem:v12+s15+$0x0], $0xffff  }
0x4c5: {  	v21 =	vadd.f32 v21, v22;
	v22 =	vld.idx.msk [tilespmem:v13+s15+$0x0], $0xffff  }
0x4c6: {  	v31 =	vld.idx.msk [tilespmem:v14+s15+$0x0], $0xffff  }
0x4c7: {  	v21 =	vadd.f32 v26, v21;
	v26 =	vld.idx.msk [tilespmem:v15+s15+$0x0], $0xffff;
	_ =	sdelay $0x1  }
0x4c8: {  	v21 =	vadd.f32 v27, v21;
	_ =	sdelay $0x1  }
0x4c9: {  	v21 =	vadd.f32 v25, v21;
	_ =	sdelay $0x1  }
0x4ca: {  	v21 =	vadd.f32 v28, v21;
	_ =	sdelay $0x1  }
0x4cb: {  	v21 =	vadd.f32 v24, v21;
	_ =	sdelay $0x1  }
0x4cc: {  	v21 =	vadd.f32 v29, v21;
	_ =	sdelay $0x1  }
0x4cd: {  	v21 =	vadd.f32 v23, v21;
	_ =	sdelay $0x1  }
0x4ce: {  	v21 =	vadd.f32 v30, v21;
	_ =	sdelay $0x1  }
0x4cf: {  	v21 =	vadd.f32 v22, v21;
	_ =	sdelay $0x1  }
0x4d0: {  	v21 =	vadd.f32 v31, v21  }
0x4d1: {  	s4 =	sshra.s32 s6, $0x2;
	s6 =	smov.u32 s2  }
0x4d2: {  	v21 =	vadd.f32 v26, v21;
	_ =	sdelay $0x1  }
0x4d3: {  	[tilespmem:v20+s4+$0x0 ss:$0x1] =	vst.idx.msk $0xffff, v21  }
0x4d4: {  	v21 =	vld [tilespmem:s0+$0xFFFFFE00]  }
0x4d5: {  	v22 =	vld [tilespmem:s0+$0xFFFFFE10]  }
0x4d6: {  	v23 =	vld [tilespmem:s0+$0xFFFFFE30]  }
0x4d7: {  	v24 =	vld [tilespmem:s0+$0xFFFFFE20];
	_ =	sdelay $0x1  }
0x4d8: {  	v21 =	vmul.bf16 v21, v16  }
0x4d9: {  	v22 =	vmul.bf16 v22, v17  }
0x4da: {  	v23 =	vmul.bf16 v23, v19  }
0x4db: {  	v21 =	vadd.bf16 v22, v21;
	v22 =	vmul.bf16 v24, v18;
	_ =	sdelay $0x1  }
0x4dc: {  	v21 =	vadd.bf16 v22, v21;
	_ =	sdelay $0x1  }
0x4dd: {  	v21 =	vadd.bf16 v23, v21;
	_ =	sdelay $0x1  }
0x4de: {  	v22 =	vunpack.i.u.bf16.f32 v21;
	v21 =	vunpack.i.l.bf16.f32 v21  }
0x4df: {  	v21 =	vadd.f32 v21, v22;
	_ =	sdelay $0x1  }
0x4e0: {  	[tilespmem:$0x16E20] =	vst v21  }
0x4e1: {  	v21 =	vld [tilespmem:s0+$0xFFFFFE40]  }
0x4e2: {  	v22 =	vld [tilespmem:s0+$0xFFFFFE50];
	_ =	sdelay $0x1  }
0x4e3: {  	v23 =	vld [tilespmem:s0+$0xFFFFFE60];
	_ =	sdelay $0x1  }
0x4e4: {  	v21 =	vmul.bf16 v21, v16;
	v24 =	vld [tilespmem:s0+$0xFFFFFE70]  }
0x4e5: {  	v22 =	vmul.bf16 v22, v17;
	_ =	sdelay $0x1  }
0x4e6: {  	v21 =	vadd.bf16 v22, v21;
	v22 =	vmul.bf16 v23, v18;
	_ =	sdelay $0x1  }
0x4e7: {  	v21 =	vadd.bf16 v22, v21;
	v22 =	vmul.bf16 v24, v19;
	_ =	sdelay $0x1  }
0x4e8: {  	v21 =	vadd.bf16 v22, v21;
	_ =	sdelay $0x1  }
0x4e9: {  	v22 =	vunpack.i.u.bf16.f32 v21;
	v21 =	vunpack.i.l.bf16.f32 v21  }
0x4ea: {  	v21 =	vadd.f32 v21, v22;
	_ =	sdelay $0x1  }
0x4eb: {  	[tilespmem:$0x16E30] =	vst v21  }
0x4ec: {  	v21 =	vld [tilespmem:s0+$0xFFFFFE80]  }
0x4ed: {  	v22 =	vld [tilespmem:s0+$0xFFFFFE90];
	_ =	sdelay $0x1  }
0x4ee: {  	v23 =	vld [tilespmem:s0+$0xFFFFFEA0];
	_ =	sdelay $0x1  }
0x4ef: {  	v21 =	vmul.bf16 v21, v16;
	v24 =	vld [tilespmem:s0+$0xFFFFFEB0]  }
0x4f0: {  	v22 =	vmul.bf16 v22, v17;
	_ =	sdelay $0x1  }
0x4f1: {  	v21 =	vadd.bf16 v22, v21;
	v22 =	vmul.bf16 v23, v18;
	_ =	sdelay $0x1  }
0x4f2: {  	v21 =	vadd.bf16 v22, v21;
	v22 =	vmul.bf16 v24, v19;
	_ =	sdelay $0x1  }
0x4f3: {  	v21 =	vadd.bf16 v22, v21;
	_ =	sdelay $0x1  }
0x4f4: {  	v22 =	vunpack.i.u.bf16.f32 v21;
	v21 =	vunpack.i.l.bf16.f32 v21  }
0x4f5: {  	v21 =	vadd.f32 v21, v22;
	_ =	sdelay $0x1  }
0x4f6: {  	[tilespmem:$0x16E40] =	vst v21  }
0x4f7: {  	v21 =	vld [tilespmem:s0+$0xFFFFFEC0]  }
0x4f8: {  	v22 =	vld [tilespmem:s0+$0xFFFFFED0];
	_ =	sdelay $0x1  }
0x4f9: {  	v23 =	vld [tilespmem:s0+$0xFFFFFEE0];
	_ =	sdelay $0x1  }
0x4fa: {  	v21 =	vmul.bf16 v21, v16;
	v24 =	vld [tilespmem:s0+$0xFFFFFEF0]  }
0x4fb: {  	v22 =	vmul.bf16 v22, v17;
	_ =	sdelay $0x1  }
0x4fc: {  	v21 =	vadd.bf16 v22, v21;
	v22 =	vmul.bf16 v23, v18;
	_ =	sdelay $0x1  }
0x4fd: {  	v21 =	vadd.bf16 v22, v21;
	v22 =	vmul.bf16 v24, v19;
	_ =	sdelay $0x1  }
0x4fe: {  	v21 =	vadd.bf16 v22, v21;
	_ =	sdelay $0x1  }
0x4ff: {  	v22 =	vunpack.i.u.bf16.f32 v21;
	v21 =	vunpack.i.l.bf16.f32 v21  }
0x500: {  	v21 =	vadd.f32 v21, v22;
	_ =	sdelay $0x1  }
0x501: {  	[tilespmem:$0x16E50] =	vst v21  }
0x502: {  	v21 =	vld [tilespmem:s0+$0xFFFFFF00]  }
0x503: {  	v22 =	vld [tilespmem:s0+$0xFFFFFF10]  }
0x504: {  	v23 =	vld [tilespmem:s0+$0xFFFFFF20]  }
0x505: {  	v24 =	vld [tilespmem:s0+$0xFFFFFF30];
	_ =	sdelay $0x1  }
0x506: {  	v21 =	vmul.bf16 v21, v16  }
0x507: {  	v22 =	vmul.bf16 v22, v17;
	_ =	sdelay $0x1  }
0x508: {  	v21 =	vadd.bf16 v22, v21;
	v22 =	vmul.bf16 v23, v18;
	_ =	sdelay $0x1  }
0x509: {  	v21 =	vadd.bf16 v22, v21;
	v22 =	vmul.bf16 v24, v19;
	_ =	sdelay $0x1  }
0x50a: {  	v21 =	vadd.bf16 v22, v21;
	_ =	sdelay $0x1  }
0x50b: {  	v22 =	vunpack.i.u.bf16.f32 v21;
	v21 =	vunpack.i.l.bf16.f32 v21  }
0x50c: {  	v21 =	vadd.f32 v21, v22;
	_ =	sdelay $0x1  }
0x50d: {  	[tilespmem:$0x16E60] =	vst v21  }
0x50e: {  	v21 =	vld [tilespmem:s0+$0xFFFFFF40]  }
0x50f: {  	v22 =	vld [tilespmem:s0+$0xFFFFFF50]  }
0x510: {  	v23 =	vld [tilespmem:s0+$0xFFFFFF60]  }
0x511: {  	v24 =	vld [tilespmem:s0+$0xFFFFFF70];
	_ =	sdelay $0x1  }
0x512: {  	v21 =	vmul.bf16 v21, v16  }
0x513: {  	v22 =	vmul.bf16 v22, v17;
	_ =	sdelay $0x1  }
0x514: {  	v21 =	vadd.bf16 v22, v21;
	v22 =	vmul.bf16 v23, v18;
	_ =	sdelay $0x1  }
0x515: {  	v21 =	vadd.bf16 v22, v21;
	v22 =	vmul.bf16 v24, v19;
	_ =	sdelay $0x1  }
0x516: {  	v21 =	vadd.bf16 v22, v21;
	_ =	sdelay $0x1  }
0x517: {  	v22 =	vunpack.i.u.bf16.f32 v21;
	v21 =	vunpack.i.l.bf16.f32 v21  }
0x518: {  	v21 =	vadd.f32 v21, v22;
	_ =	sdelay $0x1  }
0x519: {  	[tilespmem:$0x16E70] =	vst v21  }
0x51a: {  	v21 =	vld [tilespmem:s0+$0xFFFFFF80]  }
0x51b: {  	v22 =	vld [tilespmem:s0+$0xFFFFFF90]  }
0x51c: {  	v23 =	vld [tilespmem:s0+$0xFFFFFFA0]  }
0x51d: {  	v24 =	vld [tilespmem:s0+$0xFFFFFFB0];
	_ =	sdelay $0x2  }
0x51e: {  	v21 =	vmul.bf16 v21, v16;
	v22 =	vmul.bf16 v22, v17;
	_ =	sdelay $0x1  }
0x51f: {  	v21 =	vadd.bf16 v22, v21;
	v22 =	vmul.bf16 v23, v18;
	_ =	sdelay $0x1  }
0x520: {  	v21 =	vadd.bf16 v22, v21;
	v22 =	vmul.bf16 v24, v19;
	_ =	sdelay $0x1  }
0x521: {  	v21 =	vadd.bf16 v22, v21;
	_ =	sdelay $0x1  }
0x522: {  	v22 =	vunpack.i.u.bf16.f32 v21;
	v21 =	vunpack.i.l.bf16.f32 v21  }
0x523: {  	v21 =	vadd.f32 v21, v22;
	_ =	sdelay $0x1  }
0x524: {  	[tilespmem:$0x16E80] =	vst v21  }
0x525: {  	v21 =	vld [tilespmem:s0+$0xFFFFFFC0]  }
0x526: {  	v22 =	vld [tilespmem:s0+$0xFFFFFFD0]  }
0x527: {  	v23 =	vld [tilespmem:s0+$0xFFFFFFF0]  }
0x528: {  	v24 =	vld [tilespmem:s0+$0xFFFFFFE0];
	_ =	sdelay $0x1  }
0x529: {  	v21 =	vmul.bf16 v21, v16  }
0x52a: {  	v22 =	vmul.bf16 v22, v17;
	_ =	sdelay $0x1  }
0x52b: {  	v21 =	vadd.bf16 v22, v21;
	v22 =	vmul.bf16 v24, v18;
	_ =	sdelay $0x1  }
0x52c: {  	v21 =	vadd.bf16 v22, v21;
	v22 =	vmul.bf16 v23, v19;
	_ =	sdelay $0x1  }
0x52d: {  	v21 =	vadd.bf16 v22, v21;
	_ =	sdelay $0x1  }
0x52e: {  	v22 =	vunpack.i.u.bf16.f32 v21;
	v21 =	vunpack.i.l.bf16.f32 v21  }
0x52f: {  	v21 =	vadd.f32 v21, v22;
	_ =	sdelay $0x1  }
0x530: {  	[tilespmem:$0x16E90] =	vst v21  }
0x531: {  	v21 =	vld [tilespmem:s0+$0x0]  }
0x532: {  	v22 =	vld [tilespmem:s0+$0x10]  }
0x533: {  	v23 =	vld [tilespmem:s0+$0x20]  }
0x534: {  	v24 =	vld [tilespmem:s0+$0x30];
	_ =	sdelay $0x1  }
0x535: {  	v21 =	vmul.bf16 v21, v16  }
0x536: {  	v22 =	vmul.bf16 v22, v17;
	_ =	sdelay $0x1  }
0x537: {  	v21 =	vadd.bf16 v22, v21;
	v22 =	vmul.bf16 v23, v18;
	_ =	sdelay $0x1  }
0x538: {  	v21 =	vadd.bf16 v22, v21;
	v22 =	vmul.bf16 v24, v19;
	_ =	sdelay $0x1  }
0x539: {  	v21 =	vadd.bf16 v22, v21;
	_ =	sdelay $0x1  }
0x53a: {  	v22 =	vunpack.i.u.bf16.f32 v21;
	v21 =	vunpack.i.l.bf16.f32 v21  }
0x53b: {  	v21 =	vadd.f32 v21, v22;
	_ =	sdelay $0x1  }
0x53c: {  	[tilespmem:$0x16EA0] =	vst v21  }
0x53d: {  	v21 =	vld [tilespmem:s0+$0x40]  }
0x53e: {  	v22 =	vld [tilespmem:s0+$0x50]  }
0x53f: {  	v23 =	vld [tilespmem:s0+$0x60]  }
0x540: {  	v24 =	vld [tilespmem:s0+$0x70];
	_ =	sdelay $0x1  }
0x541: {  	v21 =	vmul.bf16 v21, v16  }
0x542: {  	v22 =	vmul.bf16 v22, v17;
	_ =	sdelay $0x1  }
0x543: {  	v21 =	vadd.bf16 v22, v21;
	v22 =	vmul.bf16 v23, v18;
	_ =	sdelay $0x1  }
0x544: {  	v21 =	vadd.bf16 v22, v21;
	v22 =	vmul.bf16 v24, v19;
	_ =	sdelay $0x1  }
0x545: {  	v21 =	vadd.bf16 v22, v21;
	_ =	sdelay $0x1  }
0x546: {  	v22 =	vunpack.i.u.bf16.f32 v21;
	v21 =	vunpack.i.l.bf16.f32 v21  }
0x547: {  	v21 =	vadd.f32 v21, v22;
	_ =	sdelay $0x1  }
0x548: {  	[tilespmem:$0x16EB0] =	vst v21  }
0x549: {  	v21 =	vld [tilespmem:s0+$0x80]  }
0x54a: {  	v22 =	vld [tilespmem:s0+$0x90]  }
0x54b: {  	v23 =	vld [tilespmem:s0+$0xA0]  }
0x54c: {  	v24 =	vld [tilespmem:s0+$0xB0];
	_ =	sdelay $0x2  }
0x54d: {  	v21 =	vmul.bf16 v21, v16;
	v22 =	vmul.bf16 v22, v17;
	_ =	sdelay $0x1  }
0x54e: {  	v21 =	vadd.bf16 v22, v21;
	v22 =	vmul.bf16 v23, v18;
	_ =	sdelay $0x1  }
0x54f: {  	v21 =	vadd.bf16 v22, v21;
	v22 =	vmul.bf16 v24, v19;
	_ =	sdelay $0x1  }
0x550: {  	v21 =	vadd.bf16 v22, v21;
	_ =	sdelay $0x1  }
0x551: {  	v22 =	vunpack.i.u.bf16.f32 v21;
	v21 =	vunpack.i.l.bf16.f32 v21  }
0x552: {  	v21 =	vadd.f32 v21, v22;
	_ =	sdelay $0x1  }
0x553: {  	[tilespmem:$0x16EC0] =	vst v21  }
0x554: {  	v21 =	vld [tilespmem:s0+$0xC0]  }
0x555: {  	v22 =	vld [tilespmem:s0+$0xD0]  }
0x556: {  	v23 =	vld [tilespmem:s0+$0xE0]  }
0x557: {  	v24 =	vld [tilespmem:s0+$0xF0];
	_ =	sdelay $0x1  }
0x558: {  	v21 =	vmul.bf16 v21, v16  }
0x559: {  	v22 =	vmul.bf16 v22, v17;
	_ =	sdelay $0x1  }
0x55a: {  	v21 =	vadd.bf16 v22, v21;
	v22 =	vmul.bf16 v23, v18;
	_ =	sdelay $0x1  }
0x55b: {  	v21 =	vadd.bf16 v22, v21;
	v22 =	vmul.bf16 v24, v19;
	_ =	sdelay $0x1  }
0x55c: {  	v21 =	vadd.bf16 v22, v21;
	_ =	sdelay $0x1  }
0x55d: {  	v22 =	vunpack.i.u.bf16.f32 v21;
	v21 =	vunpack.i.l.bf16.f32 v21  }
0x55e: {  	v21 =	vadd.f32 v21, v22;
	_ =	sdelay $0x1  }
0x55f: {  	[tilespmem:$0x16ED0] =	vst v21  }
0x560: {  	v21 =	vld [tilespmem:s0+$0x100]  }
0x561: {  	v22 =	vld [tilespmem:s0+$0x110]  }
0x562: {  	v23 =	vld [tilespmem:s0+$0x120]  }
0x563: {  	v24 =	vld [tilespmem:s0+$0x130];
	_ =	sdelay $0x1  }
0x564: {  	v21 =	vmul.bf16 v21, v16  }
0x565: {  	v22 =	vmul.bf16 v22, v17;
	_ =	sdelay $0x1  }
0x566: {  	v21 =	vadd.bf16 v22, v21;
	v22 =	vmul.bf16 v23, v18;
	_ =	sdelay $0x1  }
0x567: {  	v21 =	vadd.bf16 v22, v21;
	v22 =	vmul.bf16 v24, v19;
	_ =	sdelay $0x1  }
0x568: {  	v21 =	vadd.bf16 v22, v21;
	_ =	sdelay $0x1  }
0x569: {  	v22 =	vunpack.i.u.bf16.f32 v21;
	v21 =	vunpack.i.l.bf16.f32 v21  }
0x56a: {  	v21 =	vadd.f32 v21, v22;
	_ =	sdelay $0x1  }
0x56b: {  	[tilespmem:$0x16EE0] =	vst v21  }
0x56c: {  	v21 =	vld [tilespmem:s0+$0x140]  }
0x56d: {  	v22 =	vld [tilespmem:s0+$0x150]  }
0x56e: {  	v23 =	vld [tilespmem:s0+$0x160]  }
0x56f: {  	v24 =	vld [tilespmem:s0+$0x170];
	_ =	sdelay $0x1  }
0x570: {  	v21 =	vmul.bf16 v21, v16  }
0x571: {  	v22 =	vmul.bf16 v22, v17;
	_ =	sdelay $0x1  }
0x572: {  	v21 =	vadd.bf16 v22, v21;
	v22 =	vmul.bf16 v23, v18;
	_ =	sdelay $0x1  }
0x573: {  	v21 =	vadd.bf16 v22, v21;
	v22 =	vmul.bf16 v24, v19;
	_ =	sdelay $0x1  }
0x574: {  	v21 =	vadd.bf16 v22, v21;
	_ =	sdelay $0x1  }
0x575: {  	v22 =	vunpack.i.u.bf16.f32 v21;
	v21 =	vunpack.i.l.bf16.f32 v21  }
0x576: {  	v21 =	vadd.f32 v21, v22;
	_ =	sdelay $0x1  }
0x577: {  	[tilespmem:$0x16EF0] =	vst v21  }
0x578: {  	v21 =	vld [tilespmem:s0+$0x180]  }
0x579: {  	v22 =	vld [tilespmem:s0+$0x190]  }
0x57a: {  	v23 =	vld [tilespmem:s0+$0x1A0]  }
0x57b: {  	v24 =	vld [tilespmem:s0+$0x1B0];
	_ =	sdelay $0x1  }
0x57c: {  	v21 =	vmul.bf16 v21, v16  }
0x57d: {  	v22 =	vmul.bf16 v22, v17;
	_ =	sdelay $0x1  }
0x57e: {  	v21 =	vadd.bf16 v22, v21;
	v22 =	vmul.bf16 v23, v18;
	_ =	sdelay $0x1  }
0x57f: {  	v21 =	vadd.bf16 v22, v21;
	v22 =	vmul.bf16 v24, v19;
	_ =	sdelay $0x1  }
0x580: {  	v21 =	vadd.bf16 v22, v21;
	_ =	sdelay $0x1  }
0x581: {  	v22 =	vunpack.i.u.bf16.f32 v21;
	v21 =	vunpack.i.l.bf16.f32 v21  }
0x582: {  	v21 =	vadd.f32 v21, v22;
	_ =	sdelay $0x1  }
0x583: {  	[tilespmem:$0x16F00] =	vst v21  }
0x584: {  	v21 =	vld [tilespmem:s0+$0x1C0]  }
0x585: {  	v22 =	vld [tilespmem:s0+$0x1D0]  }
0x586: {  	v23 =	vld [tilespmem:s0+$0x1E0]  }
0x587: {  	v24 =	vld [tilespmem:s0+$0x1F0];
	_ =	sdelay $0x2  }
0x588: {  	v21 =	vmul.bf16 v21, v16;
	v22 =	vmul.bf16 v22, v17;
	_ =	sdelay $0x1  }
0x589: {  	v21 =	vadd.bf16 v22, v21;
	v22 =	vmul.bf16 v23, v18;
	_ =	sdelay $0x1  }
0x58a: {  	v21 =	vadd.bf16 v22, v21;
	v22 =	vmul.bf16 v24, v19;
	_ =	sdelay $0x1  }
0x58b: {  	v21 =	vadd.bf16 v22, v21;
	_ =	sdelay $0x1  }
0x58c: {  	v22 =	vunpack.i.u.bf16.f32 v21;
	v21 =	vunpack.i.l.bf16.f32 v21  }
0x58d: {  	v21 =	vadd.f32 v21, v22;
	_ =	sdelay $0x1  }
0x58e: {  	[tilespmem:$0x16F10] =	vst v21  }
.Ltmp7:
0x58f: {  	v23 =	vld.idx.msk [tilespmem:v0+s15+$0x0], $0xffff;
	(pc) =	sbr.rel @p1 .LBB2_10-.Ltmp7, $4  }
0x590: {  	v25 =	vld.idx.msk [tilespmem:v1+s15+$0x0], $0xffff  }
0x591: {  	v24 =	vld.idx.msk [tilespmem:v2+s15+$0x0], $0xffff  }
0x592: {  	v22 =	vld.idx.msk [tilespmem:v3+s15+$0x0], $0xffff  }
0x593: {  	v21 =	vld.idx.msk [tilespmem:v4+s15+$0x0], $0xffff  }
0x594: {  	_ = 	snop  }
0x595: {  	v16 =	vadd.f32 v25, v23;
	_ =	sdelay $0x1  }
0x596: {  	v16 =	vadd.f32 v24, v16  }
0x597: {  	v17 =	vld.idx.msk [tilespmem:v5+s15+$0x0], $0xffff  }
0x598: {  	v16 =	vadd.f32 v22, v16  }
0x599: {  	v18 =	vld.idx.msk [tilespmem:v6+s15+$0x0], $0xffff  }
0x59a: {  	v16 =	vadd.f32 v21, v16  }
0x59b: {  	v19 =	vld.idx.msk [tilespmem:v7+s15+$0x0], $0xffff  }
0x59c: {  	v16 =	vadd.f32 v17, v16  }
0x59d: {  	v17 =	vld.idx.msk [tilespmem:v8+s15+$0x0], $0xffff  }
0x59e: {  	v16 =	vadd.f32 v18, v16  }
0x59f: {  	v18 =	vld.idx.msk [tilespmem:v9+s15+$0x0], $0xffff  }
0x5a0: {  	v16 =	vadd.f32 v19, v16  }
0x5a1: {  	v19 =	vld.idx.msk [tilespmem:v10+s15+$0x0], $0xffff  }
0x5a2: {  	v16 =	vadd.f32 v17, v16  }
0x5a3: {  	v17 =	vld.idx.msk [tilespmem:v11+s15+$0x0], $0xffff  }
0x5a4: {  	v16 =	vadd.f32 v18, v16  }
0x5a5: {  	v18 =	vld.idx.msk [tilespmem:v12+s15+$0x0], $0xffff  }
0x5a6: {  	v16 =	vadd.f32 v19, v16  }
0x5a7: {  	v19 =	vld.idx.msk [tilespmem:v13+s15+$0x0], $0xffff  }
0x5a8: {  	v16 =	vadd.f32 v17, v16  }
0x5a9: {  	v17 =	vld.idx.msk [tilespmem:v14+s15+$0x0], $0xffff  }
0x5aa: {  	v16 =	vadd.f32 v18, v16  }
0x5ab: {  	v18 =	vld.idx.msk [tilespmem:v15+s15+$0x0], $0xffff  }
0x5ac: {  	v16 =	vadd.f32 v19, v16;
	_ =	sdelay $0x1  }
0x5ad: {  	v16 =	vadd.f32 v17, v16;
	_ =	sdelay $0x1  }
0x5ae: {  	v16 =	vadd.f32 v18, v16  }
0x5af: {  	s0 =	sshra.s32 s6, $0x2  }
0x5b0: {  	s2 =	simm.s32 @!p0 $0x80;
	s4 =	simm.s32 @!p0 $0xD620;
	[tilespmem:v20+s0+$0x0 ss:$0x1] =	vst.idx.msk $0xffff, v16;
	s0 =	sadd.s32 @!p0 $0x740, s30  }
0x5b1: {  	[tilespmem:s4], [sflag:$0x3] =	stream.indirect.gather @!p0 [hbm4b:s7+s2], $0x40, s0, s2, $0xb8;
	[tilespmem:$0x19520] =	vst v63  }
0x5b2: {  	s0 =	sadd.s32 @!p0 $0x7C0, s30;
	s4 =	simm.s32 @!p0 $0xF620  }
0x5b3: {  	[tilespmem:s4], [sflag:$0x3] =	stream.indirect.gather @!p0 [hbm4b:s7+s2], $0x40, s0, s2, $0xb8;
	[tilespmem:$0x19520] =	vst v63  }
0x5b4: {  	s0 =	sadd.s32 @!p0 $0x840, s30;
	s2 =	simm.s32 @!p0 $0x30;
	s4 =	simm.s32 @!p0 $0x11620  }
0x5b5: {  	[tilespmem:s4], [sflag:$0x3] =	stream.indirect.gather @!p0 [hbm4b:s7+s2], $0x40, s0, s2, $0xb8;
	[tilespmem:$0x19520] =	vst v63  }
0x5b6: {  	_ =	swait.ge [sflag:s19], $0x4C00  }
0x5b7: {  	s30 =	sor.u32 $0xC0, s31;
	[sflag:s19] =	ssyncset.done $0x0  }
0x5b8: {  	s31 =	sand.u32 $0x3FFFFFC0, s30;
	[sflag:s19] =	ssyncadd.s32 $0xFFFFB400  }
0x5b9: {  	v16 =	vld [tilespmem:s31+$0x3620]  }
0x5ba: {  	s0 =	simm.s32 $0x12420;
	v17 =	vld [tilespmem:s31+$0x3630]  }
0x5bb: {  	v20 =	vld [tilespmem:s0+$0xFFFFFE00]  }
0x5bc: {  	v21 =	vld [tilespmem:s0+$0xFFFFFE10]  }
0x5bd: {  	v18 =	vld [tilespmem:s31+$0x3640]  }
0x5be: {  	v22 =	vld [tilespmem:s0+$0xFFFFFE20]  }
0x5bf: {  	v19 =	vld [tilespmem:s31+$0x3650]  }
0x5c0: {  	v23 =	vld [tilespmem:s0+$0xFFFFFE30]  }
0x5c1: {  	v20 =	vmul.bf16 v20, v16;
	v21 =	vmul.bf16 v21, v17;
	_ =	sdelay $0x1  }
0x5c2: {  	v20 =	vadd.bf16 v21, v20;
	v21 =	vmul.bf16 v22, v18;
	_ =	sdelay $0x1  }
0x5c3: {  	v22 =	vmul.bf16 v23, v19;
	v20 =	vadd.bf16 v21, v20;
	_ =	sdelay $0x1  }
0x5c4: {  	v20 =	vadd.bf16 v22, v20;
	_ =	sdelay $0x1  }
0x5c5: {  	v21 =	vunpack.i.u.bf16.f32 v20;
	v20 =	vunpack.i.l.bf16.f32 v20  }
0x5c6: {  	v20 =	vadd.f32 v20, v21;
	_ =	sdelay $0x1  }
0x5c7: {  	[tilespmem:$0x16E20] =	vst v20  }
0x5c8: {  	v20 =	vld [tilespmem:s0+$0xFFFFFE40]  }
0x5c9: {  	v21 =	vld [tilespmem:s0+$0xFFFFFE50];
	_ =	sdelay $0x1  }
0x5ca: {  	v22 =	vld [tilespmem:s0+$0xFFFFFE60];
	_ =	sdelay $0x1  }
0x5cb: {  	v23 =	vld [tilespmem:s0+$0xFFFFFE70]  }
0x5cc: {  	v20 =	vmul.bf16 v20, v16;
	v21 =	vmul.bf16 v21, v17;
	_ =	sdelay $0x1  }
0x5cd: {  	v20 =	vadd.bf16 v21, v20;
	v21 =	vmul.bf16 v22, v18;
	_ =	sdelay $0x1  }
0x5ce: {  	v20 =	vadd.bf16 v21, v20;
	v21 =	vmul.bf16 v23, v19;
	_ =	sdelay $0x1  }
0x5cf: {  	v20 =	vadd.bf16 v21, v20;
	_ =	sdelay $0x1  }
0x5d0: {  	v21 =	vunpack.i.u.bf16.f32 v20;
	v20 =	vunpack.i.l.bf16.f32 v20  }
0x5d1: {  	v20 =	vadd.f32 v20, v21;
	_ =	sdelay $0x1  }
0x5d2: {  	[tilespmem:$0x16E30] =	vst v20  }
0x5d3: {  	v20 =	vld [tilespmem:s0+$0xFFFFFE80]  }
0x5d4: {  	v21 =	vld [tilespmem:s0+$0xFFFFFE90];
	_ =	sdelay $0x1  }
0x5d5: {  	v22 =	vld [tilespmem:s0+$0xFFFFFEA0];
	_ =	sdelay $0x1  }
0x5d6: {  	v23 =	vld [tilespmem:s0+$0xFFFFFEB0]  }
0x5d7: {  	v20 =	vmul.bf16 v20, v16;
	v21 =	vmul.bf16 v21, v17;
	_ =	sdelay $0x1  }
0x5d8: {  	v20 =	vadd.bf16 v21, v20;
	v21 =	vmul.bf16 v22, v18;
	_ =	sdelay $0x1  }
0x5d9: {  	v20 =	vadd.bf16 v21, v20;
	v21 =	vmul.bf16 v23, v19;
	_ =	sdelay $0x1  }
0x5da: {  	v20 =	vadd.bf16 v21, v20;
	_ =	sdelay $0x1  }
0x5db: {  	v21 =	vunpack.i.u.bf16.f32 v20;
	v20 =	vunpack.i.l.bf16.f32 v20  }
0x5dc: {  	v20 =	vadd.f32 v20, v21;
	_ =	sdelay $0x1  }
0x5dd: {  	[tilespmem:$0x16E40] =	vst v20  }
0x5de: {  	v20 =	vld [tilespmem:s0+$0xFFFFFEC0]  }
0x5df: {  	v21 =	vld [tilespmem:s0+$0xFFFFFED0];
	_ =	sdelay $0x1  }
0x5e0: {  	v22 =	vld [tilespmem:s0+$0xFFFFFEE0];
	_ =	sdelay $0x1  }
0x5e1: {  	v23 =	vld [tilespmem:s0+$0xFFFFFEF0]  }
0x5e2: {  	v20 =	vmul.bf16 v20, v16;
	v21 =	vmul.bf16 v21, v17;
	_ =	sdelay $0x1  }
0x5e3: {  	v20 =	vadd.bf16 v21, v20;
	v21 =	vmul.bf16 v22, v18;
	_ =	sdelay $0x1  }
0x5e4: {  	v20 =	vadd.bf16 v21, v20;
	v21 =	vmul.bf16 v23, v19;
	_ =	sdelay $0x1  }
0x5e5: {  	v20 =	vadd.bf16 v21, v20;
	_ =	sdelay $0x1  }
0x5e6: {  	v21 =	vunpack.i.u.bf16.f32 v20;
	v20 =	vunpack.i.l.bf16.f32 v20  }
0x5e7: {  	v20 =	vadd.f32 v20, v21;
	_ =	sdelay $0x1  }
0x5e8: {  	[tilespmem:$0x16E50] =	vst v20  }
0x5e9: {  	v20 =	vld [tilespmem:s0+$0xFFFFFF00]  }
0x5ea: {  	v21 =	vld [tilespmem:s0+$0xFFFFFF10];
	_ =	sdelay $0x1  }
0x5eb: {  	v22 =	vld [tilespmem:s0+$0xFFFFFF20];
	_ =	sdelay $0x1  }
0x5ec: {  	v23 =	vld [tilespmem:s0+$0xFFFFFF30]  }
0x5ed: {  	v20 =	vmul.bf16 v20, v16;
	v21 =	vmul.bf16 v21, v17;
	_ =	sdelay $0x1  }
0x5ee: {  	v20 =	vadd.bf16 v21, v20;
	v21 =	vmul.bf16 v22, v18;
	_ =	sdelay $0x1  }
0x5ef: {  	v20 =	vadd.bf16 v21, v20;
	v21 =	vmul.bf16 v23, v19;
	_ =	sdelay $0x1  }
0x5f0: {  	v20 =	vadd.bf16 v21, v20;
	_ =	sdelay $0x1  }
0x5f1: {  	v21 =	vunpack.i.u.bf16.f32 v20;
	v20 =	vunpack.i.l.bf16.f32 v20  }
0x5f2: {  	v20 =	vadd.f32 v20, v21;
	_ =	sdelay $0x1  }
0x5f3: {  	[tilespmem:$0x16E60] =	vst v20  }
0x5f4: {  	v20 =	vld [tilespmem:s0+$0xFFFFFF40]  }
0x5f5: {  	v21 =	vld [tilespmem:s0+$0xFFFFFF50];
	_ =	sdelay $0x1  }
0x5f6: {  	v22 =	vld [tilespmem:s0+$0xFFFFFF60];
	_ =	sdelay $0x1  }
0x5f7: {  	v23 =	vld [tilespmem:s0+$0xFFFFFF70]  }
0x5f8: {  	v20 =	vmul.bf16 v20, v16;
	v21 =	vmul.bf16 v21, v17;
	_ =	sdelay $0x1  }
0x5f9: {  	v20 =	vadd.bf16 v21, v20;
	v21 =	vmul.bf16 v22, v18;
	_ =	sdelay $0x1  }
0x5fa: {  	v20 =	vadd.bf16 v21, v20;
	v21 =	vmul.bf16 v23, v19;
	_ =	sdelay $0x1  }
0x5fb: {  	v20 =	vadd.bf16 v21, v20;
	_ =	sdelay $0x1  }
0x5fc: {  	v21 =	vunpack.i.u.bf16.f32 v20;
	v20 =	vunpack.i.l.bf16.f32 v20  }
0x5fd: {  	v20 =	vadd.f32 v20, v21;
	_ =	sdelay $0x1  }
0x5fe: {  	[tilespmem:$0x16E70] =	vst v20  }
0x5ff: {  	v20 =	vld [tilespmem:s0+$0xFFFFFF80]  }
0x600: {  	v21 =	vld [tilespmem:s0+$0xFFFFFF90];
	_ =	sdelay $0x1  }
0x601: {  	v22 =	vld [tilespmem:s0+$0xFFFFFFA0];
	_ =	sdelay $0x1  }
0x602: {  	v23 =	vld [tilespmem:s0+$0xFFFFFFB0]  }
0x603: {  	v20 =	vmul.bf16 v20, v16;
	v21 =	vmul.bf16 v21, v17;
	_ =	sdelay $0x1  }
0x604: {  	v20 =	vadd.bf16 v21, v20;
	v21 =	vmul.bf16 v22, v18;
	_ =	sdelay $0x1  }
0x605: {  	v20 =	vadd.bf16 v21, v20;
	v21 =	vmul.bf16 v23, v19;
	_ =	sdelay $0x1  }
0x606: {  	v20 =	vadd.bf16 v21, v20;
	_ =	sdelay $0x1  }
0x607: {  	v21 =	vunpack.i.u.bf16.f32 v20;
	v20 =	vunpack.i.l.bf16.f32 v20  }
0x608: {  	v20 =	vadd.f32 v20, v21;
	_ =	sdelay $0x1  }
0x609: {  	[tilespmem:$0x16E80] =	vst v20  }
0x60a: {  	v20 =	vld [tilespmem:s0+$0xFFFFFFC0]  }
0x60b: {  	v21 =	vld [tilespmem:s0+$0xFFFFFFD0];
	_ =	sdelay $0x1  }
0x60c: {  	v22 =	vld [tilespmem:s0+$0xFFFFFFE0];
	_ =	sdelay $0x1  }
0x60d: {  	v23 =	vld [tilespmem:s0+$0xFFFFFFF0]  }
0x60e: {  	v20 =	vmul.bf16 v20, v16;
	v21 =	vmul.bf16 v21, v17;
	_ =	sdelay $0x1  }
0x60f: {  	v20 =	vadd.bf16 v21, v20;
	v21 =	vmul.bf16 v22, v18;
	_ =	sdelay $0x1  }
0x610: {  	v20 =	vadd.bf16 v21, v20;
	v21 =	vmul.bf16 v23, v19;
	_ =	sdelay $0x1  }
0x611: {  	v20 =	vadd.bf16 v21, v20;
	_ =	sdelay $0x1  }
0x612: {  	v21 =	vunpack.i.u.bf16.f32 v20;
	v20 =	vunpack.i.l.bf16.f32 v20  }
0x613: {  	v20 =	vadd.f32 v20, v21;
	_ =	sdelay $0x1  }
0x614: {  	[tilespmem:$0x16E90] =	vst v20  }
0x615: {  	v20 =	vld [tilespmem:s0+$0x0]  }
0x616: {  	v21 =	vld [tilespmem:s0+$0x10];
	_ =	sdelay $0x1  }
0x617: {  	v22 =	vld [tilespmem:s0+$0x20];
	_ =	sdelay $0x1  }
0x618: {  	v23 =	vld [tilespmem:s0+$0x30]  }
0x619: {  	v20 =	vmul.bf16 v20, v16;
	v21 =	vmul.bf16 v21, v17;
	_ =	sdelay $0x1  }
0x61a: {  	v20 =	vadd.bf16 v21, v20;
	v21 =	vmul.bf16 v22, v18;
	_ =	sdelay $0x1  }
0x61b: {  	v20 =	vadd.bf16 v21, v20;
	v21 =	vmul.bf16 v23, v19;
	_ =	sdelay $0x1  }
0x61c: {  	v20 =	vadd.bf16 v21, v20;
	_ =	sdelay $0x1  }
0x61d: {  	v21 =	vunpack.i.u.bf16.f32 v20;
	v20 =	vunpack.i.l.bf16.f32 v20  }
0x61e: {  	v20 =	vadd.f32 v20, v21;
	_ =	sdelay $0x1  }
0x61f: {  	[tilespmem:$0x16EA0] =	vst v20  }
0x620: {  	v20 =	vld [tilespmem:s0+$0x40]  }
0x621: {  	v21 =	vld [tilespmem:s0+$0x50];
	_ =	sdelay $0x1  }
0x622: {  	v22 =	vld [tilespmem:s0+$0x60];
	_ =	sdelay $0x1  }
0x623: {  	v23 =	vld [tilespmem:s0+$0x70]  }
0x624: {  	v20 =	vmul.bf16 v20, v16;
	v21 =	vmul.bf16 v21, v17;
	_ =	sdelay $0x1  }
0x625: {  	v20 =	vadd.bf16 v21, v20;
	v21 =	vmul.bf16 v22, v18;
	_ =	sdelay $0x1  }
0x626: {  	v20 =	vadd.bf16 v21, v20;
	v21 =	vmul.bf16 v23, v19;
	_ =	sdelay $0x1  }
0x627: {  	v20 =	vadd.bf16 v21, v20;
	_ =	sdelay $0x1  }
0x628: {  	v21 =	vunpack.i.u.bf16.f32 v20;
	v20 =	vunpack.i.l.bf16.f32 v20  }
0x629: {  	v20 =	vadd.f32 v20, v21;
	_ =	sdelay $0x1  }
0x62a: {  	[tilespmem:$0x16EB0] =	vst v20  }
0x62b: {  	v20 =	vld [tilespmem:s0+$0x80]  }
0x62c: {  	v21 =	vld [tilespmem:s0+$0x90];
	_ =	sdelay $0x1  }
0x62d: {  	v22 =	vld [tilespmem:s0+$0xA0];
	_ =	sdelay $0x1  }
0x62e: {  	v23 =	vld [tilespmem:s0+$0xB0]  }
0x62f: {  	v20 =	vmul.bf16 v20, v16;
	v21 =	vmul.bf16 v21, v17;
	_ =	sdelay $0x1  }
0x630: {  	v20 =	vadd.bf16 v21, v20;
	v21 =	vmul.bf16 v22, v18;
	_ =	sdelay $0x1  }
0x631: {  	v20 =	vadd.bf16 v21, v20;
	v21 =	vmul.bf16 v23, v19;
	_ =	sdelay $0x1  }
0x632: {  	v20 =	vadd.bf16 v21, v20;
	_ =	sdelay $0x1  }
0x633: {  	v21 =	vunpack.i.u.bf16.f32 v20;
	v20 =	vunpack.i.l.bf16.f32 v20  }
0x634: {  	v20 =	vadd.f32 v20, v21;
	_ =	sdelay $0x1  }
0x635: {  	[tilespmem:$0x16EC0] =	vst v20  }
0x636: {  	v20 =	vld [tilespmem:s0+$0xC0]  }
0x637: {  	v21 =	vld [tilespmem:s0+$0xD0];
	_ =	sdelay $0x1  }
0x638: {  	v22 =	vld [tilespmem:s0+$0xE0];
	_ =	sdelay $0x1  }
0x639: {  	v23 =	vld [tilespmem:s0+$0xF0]  }
0x63a: {  	v20 =	vmul.bf16 v20, v16;
	v21 =	vmul.bf16 v21, v17;
	_ =	sdelay $0x1  }
0x63b: {  	v20 =	vadd.bf16 v21, v20;
	v21 =	vmul.bf16 v22, v18;
	_ =	sdelay $0x1  }
0x63c: {  	v20 =	vadd.bf16 v21, v20;
	v21 =	vmul.bf16 v23, v19;
	_ =	sdelay $0x1  }
0x63d: {  	v20 =	vadd.bf16 v21, v20;
	_ =	sdelay $0x1  }
0x63e: {  	v21 =	vunpack.i.u.bf16.f32 v20;
	v20 =	vunpack.i.l.bf16.f32 v20  }
0x63f: {  	v20 =	vadd.f32 v20, v21;
	_ =	sdelay $0x1  }
0x640: {  	[tilespmem:$0x16ED0] =	vst v20  }
0x641: {  	v20 =	vld [tilespmem:s0+$0x100]  }
0x642: {  	v21 =	vld [tilespmem:s0+$0x110];
	_ =	sdelay $0x1  }
0x643: {  	v22 =	vld [tilespmem:s0+$0x120];
	_ =	sdelay $0x1  }
0x644: {  	v23 =	vld [tilespmem:s0+$0x130]  }
0x645: {  	v20 =	vmul.bf16 v20, v16;
	v21 =	vmul.bf16 v21, v17;
	_ =	sdelay $0x1  }
0x646: {  	v20 =	vadd.bf16 v21, v20;
	v21 =	vmul.bf16 v22, v18;
	_ =	sdelay $0x1  }
0x647: {  	v20 =	vadd.bf16 v21, v20;
	v21 =	vmul.bf16 v23, v19;
	_ =	sdelay $0x1  }
0x648: {  	v20 =	vadd.bf16 v21, v20;
	_ =	sdelay $0x1  }
0x649: {  	v21 =	vunpack.i.u.bf16.f32 v20;
	v20 =	vunpack.i.l.bf16.f32 v20  }
0x64a: {  	v20 =	vadd.f32 v20, v21;
	_ =	sdelay $0x1  }
0x64b: {  	[tilespmem:$0x16EE0] =	vst v20  }
0x64c: {  	v20 =	vld [tilespmem:s0+$0x140]  }
0x64d: {  	v21 =	vld [tilespmem:s0+$0x150];
	_ =	sdelay $0x1  }
0x64e: {  	v22 =	vld [tilespmem:s0+$0x160];
	_ =	sdelay $0x1  }
0x64f: {  	v23 =	vld [tilespmem:s0+$0x170]  }
0x650: {  	v20 =	vmul.bf16 v20, v16;
	v21 =	vmul.bf16 v21, v17;
	_ =	sdelay $0x1  }
0x651: {  	v20 =	vadd.bf16 v21, v20;
	v21 =	vmul.bf16 v22, v18;
	_ =	sdelay $0x1  }
0x652: {  	v20 =	vadd.bf16 v21, v20;
	v21 =	vmul.bf16 v23, v19;
	_ =	sdelay $0x1  }
0x653: {  	v20 =	vadd.bf16 v21, v20;
	_ =	sdelay $0x1  }
0x654: {  	v21 =	vunpack.i.u.bf16.f32 v20;
	v20 =	vunpack.i.l.bf16.f32 v20  }
0x655: {  	v20 =	vadd.f32 v20, v21;
	_ =	sdelay $0x1  }
0x656: {  	[tilespmem:$0x16EF0] =	vst v20  }
0x657: {  	v20 =	vld [tilespmem:s0+$0x180]  }
0x658: {  	v21 =	vld [tilespmem:s0+$0x190];
	_ =	sdelay $0x1  }
0x659: {  	v22 =	vld [tilespmem:s0+$0x1A0];
	_ =	sdelay $0x1  }
0x65a: {  	v23 =	vld [tilespmem:s0+$0x1B0]  }
0x65b: {  	v20 =	vmul.bf16 v20, v16;
	v21 =	vmul.bf16 v21, v17;
	_ =	sdelay $0x1  }
0x65c: {  	v20 =	vadd.bf16 v21, v20;
	v21 =	vmul.bf16 v22, v18;
	_ =	sdelay $0x1  }
0x65d: {  	v20 =	vadd.bf16 v21, v20;
	v21 =	vmul.bf16 v23, v19;
	_ =	sdelay $0x1  }
0x65e: {  	v20 =	vadd.bf16 v21, v20;
	_ =	sdelay $0x1  }
0x65f: {  	v21 =	vunpack.i.u.bf16.f32 v20;
	v20 =	vunpack.i.l.bf16.f32 v20  }
0x660: {  	v20 =	vadd.f32 v20, v21;
	_ =	sdelay $0x1  }
0x661: {  	[tilespmem:$0x16F00] =	vst v20  }
0x662: {  	v20 =	vld [tilespmem:s0+$0x1C0]  }
0x663: {  	v21 =	vld [tilespmem:s0+$0x1D0];
	_ =	sdelay $0x1  }
0x664: {  	v22 =	vld [tilespmem:s0+$0x1E0];
	_ =	sdelay $0x1  }
0x665: {  	v23 =	vld [tilespmem:s0+$0x1F0]  }
0x666: {  	v20 =	vmul.bf16 v20, v16;
	v21 =	vmul.bf16 v21, v17;
	_ =	sdelay $0x1  }
0x667: {  	v20 =	vadd.bf16 v21, v20;
	v21 =	vmul.bf16 v22, v18;
	_ =	sdelay $0x1  }
0x668: {  	v20 =	vadd.bf16 v21, v20;
	v21 =	vmul.bf16 v23, v19;
	_ =	sdelay $0x1  }
0x669: {  	v20 =	vadd.bf16 v21, v20;
	_ =	sdelay $0x1  }
0x66a: {  	v21 =	vunpack.i.u.bf16.f32 v20;
	v20 =	vunpack.i.l.bf16.f32 v20  }
0x66b: {  	v20 =	vadd.f32 v20, v21;
	_ =	sdelay $0x1  }
0x66c: {  	[tilespmem:$0x16F10] =	vst v20  }
0x66d: {  	v23 =	vld.idx.msk [tilespmem:v0+s15+$0x0], $0xffff  }
0x66e: {  	v25 =	vld.idx.msk [tilespmem:v1+s15+$0x0], $0xffff  }
0x66f: {  	v24 =	vld.idx.msk [tilespmem:v2+s15+$0x0], $0xffff  }
0x670: {  	v22 =	vld.idx.msk [tilespmem:v3+s15+$0x0], $0xffff  }
0x671: {  	s6 =	simm.s32 $0x0;
	s9 =	simm.s32 $0x40;
	v20 =	vmov s28;
	v21 =	vld.idx.msk [tilespmem:v4+s15+$0x0], $0xffff  }
.LBB2_12:
0x672: {  	p1 =	sne.s32 s9, $0x480  }
0x673: {  	v26 =	vld.idx.msk [tilespmem:v5+s15+$0x0], $0xffff;
	s0 =	sadd.s32 $0x400, s0;
	s2 =	smov.u32 s9;
	s9 =	sadd.s32 $0x40, s9  }
0x674: {  	v27 =	vld.idx.msk [tilespmem:v6+s15+$0x0], $0xffff  }
0x675: {  	v23 =	vadd.f32 v25, v23;
	v25 =	vld.idx.msk [tilespmem:v7+s15+$0x0], $0xffff  }
0x676: {  	v28 =	vld.idx.msk [tilespmem:v8+s15+$0x0], $0xffff  }
0x677: {  	v23 =	vadd.f32 v24, v23;
	v24 =	vld.idx.msk [tilespmem:v9+s15+$0x0], $0xffff  }
0x678: {  	v29 =	vld.idx.msk [tilespmem:v10+s15+$0x0], $0xffff  }
0x679: {  	v22 =	vadd.f32 v22, v23;
	v23 =	vld.idx.msk [tilespmem:v11+s15+$0x0], $0xffff  }
0x67a: {  	v30 =	vld.idx.msk [tilespmem:v12+s15+$0x0], $0xffff  }
0x67b: {  	v21 =	vadd.f32 v21, v22;
	v22 =	vld.idx.msk [tilespmem:v13+s15+$0x0], $0xffff  }
0x67c: {  	v31 =	vld.idx.msk [tilespmem:v14+s15+$0x0], $0xffff  }
0x67d: {  	v21 =	vadd.f32 v26, v21;
	v26 =	vld.idx.msk [tilespmem:v15+s15+$0x0], $0xffff;
	_ =	sdelay $0x1  }
0x67e: {  	v21 =	vadd.f32 v27, v21;
	_ =	sdelay $0x1  }
0x67f: {  	v21 =	vadd.f32 v25, v21;
	_ =	sdelay $0x1  }
0x680: {  	v21 =	vadd.f32 v28, v21;
	_ =	sdelay $0x1  }
0x681: {  	v21 =	vadd.f32 v24, v21;
	_ =	sdelay $0x1  }
0x682: {  	v21 =	vadd.f32 v29, v21;
	_ =	sdelay $0x1  }
0x683: {  	v21 =	vadd.f32 v23, v21;
	_ =	sdelay $0x1  }
0x684: {  	v21 =	vadd.f32 v30, v21;
	_ =	sdelay $0x1  }
0x685: {  	v21 =	vadd.f32 v22, v21;
	_ =	sdelay $0x1  }
0x686: {  	v21 =	vadd.f32 v31, v21  }
0x687: {  	s4 =	sshra.s32 s6, $0x2;
	s6 =	smov.u32 s2  }
0x688: {  	v21 =	vadd.f32 v26, v21;
	_ =	sdelay $0x1  }
0x689: {  	[tilespmem:v20+s4+$0x0 ss:$0x1] =	vst.idx.msk $0xffff, v21  }
0x68a: {  	v21 =	vld [tilespmem:s0+$0xFFFFFE00]  }
0x68b: {  	v22 =	vld [tilespmem:s0+$0xFFFFFE10]  }
0x68c: {  	v23 =	vld [tilespmem:s0+$0xFFFFFE30]  }
0x68d: {  	v24 =	vld [tilespmem:s0+$0xFFFFFE20];
	_ =	sdelay $0x1  }
0x68e: {  	v21 =	vmul.bf16 v21, v16  }
0x68f: {  	v22 =	vmul.bf16 v22, v17  }
0x690: {  	v23 =	vmul.bf16 v23, v19  }
0x691: {  	v21 =	vadd.bf16 v22, v21;
	v22 =	vmul.bf16 v24, v18;
	_ =	sdelay $0x1  }
0x692: {  	v21 =	vadd.bf16 v22, v21;
	_ =	sdelay $0x1  }
0x693: {  	v21 =	vadd.bf16 v23, v21;
	_ =	sdelay $0x1  }
0x694: {  	v22 =	vunpack.i.u.bf16.f32 v21;
	v21 =	vunpack.i.l.bf16.f32 v21  }
0x695: {  	v21 =	vadd.f32 v21, v22;
	_ =	sdelay $0x1  }
0x696: {  	[tilespmem:$0x16E20] =	vst v21  }
0x697: {  	v21 =	vld [tilespmem:s0+$0xFFFFFE40]  }
0x698: {  	v22 =	vld [tilespmem:s0+$0xFFFFFE50];
	_ =	sdelay $0x1  }
0x699: {  	v23 =	vld [tilespmem:s0+$0xFFFFFE60];
	_ =	sdelay $0x1  }
0x69a: {  	v21 =	vmul.bf16 v21, v16;
	v24 =	vld [tilespmem:s0+$0xFFFFFE70]  }
0x69b: {  	v22 =	vmul.bf16 v22, v17;
	_ =	sdelay $0x1  }
0x69c: {  	v21 =	vadd.bf16 v22, v21;
	v22 =	vmul.bf16 v23, v18;
	_ =	sdelay $0x1  }
0x69d: {  	v21 =	vadd.bf16 v22, v21;
	v22 =	vmul.bf16 v24, v19;
	_ =	sdelay $0x1  }
0x69e: {  	v21 =	vadd.bf16 v22, v21;
	_ =	sdelay $0x1  }
0x69f: {  	v22 =	vunpack.i.u.bf16.f32 v21;
	v21 =	vunpack.i.l.bf16.f32 v21  }
0x6a0: {  	v21 =	vadd.f32 v21, v22;
	_ =	sdelay $0x1  }
0x6a1: {  	[tilespmem:$0x16E30] =	vst v21  }
0x6a2: {  	v21 =	vld [tilespmem:s0+$0xFFFFFE80]  }
0x6a3: {  	v22 =	vld [tilespmem:s0+$0xFFFFFE90];
	_ =	sdelay $0x1  }
0x6a4: {  	v23 =	vld [tilespmem:s0+$0xFFFFFEA0];
	_ =	sdelay $0x1  }
0x6a5: {  	v21 =	vmul.bf16 v21, v16;
	v24 =	vld [tilespmem:s0+$0xFFFFFEB0]  }
0x6a6: {  	v22 =	vmul.bf16 v22, v17;
	_ =	sdelay $0x1  }
0x6a7: {  	v21 =	vadd.bf16 v22, v21;
	v22 =	vmul.bf16 v23, v18;
	_ =	sdelay $0x1  }
0x6a8: {  	v21 =	vadd.bf16 v22, v21;
	v22 =	vmul.bf16 v24, v19;
	_ =	sdelay $0x1  }
0x6a9: {  	v21 =	vadd.bf16 v22, v21;
	_ =	sdelay $0x1  }
0x6aa: {  	v22 =	vunpack.i.u.bf16.f32 v21;
	v21 =	vunpack.i.l.bf16.f32 v21  }
0x6ab: {  	v21 =	vadd.f32 v21, v22;
	_ =	sdelay $0x1  }
0x6ac: {  	[tilespmem:$0x16E40] =	vst v21  }
0x6ad: {  	v21 =	vld [tilespmem:s0+$0xFFFFFEC0]  }
0x6ae: {  	v22 =	vld [tilespmem:s0+$0xFFFFFED0];
	_ =	sdelay $0x1  }
0x6af: {  	v23 =	vld [tilespmem:s0+$0xFFFFFEE0];
	_ =	sdelay $0x1  }
0x6b0: {  	v21 =	vmul.bf16 v21, v16;
	v24 =	vld [tilespmem:s0+$0xFFFFFEF0]  }
0x6b1: {  	v22 =	vmul.bf16 v22, v17;
	_ =	sdelay $0x1  }
0x6b2: {  	v21 =	vadd.bf16 v22, v21;
	v22 =	vmul.bf16 v23, v18;
	_ =	sdelay $0x1  }
0x6b3: {  	v21 =	vadd.bf16 v22, v21;
	v22 =	vmul.bf16 v24, v19;
	_ =	sdelay $0x1  }
0x6b4: {  	v21 =	vadd.bf16 v22, v21;
	_ =	sdelay $0x1  }
0x6b5: {  	v22 =	vunpack.i.u.bf16.f32 v21;
	v21 =	vunpack.i.l.bf16.f32 v21  }
0x6b6: {  	v21 =	vadd.f32 v21, v22;
	_ =	sdelay $0x1  }
0x6b7: {  	[tilespmem:$0x16E50] =	vst v21  }
0x6b8: {  	v21 =	vld [tilespmem:s0+$0xFFFFFF00]  }
0x6b9: {  	v22 =	vld [tilespmem:s0+$0xFFFFFF10]  }
0x6ba: {  	v23 =	vld [tilespmem:s0+$0xFFFFFF20]  }
0x6bb: {  	v24 =	vld [tilespmem:s0+$0xFFFFFF30];
	_ =	sdelay $0x1  }
0x6bc: {  	v21 =	vmul.bf16 v21, v16  }
0x6bd: {  	v22 =	vmul.bf16 v22, v17;
	_ =	sdelay $0x1  }
0x6be: {  	v21 =	vadd.bf16 v22, v21;
	v22 =	vmul.bf16 v23, v18;
	_ =	sdelay $0x1  }
0x6bf: {  	v21 =	vadd.bf16 v22, v21;
	v22 =	vmul.bf16 v24, v19;
	_ =	sdelay $0x1  }
0x6c0: {  	v21 =	vadd.bf16 v22, v21;
	_ =	sdelay $0x1  }
0x6c1: {  	v22 =	vunpack.i.u.bf16.f32 v21;
	v21 =	vunpack.i.l.bf16.f32 v21  }
0x6c2: {  	v21 =	vadd.f32 v21, v22;
	_ =	sdelay $0x1  }
0x6c3: {  	[tilespmem:$0x16E60] =	vst v21  }
0x6c4: {  	v21 =	vld [tilespmem:s0+$0xFFFFFF40]  }
0x6c5: {  	v22 =	vld [tilespmem:s0+$0xFFFFFF50]  }
0x6c6: {  	v23 =	vld [tilespmem:s0+$0xFFFFFF60]  }
0x6c7: {  	v24 =	vld [tilespmem:s0+$0xFFFFFF70];
	_ =	sdelay $0x1  }
0x6c8: {  	v21 =	vmul.bf16 v21, v16  }
0x6c9: {  	v22 =	vmul.bf16 v22, v17;
	_ =	sdelay $0x1  }
0x6ca: {  	v21 =	vadd.bf16 v22, v21;
	v22 =	vmul.bf16 v23, v18;
	_ =	sdelay $0x1  }
0x6cb: {  	v21 =	vadd.bf16 v22, v21;
	v22 =	vmul.bf16 v24, v19;
	_ =	sdelay $0x1  }
0x6cc: {  	v21 =	vadd.bf16 v22, v21;
	_ =	sdelay $0x1  }
0x6cd: {  	v22 =	vunpack.i.u.bf16.f32 v21;
	v21 =	vunpack.i.l.bf16.f32 v21  }
0x6ce: {  	v21 =	vadd.f32 v21, v22;
	_ =	sdelay $0x1  }
0x6cf: {  	[tilespmem:$0x16E70] =	vst v21  }
0x6d0: {  	v21 =	vld [tilespmem:s0+$0xFFFFFF80]  }
0x6d1: {  	v22 =	vld [tilespmem:s0+$0xFFFFFF90]  }
0x6d2: {  	v23 =	vld [tilespmem:s0+$0xFFFFFFA0]  }
0x6d3: {  	v24 =	vld [tilespmem:s0+$0xFFFFFFB0];
	_ =	sdelay $0x2  }
0x6d4: {  	v21 =	vmul.bf16 v21, v16;
	v22 =	vmul.bf16 v22, v17;
	_ =	sdelay $0x1  }
0x6d5: {  	v21 =	vadd.bf16 v22, v21;
	v22 =	vmul.bf16 v23, v18;
	_ =	sdelay $0x1  }
0x6d6: {  	v21 =	vadd.bf16 v22, v21;
	v22 =	vmul.bf16 v24, v19;
	_ =	sdelay $0x1  }
0x6d7: {  	v21 =	vadd.bf16 v22, v21;
	_ =	sdelay $0x1  }
0x6d8: {  	v22 =	vunpack.i.u.bf16.f32 v21;
	v21 =	vunpack.i.l.bf16.f32 v21  }
0x6d9: {  	v21 =	vadd.f32 v21, v22;
	_ =	sdelay $0x1  }
0x6da: {  	[tilespmem:$0x16E80] =	vst v21  }
0x6db: {  	v21 =	vld [tilespmem:s0+$0xFFFFFFC0]  }
0x6dc: {  	v22 =	vld [tilespmem:s0+$0xFFFFFFD0]  }
0x6dd: {  	v23 =	vld [tilespmem:s0+$0xFFFFFFF0]  }
0x6de: {  	v24 =	vld [tilespmem:s0+$0xFFFFFFE0];
	_ =	sdelay $0x1  }
0x6df: {  	v21 =	vmul.bf16 v21, v16  }
0x6e0: {  	v22 =	vmul.bf16 v22, v17;
	_ =	sdelay $0x1  }
0x6e1: {  	v21 =	vadd.bf16 v22, v21;
	v22 =	vmul.bf16 v24, v18;
	_ =	sdelay $0x1  }
0x6e2: {  	v21 =	vadd.bf16 v22, v21;
	v22 =	vmul.bf16 v23, v19;
	_ =	sdelay $0x1  }
0x6e3: {  	v21 =	vadd.bf16 v22, v21;
	_ =	sdelay $0x1  }
0x6e4: {  	v22 =	vunpack.i.u.bf16.f32 v21;
	v21 =	vunpack.i.l.bf16.f32 v21  }
0x6e5: {  	v21 =	vadd.f32 v21, v22;
	_ =	sdelay $0x1  }
0x6e6: {  	[tilespmem:$0x16E90] =	vst v21  }
0x6e7: {  	v21 =	vld [tilespmem:s0+$0x0]  }
0x6e8: {  	v22 =	vld [tilespmem:s0+$0x10]  }
0x6e9: {  	v23 =	vld [tilespmem:s0+$0x20]  }
0x6ea: {  	v24 =	vld [tilespmem:s0+$0x30];
	_ =	sdelay $0x1  }
0x6eb: {  	v21 =	vmul.bf16 v21, v16  }
0x6ec: {  	v22 =	vmul.bf16 v22, v17;
	_ =	sdelay $0x1  }
0x6ed: {  	v21 =	vadd.bf16 v22, v21;
	v22 =	vmul.bf16 v23, v18;
	_ =	sdelay $0x1  }
0x6ee: {  	v21 =	vadd.bf16 v22, v21;
	v22 =	vmul.bf16 v24, v19;
	_ =	sdelay $0x1  }
0x6ef: {  	v21 =	vadd.bf16 v22, v21;
	_ =	sdelay $0x1  }
0x6f0: {  	v22 =	vunpack.i.u.bf16.f32 v21;
	v21 =	vunpack.i.l.bf16.f32 v21  }
0x6f1: {  	v21 =	vadd.f32 v21, v22;
	_ =	sdelay $0x1  }
0x6f2: {  	[tilespmem:$0x16EA0] =	vst v21  }
0x6f3: {  	v21 =	vld [tilespmem:s0+$0x40]  }
0x6f4: {  	v22 =	vld [tilespmem:s0+$0x50]  }
0x6f5: {  	v23 =	vld [tilespmem:s0+$0x60]  }
0x6f6: {  	v24 =	vld [tilespmem:s0+$0x70];
	_ =	sdelay $0x1  }
0x6f7: {  	v21 =	vmul.bf16 v21, v16  }
0x6f8: {  	v22 =	vmul.bf16 v22, v17;
	_ =	sdelay $0x1  }
0x6f9: {  	v21 =	vadd.bf16 v22, v21;
	v22 =	vmul.bf16 v23, v18;
	_ =	sdelay $0x1  }
0x6fa: {  	v21 =	vadd.bf16 v22, v21;
	v22 =	vmul.bf16 v24, v19;
	_ =	sdelay $0x1  }
0x6fb: {  	v21 =	vadd.bf16 v22, v21;
	_ =	sdelay $0x1  }
0x6fc: {  	v22 =	vunpack.i.u.bf16.f32 v21;
	v21 =	vunpack.i.l.bf16.f32 v21  }
0x6fd: {  	v21 =	vadd.f32 v21, v22;
	_ =	sdelay $0x1  }
0x6fe: {  	[tilespmem:$0x16EB0] =	vst v21  }
0x6ff: {  	v21 =	vld [tilespmem:s0+$0x80]  }
0x700: {  	v22 =	vld [tilespmem:s0+$0x90]  }
0x701: {  	v23 =	vld [tilespmem:s0+$0xA0]  }
0x702: {  	v24 =	vld [tilespmem:s0+$0xB0];
	_ =	sdelay $0x2  }
0x703: {  	v21 =	vmul.bf16 v21, v16;
	v22 =	vmul.bf16 v22, v17;
	_ =	sdelay $0x1  }
0x704: {  	v21 =	vadd.bf16 v22, v21;
	v22 =	vmul.bf16 v23, v18;
	_ =	sdelay $0x1  }
0x705: {  	v21 =	vadd.bf16 v22, v21;
	v22 =	vmul.bf16 v24, v19;
	_ =	sdelay $0x1  }
0x706: {  	v21 =	vadd.bf16 v22, v21;
	_ =	sdelay $0x1  }
0x707: {  	v22 =	vunpack.i.u.bf16.f32 v21;
	v21 =	vunpack.i.l.bf16.f32 v21  }
0x708: {  	v21 =	vadd.f32 v21, v22;
	_ =	sdelay $0x1  }
0x709: {  	[tilespmem:$0x16EC0] =	vst v21  }
0x70a: {  	v21 =	vld [tilespmem:s0+$0xC0]  }
0x70b: {  	v22 =	vld [tilespmem:s0+$0xD0]  }
0x70c: {  	v23 =	vld [tilespmem:s0+$0xE0]  }
0x70d: {  	v24 =	vld [tilespmem:s0+$0xF0];
	_ =	sdelay $0x1  }
0x70e: {  	v21 =	vmul.bf16 v21, v16  }
0x70f: {  	v22 =	vmul.bf16 v22, v17;
	_ =	sdelay $0x1  }
0x710: {  	v21 =	vadd.bf16 v22, v21;
	v22 =	vmul.bf16 v23, v18;
	_ =	sdelay $0x1  }
0x711: {  	v21 =	vadd.bf16 v22, v21;
	v22 =	vmul.bf16 v24, v19;
	_ =	sdelay $0x1  }
0x712: {  	v21 =	vadd.bf16 v22, v21;
	_ =	sdelay $0x1  }
0x713: {  	v22 =	vunpack.i.u.bf16.f32 v21;
	v21 =	vunpack.i.l.bf16.f32 v21  }
0x714: {  	v21 =	vadd.f32 v21, v22;
	_ =	sdelay $0x1  }
0x715: {  	[tilespmem:$0x16ED0] =	vst v21  }
0x716: {  	v21 =	vld [tilespmem:s0+$0x100]  }
0x717: {  	v22 =	vld [tilespmem:s0+$0x110]  }
0x718: {  	v23 =	vld [tilespmem:s0+$0x120]  }
0x719: {  	v24 =	vld [tilespmem:s0+$0x130];
	_ =	sdelay $0x1  }
0x71a: {  	v21 =	vmul.bf16 v21, v16  }
0x71b: {  	v22 =	vmul.bf16 v22, v17;
	_ =	sdelay $0x1  }
0x71c: {  	v21 =	vadd.bf16 v22, v21;
	v22 =	vmul.bf16 v23, v18;
	_ =	sdelay $0x1  }
0x71d: {  	v21 =	vadd.bf16 v22, v21;
	v22 =	vmul.bf16 v24, v19;
	_ =	sdelay $0x1  }
0x71e: {  	v21 =	vadd.bf16 v22, v21;
	_ =	sdelay $0x1  }
0x71f: {  	v22 =	vunpack.i.u.bf16.f32 v21;
	v21 =	vunpack.i.l.bf16.f32 v21  }
0x720: {  	v21 =	vadd.f32 v21, v22;
	_ =	sdelay $0x1  }
0x721: {  	[tilespmem:$0x16EE0] =	vst v21  }
0x722: {  	v21 =	vld [tilespmem:s0+$0x140]  }
0x723: {  	v22 =	vld [tilespmem:s0+$0x150]  }
0x724: {  	v23 =	vld [tilespmem:s0+$0x160]  }
0x725: {  	v24 =	vld [tilespmem:s0+$0x170];
	_ =	sdelay $0x1  }
0x726: {  	v21 =	vmul.bf16 v21, v16  }
0x727: {  	v22 =	vmul.bf16 v22, v17;
	_ =	sdelay $0x1  }
0x728: {  	v21 =	vadd.bf16 v22, v21;
	v22 =	vmul.bf16 v23, v18;
	_ =	sdelay $0x1  }
0x729: {  	v21 =	vadd.bf16 v22, v21;
	v22 =	vmul.bf16 v24, v19;
	_ =	sdelay $0x1  }
0x72a: {  	v21 =	vadd.bf16 v22, v21;
	_ =	sdelay $0x1  }
0x72b: {  	v22 =	vunpack.i.u.bf16.f32 v21;
	v21 =	vunpack.i.l.bf16.f32 v21  }
0x72c: {  	v21 =	vadd.f32 v21, v22;
	_ =	sdelay $0x1  }
0x72d: {  	[tilespmem:$0x16EF0] =	vst v21  }
0x72e: {  	v21 =	vld [tilespmem:s0+$0x180]  }
0x72f: {  	v22 =	vld [tilespmem:s0+$0x190]  }
0x730: {  	v23 =	vld [tilespmem:s0+$0x1A0]  }
0x731: {  	v24 =	vld [tilespmem:s0+$0x1B0];
	_ =	sdelay $0x1  }
0x732: {  	v21 =	vmul.bf16 v21, v16  }
0x733: {  	v22 =	vmul.bf16 v22, v17;
	_ =	sdelay $0x1  }
0x734: {  	v21 =	vadd.bf16 v22, v21;
	v22 =	vmul.bf16 v23, v18;
	_ =	sdelay $0x1  }
0x735: {  	v21 =	vadd.bf16 v22, v21;
	v22 =	vmul.bf16 v24, v19;
	_ =	sdelay $0x1  }
0x736: {  	v21 =	vadd.bf16 v22, v21;
	_ =	sdelay $0x1  }
0x737: {  	v22 =	vunpack.i.u.bf16.f32 v21;
	v21 =	vunpack.i.l.bf16.f32 v21  }
0x738: {  	v21 =	vadd.f32 v21, v22;
	_ =	sdelay $0x1  }
0x739: {  	[tilespmem:$0x16F00] =	vst v21  }
0x73a: {  	v21 =	vld [tilespmem:s0+$0x1C0]  }
0x73b: {  	v22 =	vld [tilespmem:s0+$0x1D0]  }
0x73c: {  	v23 =	vld [tilespmem:s0+$0x1E0]  }
0x73d: {  	v24 =	vld [tilespmem:s0+$0x1F0];
	_ =	sdelay $0x2  }
0x73e: {  	v21 =	vmul.bf16 v21, v16;
	v22 =	vmul.bf16 v22, v17;
	_ =	sdelay $0x1  }
0x73f: {  	v21 =	vadd.bf16 v22, v21;
	v22 =	vmul.bf16 v23, v18;
	_ =	sdelay $0x1  }
0x740: {  	v21 =	vadd.bf16 v22, v21;
	v22 =	vmul.bf16 v24, v19;
	_ =	sdelay $0x1  }
0x741: {  	v21 =	vadd.bf16 v22, v21;
	_ =	sdelay $0x1  }
0x742: {  	v22 =	vunpack.i.u.bf16.f32 v21;
	v21 =	vunpack.i.l.bf16.f32 v21  }
0x743: {  	v21 =	vadd.f32 v21, v22;
	_ =	sdelay $0x1  }
0x744: {  	[tilespmem:$0x16F10] =	vst v21  }
.Ltmp8:
0x745: {  	v23 =	vld.idx.msk [tilespmem:v0+s15+$0x0], $0xffff;
	(pc) =	sbr.rel @p1 .LBB2_12-.Ltmp8, $4  }
0x746: {  	v25 =	vld.idx.msk [tilespmem:v1+s15+$0x0], $0xffff  }
0x747: {  	v24 =	vld.idx.msk [tilespmem:v2+s15+$0x0], $0xffff  }
0x748: {  	v22 =	vld.idx.msk [tilespmem:v3+s15+$0x0], $0xffff  }
0x749: {  	v21 =	vld.idx.msk [tilespmem:v4+s15+$0x0], $0xffff  }
0x74a: {  	_ = 	snop  }
0x74b: {  	v16 =	vadd.f32 v25, v23;
	_ =	sdelay $0x1  }
0x74c: {  	v16 =	vadd.f32 v24, v16  }
0x74d: {  	v17 =	vld.idx.msk [tilespmem:v5+s15+$0x0], $0xffff  }
0x74e: {  	v16 =	vadd.f32 v22, v16  }
0x74f: {  	v18 =	vld.idx.msk [tilespmem:v6+s15+$0x0], $0xffff  }
0x750: {  	v16 =	vadd.f32 v21, v16  }
0x751: {  	v19 =	vld.idx.msk [tilespmem:v7+s15+$0x0], $0xffff  }
0x752: {  	v16 =	vadd.f32 v17, v16  }
0x753: {  	v17 =	vld.idx.msk [tilespmem:v8+s15+$0x0], $0xffff  }
0x754: {  	v16 =	vadd.f32 v18, v16  }
0x755: {  	v59 =	vld.idx.msk [tilespmem:v9+s15+$0x0], $0xffff  }
0x756: {  	v16 =	vadd.f32 v19, v16  }
0x757: {  	v60 =	vld.idx.msk [tilespmem:v10+s15+$0x0], $0xffff  }
0x758: {  	v16 =	vadd.f32 v17, v16  }
0x759: {  	v17 =	vld.idx.msk [tilespmem:v11+s15+$0x0], $0xffff  }
0x75a: {  	v16 =	vadd.f32 v59, v16  }
0x75b: {  	v61 =	vld.idx.msk [tilespmem:v12+s15+$0x0], $0xffff  }
0x75c: {  	v16 =	vadd.f32 v60, v16  }
0x75d: {  	v62 =	vld.idx.msk [tilespmem:v13+s15+$0x0], $0xffff  }
0x75e: {  	v16 =	vadd.f32 v17, v16  }
0x75f: {  	v17 =	vld.idx.msk [tilespmem:v14+s15+$0x0], $0xffff  }
0x760: {  	v16 =	vadd.f32 v61, v16  }
0x761: {  	v63 =	vld.idx.msk [tilespmem:v15+s15+$0x0], $0xffff  }
0x762: {  	v16 =	vadd.f32 v62, v16;
	_ =	sdelay $0x1  }
.Ltmp9:
0x763: {  	v16 =	vadd.f32 v17, v16;
	(pc) =	sbr.rel @p0 .LBB2_15-.Ltmp9, $4  }
0x764: {  	_ = 	snop  }
0x765: {  	v16 =	vadd.f32 v63, v16  }
0x766: {  	s0 =	sshra.s32 s6, $0x2  }
0x767: {  	[tilespmem:v20+s0+$0x0 ss:$0x1] =	vst.idx.msk $0xffff, v16  }
0x768: {  	s0 =	sshra.s32 s29, $0x2  }
0x769: {  	s2 =	sadd.s32 $0x870, s0  }
0x76a: {  	[tilespmem:s1], [sflag:$0x4] =	stream.indirect.gather [hbm4b:s7+s14], $0x40, s2, s14, $0xb8;
	[tilespmem:$0x19520] =	vst v63  }
.Ltmp10:
0x76b: {  	s23 =	sadd.s32 $0x1, s23;
	(pc) =	sbr.rel .LBB2_5-.Ltmp10, $4  }
0x76c: {  	s24 =	sadd.s32 $0x4C0, s24;
	s25 =	sadd.s32 $0x4C0, s25;
	s31 =	sadd.s32 $0x8F0, s0  }
0x76d: {  	[tilespmem:s3], [sflag:$0x4] =	stream.indirect.gather [hbm4b:s7+s14], $0x40, s31, s14, $0xb8;
	[tilespmem:$0x19520] =	vst v63  }
0x76e: {  	s26 =	sadd.s32 $0x4C0, s26;
	s28 =	sadd.s32 $0x4C0, s28;
	s0 =	sadd.s32 $0x970, s0  }
0x76f: {  	[tilespmem:s5], [sflag:$0x4] =	stream.indirect.gather [hbm4b:s7+s18], $0x40, s0, s18, $0xb8;
	[tilespmem:$0x19520] =	vst v63  }
.LBB2_17:
0x770: {  	_ =	sfence.sel $0x180000  }
0x771: {  	[bflag:$0x0] =	sbarrier.arrive $0xFFFF  }
0x772: {  	_ =	strace $0x90000047  }
0x773: {  	s0 =	stileid.u32;
	[bflag:$0x2] =	sbarrier.arrive $0xFFFF  }
0x774: {  	p0 =	sne.s32 s0, $0x0;
	s0 =	rddreg [dreg:$0x5]  }
0x775: {  	s0 =	sadd.s32 @!p0 $0x100000, s0  }
0x776: {  	[sflag:s0] =	ssyncadd.tile.s32 @!p0 $0x1;
	_ =	shalt  }
.Lfunc_end2:
_tile_overlayer_lowered:
.L_overlay_start_2:
0x777: {  	(tag) =	ssettag $0x2  }
0x778: {  	s0 =	rddreg [dreg:$0x0];
	s2 =	stileid.u32  }
0x779: {  	s1 =	rddreg [dreg:$0x1];
	p0 =	sne.s32 s2, $0x0  }
0x77a: {  	s3 =	rddreg [dreg:$0x2];
	[bflag:$0x3] =	sbarrier.arrive $0xFFFF;
	s2 =	simm.s32 @!p0 $0x1C06  }
0x77b: {  	[timem:s3], [sflag:s2] =	dma.local @!p0 [hbm:s0], s1  }
0x77c: {  	s0 =	simm.s32 @!p0 $0x6  }
0x77d: {  	_ =	swait.ge @!p0 [sflag:s0], s1  }
0x77e: {  	s1 =	ssub.s32 @!p0 $0x0, s1;
	[sflag:s0] =	ssyncset.done @!p0 $0x0  }
0x77f: {  	[sflag:s0] =	ssyncadd.s32 @!p0 s1  }
0x780: {  	[bflag:$0x3] =	sbarrier.arrive $0xFFFF  }
0x781: {  	_ =	shalt  }

</sc_bundles>
